<compile_context>
chip_gen: v7x
topology: tpu7x:2x2x1
jax: 0.10.2.dev20260603
libtpu: 0.0.44.dev20260713+nightly
codegen_flags: <defaults>
</compile_context>

<pallas_src>
import jax
import jax.numpy as jnp
from jax import lax
from jax.experimental import pallas as pl
from jax.experimental.pallas import tpu as pltpu
from jax.experimental.pallas import tpu_sc as plsc

ROWS = 64
N = 32768
K = 256
L = 16
NV = N // L
NWORKERS = 32
ROWS_PER_WORKER = ROWS // NWORKERS
CAND = N + L
GH = 8
GC = 8


def _mono(f):
  f = f + 0.0
  b = plsc.bitcast(f, jnp.int32)
  return b ^ lax.shift_right_logical(lax.shift_right_arithmetic(b, 31), 1)


def _unmono(m):
  return m ^ lax.shift_right_logical(lax.shift_right_arithmetic(m, 31), 1)


def _bin_top(m):
  return lax.shift_right_logical(m, 24) ^ 0x80


def _bin_at(m, shift):
  return lax.shift_right_logical(m, shift) & 0xFF


def _clear_hist(hist):
  zeros = jnp.zeros((L,), jnp.int32)
  for i in range(256 // L):
    hist[pl.ds(i * L, L)] = zeros


def _find_bin(hist, need):
  lane = lax.iota(jnp.int32, L)

  def body(i, carry):
    carry_sum, found, b_star, s_above = carry
    v = 15 - i
    hv = hist[pl.ds(v * L, L)]
    hr = lax.rev(hv, (0,))
    cs = plsc.cumsum(hr)
    tb = cs + carry_sum
    ok = tb >= need
    r = jnp.min(jnp.where(ok, lane, L))
    hit = r < L
    selm = lane == r
    hbs = jnp.max(jnp.where(selm, hr, 0))
    tbs = jnp.max(jnp.where(selm, tb, 0))
    use = jnp.logical_and(hit, jnp.logical_not(found))
    b_star = jnp.where(use, v * L + 15 - r, b_star)
    s_above = jnp.where(use, tbs - hbs, s_above)
    carry_sum = carry_sum + jnp.max(cs)
    return (carry_sum, jnp.logical_or(found, hit), b_star, s_above)

  init = (jnp.int32(0), jnp.bool_(False), jnp.int32(0), jnp.int32(0))
  _, _, b_star, s_above = lax.fori_loop(0, 256 // L, body, init)
  return b_star, s_above


def _sort_pairs(out_mu, out_idx):
  lane = lax.iota(jnp.int32, L)
  k = 2
  while k <= K:
    j = k // 2
    while j >= 1:
      if j >= L:
        jj = j // L
        kk = k // L

        def pair_body(pi, c, jj=jj, kk=kk):
          va = (pi // jj) * (2 * jj) + (pi % jj)
          vb = va + jj
          amu = out_mu[pl.ds(va * L, L)]
          aid = out_idx[pl.ds(va * L, L)]
          bmu = out_mu[pl.ds(vb * L, L)]
          bid = out_idx[pl.ds(vb * L, L)]
          a_gt = jnp.logical_or(amu > bmu,
                                jnp.logical_and(amu == bmu, aid < bid))
          desc = (va & kk) == 0
          keep = a_gt == desc
          out_mu[pl.ds(va * L, L)] = jnp.where(keep, amu, bmu)
          out_idx[pl.ds(va * L, L)] = jnp.where(keep, aid, bid)
          out_mu[pl.ds(vb * L, L)] = jnp.where(keep, bmu, amu)
          out_idx[pl.ds(vb * L, L)] = jnp.where(keep, bid, aid)
          return c

        lax.fori_loop(0, (K // L) // 2, pair_body, 0)
      else:

        def v_body(v, c, j=j, k=k):
          base = v * L
          p = base + lane
          q = p ^ j
          pmu = plsc.load_gather(out_mu, [q])
          pid = plsc.load_gather(out_idx, [q])
          mmu = out_mu[pl.ds(base, L)]
          mid = out_idx[pl.ds(base, L)]
          my_gt = jnp.logical_or(mmu > pmu,
                                 jnp.logical_and(mmu == pmu, mid < pid))
          desc = (p & k) == 0
          low = (lane & j) == 0
          keep = my_gt == (desc == low)
          out_mu[pl.ds(base, L)] = jnp.where(keep, mmu, pmu)
          out_idx[pl.ds(base, L)] = jnp.where(keep, mid, pid)
          return c

        lax.fori_loop(0, K // L, v_body, 0)
      j //= 2
    k *= 2


def _topk_body(x_hbm, vals_hbm, idx_hbm, row_v, cand_mu, cand_idx, hist,
               hist2d, red_s, out_mu, out_idx, out_val):
  cid = lax.axis_index("c")
  sid = lax.axis_index("s")
  wid = sid * 2 + cid
  lane = lax.iota(jnp.int32, L)

  def do_row(rr, _):
    row = wid * ROWS_PER_WORKER + rr
    pltpu.sync_copy(x_hbm.at[row], row_v)

    zeros = jnp.zeros((L,), jnp.int32)

    def hz_body(i, c):
      base = i * (GH * L)
      for u in range(GH):
        hist2d[pl.ds(base + u * L, L)] = zeros
      return c

    lax.fori_loop(0, 4096 // (GH * L), hz_body, 0)
    ones = jnp.ones((L,), jnp.int32)

    def h0_body(i, c):
      base = i * (GH * L)
      ms = [_mono(row_v[pl.ds(base + u * L, L)]) for u in range(GH)]
      for u in range(GH):
        idx2 = lax.shift_left(_bin_top(ms[u]), 4) + lane
        plsc.addupdate_scatter(hist2d, [idx2], ones)
      return c

    lax.fori_loop(0, NV // GH, h0_body, 0)

    def red_body(cki, c):
      for b in range(L):
        vr = hist2d[pl.ds(cki * 256 + b * L, L)]
        red_s[pl.ds(b * L, L)] = plsc.cumsum(vr)
      tot = plsc.load_gather(red_s, [lane * L + (L - 1)])
      hist[pl.ds(cki * L, L)] = tot
      return c

    lax.fori_loop(0, 16, red_body, 0)
    b0, s0 = _find_bin(hist, jnp.int32(K))
    need = jnp.int32(K) - s0

    def c0_body(i, carry):
      base = i * (GC * L)
      ms = [_mono(row_v[pl.ds(base + u * L, L)]) for u in range(GC)]
      anyv = _bin_top(ms[0]) >= b0
      for u in range(1, GC):
        anyv = jnp.logical_or(anyv, _bin_top(ms[u]) >= b0)
      hit = jnp.max(anyv.astype(jnp.int32)) > 0

      def slow(carry):
        pos_a, pos_b = carry
        for u in range(GC):
          m = ms[u]
          bv = _bin_top(m)
          idxv = base + u * L + lane
          sel_a = bv > b0
          sel_b = bv == b0
          plsc.store_compressed(out_mu.at[pl.ds(pos_a, L)], m, mask=sel_a)
          plsc.store_compressed(out_idx.at[pl.ds(pos_a, L)], idxv, mask=sel_a)
          pos_a = pos_a + jnp.sum(sel_a.astype(jnp.int32))
          plsc.store_compressed(cand_mu.at[pl.ds(pos_b, L)], m, mask=sel_b)
          plsc.store_compressed(cand_idx.at[pl.ds(pos_b, L)], idxv, mask=sel_b)
          pos_b = pos_b + jnp.sum(sel_b.astype(jnp.int32))
        return (pos_a, pos_b)

      return lax.cond(hit, slow, lambda c: c, carry)

    pos_a, e_cnt = lax.fori_loop(0, NV // GC, c0_body,
                                 (jnp.int32(0), jnp.int32(0)))

    for lvl in range(1, 4):
      shift = 24 - 8 * lvl
      nv_e = (e_cnt + (L - 1)) // L
      _clear_hist(hist)

      def hl_body(i, c, shift=shift, e_cnt=e_cnt):
        m = cand_mu[pl.ds(i * L, L)]
        valid = (i * L + lane) < e_cnt
        bv = _bin_at(m, shift)
        cnt, last = plsc.scan_count(bv, mask=valid)
        plsc.addupdate_scatter(hist, [bv], cnt, mask=last)
        return c

      lax.fori_loop(0, nv_e, hl_body, 0)
      bl, sl = _find_bin(hist, need)
      need = need - sl

      def cl_body(i, carry, shift=shift, e_cnt=e_cnt, bl=bl):
        pos_a, pos_b = carry
        m = cand_mu[pl.ds(i * L, L)]
        iv = cand_idx[pl.ds(i * L, L)]
        valid = (i * L + lane) < e_cnt
        bv = _bin_at(m, shift)
        sel_a = jnp.logical_and(valid, bv > bl)
        sel_b = jnp.logical_and(valid, bv == bl)
        plsc.store_compressed(out_mu.at[pl.ds(pos_a, L)], m, mask=sel_a)
        plsc.store_compressed(out_idx.at[pl.ds(pos_a, L)], iv, mask=sel_a)
        pos_a = pos_a + jnp.sum(sel_a.astype(jnp.int32))
        plsc.store_compressed(cand_mu.at[pl.ds(pos_b, L)], m, mask=sel_b)
        plsc.store_compressed(cand_idx.at[pl.ds(pos_b, L)], iv, mask=sel_b)
        pos_b = pos_b + jnp.sum(sel_b.astype(jnp.int32))
        return (pos_a, pos_b)

      pos_a, e_cnt = lax.fori_loop(0, nv_e, cl_body, (pos_a, jnp.int32(0)))

    def eq_body(i, pos, need=need):
      m = cand_mu[pl.ds(i * L, L)]
      iv = cand_idx[pl.ds(i * L, L)]
      take = (i * L + lane) < need
      plsc.store_compressed(out_mu.at[pl.ds(pos, L)], m, mask=take)
      plsc.store_compressed(out_idx.at[pl.ds(pos, L)], iv, mask=take)
      return pos + jnp.sum(take.astype(jnp.int32))

    lax.fori_loop(0, (need + (L - 1)) // L, eq_body, pos_a)

    pass

    def ux_body(i, c):
      m = out_mu[pl.ds(i * L, L)]
      out_val[pl.ds(i * L, L)] = plsc.bitcast(_unmono(m), jnp.float32)
      return c

    lax.fori_loop(0, K // L, ux_body, 0)
    pltpu.sync_copy(out_val.at[pl.ds(0, K)], vals_hbm.at[row])
    pltpu.sync_copy(out_idx.at[pl.ds(0, K)], idx_hbm.at[row])
    return 0

  lax.fori_loop(0, ROWS_PER_WORKER, do_row, 0)


@jax.jit
def kernel(input_tensor):
  mesh = plsc.VectorSubcoreMesh(core_axis_name="c", subcore_axis_name="s")
  f = pl.kernel(
      _topk_body,
      out_type=(
          jax.ShapeDtypeStruct((ROWS, K), jnp.float32),
          jax.ShapeDtypeStruct((ROWS, K), jnp.int32),
      ),
      mesh=mesh,
      compiler_params=pltpu.CompilerParams(needs_layout_passes=False),
      scratch_types=[
          pltpu.VMEM((N,), jnp.float32),
          pltpu.VMEM((CAND,), jnp.int32),
          pltpu.VMEM((CAND,), jnp.int32),
          pltpu.VMEM((256,), jnp.int32),
          pltpu.VMEM((4096,), jnp.int32),
          pltpu.VMEM((256,), jnp.int32),
          pltpu.VMEM((K + L,), jnp.int32),
          pltpu.VMEM((K + L,), jnp.int32),
          pltpu.VMEM((K + L,), jnp.float32),
      ],
  )
  return f(input_tensor)

# --- scband reference (transcript-rebuilt; emitter-appended) ---
"""Pipeline reference for scband-model-23141283791463 (READ-ONLY COPY).

The authoritative reference and input builder live on the scoring server;
editing this copy changes nothing except your own understanding.
"""

import jax, jax.numpy as jnp
import numpy as np

K = 256

def setup_inputs(seed: int = 0) -> dict:
    key = jax.random.key(seed)
    input_tensor = jax.random.normal(key, (64, 32768), dtype=jnp.float32)
    return {"input_tensor": input_tensor}

def reference(input_tensor):
    # torch.topk(input, k, dim=-1) -> (values, indices), sorted descending.
    # jax.lax.top_k operates along the last axis and also returns sorted descending.
    values, indices = jax.lax.top_k(input_tensor, K)
    return (values, indices)

if __name__ == "__main__":
    import jax
    _d = setup_inputs()
    print(jax.jit(kernel)(*tuple(_d.values())))

</pallas_src>

<mosaic_0001>
#map = affine_map<(d0, d1) -> (0, 0)>
module attributes {stable_mosaic.version = 14 : i64} {
  func.func @_topk_body(%arg0: i32, %arg1: i32, %arg2: memref<64x32768xf32, #tpu.memory_space<hbm>>, %arg3: memref<64x256xf32, #tpu.memory_space<hbm>>, %arg4: memref<64x256xi32, #tpu.memory_space<hbm>>, %arg5: memref<32768xf32, #tpu.memory_space<vmem>>, %arg6: memref<32784xi32, #tpu.memory_space<vmem>>, %arg7: memref<32784xi32, #tpu.memory_space<vmem>>, %arg8: memref<256xi32, #tpu.memory_space<vmem>>, %arg9: memref<4096xi32, #tpu.memory_space<vmem>>, %arg10: memref<256xi32, #tpu.memory_space<vmem>>, %arg11: memref<272xi32, #tpu.memory_space<vmem>>, %arg12: memref<272xi32, #tpu.memory_space<vmem>>, %arg13: memref<272xf32, #tpu.memory_space<vmem>>) attributes {dimension_semantics = [#tpu.dimension_semantics<core_parallel>, #tpu.dimension_semantics<subcore_parallel>], iteration_bounds = array<i64: 2, 16>, scalar_prefetch = 0 : i64, scratch_operands = 9 : i64, tpu.core_type = #tpu.core_type<sc_vector_subcore>, window_params = [{transform_indices = #map}, {transform_indices = #map}, {transform_indices = #map}]} {
    %mul3A = arith.constant 2 : i32
    %mul3A_0 = arith.muli %arg1, %mul3A : i32
    %add3A = arith.addi %mul3A_0, %arg0 : i32
    %iota3A = tpu.iota {dimensions = array<i32: 0>} : vector<16xi32>
    %scan3A = arith.constant 0 : i32
    %scan3A_1 = arith.constant 0 : i32
    %scan3A_2 = arith.constant 2 : i32
    %scan3A_3 = arith.addi %scan3A_1, %scan3A_2 : i32
    %scan3A_4 = arith.constant 1 : i32
    %scan3A_5 = scf.for %scan3A_7 = %scan3A_1 to %scan3A_3 step %scan3A_4 iter_args(%scan3A_8 = %scan3A) -> (i32)  : i32 {
      %mul3A_9 = arith.constant 2 : i32
      %mul3A_10 = arith.muli %add3A, %mul3A_9 : i32
      %add3A_11 = arith.addi %mul3A_10, %scan3A_7 : i32
      "tpu.region"() ({
        %run_scoped3A = tpu.sem_alloc : memref<!tpu.dma_semaphore, #tpu.memory_space<semaphore_mem>>
        %dma_start3A = arith.constant 0 : i32
        %dma_start3A_371 = tpu.memref_slice %arg2[%add3A_11, %dma_start3A] : memref<64x32768xf32, #tpu.memory_space<hbm>> -> memref<1x32768xf32, #tpu.memory_space<hbm>>
        %dma_start3A_372 = tpu.memref_squeeze %dma_start3A_371 : memref<1x32768xf32, #tpu.memory_space<hbm>> -> memref<32768xf32, #tpu.memory_space<hbm>>
        %dma_start3A_373 = arith.constant 0 : i32
        %dma_start3A_374 = tpu.memref_slice %arg2[%add3A_11, %dma_start3A_373] : memref<64x32768xf32, #tpu.memory_space<hbm>> -> memref<1x32768xf32, #tpu.memory_space<hbm>>
        %dma_start3A_375 = tpu.memref_squeeze %dma_start3A_374 : memref<1x32768xf32, #tpu.memory_space<hbm>> -> memref<32768xf32, #tpu.memory_space<hbm>>
        tpu.enqueue_dma source(%dma_start3A_375 : memref<32768xf32, #tpu.memory_space<hbm>>) target(%arg5 : memref<32768xf32, #tpu.memory_space<vmem>>) target_semaphore(%run_scoped3A : memref<!tpu.dma_semaphore, #tpu.memory_space<semaphore_mem>>)
        %dma_wait3A = arith.constant 0 : i32
        %dma_wait3A_376 = tpu.memref_slice %arg2[%add3A_11, %dma_wait3A] : memref<64x32768xf32, #tpu.memory_space<hbm>> -> memref<1x32768xf32, #tpu.memory_space<hbm>>
        %dma_wait3A_377 = tpu.memref_squeeze %dma_wait3A_376 : memref<1x32768xf32, #tpu.memory_space<hbm>> -> memref<32768xf32, #tpu.memory_space<hbm>>
        %dma_wait3A_378 = arith.constant 0 : i32
        %dma_wait3A_379 = tpu.memref_slice %arg2[%add3A_11, %dma_wait3A_378] : memref<64x32768xf32, #tpu.memory_space<hbm>> -> memref<1x32768xf32, #tpu.memory_space<hbm>>
        %dma_wait3A_380 = tpu.memref_squeeze %dma_wait3A_379 : memref<1x32768xf32, #tpu.memory_space<hbm>> -> memref<32768xf32, #tpu.memory_space<hbm>>
        tpu.wait_dma2 semaphore(%run_scoped3A : memref<!tpu.dma_semaphore, #tpu.memory_space<semaphore_mem>>) src(%dma_wait3A_380 : memref<32768xf32, #tpu.memory_space<hbm>>) dst(%arg5 : memref<32768xf32, #tpu.memory_space<vmem>>)
        tpu.yield
      }) : () -> ()
      %broadcast_in_dim3A = arith.constant 0 : i32
      %broadcast_in_dim3A_12 = vector.broadcast %broadcast_in_dim3A : i32 to vector<16xi32>
      %scan3A_13 = arith.constant 0 : i32
      %scan3A_14 = arith.constant 0 : i32
      %scan3A_15 = arith.constant 32 : i32
      %scan3A_16 = arith.addi %scan3A_14, %scan3A_15 : i32
      %scan3A_17 = arith.constant 1 : i32
      scf.for %scan3A_371 = %scan3A_14 to %scan3A_16 step %scan3A_17  : i32 {
        %mul3A_372 = arith.constant 128 : i32
        %mul3A_373 = arith.muli %scan3A_371, %mul3A_372 : i32
        %add3A_374 = arith.constant 0 : i32
        %add3A_375 = arith.addi %mul3A_373, %add3A_374 : i32
        %swap3A_376 = arith.index_cast %add3A_375 : i32 to index
        %swap3A_377 = tpu.vector_load %arg9[%swap3A_376] {strides = array<i32>} : memref<4096xi32, #tpu.memory_space<vmem>>, vector<16xi32>,
        tpu.vector_store %arg9[%swap3A_376], %broadcast_in_dim3A_12 {strides = array<i32>} : memref<4096xi32, #tpu.memory_space<vmem>>, vector<16xi32>,
        %add3A_378 = arith.constant 16 : i32
        %add3A_379 = arith.addi %mul3A_373, %add3A_378 : i32
        %swap3A_380 = arith.index_cast %add3A_379 : i32 to index
        %swap3A_381 = tpu.vector_load %arg9[%swap3A_380] {strides = array<i32>} : memref<4096xi32, #tpu.memory_space<vmem>>, vector<16xi32>,
        tpu.vector_store %arg9[%swap3A_380], %broadcast_in_dim3A_12 {strides = array<i32>} : memref<4096xi32, #tpu.memory_space<vmem>>, vector<16xi32>,
        %add3A_382 = arith.constant 32 : i32
        %add3A_383 = arith.addi %mul3A_373, %add3A_382 : i32
        %swap3A_384 = arith.index_cast %add3A_383 : i32 to index
        %swap3A_385 = tpu.vector_load %arg9[%swap3A_384] {strides = array<i32>} : memref<4096xi32, #tpu.memory_space<vmem>>, vector<16xi32>,
        tpu.vector_store %arg9[%swap3A_384], %broadcast_in_dim3A_12 {strides = array<i32>} : memref<4096xi32, #tpu.memory_space<vmem>>, vector<16xi32>,
        %add3A_386 = arith.constant 48 : i32
        %add3A_387 = arith.addi %mul3A_373, %add3A_386 : i32
        %swap3A_388 = arith.index_cast %add3A_387 : i32 to index
        %swap3A_389 = tpu.vector_load %arg9[%swap3A_388] {strides = array<i32>} : memref<4096xi32, #tpu.memory_space<vmem>>, vector<16xi32>,
        tpu.vector_store %arg9[%swap3A_388], %broadcast_in_dim3A_12 {strides = array<i32>} : memref<4096xi32, #tpu.memory_space<vmem>>, vector<16xi32>,
        %add3A_390 = arith.constant 64 : i32
        %add3A_391 = arith.addi %mul3A_373, %add3A_390 : i32
        %swap3A_392 = arith.index_cast %add3A_391 : i32 to index
        %swap3A_393 = tpu.vector_load %arg9[%swap3A_392] {strides = array<i32>} : memref<4096xi32, #tpu.memory_space<vmem>>, vector<16xi32>,
        tpu.vector_store %arg9[%swap3A_392], %broadcast_in_dim3A_12 {strides = array<i32>} : memref<4096xi32, #tpu.memory_space<vmem>>, vector<16xi32>,
        %add3A_394 = arith.constant 80 : i32
        %add3A_395 = arith.addi %mul3A_373, %add3A_394 : i32
        %swap3A_396 = arith.index_cast %add3A_395 : i32 to index
        %swap3A_397 = tpu.vector_load %arg9[%swap3A_396] {strides = array<i32>} : memref<4096xi32, #tpu.memory_space<vmem>>, vector<16xi32>,
        tpu.vector_store %arg9[%swap3A_396], %broadcast_in_dim3A_12 {strides = array<i32>} : memref<4096xi32, #tpu.memory_space<vmem>>, vector<16xi32>,
        %add3A_398 = arith.constant 96 : i32
        %add3A_399 = arith.addi %mul3A_373, %add3A_398 : i32
        %swap3A_400 = arith.index_cast %add3A_399 : i32 to index
        %swap3A_401 = tpu.vector_load %arg9[%swap3A_400] {strides = array<i32>} : memref<4096xi32, #tpu.memory_space<vmem>>, vector<16xi32>,
        tpu.vector_store %arg9[%swap3A_400], %broadcast_in_dim3A_12 {strides = array<i32>} : memref<4096xi32, #tpu.memory_space<vmem>>, vector<16xi32>,
        %add3A_402 = arith.constant 112 : i32
        %add3A_403 = arith.addi %mul3A_373, %add3A_402 : i32
        %swap3A_404 = arith.index_cast %add3A_403 : i32 to index
        %swap3A_405 = tpu.vector_load %arg9[%swap3A_404] {strides = array<i32>} : memref<4096xi32, #tpu.memory_space<vmem>>, vector<16xi32>,
        tpu.vector_store %arg9[%swap3A_404], %broadcast_in_dim3A_12 {strides = array<i32>} : memref<4096xi32, #tpu.memory_space<vmem>>, vector<16xi32>,
      }
      %scan3A_18 = arith.constant 32 : i32
      %broadcast_in_dim3A_19 = arith.constant 1 : i32
      %broadcast_in_dim3A_20 = vector.broadcast %broadcast_in_dim3A_19 : i32 to vector<16xi32>
      %scan3A_21 = arith.constant 0 : i32
      %scan3A_22 = arith.constant 0 : i32
      %scan3A_23 = arith.constant 256 : i32
      %scan3A_24 = arith.addi %scan3A_22, %scan3A_23 : i32
      %scan3A_25 = arith.constant 1 : i32
      scf.for %scan3A_371 = %scan3A_22 to %scan3A_24 step %scan3A_25  : i32 {
        %mul3A_372 = arith.constant 128 : i32
        %mul3A_373 = arith.muli %scan3A_371, %mul3A_372 : i32
        %add3A_374 = arith.constant 0 : i32
        %add3A_375 = arith.addi %mul3A_373, %add3A_374 : i32
        %get3A = arith.index_cast %add3A_375 : i32 to index
        %get3A_376 = tpu.vector_load %arg5[%get3A] {strides = array<i32>} : memref<32768xf32, #tpu.memory_space<vmem>>, vector<16xf32>,
        %add3A_377 = arith.constant 0.000000e+00 : f32
        %add3A_378 = vector.broadcast %add3A_377 : f32 to vector<16xf32>
        %add3A_379 = arith.addf %get3A_376, %add3A_378 : vector<16xf32>
        %bitcast3A = vector.bitcast %add3A_379 : vector<16xf32> to vector<16xi32>
        %shift_right_arithmetic3A = arith.constant 31 : i32
        %shift_right_arithmetic3A_380 = vector.broadcast %shift_right_arithmetic3A : i32 to vector<16xi32>
        %shift_right_arithmetic3A_381 = arith.shrsi %bitcast3A, %shift_right_arithmetic3A_380 : vector<16xi32>
        %shift_right_logical3A = arith.constant 1 : i32
        %shift_right_logical3A_382 = vector.broadcast %shift_right_logical3A : i32 to vector<16xi32>
        %shift_right_logical3A_383 = arith.shrui %shift_right_arithmetic3A_381, %shift_right_logical3A_382 : vector<16xi32>
        %xor3A = arith.xori %bitcast3A, %shift_right_logical3A_383 : vector<16xi32>
        %add3A_384 = arith.constant 16 : i32
        %add3A_385 = arith.addi %mul3A_373, %add3A_384 : i32
        %get3A_386 = arith.index_cast %add3A_385 : i32 to index
        %get3A_387 = tpu.vector_load %arg5[%get3A_386] {strides = array<i32>} : memref<32768xf32, #tpu.memory_space<vmem>>, vector<16xf32>,
        %add3A_388 = arith.constant 0.000000e+00 : f32
        %add3A_389 = vector.broadcast %add3A_388 : f32 to vector<16xf32>
        %add3A_390 = arith.addf %get3A_387, %add3A_389 : vector<16xf32>
        %bitcast3A_391 = vector.bitcast %add3A_390 : vector<16xf32> to vector<16xi32>
        %shift_right_arithmetic3A_392 = arith.constant 31 : i32
        %shift_right_arithmetic3A_393 = vector.broadcast %shift_right_arithmetic3A_392 : i32 to vector<16xi32>
        %shift_right_arithmetic3A_394 = arith.shrsi %bitcast3A_391, %shift_right_arithmetic3A_393 : vector<16xi32>
        %shift_right_logical3A_395 = arith.constant 1 : i32
        %shift_right_logical3A_396 = vector.broadcast %shift_right_logical3A_395 : i32 to vector<16xi32>
        %shift_right_logical3A_397 = arith.shrui %shift_right_arithmetic3A_394, %shift_right_logical3A_396 : vector<16xi32>
        %xor3A_398 = arith.xori %bitcast3A_391, %shift_right_logical3A_397 : vector<16xi32>
        %add3A_399 = arith.constant 32 : i32
        %add3A_400 = arith.addi %mul3A_373, %add3A_399 : i32
        %get3A_401 = arith.index_cast %add3A_400 : i32 to index
        %get3A_402 = tpu.vector_load %arg5[%get3A_401] {strides = array<i32>} : memref<32768xf32, #tpu.memory_space<vmem>>, vector<16xf32>,
        %add3A_403 = arith.constant 0.000000e+00 : f32
        %add3A_404 = vector.broadcast %add3A_403 : f32 to vector<16xf32>
        %add3A_405 = arith.addf %get3A_402, %add3A_404 : vector<16xf32>
        %bitcast3A_406 = vector.bitcast %add3A_405 : vector<16xf32> to vector<16xi32>
        %shift_right_arithmetic3A_407 = arith.constant 31 : i32
        %shift_right_arithmetic3A_408 = vector.broadcast %shift_right_arithmetic3A_407 : i32 to vector<16xi32>
        %shift_right_arithmetic3A_409 = arith.shrsi %bitcast3A_406, %shift_right_arithmetic3A_408 : vector<16xi32>
        %shift_right_logical3A_410 = arith.constant 1 : i32
        %shift_right_logical3A_411 = vector.broadcast %shift_right_logical3A_410 : i32 to vector<16xi32>
        %shift_right_logical3A_412 = arith.shrui %shift_right_arithmetic3A_409, %shift_right_logical3A_411 : vector<16xi32>
        %xor3A_413 = arith.xori %bitcast3A_406, %shift_right_logical3A_412 : vector<16xi32>
        %add3A_414 = arith.constant 48 : i32
        %add3A_415 = arith.addi %mul3A_373, %add3A_414 : i32
        %get3A_416 = arith.index_cast %add3A_415 : i32 to index
        %get3A_417 = tpu.vector_load %arg5[%get3A_416] {strides = array<i32>} : memref<32768xf32, #tpu.memory_space<vmem>>, vector<16xf32>,
        %add3A_418 = arith.constant 0.000000e+00 : f32
        %add3A_419 = vector.broadcast %add3A_418 : f32 to vector<16xf32>
        %add3A_420 = arith.addf %get3A_417, %add3A_419 : vector<16xf32>
        %bitcast3A_421 = vector.bitcast %add3A_420 : vector<16xf32> to vector<16xi32>
        %shift_right_arithmetic3A_422 = arith.constant 31 : i32
        %shift_right_arithmetic3A_423 = vector.broadcast %shift_right_arithmetic3A_422 : i32 to vector<16xi32>
        %shift_right_arithmetic3A_424 = arith.shrsi %bitcast3A_421, %shift_right_arithmetic3A_423 : vector<16xi32>
        %shift_right_logical3A_425 = arith.constant 1 : i32
        %shift_right_logical3A_426 = vector.broadcast %shift_right_logical3A_425 : i32 to vector<16xi32>
        %shift_right_logical3A_427 = arith.shrui %shift_right_arithmetic3A_424, %shift_right_logical3A_426 : vector<16xi32>
        %xor3A_428 = arith.xori %bitcast3A_421, %shift_right_logical3A_427 : vector<16xi32>
        %add3A_429 = arith.constant 64 : i32
        %add3A_430 = arith.addi %mul3A_373, %add3A_429 : i32
        %get3A_431 = arith.index_cast %add3A_430 : i32 to index
        %get3A_432 = tpu.vector_load %arg5[%get3A_431] {strides = array<i32>} : memref<32768xf32, #tpu.memory_space<vmem>>, vector<16xf32>,
        %add3A_433 = arith.constant 0.000000e+00 : f32
        %add3A_434 = vector.broadcast %add3A_433 : f32 to vector<16xf32>
        %add3A_435 = arith.addf %get3A_432, %add3A_434 : vector<16xf32>
        %bitcast3A_436 = vector.bitcast %add3A_435 : vector<16xf32> to vector<16xi32>
        %shift_right_arithmetic3A_437 = arith.constant 31 : i32
        %shift_right_arithmetic3A_438 = vector.broadcast %shift_right_arithmetic3A_437 : i32 to vector<16xi32>
        %shift_right_arithmetic3A_439 = arith.shrsi %bitcast3A_436, %shift_right_arithmetic3A_438 : vector<16xi32>
        %shift_right_logical3A_440 = arith.constant 1 : i32
        %shift_right_logical3A_441 = vector.broadcast %shift_right_logical3A_440 : i32 to vector<16xi32>
        %shift_right_logical3A_442 = arith.shrui %shift_right_arithmetic3A_439, %shift_right_logical3A_441 : vector<16xi32>
        %xor3A_443 = arith.xori %bitcast3A_436, %shift_right_logical3A_442 : vector<16xi32>
        %add3A_444 = arith.constant 80 : i32
        %add3A_445 = arith.addi %mul3A_373, %add3A_444 : i32
        %get3A_446 = arith.index_cast %add3A_445 : i32 to index
        %get3A_447 = tpu.vector_load %arg5[%get3A_446] {strides = array<i32>} : memref<32768xf32, #tpu.memory_space<vmem>>, vector<16xf32>,
        %add3A_448 = arith.constant 0.000000e+00 : f32
        %add3A_449 = vector.broadcast %add3A_448 : f32 to vector<16xf32>
        %add3A_450 = arith.addf %get3A_447, %add3A_449 : vector<16xf32>
        %bitcast3A_451 = vector.bitcast %add3A_450 : vector<16xf32> to vector<16xi32>
        %shift_right_arithmetic3A_452 = arith.constant 31 : i32
        %shift_right_arithmetic3A_453 = vector.broadcast %shift_right_arithmetic3A_452 : i32 to vector<16xi32>
        %shift_right_arithmetic3A_454 = arith.shrsi %bitcast3A_451, %shift_right_arithmetic3A_453 : vector<16xi32>
        %shift_right_logical3A_455 = arith.constant 1 : i32
        %shift_right_logical3A_456 = vector.broadcast %shift_right_logical3A_455 : i32 to vector<16xi32>
        %shift_right_logical3A_457 = arith.shrui %shift_right_arithmetic3A_454, %shift_right_logical3A_456 : vector<16xi32>
        %xor3A_458 = arith.xori %bitcast3A_451, %shift_right_logical3A_457 : vector<16xi32>
        %add3A_459 = arith.constant 96 : i32
        %add3A_460 = arith.addi %mul3A_373, %add3A_459 : i32
        %get3A_461 = arith.index_cast %add3A_460 : i32 to index
        %get3A_462 = tpu.vector_load %arg5[%get3A_461] {strides = array<i32>} : memref<32768xf32, #tpu.memory_space<vmem>>, vector<16xf32>,
        %add3A_463 = arith.constant 0.000000e+00 : f32
        %add3A_464 = vector.broadcast %add3A_463 : f32 to vector<16xf32>
        %add3A_465 = arith.addf %get3A_462, %add3A_464 : vector<16xf32>
        %bitcast3A_466 = vector.bitcast %add3A_465 : vector<16xf32> to vector<16xi32>
        %shift_right_arithmetic3A_467 = arith.constant 31 : i32
        %shift_right_arithmetic3A_468 = vector.broadcast %shift_right_arithmetic3A_467 : i32 to vector<16xi32>
        %shift_right_arithmetic3A_469 = arith.shrsi %bitcast3A_466, %shift_right_arithmetic3A_468 : vector<16xi32>
        %shift_right_logical3A_470 = arith.constant 1 : i32
        %shift_right_logical3A_471 = vector.broadcast %shift_right_logical3A_470 : i32 to vector<16xi32>
        %shift_right_logical3A_472 = arith.shrui %shift_right_arithmetic3A_469, %shift_right_logical3A_471 : vector<16xi32>
        %xor3A_473 = arith.xori %bitcast3A_466, %shift_right_logical3A_472 : vector<16xi32>
        %add3A_474 = arith.constant 112 : i32
        %add3A_475 = arith.addi %mul3A_373, %add3A_474 : i32
        %get3A_476 = arith.index_cast %add3A_475 : i32 to index
        %get3A_477 = tpu.vector_load %arg5[%get3A_476] {strides = array<i32>} : memref<32768xf32, #tpu.memory_space<vmem>>, vector<16xf32>,
        %add3A_478 = arith.constant 0.000000e+00 : f32
        %add3A_479 = vector.broadcast %add3A_478 : f32 to vector<16xf32>
        %add3A_480 = arith.addf %get3A_477, %add3A_479 : vector<16xf32>
        %bitcast3A_481 = vector.bitcast %add3A_480 : vector<16xf32> to vector<16xi32>
        %shift_right_arithmetic3A_482 = arith.constant 31 : i32
        %shift_right_arithmetic3A_483 = vector.broadcast %shift_right_arithmetic3A_482 : i32 to vector<16xi32>
        %shift_right_arithmetic3A_484 = arith.shrsi %bitcast3A_481, %shift_right_arithmetic3A_483 : vector<16xi32>
        %shift_right_logical3A_485 = arith.constant 1 : i32
        %shift_right_logical3A_486 = vector.broadcast %shift_right_logical3A_485 : i32 to vector<16xi32>
        %shift_right_logical3A_487 = arith.shrui %shift_right_arithmetic3A_484, %shift_right_logical3A_486 : vector<16xi32>
        %xor3A_488 = arith.xori %bitcast3A_481, %shift_right_logical3A_487 : vector<16xi32>
        %shift_right_logical3A_489 = arith.constant 24 : i32
        %shift_right_logical3A_490 = vector.broadcast %shift_right_logical3A_489 : i32 to vector<16xi32>
        %shift_right_logical3A_491 = arith.shrui %xor3A, %shift_right_logical3A_490 : vector<16xi32>
        %xor3A_492 = arith.constant 128 : i32
        %xor3A_493 = vector.broadcast %xor3A_492 : i32 to vector<16xi32>
        %xor3A_494 = arith.xori %shift_right_logical3A_491, %xor3A_493 : vector<16xi32>
        %shift_left3A = arith.constant 4 : i32
        %shift_left3A_495 = vector.broadcast %shift_left3A : i32 to vector<16xi32>
        %shift_left3A_496 = arith.shli %xor3A_494, %shift_left3A_495 : vector<16xi32>
        %add3A_497 = arith.addi %shift_left3A_496, %iota3A : vector<16xi32>
        tpu.vector_store_idx %arg9[%add3A_497], %broadcast_in_dim3A_20 {add = true} : memref<4096xi32, #tpu.memory_space<vmem>>[vector<16xi32>], vector<16xi32>,
        %shift_right_logical3A_498 = arith.constant 24 : i32
        %shift_right_logical3A_499 = vector.broadcast %shift_right_logical3A_498 : i32 to vector<16xi32>
        %shift_right_logical3A_500 = arith.shrui %xor3A_398, %shift_right_logical3A_499 : vector<16xi32>
        %xor3A_501 = arith.constant 128 : i32
        %xor3A_502 = vector.broadcast %xor3A_501 : i32 to vector<16xi32>
        %xor3A_503 = arith.xori %shift_right_logical3A_500, %xor3A_502 : vector<16xi32>
        %shift_left3A_504 = arith.constant 4 : i32
        %shift_left3A_505 = vector.broadcast %shift_left3A_504 : i32 to vector<16xi32>
        %shift_left3A_506 = arith.shli %xor3A_503, %shift_left3A_505 : vector<16xi32>
        %add3A_507 = arith.addi %shift_left3A_506, %iota3A : vector<16xi32>
        tpu.vector_store_idx %arg9[%add3A_507], %broadcast_in_dim3A_20 {add = true} : memref<4096xi32, #tpu.memory_space<vmem>>[vector<16xi32>], vector<16xi32>,
        %shift_right_logical3A_508 = arith.constant 24 : i32
        %shift_right_logical3A_509 = vector.broadcast %shift_right_logical3A_508 : i32 to vector<16xi32>
        %shift_right_logical3A_510 = arith.shrui %xor3A_413, %shift_right_logical3A_509 : vector<16xi32>
        %xor3A_511 = arith.constant 128 : i32
        %xor3A_512 = vector.broadcast %xor3A_511 : i32 to vector<16xi32>
        %xor3A_513 = arith.xori %shift_right_logical3A_510, %xor3A_512 : vector<16xi32>
        %shift_left3A_514 = arith.constant 4 : i32
        %shift_left3A_515 = vector.broadcast %shift_left3A_514 : i32 to vector<16xi32>
        %shift_left3A_516 = arith.shli %xor3A_513, %shift_left3A_515 : vector<16xi32>
        %add3A_517 = arith.addi %shift_left3A_516, %iota3A : vector<16xi32>
        tpu.vector_store_idx %arg9[%add3A_517], %broadcast_in_dim3A_20 {add = true} : memref<4096xi32, #tpu.memory_space<vmem>>[vector<16xi32>], vector<16xi32>,
        %shift_right_logical3A_518 = arith.constant 24 : i32
        %shift_right_logical3A_519 = vector.broadcast %shift_right_logical3A_518 : i32 to vector<16xi32>
        %shift_right_logical3A_520 = arith.shrui %xor3A_428, %shift_right_logical3A_519 : vector<16xi32>
        %xor3A_521 = arith.constant 128 : i32
        %xor3A_522 = vector.broadcast %xor3A_521 : i32 to vector<16xi32>
        %xor3A_523 = arith.xori %shift_right_logical3A_520, %xor3A_522 : vector<16xi32>
        %shift_left3A_524 = arith.constant 4 : i32
        %shift_left3A_525 = vector.broadcast %shift_left3A_524 : i32 to vector<16xi32>
        %shift_left3A_526 = arith.shli %xor3A_523, %shift_left3A_525 : vector<16xi32>
        %add3A_527 = arith.addi %shift_left3A_526, %iota3A : vector<16xi32>
        tpu.vector_store_idx %arg9[%add3A_527], %broadcast_in_dim3A_20 {add = true} : memref<4096xi32, #tpu.memory_space<vmem>>[vector<16xi32>], vector<16xi32>,
        %shift_right_logical3A_528 = arith.constant 24 : i32
        %shift_right_logical3A_529 = vector.broadcast %shift_right_logical3A_528 : i32 to vector<16xi32>
        %shift_right_logical3A_530 = arith.shrui %xor3A_443, %shift_right_logical3A_529 : vector<16xi32>
        %xor3A_531 = arith.constant 128 : i32
        %xor3A_532 = vector.broadcast %xor3A_531 : i32 to vector<16xi32>
        %xor3A_533 = arith.xori %shift_right_logical3A_530, %xor3A_532 : vector<16xi32>
        %shift_left3A_534 = arith.constant 4 : i32
        %shift_left3A_535 = vector.broadcast %shift_left3A_534 : i32 to vector<16xi32>
        %shift_left3A_536 = arith.shli %xor3A_533, %shift_left3A_535 : vector<16xi32>
        %add3A_537 = arith.addi %shift_left3A_536, %iota3A : vector<16xi32>
        tpu.vector_store_idx %arg9[%add3A_537], %broadcast_in_dim3A_20 {add = true} : memref<4096xi32, #tpu.memory_space<vmem>>[vector<16xi32>], vector<16xi32>,
        %shift_right_logical3A_538 = arith.constant 24 : i32
        %shift_right_logical3A_539 = vector.broadcast %shift_right_logical3A_538 : i32 to vector<16xi32>
        %shift_right_logical3A_540 = arith.shrui %xor3A_458, %shift_right_logical3A_539 : vector<16xi32>
        %xor3A_541 = arith.constant 128 : i32
        %xor3A_542 = vector.broadcast %xor3A_541 : i32 to vector<16xi32>
        %xor3A_543 = arith.xori %shift_right_logical3A_540, %xor3A_542 : vector<16xi32>
        %shift_left3A_544 = arith.constant 4 : i32
        %shift_left3A_545 = vector.broadcast %shift_left3A_544 : i32 to vector<16xi32>
        %shift_left3A_546 = arith.shli %xor3A_543, %shift_left3A_545 : vector<16xi32>
        %add3A_547 = arith.addi %shift_left3A_546, %iota3A : vector<16xi32>
        tpu.vector_store_idx %arg9[%add3A_547], %broadcast_in_dim3A_20 {add = true} : memref<4096xi32, #tpu.memory_space<vmem>>[vector<16xi32>], vector<16xi32>,
        %shift_right_logical3A_548 = arith.constant 24 : i32
        %shift_right_logical3A_549 = vector.broadcast %shift_right_logical3A_548 : i32 to vector<16xi32>
        %shift_right_logical3A_550 = arith.shrui %xor3A_473, %shift_right_logical3A_549 : vector<16xi32>
        %xor3A_551 = arith.constant 128 : i32
        %xor3A_552 = vector.broadcast %xor3A_551 : i32 to vector<16xi32>
        %xor3A_553 = arith.xori %shift_right_logical3A_550, %xor3A_552 : vector<16xi32>
        %shift_left3A_554 = arith.constant 4 : i32
        %shift_left3A_555 = vector.broadcast %shift_left3A_554 : i32 to vector<16xi32>
        %shift_left3A_556 = arith.shli %xor3A_553, %shift_left3A_555 : vector<16xi32>
        %add3A_557 = arith.addi %shift_left3A_556, %iota3A : vector<16xi32>
        tpu.vector_store_idx %arg9[%add3A_557], %broadcast_in_dim3A_20 {add = true} : memref<4096xi32, #tpu.memory_space<vmem>>[vector<16xi32>], vector<16xi32>,
        %shift_right_logical3A_558 = arith.constant 24 : i32
        %shift_right_logical3A_559 = vector.broadcast %shift_right_logical3A_558 : i32 to vector<16xi32>
        %shift_right_logical3A_560 = arith.shrui %xor3A_488, %shift_right_logical3A_559 : vector<16xi32>
        %xor3A_561 = arith.constant 128 : i32
        %xor3A_562 = vector.broadcast %xor3A_561 : i32 to vector<16xi32>
        %xor3A_563 = arith.xori %shift_right_logical3A_560, %xor3A_562 : vector<16xi32>
        %shift_left3A_564 = arith.constant 4 : i32
        %shift_left3A_565 = vector.broadcast %shift_left3A_564 : i32 to vector<16xi32>
        %shift_left3A_566 = arith.shli %xor3A_563, %shift_left3A_565 : vector<16xi32>
        %add3A_567 = arith.addi %shift_left3A_566, %iota3A : vector<16xi32>
        tpu.vector_store_idx %arg9[%add3A_567], %broadcast_in_dim3A_20 {add = true} : memref<4096xi32, #tpu.memory_space<vmem>>[vector<16xi32>], vector<16xi32>,
      }
      %scan3A_26 = arith.constant 256 : i32
      %scan3A_27 = arith.constant 0 : i32
      %scan3A_28 = arith.constant 0 : i32
      %scan3A_29 = arith.constant 16 : i32
      %scan3A_30 = arith.addi %scan3A_28, %scan3A_29 : i32
      %scan3A_31 = arith.constant 1 : i32
      scf.for %scan3A_371 = %scan3A_28 to %scan3A_30 step %scan3A_31  : i32 {
        %mul3A_372 = arith.constant 256 : i32
        %mul3A_373 = arith.muli %scan3A_371, %mul3A_372 : i32
        %add3A_374 = arith.constant 0 : i32
        %add3A_375 = arith.addi %mul3A_373, %add3A_374 : i32
        %get3A = arith.index_cast %add3A_375 : i32 to index
        %get3A_376 = tpu.vector_load %arg9[%get3A] {strides = array<i32>} : memref<4096xi32, #tpu.memory_space<vmem>>, vector<16xi32>,
        %broadcast_in_dim3A_377 = arith.constant true
        %broadcast_in_dim3A_378 = vector.broadcast %broadcast_in_dim3A_377 : i1 to vector<16xi1>
        %masked_cumsum3A = tpu.scan <sum>, %get3A_376 masked %broadcast_in_dim3A_378 : vector<16xi32>, vector<16xi1> -> vector<16xi32>
        %swap3A_379 = arith.constant 0 : index
        %swap3A_380 = tpu.vector_load %arg10[%swap3A_379] {strides = array<i32>} : memref<256xi32, #tpu.memory_space<vmem>>, vector<16xi32>,
        tpu.vector_store %arg10[%swap3A_379], %masked_cumsum3A {strides = array<i32>} : memref<256xi32, #tpu.memory_space<vmem>>, vector<16xi32>,
        %mul3A_381 = arith.constant 256 : i32
        %mul3A_382 = arith.muli %scan3A_371, %mul3A_381 : i32
        %add3A_383 = arith.constant 16 : i32
        %add3A_384 = arith.addi %mul3A_382, %add3A_383 : i32
        %get3A_385 = arith.index_cast %add3A_384 : i32 to index
        %get3A_386 = tpu.vector_load %arg9[%get3A_385] {strides = array<i32>} : memref<4096xi32, #tpu.memory_space<vmem>>, vector<16xi32>,
        %broadcast_in_dim3A_387 = arith.constant true
        %broadcast_in_dim3A_388 = vector.broadcast %broadcast_in_dim3A_387 : i1 to vector<16xi1>
        %masked_cumsum3A_389 = tpu.scan <sum>, %get3A_386 masked %broadcast_in_dim3A_388 : vector<16xi32>, vector<16xi1> -> vector<16xi32>
        %swap3A_390 = arith.constant 16 : index
        %swap3A_391 = tpu.vector_load %arg10[%swap3A_390] {strides = array<i32>} : memref<256xi32, #tpu.memory_space<vmem>>, vector<16xi32>,
        tpu.vector_store %arg10[%swap3A_390], %masked_cumsum3A_389 {strides = array<i32>} : memref<256xi32, #tpu.memory_space<vmem>>, vector<16xi32>,
        %mul3A_392 = arith.constant 256 : i32
        %mul3A_393 = arith.muli %scan3A_371, %mul3A_392 : i32
        %add3A_394 = arith.constant 32 : i32
        %add3A_395 = arith.addi %mul3A_393, %add3A_394 : i32
        %get3A_396 = arith.index_cast %add3A_395 : i32 to index
        %get3A_397 = tpu.vector_load %arg9[%get3A_396] {strides = array<i32>} : memref<4096xi32, #tpu.memory_space<vmem>>, vector<16xi32>,
        %broadcast_in_dim3A_398 = arith.constant true
        %broadcast_in_dim3A_399 = vector.broadcast %broadcast_in_dim3A_398 : i1 to vector<16xi1>
        %masked_cumsum3A_400 = tpu.scan <sum>, %get3A_397 masked %broadcast_in_dim3A_399 : vector<16xi32>, vector<16xi1> -> vector<16xi32>
        %swap3A_401 = arith.constant 32 : index
        %swap3A_402 = tpu.vector_load %arg10[%swap3A_401] {strides = array<i32>} : memref<256xi32, #tpu.memory_space<vmem>>, vector<16xi32>,
        tpu.vector_store %arg10[%swap3A_401], %masked_cumsum3A_400 {strides = array<i32>} : memref<256xi32, #tpu.memory_space<vmem>>, vector<16xi32>,
        %mul3A_403 = arith.constant 256 : i32
        %mul3A_404 = arith.muli %scan3A_371, %mul3A_403 : i32
        %add3A_405 = arith.constant 48 : i32
        %add3A_406 = arith.addi %mul3A_404, %add3A_405 : i32
        %get3A_407 = arith.index_cast %add3A_406 : i32 to index
        %get3A_408 = tpu.vector_load %arg9[%get3A_407] {strides = array<i32>} : memref<4096xi32, #tpu.memory_space<vmem>>, vector<16xi32>,
        %broadcast_in_dim3A_409 = arith.constant true
        %broadcast_in_dim3A_410 = vector.broadcast %broadcast_in_dim3A_409 : i1 to vector<16xi1>
        %masked_cumsum3A_411 = tpu.scan <sum>, %get3A_408 masked %broadcast_in_dim3A_410 : vector<16xi32>, vector<16xi1> -> vector<16xi32>
        %swap3A_412 = arith.constant 48 : index
        %swap3A_413 = tpu.vector_load %arg10[%swap3A_412] {strides = array<i32>} : memref<256xi32, #tpu.memory_space<vmem>>, vector<16xi32>,
        tpu.vector_store %arg10[%swap3A_412], %masked_cumsum3A_411 {strides = array<i32>} : memref<256xi32, #tpu.memory_space<vmem>>, vector<16xi32>,
        %mul3A_414 = arith.constant 256 : i32
        %mul3A_415 = arith.muli %scan3A_371, %mul3A_414 : i32
        %add3A_416 = arith.constant 64 : i32
        %add3A_417 = arith.addi %mul3A_415, %add3A_416 : i32
        %get3A_418 = arith.index_cast %add3A_417 : i32 to index
        %get3A_419 = tpu.vector_load %arg9[%get3A_418] {strides = array<i32>} : memref<4096xi32, #tpu.memory_space<vmem>>, vector<16xi32>,
        %broadcast_in_dim3A_420 = arith.constant true
        %broadcast_in_dim3A_421 = vector.broadcast %broadcast_in_dim3A_420 : i1 to vector<16xi1>
        %masked_cumsum3A_422 = tpu.scan <sum>, %get3A_419 masked %broadcast_in_dim3A_421 : vector<16xi32>, vector<16xi1> -> vector<16xi32>
        %swap3A_423 = arith.constant 64 : index
        %swap3A_424 = tpu.vector_load %arg10[%swap3A_423] {strides = array<i32>} : memref<256xi32, #tpu.memory_space<vmem>>, vector<16xi32>,
        tpu.vector_store %arg10[%swap3A_423], %masked_cumsum3A_422 {strides = array<i32>} : memref<256xi32, #tpu.memory_space<vmem>>, vector<16xi32>,
        %mul3A_425 = arith.constant 256 : i32
        %mul3A_426 = arith.muli %scan3A_371, %mul3A_425 : i32
        %add3A_427 = arith.constant 80 : i32
        %add3A_428 = arith.addi %mul3A_426, %add3A_427 : i32
        %get3A_429 = arith.index_cast %add3A_428 : i32 to index
        %get3A_430 = tpu.vector_load %arg9[%get3A_429] {strides = array<i32>} : memref<4096xi32, #tpu.memory_space<vmem>>, vector<16xi32>,
        %broadcast_in_dim3A_431 = arith.constant true
        %broadcast_in_dim3A_432 = vector.broadcast %broadcast_in_dim3A_431 : i1 to vector<16xi1>
        %masked_cumsum3A_433 = tpu.scan <sum>, %get3A_430 masked %broadcast_in_dim3A_432 : vector<16xi32>, vector<16xi1> -> vector<16xi32>
        %swap3A_434 = arith.constant 80 : index
        %swap3A_435 = tpu.vector_load %arg10[%swap3A_434] {strides = array<i32>} : memref<256xi32, #tpu.memory_space<vmem>>, vector<16xi32>,
        tpu.vector_store %arg10[%swap3A_434], %masked_cumsum3A_433 {strides = array<i32>} : memref<256xi32, #tpu.memory_space<vmem>>, vector<16xi32>,
        %mul3A_436 = arith.constant 256 : i32
        %mul3A_437 = arith.muli %scan3A_371, %mul3A_436 : i32
        %add3A_438 = arith.constant 96 : i32
        %add3A_439 = arith.addi %mul3A_437, %add3A_438 : i32
        %get3A_440 = arith.index_cast %add3A_439 : i32 to index
        %get3A_441 = tpu.vector_load %arg9[%get3A_440] {strides = array<i32>} : memref<4096xi32, #tpu.memory_space<vmem>>, vector<16xi32>,
        %broadcast_in_dim3A_442 = arith.constant true
        %broadcast_in_dim3A_443 = vector.broadcast %broadcast_in_dim3A_442 : i1 to vector<16xi1>
        %masked_cumsum3A_444 = tpu.scan <sum>, %get3A_441 masked %broadcast_in_dim3A_443 : vector<16xi32>, vector<16xi1> -> vector<16xi32>
        %swap3A_445 = arith.constant 96 : index
        %swap3A_446 = tpu.vector_load %arg10[%swap3A_445] {strides = array<i32>} : memref<256xi32, #tpu.memory_space<vmem>>, vector<16xi32>,
        tpu.vector_store %arg10[%swap3A_445], %masked_cumsum3A_444 {strides = array<i32>} : memref<256xi32, #tpu.memory_space<vmem>>, vector<16xi32>,
        %mul3A_447 = arith.constant 256 : i32
        %mul3A_448 = arith.muli %scan3A_371, %mul3A_447 : i32
        %add3A_449 = arith.constant 112 : i32
        %add3A_450 = arith.addi %mul3A_448, %add3A_449 : i32
        %get3A_451 = arith.index_cast %add3A_450 : i32 to index
        %get3A_452 = tpu.vector_load %arg9[%get3A_451] {strides = array<i32>} : memref<4096xi32, #tpu.memory_space<vmem>>, vector<16xi32>,
        %broadcast_in_dim3A_453 = arith.constant true
        %broadcast_in_dim3A_454 = vector.broadcast %broadcast_in_dim3A_453 : i1 to vector<16xi1>
        %masked_cumsum3A_455 = tpu.scan <sum>, %get3A_452 masked %broadcast_in_dim3A_454 : vector<16xi32>, vector<16xi1> -> vector<16xi32>
        %swap3A_456 = arith.constant 112 : index
        %swap3A_457 = tpu.vector_load %arg10[%swap3A_456] {strides = array<i32>} : memref<256xi32, #tpu.memory_space<vmem>>, vector<16xi32>,
        tpu.vector_store %arg10[%swap3A_456], %masked_cumsum3A_455 {strides = array<i32>} : memref<256xi32, #tpu.memory_space<vmem>>, vector<16xi32>,
        %mul3A_458 = arith.constant 256 : i32
        %mul3A_459 = arith.muli %scan3A_371, %mul3A_458 : i32
        %add3A_460 = arith.constant 128 : i32
        %add3A_461 = arith.addi %mul3A_459, %add3A_460 : i32
        %get3A_462 = arith.index_cast %add3A_461 : i32 to index
        %get3A_463 = tpu.vector_load %arg9[%get3A_462] {strides = array<i32>} : memref<4096xi32, #tpu.memory_space<vmem>>, vector<16xi32>,
        %broadcast_in_dim3A_464 = arith.constant true
        %broadcast_in_dim3A_465 = vector.broadcast %broadcast_in_dim3A_464 : i1 to vector<16xi1>
        %masked_cumsum3A_466 = tpu.scan <sum>, %get3A_463 masked %broadcast_in_dim3A_465 : vector<16xi32>, vector<16xi1> -> vector<16xi32>
        %swap3A_467 = arith.constant 128 : index
        %swap3A_468 = tpu.vector_load %arg10[%swap3A_467] {strides = array<i32>} : memref<256xi32, #tpu.memory_space<vmem>>, vector<16xi32>,
        tpu.vector_store %arg10[%swap3A_467], %masked_cumsum3A_466 {strides = array<i32>} : memref<256xi32, #tpu.memory_space<vmem>>, vector<16xi32>,
        %mul3A_469 = arith.constant 256 : i32
        %mul3A_470 = arith.muli %scan3A_371, %mul3A_469 : i32
        %add3A_471 = arith.constant 144 : i32
        %add3A_472 = arith.addi %mul3A_470, %add3A_471 : i32
        %get3A_473 = arith.index_cast %add3A_472 : i32 to index
        %get3A_474 = tpu.vector_load %arg9[%get3A_473] {strides = array<i32>} : memref<4096xi32, #tpu.memory_space<vmem>>, vector<16xi32>,
        %broadcast_in_dim3A_475 = arith.constant true
        %broadcast_in_dim3A_476 = vector.broadcast %broadcast_in_dim3A_475 : i1 to vector<16xi1>
        %masked_cumsum3A_477 = tpu.scan <sum>, %get3A_474 masked %broadcast_in_dim3A_476 : vector<16xi32>, vector<16xi1> -> vector<16xi32>
        %swap3A_478 = arith.constant 144 : index
        %swap3A_479 = tpu.vector_load %arg10[%swap3A_478] {strides = array<i32>} : memref<256xi32, #tpu.memory_space<vmem>>, vector<16xi32>,
        tpu.vector_store %arg10[%swap3A_478], %masked_cumsum3A_477 {strides = array<i32>} : memref<256xi32, #tpu.memory_space<vmem>>, vector<16xi32>,
        %mul3A_480 = arith.constant 256 : i32
        %mul3A_481 = arith.muli %scan3A_371, %mul3A_480 : i32
        %add3A_482 = arith.constant 160 : i32
        %add3A_483 = arith.addi %mul3A_481, %add3A_482 : i32
        %get3A_484 = arith.index_cast %add3A_483 : i32 to index
        %get3A_485 = tpu.vector_load %arg9[%get3A_484] {strides = array<i32>} : memref<4096xi32, #tpu.memory_space<vmem>>, vector<16xi32>,
        %broadcast_in_dim3A_486 = arith.constant true
        %broadcast_in_dim3A_487 = vector.broadcast %broadcast_in_dim3A_486 : i1 to vector<16xi1>
        %masked_cumsum3A_488 = tpu.scan <sum>, %get3A_485 masked %broadcast_in_dim3A_487 : vector<16xi32>, vector<16xi1> -> vector<16xi32>
        %swap3A_489 = arith.constant 160 : index
        %swap3A_490 = tpu.vector_load %arg10[%swap3A_489] {strides = array<i32>} : memref<256xi32, #tpu.memory_space<vmem>>, vector<16xi32>,
        tpu.vector_store %arg10[%swap3A_489], %masked_cumsum3A_488 {strides = array<i32>} : memref<256xi32, #tpu.memory_space<vmem>>, vector<16xi32>,
        %mul3A_491 = arith.constant 256 : i32
        %mul3A_492 = arith.muli %scan3A_371, %mul3A_491 : i32
        %add3A_493 = arith.constant 176 : i32
        %add3A_494 = arith.addi %mul3A_492, %add3A_493 : i32
        %get3A_495 = arith.index_cast %add3A_494 : i32 to index
        %get3A_496 = tpu.vector_load %arg9[%get3A_495] {strides = array<i32>} : memref<4096xi32, #tpu.memory_space<vmem>>, vector<16xi32>,
        %broadcast_in_dim3A_497 = arith.constant true
        %broadcast_in_dim3A_498 = vector.broadcast %broadcast_in_dim3A_497 : i1 to vector<16xi1>
        %masked_cumsum3A_499 = tpu.scan <sum>, %get3A_496 masked %broadcast_in_dim3A_498 : vector<16xi32>, vector<16xi1> -> vector<16xi32>
        %swap3A_500 = arith.constant 176 : index
        %swap3A_501 = tpu.vector_load %arg10[%swap3A_500] {strides = array<i32>} : memref<256xi32, #tpu.memory_space<vmem>>, vector<16xi32>,
        tpu.vector_store %arg10[%swap3A_500], %masked_cumsum3A_499 {strides = array<i32>} : memref<256xi32, #tpu.memory_space<vmem>>, vector<16xi32>,
        %mul3A_502 = arith.constant 256 : i32
        %mul3A_503 = arith.muli %scan3A_371, %mul3A_502 : i32
        %add3A_504 = arith.constant 192 : i32
        %add3A_505 = arith.addi %mul3A_503, %add3A_504 : i32
        %get3A_506 = arith.index_cast %add3A_505 : i32 to index
        %get3A_507 = tpu.vector_load %arg9[%get3A_506] {strides = array<i32>} : memref<4096xi32, #tpu.memory_space<vmem>>, vector<16xi32>,
        %broadcast_in_dim3A_508 = arith.constant true
        %broadcast_in_dim3A_509 = vector.broadcast %broadcast_in_dim3A_508 : i1 to vector<16xi1>
        %masked_cumsum3A_510 = tpu.scan <sum>, %get3A_507 masked %broadcast_in_dim3A_509 : vector<16xi32>, vector<16xi1> -> vector<16xi32>
        %swap3A_511 = arith.constant 192 : index
        %swap3A_512 = tpu.vector_load %arg10[%swap3A_511] {strides = array<i32>} : memref<256xi32, #tpu.memory_space<vmem>>, vector<16xi32>,
        tpu.vector_store %arg10[%swap3A_511], %masked_cumsum3A_510 {strides = array<i32>} : memref<256xi32, #tpu.memory_space<vmem>>, vector<16xi32>,
        %mul3A_513 = arith.constant 256 : i32
        %mul3A_514 = arith.muli %scan3A_371, %mul3A_513 : i32
        %add3A_515 = arith.constant 208 : i32
        %add3A_516 = arith.addi %mul3A_514, %add3A_515 : i32
        %get3A_517 = arith.index_cast %add3A_516 : i32 to index
        %get3A_518 = tpu.vector_load %arg9[%get3A_517] {strides = array<i32>} : memref<4096xi32, #tpu.memory_space<vmem>>, vector<16xi32>,
        %broadcast_in_dim3A_519 = arith.constant true
        %broadcast_in_dim3A_520 = vector.broadcast %broadcast_in_dim3A_519 : i1 to vector<16xi1>
        %masked_cumsum3A_521 = tpu.scan <sum>, %get3A_518 masked %broadcast_in_dim3A_520 : vector<16xi32>, vector<16xi1> -> vector<16xi32>
        %swap3A_522 = arith.constant 208 : index
        %swap3A_523 = tpu.vector_load %arg10[%swap3A_522] {strides = array<i32>} : memref<256xi32, #tpu.memory_space<vmem>>, vector<16xi32>,
        tpu.vector_store %arg10[%swap3A_522], %masked_cumsum3A_521 {strides = array<i32>} : memref<256xi32, #tpu.memory_space<vmem>>, vector<16xi32>,
        %mul3A_524 = arith.constant 256 : i32
        %mul3A_525 = arith.muli %scan3A_371, %mul3A_524 : i32
        %add3A_526 = arith.constant 224 : i32
        %add3A_527 = arith.addi %mul3A_525, %add3A_526 : i32
        %get3A_528 = arith.index_cast %add3A_527 : i32 to index
        %get3A_529 = tpu.vector_load %arg9[%get3A_528] {strides = array<i32>} : memref<4096xi32, #tpu.memory_space<vmem>>, vector<16xi32>,
        %broadcast_in_dim3A_530 = arith.constant true
        %broadcast_in_dim3A_531 = vector.broadcast %broadcast_in_dim3A_530 : i1 to vector<16xi1>
        %masked_cumsum3A_532 = tpu.scan <sum>, %get3A_529 masked %broadcast_in_dim3A_531 : vector<16xi32>, vector<16xi1> -> vector<16xi32>
        %swap3A_533 = arith.constant 224 : index
        %swap3A_534 = tpu.vector_load %arg10[%swap3A_533] {strides = array<i32>} : memref<256xi32, #tpu.memory_space<vmem>>, vector<16xi32>,
        tpu.vector_store %arg10[%swap3A_533], %masked_cumsum3A_532 {strides = array<i32>} : memref<256xi32, #tpu.memory_space<vmem>>, vector<16xi32>,
        %mul3A_535 = arith.constant 256 : i32
        %mul3A_536 = arith.muli %scan3A_371, %mul3A_535 : i32
        %add3A_537 = arith.constant 240 : i32
        %add3A_538 = arith.addi %mul3A_536, %add3A_537 : i32
        %get3A_539 = arith.index_cast %add3A_538 : i32 to index
        %get3A_540 = tpu.vector_load %arg9[%get3A_539] {strides = array<i32>} : memref<4096xi32, #tpu.memory_space<vmem>>, vector<16xi32>,
        %broadcast_in_dim3A_541 = arith.constant true
        %broadcast_in_dim3A_542 = vector.broadcast %broadcast_in_dim3A_541 : i1 to vector<16xi1>
        %masked_cumsum3A_543 = tpu.scan <sum>, %get3A_540 masked %broadcast_in_dim3A_542 : vector<16xi32>, vector<16xi1> -> vector<16xi32>
        %swap3A_544 = arith.constant 240 : index
        %swap3A_545 = tpu.vector_load %arg10[%swap3A_544] {strides = array<i32>} : memref<256xi32, #tpu.memory_space<vmem>>, vector<16xi32>,
        tpu.vector_store %arg10[%swap3A_544], %masked_cumsum3A_543 {strides = array<i32>} : memref<256xi32, #tpu.memory_space<vmem>>, vector<16xi32>,
        %mul3A_546 = arith.constant 16 : i32
        %mul3A_547 = vector.broadcast %mul3A_546 : i32 to vector<16xi32>
        %mul3A_548 = arith.muli %iota3A, %mul3A_547 : vector<16xi32>
        %add3A_549 = arith.constant 15 : i32
        %add3A_550 = vector.broadcast %add3A_549 : i32 to vector<16xi32>
        %add3A_551 = arith.addi %mul3A_548, %add3A_550 : vector<16xi32>
        %gather3A = tpu.vector_load_idx %arg10[%add3A_551] : memref<256xi32, #tpu.memory_space<vmem>>[vector<16xi32>], vector<16xi32>,
        %mul3A_552 = arith.constant 16 : i32
        %mul3A_553 = arith.muli %scan3A_371, %mul3A_552 : i32
        %swap3A_554 = arith.index_cast %mul3A_553 : i32 to index
        %swap3A_555 = tpu.vector_load %arg8[%swap3A_554] {strides = array<i32>} : memref<256xi32, #tpu.memory_space<vmem>>, vector<16xi32>,
        tpu.vector_store %arg8[%swap3A_554], %gather3A {strides = array<i32>} : memref<256xi32, #tpu.memory_space<vmem>>, vector<16xi32>,
      }
      %scan3A_32 = arith.constant 16 : i32
      %iota3A_33 = tpu.iota {dimensions = array<i32: 0>} : vector<16xi32>
      %scan3A_34 = arith.constant 256 : i32
      %scan3A_35 = arith.constant 0 : i32
      %scan3A_36 = arith.constant false
      %scan3A_37 = arith.constant 0 : i32
      %scan3A_38 = arith.constant 0 : i32
      %scan3A_39 = arith.constant 0 : i32
      %scan3A_40 = arith.constant 16 : i32
      %scan3A_41 = arith.addi %scan3A_39, %scan3A_40 : i32
      %scan3A_42 = arith.constant 1 : i32
      %scan3A_43:4 = scf.for %scan3A_371 = %scan3A_39 to %scan3A_41 step %scan3A_42 iter_args(%scan3A_372 = %scan3A_35, %scan3A_373 = %scan3A_36, %scan3A_374 = %scan3A_37, %scan3A_375 = %scan3A_38) -> (i32, i1, i32, i32)  : i32 {
        %sub3A_376 = arith.constant 15 : i32
        %sub3A_377 = arith.subi %sub3A_376, %scan3A_371 : i32
        %mul3A_378 = arith.constant 16 : i32
        %mul3A_379 = arith.muli %sub3A_377, %mul3A_378 : i32
        %get3A = arith.index_cast %mul3A_379 : i32 to index
        %get3A_380 = tpu.vector_load %arg8[%get3A] {strides = array<i32>} : memref<256xi32, #tpu.memory_space<vmem>>, vector<16xi32>,
        %rev3A = arith.constant 15 : i32
        %rev3A_381 = vector.broadcast %rev3A : i32 to vector<16xi32>
        %rev3A_382 = tpu.iota {dimensions = array<i32: 0>} : vector<16xi32>
        %rev3A_383 = arith.subi %rev3A_381, %rev3A_382 : vector<16xi32>
        %rev3A_384 = tpu.dynamic_gather %get3A_380[%rev3A_383] in [0] : vector<16xi32>, vector<16xi32> -> vector<16xi32>
        %broadcast_in_dim3A_385 = arith.constant true
        %broadcast_in_dim3A_386 = vector.broadcast %broadcast_in_dim3A_385 : i1 to vector<16xi1>
        %masked_cumsum3A = tpu.scan <sum>, %rev3A_384 masked %broadcast_in_dim3A_386 : vector<16xi32>, vector<16xi1> -> vector<16xi32>
        %add3A_387 = vector.broadcast %scan3A_372 : i32 to vector<16xi32>
        %add3A_388 = arith.addi %masked_cumsum3A, %add3A_387 : vector<16xi32>
        %ge3A = vector.broadcast %scan3A_34 : i32 to vector<16xi32>
        %ge3A_389 = arith.cmpi sge, %add3A_388, %ge3A : vector<16xi32>
        %jit3A_390 = arith.constant 16 : i32
        %broadcast_in_dim3A_391 = vector.broadcast %jit3A_390 : i32 to vector<16xi32>
        %select_n3A_392 = arith.select %ge3A_389, %iota3A_33, %broadcast_in_dim3A_391 : vector<16xi1>, vector<16xi32>
        %reduce_min3A = arith.constant true
        %reduce_min3A_393 = vector.broadcast %reduce_min3A : i1 to vector<16xi1>
        %reduce_min3A_394 = arith.constant -2147483648 : i32
        %reduce_min3A_395 = vector.broadcast %reduce_min3A_394 : i32 to vector<16xi32>
        %reduce_min3A_396 = arith.xori %select_n3A_392, %reduce_min3A_395 : vector<16xi32>
        %reduce_min3A_397 = tpu.scan <min>, %reduce_min3A_396 masked %reduce_min3A_393 : vector<16xi32>, vector<16xi1> -> vector<16xi32>
        %reduce_min3A_398 = arith.xori %reduce_min3A_397, %reduce_min3A_395 : vector<16xi32>
        %reduce_min3A_399 = vector.extract %reduce_min3A_398[15] : i32 from vector<16xi32>
        %lt3A = arith.constant 16 : i32
        %lt3A_400 = arith.cmpi slt, %reduce_min3A_399, %lt3A : i32
        %eq3A = vector.broadcast %reduce_min3A_399 : i32 to vector<16xi32>
        %eq3A_401 = arith.cmpi eq, %iota3A_33, %eq3A : vector<16xi32>
        %jit3A_402 = arith.constant 0 : i32
        %broadcast_in_dim3A_403 = vector.broadcast %jit3A_402 : i32 to vector<16xi32>
        %select_n3A_404 = arith.select %eq3A_401, %rev3A_384, %broadcast_in_dim3A_403 : vector<16xi1>, vector<16xi32>
        %reduce_max3A = arith.constant true
        %reduce_max3A_405 = vector.broadcast %reduce_max3A : i1 to vector<16xi1>
        %reduce_max3A_406 = arith.constant -2147483648 : i32
        %reduce_max3A_407 = vector.broadcast %reduce_max3A_406 : i32 to vector<16xi32>
        %reduce_max3A_408 = arith.xori %select_n3A_404, %reduce_max3A_407 : vector<16xi32>
        %reduce_max3A_409 = tpu.scan <max>, %reduce_max3A_408 masked %reduce_max3A_405 : vector<16xi32>, vector<16xi1> -> vector<16xi32>
        %reduce_max3A_410 = arith.xori %reduce_max3A_409, %reduce_max3A_407 : vector<16xi32>
        %reduce_max3A_411 = vector.extract %reduce_max3A_410[15] : i32 from vector<16xi32>
        %jit3A_412 = arith.constant 0 : i32
        %broadcast_in_dim3A_413 = vector.broadcast %jit3A_412 : i32 to vector<16xi32>
        %select_n3A_414 = arith.select %eq3A_401, %add3A_388, %broadcast_in_dim3A_413 : vector<16xi1>, vector<16xi32>
        %reduce_max3A_415 = arith.constant true
        %reduce_max3A_416 = vector.broadcast %reduce_max3A_415 : i1 to vector<16xi1>
        %reduce_max3A_417 = arith.constant -2147483648 : i32
        %reduce_max3A_418 = vector.broadcast %reduce_max3A_417 : i32 to vector<16xi32>
        %reduce_max3A_419 = arith.xori %select_n3A_414, %reduce_max3A_418 : vector<16xi32>
        %reduce_max3A_420 = tpu.scan <max>, %reduce_max3A_419 masked %reduce_max3A_416 : vector<16xi32>, vector<16xi1> -> vector<16xi32>
        %reduce_max3A_421 = arith.xori %reduce_max3A_420, %reduce_max3A_418 : vector<16xi32>
        %reduce_max3A_422 = vector.extract %reduce_max3A_421[15] : i32 from vector<16xi32>
        %not3A = arith.constant true
        %not3A_423 = arith.xori %scan3A_373, %not3A : i1
        %and3A_424 = arith.andi %lt3A_400, %not3A_423 : i1
        %mul3A_425 = arith.constant 16 : i32
        %mul3A_426 = arith.muli %sub3A_377, %mul3A_425 : i32
        %add3A_427 = arith.constant 15 : i32
        %add3A_428 = arith.addi %mul3A_426, %add3A_427 : i32
        %sub3A_429 = arith.subi %add3A_428, %reduce_min3A_399 : i32
        %select_n3A_430 = arith.select %and3A_424, %sub3A_429, %scan3A_374 : i32
        %sub3A_431 = arith.subi %reduce_max3A_422, %reduce_max3A_411 : i32
        %select_n3A_432 = arith.select %and3A_424, %sub3A_431, %scan3A_375 : i32
        %reduce_max3A_433 = arith.constant true
        %reduce_max3A_434 = vector.broadcast %reduce_max3A_433 : i1 to vector<16xi1>
        %reduce_max3A_435 = arith.constant -2147483648 : i32
        %reduce_max3A_436 = vector.broadcast %reduce_max3A_435 : i32 to vector<16xi32>
        %reduce_max3A_437 = arith.xori %masked_cumsum3A, %reduce_max3A_436 : vector<16xi32>
        %reduce_max3A_438 = tpu.scan <max>, %reduce_max3A_437 masked %reduce_max3A_434 : vector<16xi32>, vector<16xi1> -> vector<16xi32>
        %reduce_max3A_439 = arith.xori %reduce_max3A_438, %reduce_max3A_436 : vector<16xi32>
        %reduce_max3A_440 = vector.extract %reduce_max3A_439[15] : i32 from vector<16xi32>
        %add3A_441 = arith.addi %scan3A_372, %reduce_max3A_440 : i32
        %or3A = arith.ori %scan3A_373, %lt3A_400 : i1
        scf.yield %add3A_441, %or3A, %select_n3A_430, %select_n3A_432 : i32, i1, i32, i32
      }
      %scan3A_44 = arith.constant 16 : i32
      %sub3A = arith.constant 256 : i32
      %sub3A_45 = arith.subi %sub3A, %scan3A_43#3 : i32
      %scan3A_46 = arith.constant 0 : i32
      %scan3A_47 = arith.constant 0 : i32
      %scan3A_48 = arith.constant 0 : i32
      %scan3A_49 = arith.constant 256 : i32
      %scan3A_50 = arith.addi %scan3A_48, %scan3A_49 : i32
      %scan3A_51 = arith.constant 1 : i32
      %scan3A_52:2 = scf.for %scan3A_371 = %scan3A_48 to %scan3A_50 step %scan3A_51 iter_args(%scan3A_372 = %scan3A_46, %scan3A_373 = %scan3A_47) -> (i32, i32)  : i32 {
        %mul3A_374 = arith.constant 128 : i32
        %mul3A_375 = arith.muli %scan3A_371, %mul3A_374 : i32
        %add3A_376 = arith.constant 0 : i32
        %add3A_377 = arith.addi %mul3A_375, %add3A_376 : i32
        %get3A = arith.index_cast %add3A_377 : i32 to index
        %get3A_378 = tpu.vector_load %arg5[%get3A] {strides = array<i32>} : memref<32768xf32, #tpu.memory_space<vmem>>, vector<16xf32>,
        %add3A_379 = arith.constant 0.000000e+00 : f32
        %add3A_380 = vector.broadcast %add3A_379 : f32 to vector<16xf32>
        %add3A_381 = arith.addf %get3A_378, %add3A_380 : vector<16xf32>
        %bitcast3A = vector.bitcast %add3A_381 : vector<16xf32> to vector<16xi32>
        %shift_right_arithmetic3A = arith.constant 31 : i32
        %shift_right_arithmetic3A_382 = vector.broadcast %shift_right_arithmetic3A : i32 to vector<16xi32>
        %shift_right_arithmetic3A_383 = arith.shrsi %bitcast3A, %shift_right_arithmetic3A_382 : vector<16xi32>
        %shift_right_logical3A = arith.constant 1 : i32
        %shift_right_logical3A_384 = vector.broadcast %shift_right_logical3A : i32 to vector<16xi32>
        %shift_right_logical3A_385 = arith.shrui %shift_right_arithmetic3A_383, %shift_right_logical3A_384 : vector<16xi32>
        %xor3A = arith.xori %bitcast3A, %shift_right_logical3A_385 : vector<16xi32>
        %add3A_386 = arith.constant 16 : i32
        %add3A_387 = arith.addi %mul3A_375, %add3A_386 : i32
        %get3A_388 = arith.index_cast %add3A_387 : i32 to index
        %get3A_389 = tpu.vector_load %arg5[%get3A_388] {strides = array<i32>} : memref<32768xf32, #tpu.memory_space<vmem>>, vector<16xf32>,
        %add3A_390 = arith.constant 0.000000e+00 : f32
        %add3A_391 = vector.broadcast %add3A_390 : f32 to vector<16xf32>
        %add3A_392 = arith.addf %get3A_389, %add3A_391 : vector<16xf32>
        %bitcast3A_393 = vector.bitcast %add3A_392 : vector<16xf32> to vector<16xi32>
        %shift_right_arithmetic3A_394 = arith.constant 31 : i32
        %shift_right_arithmetic3A_395 = vector.broadcast %shift_right_arithmetic3A_394 : i32 to vector<16xi32>
        %shift_right_arithmetic3A_396 = arith.shrsi %bitcast3A_393, %shift_right_arithmetic3A_395 : vector<16xi32>
        %shift_right_logical3A_397 = arith.constant 1 : i32
        %shift_right_logical3A_398 = vector.broadcast %shift_right_logical3A_397 : i32 to vector<16xi32>
        %shift_right_logical3A_399 = arith.shrui %shift_right_arithmetic3A_396, %shift_right_logical3A_398 : vector<16xi32>
        %xor3A_400 = arith.xori %bitcast3A_393, %shift_right_logical3A_399 : vector<16xi32>
        %add3A_401 = arith.constant 32 : i32
        %add3A_402 = arith.addi %mul3A_375, %add3A_401 : i32
        %get3A_403 = arith.index_cast %add3A_402 : i32 to index
        %get3A_404 = tpu.vector_load %arg5[%get3A_403] {strides = array<i32>} : memref<32768xf32, #tpu.memory_space<vmem>>, vector<16xf32>,
        %add3A_405 = arith.constant 0.000000e+00 : f32
        %add3A_406 = vector.broadcast %add3A_405 : f32 to vector<16xf32>
        %add3A_407 = arith.addf %get3A_404, %add3A_406 : vector<16xf32>
        %bitcast3A_408 = vector.bitcast %add3A_407 : vector<16xf32> to vector<16xi32>
        %shift_right_arithmetic3A_409 = arith.constant 31 : i32
        %shift_right_arithmetic3A_410 = vector.broadcast %shift_right_arithmetic3A_409 : i32 to vector<16xi32>
        %shift_right_arithmetic3A_411 = arith.shrsi %bitcast3A_408, %shift_right_arithmetic3A_410 : vector<16xi32>
        %shift_right_logical3A_412 = arith.constant 1 : i32
        %shift_right_logical3A_413 = vector.broadcast %shift_right_logical3A_412 : i32 to vector<16xi32>
        %shift_right_logical3A_414 = arith.shrui %shift_right_arithmetic3A_411, %shift_right_logical3A_413 : vector<16xi32>
        %xor3A_415 = arith.xori %bitcast3A_408, %shift_right_logical3A_414 : vector<16xi32>
        %add3A_416 = arith.constant 48 : i32
        %add3A_417 = arith.addi %mul3A_375, %add3A_416 : i32
        %get3A_418 = arith.index_cast %add3A_417 : i32 to index
        %get3A_419 = tpu.vector_load %arg5[%get3A_418] {strides = array<i32>} : memref<32768xf32, #tpu.memory_space<vmem>>, vector<16xf32>,
        %add3A_420 = arith.constant 0.000000e+00 : f32
        %add3A_421 = vector.broadcast %add3A_420 : f32 to vector<16xf32>
        %add3A_422 = arith.addf %get3A_419, %add3A_421 : vector<16xf32>
        %bitcast3A_423 = vector.bitcast %add3A_422 : vector<16xf32> to vector<16xi32>
        %shift_right_arithmetic3A_424 = arith.constant 31 : i32
        %shift_right_arithmetic3A_425 = vector.broadcast %shift_right_arithmetic3A_424 : i32 to vector<16xi32>
        %shift_right_arithmetic3A_426 = arith.shrsi %bitcast3A_423, %shift_right_arithmetic3A_425 : vector<16xi32>
        %shift_right_logical3A_427 = arith.constant 1 : i32
        %shift_right_logical3A_428 = vector.broadcast %shift_right_logical3A_427 : i32 to vector<16xi32>
        %shift_right_logical3A_429 = arith.shrui %shift_right_arithmetic3A_426, %shift_right_logical3A_428 : vector<16xi32>
        %xor3A_430 = arith.xori %bitcast3A_423, %shift_right_logical3A_429 : vector<16xi32>
        %add3A_431 = arith.constant 64 : i32
        %add3A_432 = arith.addi %mul3A_375, %add3A_431 : i32
        %get3A_433 = arith.index_cast %add3A_432 : i32 to index
        %get3A_434 = tpu.vector_load %arg5[%get3A_433] {strides = array<i32>} : memref<32768xf32, #tpu.memory_space<vmem>>, vector<16xf32>,
        %add3A_435 = arith.constant 0.000000e+00 : f32
        %add3A_436 = vector.broadcast %add3A_435 : f32 to vector<16xf32>
        %add3A_437 = arith.addf %get3A_434, %add3A_436 : vector<16xf32>
        %bitcast3A_438 = vector.bitcast %add3A_437 : vector<16xf32> to vector<16xi32>
        %shift_right_arithmetic3A_439 = arith.constant 31 : i32
        %shift_right_arithmetic3A_440 = vector.broadcast %shift_right_arithmetic3A_439 : i32 to vector<16xi32>
        %shift_right_arithmetic3A_441 = arith.shrsi %bitcast3A_438, %shift_right_arithmetic3A_440 : vector<16xi32>
        %shift_right_logical3A_442 = arith.constant 1 : i32
        %shift_right_logical3A_443 = vector.broadcast %shift_right_logical3A_442 : i32 to vector<16xi32>
        %shift_right_logical3A_444 = arith.shrui %shift_right_arithmetic3A_441, %shift_right_logical3A_443 : vector<16xi32>
        %xor3A_445 = arith.xori %bitcast3A_438, %shift_right_logical3A_444 : vector<16xi32>
        %add3A_446 = arith.constant 80 : i32
        %add3A_447 = arith.addi %mul3A_375, %add3A_446 : i32
        %get3A_448 = arith.index_cast %add3A_447 : i32 to index
        %get3A_449 = tpu.vector_load %arg5[%get3A_448] {strides = array<i32>} : memref<32768xf32, #tpu.memory_space<vmem>>, vector<16xf32>,
        %add3A_450 = arith.constant 0.000000e+00 : f32
        %add3A_451 = vector.broadcast %add3A_450 : f32 to vector<16xf32>
        %add3A_452 = arith.addf %get3A_449, %add3A_451 : vector<16xf32>
        %bitcast3A_453 = vector.bitcast %add3A_452 : vector<16xf32> to vector<16xi32>
        %shift_right_arithmetic3A_454 = arith.constant 31 : i32
        %shift_right_arithmetic3A_455 = vector.broadcast %shift_right_arithmetic3A_454 : i32 to vector<16xi32>
        %shift_right_arithmetic3A_456 = arith.shrsi %bitcast3A_453, %shift_right_arithmetic3A_455 : vector<16xi32>
        %shift_right_logical3A_457 = arith.constant 1 : i32
        %shift_right_logical3A_458 = vector.broadcast %shift_right_logical3A_457 : i32 to vector<16xi32>
        %shift_right_logical3A_459 = arith.shrui %shift_right_arithmetic3A_456, %shift_right_logical3A_458 : vector<16xi32>
        %xor3A_460 = arith.xori %bitcast3A_453, %shift_right_logical3A_459 : vector<16xi32>
        %add3A_461 = arith.constant 96 : i32
        %add3A_462 = arith.addi %mul3A_375, %add3A_461 : i32
        %get3A_463 = arith.index_cast %add3A_462 : i32 to index
        %get3A_464 = tpu.vector_load %arg5[%get3A_463] {strides = array<i32>} : memref<32768xf32, #tpu.memory_space<vmem>>, vector<16xf32>,
        %add3A_465 = arith.constant 0.000000e+00 : f32
        %add3A_466 = vector.broadcast %add3A_465 : f32 to vector<16xf32>
        %add3A_467 = arith.addf %get3A_464, %add3A_466 : vector<16xf32>
        %bitcast3A_468 = vector.bitcast %add3A_467 : vector<16xf32> to vector<16xi32>
        %shift_right_arithmetic3A_469 = arith.constant 31 : i32
        %shift_right_arithmetic3A_470 = vector.broadcast %shift_right_arithmetic3A_469 : i32 to vector<16xi32>
        %shift_right_arithmetic3A_471 = arith.shrsi %bitcast3A_468, %shift_right_arithmetic3A_470 : vector<16xi32>
        %shift_right_logical3A_472 = arith.constant 1 : i32
        %shift_right_logical3A_473 = vector.broadcast %shift_right_logical3A_472 : i32 to vector<16xi32>
        %shift_right_logical3A_474 = arith.shrui %shift_right_arithmetic3A_471, %shift_right_logical3A_473 : vector<16xi32>
        %xor3A_475 = arith.xori %bitcast3A_468, %shift_right_logical3A_474 : vector<16xi32>
        %add3A_476 = arith.constant 112 : i32
        %add3A_477 = arith.addi %mul3A_375, %add3A_476 : i32
        %get3A_478 = arith.index_cast %add3A_477 : i32 to index
        %get3A_479 = tpu.vector_load %arg5[%get3A_478] {strides = array<i32>} : memref<32768xf32, #tpu.memory_space<vmem>>, vector<16xf32>,
        %add3A_480 = arith.constant 0.000000e+00 : f32
        %add3A_481 = vector.broadcast %add3A_480 : f32 to vector<16xf32>
        %add3A_482 = arith.addf %get3A_479, %add3A_481 : vector<16xf32>
        %bitcast3A_483 = vector.bitcast %add3A_482 : vector<16xf32> to vector<16xi32>
        %shift_right_arithmetic3A_484 = arith.constant 31 : i32
        %shift_right_arithmetic3A_485 = vector.broadcast %shift_right_arithmetic3A_484 : i32 to vector<16xi32>
        %shift_right_arithmetic3A_486 = arith.shrsi %bitcast3A_483, %shift_right_arithmetic3A_485 : vector<16xi32>
        %shift_right_logical3A_487 = arith.constant 1 : i32
        %shift_right_logical3A_488 = vector.broadcast %shift_right_logical3A_487 : i32 to vector<16xi32>
        %shift_right_logical3A_489 = arith.shrui %shift_right_arithmetic3A_486, %shift_right_logical3A_488 : vector<16xi32>
        %xor3A_490 = arith.xori %bitcast3A_483, %shift_right_logical3A_489 : vector<16xi32>
        %shift_right_logical3A_491 = arith.constant 24 : i32
        %shift_right_logical3A_492 = vector.broadcast %shift_right_logical3A_491 : i32 to vector<16xi32>
        %shift_right_logical3A_493 = arith.shrui %xor3A, %shift_right_logical3A_492 : vector<16xi32>
        %xor3A_494 = arith.constant 128 : i32
        %xor3A_495 = vector.broadcast %xor3A_494 : i32 to vector<16xi32>
        %xor3A_496 = arith.xori %shift_right_logical3A_493, %xor3A_495 : vector<16xi32>
        %ge3A = vector.broadcast %scan3A_43#2 : i32 to vector<16xi32>
        %ge3A_497 = arith.cmpi sge, %xor3A_496, %ge3A : vector<16xi32>
        %shift_right_logical3A_498 = arith.constant 24 : i32
        %shift_right_logical3A_499 = vector.broadcast %shift_right_logical3A_498 : i32 to vector<16xi32>
        %shift_right_logical3A_500 = arith.shrui %xor3A_400, %shift_right_logical3A_499 : vector<16xi32>
        %xor3A_501 = arith.constant 128 : i32
        %xor3A_502 = vector.broadcast %xor3A_501 : i32 to vector<16xi32>
        %xor3A_503 = arith.xori %shift_right_logical3A_500, %xor3A_502 : vector<16xi32>
        %ge3A_504 = vector.broadcast %scan3A_43#2 : i32 to vector<16xi32>
        %ge3A_505 = arith.cmpi sge, %xor3A_503, %ge3A_504 : vector<16xi32>
        %or3A = arith.ori %ge3A_497, %ge3A_505 : vector<16xi1>
        %shift_right_logical3A_506 = arith.constant 24 : i32
        %shift_right_logical3A_507 = vector.broadcast %shift_right_logical3A_506 : i32 to vector<16xi32>
        %shift_right_logical3A_508 = arith.shrui %xor3A_415, %shift_right_logical3A_507 : vector<16xi32>
        %xor3A_509 = arith.constant 128 : i32
        %xor3A_510 = vector.broadcast %xor3A_509 : i32 to vector<16xi32>
        %xor3A_511 = arith.xori %shift_right_logical3A_508, %xor3A_510 : vector<16xi32>
        %ge3A_512 = vector.broadcast %scan3A_43#2 : i32 to vector<16xi32>
        %ge3A_513 = arith.cmpi sge, %xor3A_511, %ge3A_512 : vector<16xi32>
        %or3A_514 = arith.ori %or3A, %ge3A_513 : vector<16xi1>
        %shift_right_logical3A_515 = arith.constant 24 : i32
        %shift_right_logical3A_516 = vector.broadcast %shift_right_logical3A_515 : i32 to vector<16xi32>
        %shift_right_logical3A_517 = arith.shrui %xor3A_430, %shift_right_logical3A_516 : vector<16xi32>
        %xor3A_518 = arith.constant 128 : i32
        %xor3A_519 = vector.broadcast %xor3A_518 : i32 to vector<16xi32>
        %xor3A_520 = arith.xori %shift_right_logical3A_517, %xor3A_519 : vector<16xi32>
        %ge3A_521 = vector.broadcast %scan3A_43#2 : i32 to vector<16xi32>
        %ge3A_522 = arith.cmpi sge, %xor3A_520, %ge3A_521 : vector<16xi32>
        %or3A_523 = arith.ori %or3A_514, %ge3A_522 : vector<16xi1>
        %shift_right_logical3A_524 = arith.constant 24 : i32
        %shift_right_logical3A_525 = vector.broadcast %shift_right_logical3A_524 : i32 to vector<16xi32>
        %shift_right_logical3A_526 = arith.shrui %xor3A_445, %shift_right_logical3A_525 : vector<16xi32>
        %xor3A_527 = arith.constant 128 : i32
        %xor3A_528 = vector.broadcast %xor3A_527 : i32 to vector<16xi32>
        %xor3A_529 = arith.xori %shift_right_logical3A_526, %xor3A_528 : vector<16xi32>
        %ge3A_530 = vector.broadcast %scan3A_43#2 : i32 to vector<16xi32>
        %ge3A_531 = arith.cmpi sge, %xor3A_529, %ge3A_530 : vector<16xi32>
        %or3A_532 = arith.ori %or3A_523, %ge3A_531 : vector<16xi1>
        %shift_right_logical3A_533 = arith.constant 24 : i32
        %shift_right_logical3A_534 = vector.broadcast %shift_right_logical3A_533 : i32 to vector<16xi32>
        %shift_right_logical3A_535 = arith.shrui %xor3A_460, %shift_right_logical3A_534 : vector<16xi32>
        %xor3A_536 = arith.constant 128 : i32
        %xor3A_537 = vector.broadcast %xor3A_536 : i32 to vector<16xi32>
        %xor3A_538 = arith.xori %shift_right_logical3A_535, %xor3A_537 : vector<16xi32>
        %ge3A_539 = vector.broadcast %scan3A_43#2 : i32 to vector<16xi32>
        %ge3A_540 = arith.cmpi sge, %xor3A_538, %ge3A_539 : vector<16xi32>
        %or3A_541 = arith.ori %or3A_532, %ge3A_540 : vector<16xi1>
        %shift_right_logical3A_542 = arith.constant 24 : i32
        %shift_right_logical3A_543 = vector.broadcast %shift_right_logical3A_542 : i32 to vector<16xi32>
        %shift_right_logical3A_544 = arith.shrui %xor3A_475, %shift_right_logical3A_543 : vector<16xi32>
        %xor3A_545 = arith.constant 128 : i32
        %xor3A_546 = vector.broadcast %xor3A_545 : i32 to vector<16xi32>
        %xor3A_547 = arith.xori %shift_right_logical3A_544, %xor3A_546 : vector<16xi32>
        %ge3A_548 = vector.broadcast %scan3A_43#2 : i32 to vector<16xi32>
        %ge3A_549 = arith.cmpi sge, %xor3A_547, %ge3A_548 : vector<16xi32>
        %or3A_550 = arith.ori %or3A_541, %ge3A_549 : vector<16xi1>
        %shift_right_logical3A_551 = arith.constant 24 : i32
        %shift_right_logical3A_552 = vector.broadcast %shift_right_logical3A_551 : i32 to vector<16xi32>
        %shift_right_logical3A_553 = arith.shrui %xor3A_490, %shift_right_logical3A_552 : vector<16xi32>
        %xor3A_554 = arith.constant 128 : i32
        %xor3A_555 = vector.broadcast %xor3A_554 : i32 to vector<16xi32>
        %xor3A_556 = arith.xori %shift_right_logical3A_553, %xor3A_555 : vector<16xi32>
        %ge3A_557 = vector.broadcast %scan3A_43#2 : i32 to vector<16xi32>
        %ge3A_558 = arith.cmpi sge, %xor3A_556, %ge3A_557 : vector<16xi32>
        %or3A_559 = arith.ori %or3A_550, %ge3A_558 : vector<16xi1>
        %convert_element_type3A = arith.extui %or3A_559 : vector<16xi1> to vector<16xi32>
        %reduce_max3A = arith.constant true
        %reduce_max3A_560 = vector.broadcast %reduce_max3A : i1 to vector<16xi1>
        %reduce_max3A_561 = arith.constant -2147483648 : i32
        %reduce_max3A_562 = vector.broadcast %reduce_max3A_561 : i32 to vector<16xi32>
        %reduce_max3A_563 = arith.xori %convert_element_type3A, %reduce_max3A_562 : vector<16xi32>
        %reduce_max3A_564 = tpu.scan <max>, %reduce_max3A_563 masked %reduce_max3A_560 : vector<16xi32>, vector<16xi1> -> vector<16xi32>
        %reduce_max3A_565 = arith.xori %reduce_max3A_564, %reduce_max3A_562 : vector<16xi32>
        %reduce_max3A_566 = vector.extract %reduce_max3A_565[15] : i32 from vector<16xi32>
        %gt3A = arith.constant 0 : i32
        %gt3A_567 = arith.cmpi sgt, %reduce_max3A_566, %gt3A : i32
        %convert_element_type3A_568 = arith.extui %gt3A_567 : i1 to i32
        %cond3A = arith.constant 0 : i32
        %cond3A_569 = arith.cmpi ne, %convert_element_type3A_568, %cond3A : i32
        %cond3A_570:2 = scf.if %cond3A_569 -> (i32, i32) {
          %shift_right_logical3A_571 = arith.constant 24 : i32
          %shift_right_logical3A_572 = vector.broadcast %shift_right_logical3A_571 : i32 to vector<16xi32>
          %shift_right_logical3A_573 = arith.shrui %xor3A, %shift_right_logical3A_572 : vector<16xi32>
          %xor3A_574 = arith.constant 128 : i32
          %xor3A_575 = vector.broadcast %xor3A_574 : i32 to vector<16xi32>
          %xor3A_576 = arith.xori %shift_right_logical3A_573, %xor3A_575 : vector<16xi32>
          %add3A_577 = arith.constant 0 : i32
          %add3A_578 = arith.addi %mul3A_375, %add3A_577 : i32
          %add3A_579 = vector.broadcast %add3A_578 : i32 to vector<16xi32>
          %add3A_580 = arith.addi %add3A_579, %iota3A : vector<16xi32>
          %gt3A_581 = vector.broadcast %scan3A_43#2 : i32 to vector<16xi32>
          %gt3A_582 = arith.cmpi sgt, %xor3A_576, %gt3A_581 : vector<16xi32>
          %eq3A = vector.broadcast %scan3A_43#2 : i32 to vector<16xi32>
          %eq3A_583 = arith.cmpi eq, %xor3A_576, %eq3A : vector<16xi32>
          %swap3A_584 = arith.index_cast %scan3A_372 : i32 to index
          %swap3A_585 = tpu.vector_load %arg11[%swap3A_584] masked %gt3A_582 {strides = array<i32>} : memref<272xi32, #tpu.memory_space<vmem>>, vector<16xi32>, vector<16xi1>
          tpu.vector_store %arg11[%swap3A_584], %xor3A masked %gt3A_582 {strides = array<i32>} : memref<272xi32, #tpu.memory_space<vmem>>, vector<16xi32>, vector<16xi1>
          %swap3A_586 = arith.index_cast %scan3A_372 : i32 to index
          %swap3A_587 = tpu.vector_load %arg12[%swap3A_586] masked %gt3A_582 {strides = array<i32>} : memref<272xi32, #tpu.memory_space<vmem>>, vector<16xi32>, vector<16xi1>
          tpu.vector_store %arg12[%swap3A_586], %add3A_580 masked %gt3A_582 {strides = array<i32>} : memref<272xi32, #tpu.memory_space<vmem>>, vector<16xi32>, vector<16xi1>
          %convert_element_type3A_588 = arith.extui %gt3A_582 : vector<16xi1> to vector<16xi32>
          %reduce_sum3A = arith.constant true
          %reduce_sum3A_589 = vector.broadcast %reduce_sum3A : i1 to vector<16xi1>
          %reduce_sum3A_590 = tpu.scan <sum>, %convert_element_type3A_588 masked %reduce_sum3A_589 : vector<16xi32>, vector<16xi1> -> vector<16xi32>
          %reduce_sum3A_591 = vector.extract %reduce_sum3A_590[15] : i32 from vector<16xi32>
          %add3A_592 = arith.addi %scan3A_372, %reduce_sum3A_591 : i32
          %swap3A_593 = arith.index_cast %scan3A_373 : i32 to index
          %swap3A_594 = tpu.vector_load %arg6[%swap3A_593] masked %eq3A_583 {strides = array<i32>} : memref<32784xi32, #tpu.memory_space<vmem>>, vector<16xi32>, vector<16xi1>
          tpu.vector_store %arg6[%swap3A_593], %xor3A masked %eq3A_583 {strides = array<i32>} : memref<32784xi32, #tpu.memory_space<vmem>>, vector<16xi32>, vector<16xi1>
          %swap3A_595 = arith.index_cast %scan3A_373 : i32 to index
          %swap3A_596 = tpu.vector_load %arg7[%swap3A_595] masked %eq3A_583 {strides = array<i32>} : memref<32784xi32, #tpu.memory_space<vmem>>, vector<16xi32>, vector<16xi1>
          tpu.vector_store %arg7[%swap3A_595], %add3A_580 masked %eq3A_583 {strides = array<i32>} : memref<32784xi32, #tpu.memory_space<vmem>>, vector<16xi32>, vector<16xi1>
          %convert_element_type3A_597 = arith.extui %eq3A_583 : vector<16xi1> to vector<16xi32>
          %reduce_sum3A_598 = arith.constant true
          %reduce_sum3A_599 = vector.broadcast %reduce_sum3A_598 : i1 to vector<16xi1>
          %reduce_sum3A_600 = tpu.scan <sum>, %convert_element_type3A_597 masked %reduce_sum3A_599 : vector<16xi32>, vector<16xi1> -> vector<16xi32>
          %reduce_sum3A_601 = vector.extract %reduce_sum3A_600[15] : i32 from vector<16xi32>
          %add3A_602 = arith.addi %scan3A_373, %reduce_sum3A_601 : i32
          %shift_right_logical3A_603 = arith.constant 24 : i32
          %shift_right_logical3A_604 = vector.broadcast %shift_right_logical3A_603 : i32 to vector<16xi32>
          %shift_right_logical3A_605 = arith.shrui %xor3A_400, %shift_right_logical3A_604 : vector<16xi32>
          %xor3A_606 = arith.constant 128 : i32
          %xor3A_607 = vector.broadcast %xor3A_606 : i32 to vector<16xi32>
          %xor3A_608 = arith.xori %shift_right_logical3A_605, %xor3A_607 : vector<16xi32>
          %add3A_609 = arith.constant 16 : i32
          %add3A_610 = arith.addi %mul3A_375, %add3A_609 : i32
          %add3A_611 = vector.broadcast %add3A_610 : i32 to vector<16xi32>
          %add3A_612 = arith.addi %add3A_611, %iota3A : vector<16xi32>
          %gt3A_613 = vector.broadcast %scan3A_43#2 : i32 to vector<16xi32>
          %gt3A_614 = arith.cmpi sgt, %xor3A_608, %gt3A_613 : vector<16xi32>
          %eq3A_615 = vector.broadcast %scan3A_43#2 : i32 to vector<16xi32>
          %eq3A_616 = arith.cmpi eq, %xor3A_608, %eq3A_615 : vector<16xi32>
          %swap3A_617 = arith.index_cast %add3A_592 : i32 to index
          %swap3A_618 = tpu.vector_load %arg11[%swap3A_617] masked %gt3A_614 {strides = array<i32>} : memref<272xi32, #tpu.memory_space<vmem>>, vector<16xi32>, vector<16xi1>
          tpu.vector_store %arg11[%swap3A_617], %xor3A_400 masked %gt3A_614 {strides = array<i32>} : memref<272xi32, #tpu.memory_space<vmem>>, vector<16xi32>, vector<16xi1>
          %swap3A_619 = arith.index_cast %add3A_592 : i32 to index
          %swap3A_620 = tpu.vector_load %arg12[%swap3A_619] masked %gt3A_614 {strides = array<i32>} : memref<272xi32, #tpu.memory_space<vmem>>, vector<16xi32>, vector<16xi1>
          tpu.vector_store %arg12[%swap3A_619], %add3A_612 masked %gt3A_614 {strides = array<i32>} : memref<272xi32, #tpu.memory_space<vmem>>, vector<16xi32>, vector<16xi1>
          %convert_element_type3A_621 = arith.extui %gt3A_614 : vector<16xi1> to vector<16xi32>
          %reduce_sum3A_622 = arith.constant true
          %reduce_sum3A_623 = vector.broadcast %reduce_sum3A_622 : i1 to vector<16xi1>
          %reduce_sum3A_624 = tpu.scan <sum>, %convert_element_type3A_621 masked %reduce_sum3A_623 : vector<16xi32>, vector<16xi1> -> vector<16xi32>
          %reduce_sum3A_625 = vector.extract %reduce_sum3A_624[15] : i32 from vector<16xi32>
          %add3A_626 = arith.addi %add3A_592, %reduce_sum3A_625 : i32
          %swap3A_627 = arith.index_cast %add3A_602 : i32 to index
          %swap3A_628 = tpu.vector_load %arg6[%swap3A_627] masked %eq3A_616 {strides = array<i32>} : memref<32784xi32, #tpu.memory_space<vmem>>, vector<16xi32>, vector<16xi1>
          tpu.vector_store %arg6[%swap3A_627], %xor3A_400 masked %eq3A_616 {strides = array<i32>} : memref<32784xi32, #tpu.memory_space<vmem>>, vector<16xi32>, vector<16xi1>
          %swap3A_629 = arith.index_cast %add3A_602 : i32 to index
          %swap3A_630 = tpu.vector_load %arg7[%swap3A_629] masked %eq3A_616 {strides = array<i32>} : memref<32784xi32, #tpu.memory_space<vmem>>, vector<16xi32>, vector<16xi1>
          tpu.vector_store %arg7[%swap3A_629], %add3A_612 masked %eq3A_616 {strides = array<i32>} : memref<32784xi32, #tpu.memory_space<vmem>>, vector<16xi32>, vector<16xi1>
          %convert_element_type3A_631 = arith.extui %eq3A_616 : vector<16xi1> to vector<16xi32>
          %reduce_sum3A_632 = arith.constant true
          %reduce_sum3A_633 = vector.broadcast %reduce_sum3A_632 : i1 to vector<16xi1>
          %reduce_sum3A_634 = tpu.scan <sum>, %convert_element_type3A_631 masked %reduce_sum3A_633 : vector<16xi32>, vector<16xi1> -> vector<16xi32>
          %reduce_sum3A_635 = vector.extract %reduce_sum3A_634[15] : i32 from vector<16xi32>
          %add3A_636 = arith.addi %add3A_602, %reduce_sum3A_635 : i32
          %shift_right_logical3A_637 = arith.constant 24 : i32
          %shift_right_logical3A_638 = vector.broadcast %shift_right_logical3A_637 : i32 to vector<16xi32>
          %shift_right_logical3A_639 = arith.shrui %xor3A_415, %shift_right_logical3A_638 : vector<16xi32>
          %xor3A_640 = arith.constant 128 : i32
          %xor3A_641 = vector.broadcast %xor3A_640 : i32 to vector<16xi32>
          %xor3A_642 = arith.xori %shift_right_logical3A_639, %xor3A_641 : vector<16xi32>
          %add3A_643 = arith.constant 32 : i32
          %add3A_644 = arith.addi %mul3A_375, %add3A_643 : i32
          %add3A_645 = vector.broadcast %add3A_644 : i32 to vector<16xi32>
          %add3A_646 = arith.addi %add3A_645, %iota3A : vector<16xi32>
          %gt3A_647 = vector.broadcast %scan3A_43#2 : i32 to vector<16xi32>
          %gt3A_648 = arith.cmpi sgt, %xor3A_642, %gt3A_647 : vector<16xi32>
          %eq3A_649 = vector.broadcast %scan3A_43#2 : i32 to vector<16xi32>
          %eq3A_650 = arith.cmpi eq, %xor3A_642, %eq3A_649 : vector<16xi32>
          %swap3A_651 = arith.index_cast %add3A_626 : i32 to index
          %swap3A_652 = tpu.vector_load %arg11[%swap3A_651] masked %gt3A_648 {strides = array<i32>} : memref<272xi32, #tpu.memory_space<vmem>>, vector<16xi32>, vector<16xi1>
          tpu.vector_store %arg11[%swap3A_651], %xor3A_415 masked %gt3A_648 {strides = array<i32>} : memref<272xi32, #tpu.memory_space<vmem>>, vector<16xi32>, vector<16xi1>
          %swap3A_653 = arith.index_cast %add3A_626 : i32 to index
          %swap3A_654 = tpu.vector_load %arg12[%swap3A_653] masked %gt3A_648 {strides = array<i32>} : memref<272xi32, #tpu.memory_space<vmem>>, vector<16xi32>, vector<16xi1>
          tpu.vector_store %arg12[%swap3A_653], %add3A_646 masked %gt3A_648 {strides = array<i32>} : memref<272xi32, #tpu.memory_space<vmem>>, vector<16xi32>, vector<16xi1>
          %convert_element_type3A_655 = arith.extui %gt3A_648 : vector<16xi1> to vector<16xi32>
          %reduce_sum3A_656 = arith.constant true
          %reduce_sum3A_657 = vector.broadcast %reduce_sum3A_656 : i1 to vector<16xi1>
          %reduce_sum3A_658 = tpu.scan <sum>, %convert_element_type3A_655 masked %reduce_sum3A_657 : vector<16xi32>, vector<16xi1> -> vector<16xi32>
          %reduce_sum3A_659 = vector.extract %reduce_sum3A_658[15] : i32 from vector<16xi32>
          %add3A_660 = arith.addi %add3A_626, %reduce_sum3A_659 : i32
          %swap3A_661 = arith.index_cast %add3A_636 : i32 to index
          %swap3A_662 = tpu.vector_load %arg6[%swap3A_661] masked %eq3A_650 {strides = array<i32>} : memref<32784xi32, #tpu.memory_space<vmem>>, vector<16xi32>, vector<16xi1>
          tpu.vector_store %arg6[%swap3A_661], %xor3A_415 masked %eq3A_650 {strides = array<i32>} : memref<32784xi32, #tpu.memory_space<vmem>>, vector<16xi32>, vector<16xi1>
          %swap3A_663 = arith.index_cast %add3A_636 : i32 to index
          %swap3A_664 = tpu.vector_load %arg7[%swap3A_663] masked %eq3A_650 {strides = array<i32>} : memref<32784xi32, #tpu.memory_space<vmem>>, vector<16xi32>, vector<16xi1>
          tpu.vector_store %arg7[%swap3A_663], %add3A_646 masked %eq3A_650 {strides = array<i32>} : memref<32784xi32, #tpu.memory_space<vmem>>, vector<16xi32>, vector<16xi1>
          %convert_element_type3A_665 = arith.extui %eq3A_650 : vector<16xi1> to vector<16xi32>
          %reduce_sum3A_666 = arith.constant true
          %reduce_sum3A_667 = vector.broadcast %reduce_sum3A_666 : i1 to vector<16xi1>
          %reduce_sum3A_668 = tpu.scan <sum>, %convert_element_type3A_665 masked %reduce_sum3A_667 : vector<16xi32>, vector<16xi1> -> vector<16xi32>
          %reduce_sum3A_669 = vector.extract %reduce_sum3A_668[15] : i32 from vector<16xi32>
          %add3A_670 = arith.addi %add3A_636, %reduce_sum3A_669 : i32
          %shift_right_logical3A_671 = arith.constant 24 : i32
          %shift_right_logical3A_672 = vector.broadcast %shift_right_logical3A_671 : i32 to vector<16xi32>
          %shift_right_logical3A_673 = arith.shrui %xor3A_430, %shift_right_logical3A_672 : vector<16xi32>
          %xor3A_674 = arith.constant 128 : i32
          %xor3A_675 = vector.broadcast %xor3A_674 : i32 to vector<16xi32>
          %xor3A_676 = arith.xori %shift_right_logical3A_673, %xor3A_675 : vector<16xi32>
          %add3A_677 = arith.constant 48 : i32
          %add3A_678 = arith.addi %mul3A_375, %add3A_677 : i32
          %add3A_679 = vector.broadcast %add3A_678 : i32 to vector<16xi32>
          %add3A_680 = arith.addi %add3A_679, %iota3A : vector<16xi32>
          %gt3A_681 = vector.broadcast %scan3A_43#2 : i32 to vector<16xi32>
          %gt3A_682 = arith.cmpi sgt, %xor3A_676, %gt3A_681 : vector<16xi32>
          %eq3A_683 = vector.broadcast %scan3A_43#2 : i32 to vector<16xi32>
          %eq3A_684 = arith.cmpi eq, %xor3A_676, %eq3A_683 : vector<16xi32>
          %swap3A_685 = arith.index_cast %add3A_660 : i32 to index
          %swap3A_686 = tpu.vector_load %arg11[%swap3A_685] masked %gt3A_682 {strides = array<i32>} : memref<272xi32, #tpu.memory_space<vmem>>, vector<16xi32>, vector<16xi1>
          tpu.vector_store %arg11[%swap3A_685], %xor3A_430 masked %gt3A_682 {strides = array<i32>} : memref<272xi32, #tpu.memory_space<vmem>>, vector<16xi32>, vector<16xi1>
          %swap3A_687 = arith.index_cast %add3A_660 : i32 to index
          %swap3A_688 = tpu.vector_load %arg12[%swap3A_687] masked %gt3A_682 {strides = array<i32>} : memref<272xi32, #tpu.memory_space<vmem>>, vector<16xi32>, vector<16xi1>
          tpu.vector_store %arg12[%swap3A_687], %add3A_680 masked %gt3A_682 {strides = array<i32>} : memref<272xi32, #tpu.memory_space<vmem>>, vector<16xi32>, vector<16xi1>
          %convert_element_type3A_689 = arith.extui %gt3A_682 : vector<16xi1> to vector<16xi32>
          %reduce_sum3A_690 = arith.constant true
          %reduce_sum3A_691 = vector.broadcast %reduce_sum3A_690 : i1 to vector<16xi1>
          %reduce_sum3A_692 = tpu.scan <sum>, %convert_element_type3A_689 masked %reduce_sum3A_691 : vector<16xi32>, vector<16xi1> -> vector<16xi32>
          %reduce_sum3A_693 = vector.extract %reduce_sum3A_692[15] : i32 from vector<16xi32>
          %add3A_694 = arith.addi %add3A_660, %reduce_sum3A_693 : i32
          %swap3A_695 = arith.index_cast %add3A_670 : i32 to index
          %swap3A_696 = tpu.vector_load %arg6[%swap3A_695] masked %eq3A_684 {strides = array<i32>} : memref<32784xi32, #tpu.memory_space<vmem>>, vector<16xi32>, vector<16xi1>
          tpu.vector_store %arg6[%swap3A_695], %xor3A_430 masked %eq3A_684 {strides = array<i32>} : memref<32784xi32, #tpu.memory_space<vmem>>, vector<16xi32>, vector<16xi1>
          %swap3A_697 = arith.index_cast %add3A_670 : i32 to index
          %swap3A_698 = tpu.vector_load %arg7[%swap3A_697] masked %eq3A_684 {strides = array<i32>} : memref<32784xi32, #tpu.memory_space<vmem>>, vector<16xi32>, vector<16xi1>
          tpu.vector_store %arg7[%swap3A_697], %add3A_680 masked %eq3A_684 {strides = array<i32>} : memref<32784xi32, #tpu.memory_space<vmem>>, vector<16xi32>, vector<16xi1>
          %convert_element_type3A_699 = arith.extui %eq3A_684 : vector<16xi1> to vector<16xi32>
          %reduce_sum3A_700 = arith.constant true
          %reduce_sum3A_701 = vector.broadcast %reduce_sum3A_700 : i1 to vector<16xi1>
          %reduce_sum3A_702 = tpu.scan <sum>, %convert_element_type3A_699 masked %reduce_sum3A_701 : vector<16xi32>, vector<16xi1> -> vector<16xi32>
          %reduce_sum3A_703 = vector.extract %reduce_sum3A_702[15] : i32 from vector<16xi32>
          %add3A_704 = arith.addi %add3A_670, %reduce_sum3A_703 : i32
          %shift_right_logical3A_705 = arith.constant 24 : i32
          %shift_right_logical3A_706 = vector.broadcast %shift_right_logical3A_705 : i32 to vector<16xi32>
          %shift_right_logical3A_707 = arith.shrui %xor3A_445, %shift_right_logical3A_706 : vector<16xi32>
          %xor3A_708 = arith.constant 128 : i32
          %xor3A_709 = vector.broadcast %xor3A_708 : i32 to vector<16xi32>
          %xor3A_710 = arith.xori %shift_right_logical3A_707, %xor3A_709 : vector<16xi32>
          %add3A_711 = arith.constant 64 : i32
          %add3A_712 = arith.addi %mul3A_375, %add3A_711 : i32
          %add3A_713 = vector.broadcast %add3A_712 : i32 to vector<16xi32>
          %add3A_714 = arith.addi %add3A_713, %iota3A : vector<16xi32>
          %gt3A_715 = vector.broadcast %scan3A_43#2 : i32 to vector<16xi32>
          %gt3A_716 = arith.cmpi sgt, %xor3A_710, %gt3A_715 : vector<16xi32>
          %eq3A_717 = vector.broadcast %scan3A_43#2 : i32 to vector<16xi32>
          %eq3A_718 = arith.cmpi eq, %xor3A_710, %eq3A_717 : vector<16xi32>
          %swap3A_719 = arith.index_cast %add3A_694 : i32 to index
          %swap3A_720 = tpu.vector_load %arg11[%swap3A_719] masked %gt3A_716 {strides = array<i32>} : memref<272xi32, #tpu.memory_space<vmem>>, vector<16xi32>, vector<16xi1>
          tpu.vector_store %arg11[%swap3A_719], %xor3A_445 masked %gt3A_716 {strides = array<i32>} : memref<272xi32, #tpu.memory_space<vmem>>, vector<16xi32>, vector<16xi1>
          %swap3A_721 = arith.index_cast %add3A_694 : i32 to index
          %swap3A_722 = tpu.vector_load %arg12[%swap3A_721] masked %gt3A_716 {strides = array<i32>} : memref<272xi32, #tpu.memory_space<vmem>>, vector<16xi32>, vector<16xi1>
          tpu.vector_store %arg12[%swap3A_721], %add3A_714 masked %gt3A_716 {strides = array<i32>} : memref<272xi32, #tpu.memory_space<vmem>>, vector<16xi32>, vector<16xi1>
          %convert_element_type3A_723 = arith.extui %gt3A_716 : vector<16xi1> to vector<16xi32>
          %reduce_sum3A_724 = arith.constant true
          %reduce_sum3A_725 = vector.broadcast %reduce_sum3A_724 : i1 to vector<16xi1>
          %reduce_sum3A_726 = tpu.scan <sum>, %convert_element_type3A_723 masked %reduce_sum3A_725 : vector<16xi32>, vector<16xi1> -> vector<16xi32>
          %reduce_sum3A_727 = vector.extract %reduce_sum3A_726[15] : i32 from vector<16xi32>
          %add3A_728 = arith.addi %add3A_694, %reduce_sum3A_727 : i32
          %swap3A_729 = arith.index_cast %add3A_704 : i32 to index
          %swap3A_730 = tpu.vector_load %arg6[%swap3A_729] masked %eq3A_718 {strides = array<i32>} : memref<32784xi32, #tpu.memory_space<vmem>>, vector<16xi32>, vector<16xi1>
          tpu.vector_store %arg6[%swap3A_729], %xor3A_445 masked %eq3A_718 {strides = array<i32>} : memref<32784xi32, #tpu.memory_space<vmem>>, vector<16xi32>, vector<16xi1>
          %swap3A_731 = arith.index_cast %add3A_704 : i32 to index
          %swap3A_732 = tpu.vector_load %arg7[%swap3A_731] masked %eq3A_718 {strides = array<i32>} : memref<32784xi32, #tpu.memory_space<vmem>>, vector<16xi32>, vector<16xi1>
          tpu.vector_store %arg7[%swap3A_731], %add3A_714 masked %eq3A_718 {strides = array<i32>} : memref<32784xi32, #tpu.memory_space<vmem>>, vector<16xi32>, vector<16xi1>
          %convert_element_type3A_733 = arith.extui %eq3A_718 : vector<16xi1> to vector<16xi32>
          %reduce_sum3A_734 = arith.constant true
          %reduce_sum3A_735 = vector.broadcast %reduce_sum3A_734 : i1 to vector<16xi1>
          %reduce_sum3A_736 = tpu.scan <sum>, %convert_element_type3A_733 masked %reduce_sum3A_735 : vector<16xi32>, vector<16xi1> -> vector<16xi32>
          %reduce_sum3A_737 = vector.extract %reduce_sum3A_736[15] : i32 from vector<16xi32>
          %add3A_738 = arith.addi %add3A_704, %reduce_sum3A_737 : i32
          %shift_right_logical3A_739 = arith.constant 24 : i32
          %shift_right_logical3A_740 = vector.broadcast %shift_right_logical3A_739 : i32 to vector<16xi32>
          %shift_right_logical3A_741 = arith.shrui %xor3A_460, %shift_right_logical3A_740 : vector<16xi32>
          %xor3A_742 = arith.constant 128 : i32
          %xor3A_743 = vector.broadcast %xor3A_742 : i32 to vector<16xi32>
          %xor3A_744 = arith.xori %shift_right_logical3A_741, %xor3A_743 : vector<16xi32>
          %add3A_745 = arith.constant 80 : i32
          %add3A_746 = arith.addi %mul3A_375, %add3A_745 : i32
          %add3A_747 = vector.broadcast %add3A_746 : i32 to vector<16xi32>
          %add3A_748 = arith.addi %add3A_747, %iota3A : vector<16xi32>
          %gt3A_749 = vector.broadcast %scan3A_43#2 : i32 to vector<16xi32>
          %gt3A_750 = arith.cmpi sgt, %xor3A_744, %gt3A_749 : vector<16xi32>
          %eq3A_751 = vector.broadcast %scan3A_43#2 : i32 to vector<16xi32>
          %eq3A_752 = arith.cmpi eq, %xor3A_744, %eq3A_751 : vector<16xi32>
          %swap3A_753 = arith.index_cast %add3A_728 : i32 to index
          %swap3A_754 = tpu.vector_load %arg11[%swap3A_753] masked %gt3A_750 {strides = array<i32>} : memref<272xi32, #tpu.memory_space<vmem>>, vector<16xi32>, vector<16xi1>
          tpu.vector_store %arg11[%swap3A_753], %xor3A_460 masked %gt3A_750 {strides = array<i32>} : memref<272xi32, #tpu.memory_space<vmem>>, vector<16xi32>, vector<16xi1>
          %swap3A_755 = arith.index_cast %add3A_728 : i32 to index
          %swap3A_756 = tpu.vector_load %arg12[%swap3A_755] masked %gt3A_750 {strides = array<i32>} : memref<272xi32, #tpu.memory_space<vmem>>, vector<16xi32>, vector<16xi1>
          tpu.vector_store %arg12[%swap3A_755], %add3A_748 masked %gt3A_750 {strides = array<i32>} : memref<272xi32, #tpu.memory_space<vmem>>, vector<16xi32>, vector<16xi1>
          %convert_element_type3A_757 = arith.extui %gt3A_750 : vector<16xi1> to vector<16xi32>
          %reduce_sum3A_758 = arith.constant true
          %reduce_sum3A_759 = vector.broadcast %reduce_sum3A_758 : i1 to vector<16xi1>
          %reduce_sum3A_760 = tpu.scan <sum>, %convert_element_type3A_757 masked %reduce_sum3A_759 : vector<16xi32>, vector<16xi1> -> vector<16xi32>
          %reduce_sum3A_761 = vector.extract %reduce_sum3A_760[15] : i32 from vector<16xi32>
          %add3A_762 = arith.addi %add3A_728, %reduce_sum3A_761 : i32
          %swap3A_763 = arith.index_cast %add3A_738 : i32 to index
          %swap3A_764 = tpu.vector_load %arg6[%swap3A_763] masked %eq3A_752 {strides = array<i32>} : memref<32784xi32, #tpu.memory_space<vmem>>, vector<16xi32>, vector<16xi1>
          tpu.vector_store %arg6[%swap3A_763], %xor3A_460 masked %eq3A_752 {strides = array<i32>} : memref<32784xi32, #tpu.memory_space<vmem>>, vector<16xi32>, vector<16xi1>
          %swap3A_765 = arith.index_cast %add3A_738 : i32 to index
          %swap3A_766 = tpu.vector_load %arg7[%swap3A_765] masked %eq3A_752 {strides = array<i32>} : memref<32784xi32, #tpu.memory_space<vmem>>, vector<16xi32>, vector<16xi1>
          tpu.vector_store %arg7[%swap3A_765], %add3A_748 masked %eq3A_752 {strides = array<i32>} : memref<32784xi32, #tpu.memory_space<vmem>>, vector<16xi32>, vector<16xi1>
          %convert_element_type3A_767 = arith.extui %eq3A_752 : vector<16xi1> to vector<16xi32>
          %reduce_sum3A_768 = arith.constant true
          %reduce_sum3A_769 = vector.broadcast %reduce_sum3A_768 : i1 to vector<16xi1>
          %reduce_sum3A_770 = tpu.scan <sum>, %convert_element_type3A_767 masked %reduce_sum3A_769 : vector<16xi32>, vector<16xi1> -> vector<16xi32>
          %reduce_sum3A_771 = vector.extract %reduce_sum3A_770[15] : i32 from vector<16xi32>
          %add3A_772 = arith.addi %add3A_738, %reduce_sum3A_771 : i32
          %shift_right_logical3A_773 = arith.constant 24 : i32
          %shift_right_logical3A_774 = vector.broadcast %shift_right_logical3A_773 : i32 to vector<16xi32>
          %shift_right_logical3A_775 = arith.shrui %xor3A_475, %shift_right_logical3A_774 : vector<16xi32>
          %xor3A_776 = arith.constant 128 : i32
          %xor3A_777 = vector.broadcast %xor3A_776 : i32 to vector<16xi32>
          %xor3A_778 = arith.xori %shift_right_logical3A_775, %xor3A_777 : vector<16xi32>
          %add3A_779 = arith.constant 96 : i32
          %add3A_780 = arith.addi %mul3A_375, %add3A_779 : i32
          %add3A_781 = vector.broadcast %add3A_780 : i32 to vector<16xi32>
          %add3A_782 = arith.addi %add3A_781, %iota3A : vector<16xi32>
          %gt3A_783 = vector.broadcast %scan3A_43#2 : i32 to vector<16xi32>
          %gt3A_784 = arith.cmpi sgt, %xor3A_778, %gt3A_783 : vector<16xi32>
          %eq3A_785 = vector.broadcast %scan3A_43#2 : i32 to vector<16xi32>
          %eq3A_786 = arith.cmpi eq, %xor3A_778, %eq3A_785 : vector<16xi32>
          %swap3A_787 = arith.index_cast %add3A_762 : i32 to index
          %swap3A_788 = tpu.vector_load %arg11[%swap3A_787] masked %gt3A_784 {strides = array<i32>} : memref<272xi32, #tpu.memory_space<vmem>>, vector<16xi32>, vector<16xi1>
          tpu.vector_store %arg11[%swap3A_787], %xor3A_475 masked %gt3A_784 {strides = array<i32>} : memref<272xi32, #tpu.memory_space<vmem>>, vector<16xi32>, vector<16xi1>
          %swap3A_789 = arith.index_cast %add3A_762 : i32 to index
          %swap3A_790 = tpu.vector_load %arg12[%swap3A_789] masked %gt3A_784 {strides = array<i32>} : memref<272xi32, #tpu.memory_space<vmem>>, vector<16xi32>, vector<16xi1>
          tpu.vector_store %arg12[%swap3A_789], %add3A_782 masked %gt3A_784 {strides = array<i32>} : memref<272xi32, #tpu.memory_space<vmem>>, vector<16xi32>, vector<16xi1>
          %convert_element_type3A_791 = arith.extui %gt3A_784 : vector<16xi1> to vector<16xi32>
          %reduce_sum3A_792 = arith.constant true
          %reduce_sum3A_793 = vector.broadcast %reduce_sum3A_792 : i1 to vector<16xi1>
          %reduce_sum3A_794 = tpu.scan <sum>, %convert_element_type3A_791 masked %reduce_sum3A_793 : vector<16xi32>, vector<16xi1> -> vector<16xi32>
          %reduce_sum3A_795 = vector.extract %reduce_sum3A_794[15] : i32 from vector<16xi32>
          %add3A_796 = arith.addi %add3A_762, %reduce_sum3A_795 : i32
          %swap3A_797 = arith.index_cast %add3A_772 : i32 to index
          %swap3A_798 = tpu.vector_load %arg6[%swap3A_797] masked %eq3A_786 {strides = array<i32>} : memref<32784xi32, #tpu.memory_space<vmem>>, vector<16xi32>, vector<16xi1>
          tpu.vector_store %arg6[%swap3A_797], %xor3A_475 masked %eq3A_786 {strides = array<i32>} : memref<32784xi32, #tpu.memory_space<vmem>>, vector<16xi32>, vector<16xi1>
          %swap3A_799 = arith.index_cast %add3A_772 : i32 to index
          %swap3A_800 = tpu.vector_load %arg7[%swap3A_799] masked %eq3A_786 {strides = array<i32>} : memref<32784xi32, #tpu.memory_space<vmem>>, vector<16xi32>, vector<16xi1>
          tpu.vector_store %arg7[%swap3A_799], %add3A_782 masked %eq3A_786 {strides = array<i32>} : memref<32784xi32, #tpu.memory_space<vmem>>, vector<16xi32>, vector<16xi1>
          %convert_element_type3A_801 = arith.extui %eq3A_786 : vector<16xi1> to vector<16xi32>
          %reduce_sum3A_802 = arith.constant true
          %reduce_sum3A_803 = vector.broadcast %reduce_sum3A_802 : i1 to vector<16xi1>
          %reduce_sum3A_804 = tpu.scan <sum>, %convert_element_type3A_801 masked %reduce_sum3A_803 : vector<16xi32>, vector<16xi1> -> vector<16xi32>
          %reduce_sum3A_805 = vector.extract %reduce_sum3A_804[15] : i32 from vector<16xi32>
          %add3A_806 = arith.addi %add3A_772, %reduce_sum3A_805 : i32
          %shift_right_logical3A_807 = arith.constant 24 : i32
          %shift_right_logical3A_808 = vector.broadcast %shift_right_logical3A_807 : i32 to vector<16xi32>
          %shift_right_logical3A_809 = arith.shrui %xor3A_490, %shift_right_logical3A_808 : vector<16xi32>
          %xor3A_810 = arith.constant 128 : i32
          %xor3A_811 = vector.broadcast %xor3A_810 : i32 to vector<16xi32>
          %xor3A_812 = arith.xori %shift_right_logical3A_809, %xor3A_811 : vector<16xi32>
          %add3A_813 = arith.constant 112 : i32
          %add3A_814 = arith.addi %mul3A_375, %add3A_813 : i32
          %add3A_815 = vector.broadcast %add3A_814 : i32 to vector<16xi32>
          %add3A_816 = arith.addi %add3A_815, %iota3A : vector<16xi32>
          %gt3A_817 = vector.broadcast %scan3A_43#2 : i32 to vector<16xi32>
          %gt3A_818 = arith.cmpi sgt, %xor3A_812, %gt3A_817 : vector<16xi32>
          %eq3A_819 = vector.broadcast %scan3A_43#2 : i32 to vector<16xi32>
          %eq3A_820 = arith.cmpi eq, %xor3A_812, %eq3A_819 : vector<16xi32>
          %swap3A_821 = arith.index_cast %add3A_796 : i32 to index
          %swap3A_822 = tpu.vector_load %arg11[%swap3A_821] masked %gt3A_818 {strides = array<i32>} : memref<272xi32, #tpu.memory_space<vmem>>, vector<16xi32>, vector<16xi1>
          tpu.vector_store %arg11[%swap3A_821], %xor3A_490 masked %gt3A_818 {strides = array<i32>} : memref<272xi32, #tpu.memory_space<vmem>>, vector<16xi32>, vector<16xi1>
          %swap3A_823 = arith.index_cast %add3A_796 : i32 to index
          %swap3A_824 = tpu.vector_load %arg12[%swap3A_823] masked %gt3A_818 {strides = array<i32>} : memref<272xi32, #tpu.memory_space<vmem>>, vector<16xi32>, vector<16xi1>
          tpu.vector_store %arg12[%swap3A_823], %add3A_816 masked %gt3A_818 {strides = array<i32>} : memref<272xi32, #tpu.memory_space<vmem>>, vector<16xi32>, vector<16xi1>
          %convert_element_type3A_825 = arith.extui %gt3A_818 : vector<16xi1> to vector<16xi32>
          %reduce_sum3A_826 = arith.constant true
          %reduce_sum3A_827 = vector.broadcast %reduce_sum3A_826 : i1 to vector<16xi1>
          %reduce_sum3A_828 = tpu.scan <sum>, %convert_element_type3A_825 masked %reduce_sum3A_827 : vector<16xi32>, vector<16xi1> -> vector<16xi32>
          %reduce_sum3A_829 = vector.extract %reduce_sum3A_828[15] : i32 from vector<16xi32>
          %add3A_830 = arith.addi %add3A_796, %reduce_sum3A_829 : i32
          %swap3A_831 = arith.index_cast %add3A_806 : i32 to index
          %swap3A_832 = tpu.vector_load %arg6[%swap3A_831] masked %eq3A_820 {strides = array<i32>} : memref<32784xi32, #tpu.memory_space<vmem>>, vector<16xi32>, vector<16xi1>
          tpu.vector_store %arg6[%swap3A_831], %xor3A_490 masked %eq3A_820 {strides = array<i32>} : memref<32784xi32, #tpu.memory_space<vmem>>, vector<16xi32>, vector<16xi1>
          %swap3A_833 = arith.index_cast %add3A_806 : i32 to index
          %swap3A_834 = tpu.vector_load %arg7[%swap3A_833] masked %eq3A_820 {strides = array<i32>} : memref<32784xi32, #tpu.memory_space<vmem>>, vector<16xi32>, vector<16xi1>
          tpu.vector_store %arg7[%swap3A_833], %add3A_816 masked %eq3A_820 {strides = array<i32>} : memref<32784xi32, #tpu.memory_space<vmem>>, vector<16xi32>, vector<16xi1>
          %convert_element_type3A_835 = arith.extui %eq3A_820 : vector<16xi1> to vector<16xi32>
          %reduce_sum3A_836 = arith.constant true
          %reduce_sum3A_837 = vector.broadcast %reduce_sum3A_836 : i1 to vector<16xi1>
          %reduce_sum3A_838 = tpu.scan <sum>, %convert_element_type3A_835 masked %reduce_sum3A_837 : vector<16xi32>, vector<16xi1> -> vector<16xi32>
          %reduce_sum3A_839 = vector.extract %reduce_sum3A_838[15] : i32 from vector<16xi32>
          %add3A_840 = arith.addi %add3A_806, %reduce_sum3A_839 : i32
          scf.yield %add3A_830, %add3A_840 : i32, i32
        } else {
          scf.yield %scan3A_372, %scan3A_373 : i32, i32
        }
        scf.yield %cond3A_570#0, %cond3A_570#1 : i32, i32
      }
      %scan3A_53 = arith.constant 256 : i32
      %add3A_54 = arith.constant 15 : i32
      %add3A_55 = arith.addi %scan3A_52#1, %add3A_54 : i32
      %jit3A = arith.constant 16 : i32
      %div3A = arith.divsi %add3A_55, %jit3A : i32
      %sign3A = arith.constant 0 : i32
      %sign3A_56 = arith.cmpi sgt, %add3A_55, %sign3A : i32
      %sign3A_57 = arith.extui %sign3A_56 : i1 to i32
      %sign3A_58 = arith.constant 0 : i32
      %sign3A_59 = arith.cmpi slt, %add3A_55, %sign3A_58 : i32
      %sign3A_60 = arith.extui %sign3A_59 : i1 to i32
      %sign3A_61 = arith.subi %sign3A_57, %sign3A_60 : i32
      %sign3A_62 = arith.constant 0 : i32
      %sign3A_63 = arith.cmpi sgt, %jit3A, %sign3A_62 : i32
      %sign3A_64 = arith.extui %sign3A_63 : i1 to i32
      %sign3A_65 = arith.constant 0 : i32
      %sign3A_66 = arith.cmpi slt, %jit3A, %sign3A_65 : i32
      %sign3A_67 = arith.extui %sign3A_66 : i1 to i32
      %sign3A_68 = arith.subi %sign3A_64, %sign3A_67 : i32
      %ne3A = arith.cmpi ne, %sign3A_61, %sign3A_68 : i32
      %rem3A = arith.remsi %add3A_55, %jit3A : i32
      %ne3A_69 = arith.constant 0 : i32
      %ne3A_70 = arith.cmpi ne, %rem3A, %ne3A_69 : i32
      %and3A = arith.andi %ne3A, %ne3A_70 : i1
      %sub3A_71 = arith.constant 1 : i32
      %sub3A_72 = arith.subi %div3A, %sub3A_71 : i32
      %select_n3A = arith.select %and3A, %sub3A_72, %div3A : i32
      %broadcast_in_dim3A_73 = arith.constant 0 : i32
      %broadcast_in_dim3A_74 = vector.broadcast %broadcast_in_dim3A_73 : i32 to vector<16xi32>
      %swap3A = arith.constant 0 : index
      %swap3A_75 = tpu.vector_load %arg8[%swap3A] {strides = array<i32>} : memref<256xi32, #tpu.memory_space<vmem>>, vector<16xi32>,
      tpu.vector_store %arg8[%swap3A], %broadcast_in_dim3A_74 {strides = array<i32>} : memref<256xi32, #tpu.memory_space<vmem>>, vector<16xi32>,
      %swap3A_76 = arith.constant 16 : index
      %swap3A_77 = tpu.vector_load %arg8[%swap3A_76] {strides = array<i32>} : memref<256xi32, #tpu.memory_space<vmem>>, vector<16xi32>,
      tpu.vector_store %arg8[%swap3A_76], %broadcast_in_dim3A_74 {strides = array<i32>} : memref<256xi32, #tpu.memory_space<vmem>>, vector<16xi32>,
      %swap3A_78 = arith.constant 32 : index
      %swap3A_79 = tpu.vector_load %arg8[%swap3A_78] {strides = array<i32>} : memref<256xi32, #tpu.memory_space<vmem>>, vector<16xi32>,
      tpu.vector_store %arg8[%swap3A_78], %broadcast_in_dim3A_74 {strides = array<i32>} : memref<256xi32, #tpu.memory_space<vmem>>, vector<16xi32>,
      %swap3A_80 = arith.constant 48 : index
      %swap3A_81 = tpu.vector_load %arg8[%swap3A_80] {strides = array<i32>} : memref<256xi32, #tpu.memory_space<vmem>>, vector<16xi32>,
      tpu.vector_store %arg8[%swap3A_80], %broadcast_in_dim3A_74 {strides = array<i32>} : memref<256xi32, #tpu.memory_space<vmem>>, vector<16xi32>,
      %swap3A_82 = arith.constant 64 : index
      %swap3A_83 = tpu.vector_load %arg8[%swap3A_82] {strides = array<i32>} : memref<256xi32, #tpu.memory_space<vmem>>, vector<16xi32>,
      tpu.vector_store %arg8[%swap3A_82], %broadcast_in_dim3A_74 {strides = array<i32>} : memref<256xi32, #tpu.memory_space<vmem>>, vector<16xi32>,
      %swap3A_84 = arith.constant 80 : index
      %swap3A_85 = tpu.vector_load %arg8[%swap3A_84] {strides = array<i32>} : memref<256xi32, #tpu.memory_space<vmem>>, vector<16xi32>,
      tpu.vector_store %arg8[%swap3A_84], %broadcast_in_dim3A_74 {strides = array<i32>} : memref<256xi32, #tpu.memory_space<vmem>>, vector<16xi32>,
      %swap3A_86 = arith.constant 96 : index
      %swap3A_87 = tpu.vector_load %arg8[%swap3A_86] {strides = array<i32>} : memref<256xi32, #tpu.memory_space<vmem>>, vector<16xi32>,
      tpu.vector_store %arg8[%swap3A_86], %broadcast_in_dim3A_74 {strides = array<i32>} : memref<256xi32, #tpu.memory_space<vmem>>, vector<16xi32>,
      %swap3A_88 = arith.constant 112 : index
      %swap3A_89 = tpu.vector_load %arg8[%swap3A_88] {strides = array<i32>} : memref<256xi32, #tpu.memory_space<vmem>>, vector<16xi32>,
      tpu.vector_store %arg8[%swap3A_88], %broadcast_in_dim3A_74 {strides = array<i32>} : memref<256xi32, #tpu.memory_space<vmem>>, vector<16xi32>,
      %swap3A_90 = arith.constant 128 : index
      %swap3A_91 = tpu.vector_load %arg8[%swap3A_90] {strides = array<i32>} : memref<256xi32, #tpu.memory_space<vmem>>, vector<16xi32>,
      tpu.vector_store %arg8[%swap3A_90], %broadcast_in_dim3A_74 {strides = array<i32>} : memref<256xi32, #tpu.memory_space<vmem>>, vector<16xi32>,
      %swap3A_92 = arith.constant 144 : index
      %swap3A_93 = tpu.vector_load %arg8[%swap3A_92] {strides = array<i32>} : memref<256xi32, #tpu.memory_space<vmem>>, vector<16xi32>,
      tpu.vector_store %arg8[%swap3A_92], %broadcast_in_dim3A_74 {strides = array<i32>} : memref<256xi32, #tpu.memory_space<vmem>>, vector<16xi32>,
      %swap3A_94 = arith.constant 160 : index
      %swap3A_95 = tpu.vector_load %arg8[%swap3A_94] {strides = array<i32>} : memref<256xi32, #tpu.memory_space<vmem>>, vector<16xi32>,
      tpu.vector_store %arg8[%swap3A_94], %broadcast_in_dim3A_74 {strides = array<i32>} : memref<256xi32, #tpu.memory_space<vmem>>, vector<16xi32>,
      %swap3A_96 = arith.constant 176 : index
      %swap3A_97 = tpu.vector_load %arg8[%swap3A_96] {strides = array<i32>} : memref<256xi32, #tpu.memory_space<vmem>>, vector<16xi32>,
      tpu.vector_store %arg8[%swap3A_96], %broadcast_in_dim3A_74 {strides = array<i32>} : memref<256xi32, #tpu.memory_space<vmem>>, vector<16xi32>,
      %swap3A_98 = arith.constant 192 : index
      %swap3A_99 = tpu.vector_load %arg8[%swap3A_98] {strides = array<i32>} : memref<256xi32, #tpu.memory_space<vmem>>, vector<16xi32>,
      tpu.vector_store %arg8[%swap3A_98], %broadcast_in_dim3A_74 {strides = array<i32>} : memref<256xi32, #tpu.memory_space<vmem>>, vector<16xi32>,
      %swap3A_100 = arith.constant 208 : index
      %swap3A_101 = tpu.vector_load %arg8[%swap3A_100] {strides = array<i32>} : memref<256xi32, #tpu.memory_space<vmem>>, vector<16xi32>,
      tpu.vector_store %arg8[%swap3A_100], %broadcast_in_dim3A_74 {strides = array<i32>} : memref<256xi32, #tpu.memory_space<vmem>>, vector<16xi32>,
      %swap3A_102 = arith.constant 224 : index
      %swap3A_103 = tpu.vector_load %arg8[%swap3A_102] {strides = array<i32>} : memref<256xi32, #tpu.memory_space<vmem>>, vector<16xi32>,
      tpu.vector_store %arg8[%swap3A_102], %broadcast_in_dim3A_74 {strides = array<i32>} : memref<256xi32, #tpu.memory_space<vmem>>, vector<16xi32>,
      %swap3A_104 = arith.constant 240 : index
      %swap3A_105 = tpu.vector_load %arg8[%swap3A_104] {strides = array<i32>} : memref<256xi32, #tpu.memory_space<vmem>>, vector<16xi32>,
      tpu.vector_store %arg8[%swap3A_104], %broadcast_in_dim3A_74 {strides = array<i32>} : memref<256xi32, #tpu.memory_space<vmem>>, vector<16xi32>,
      %while3A = arith.constant 0 : i32
      %while3A_106 = arith.constant 0 : i32
      %while3A_107 = arith.subi %select_n3A, %while3A_106 : i32
      %while3A_108 = arith.addi %while3A_106, %while3A_107 : i32
      %while3A_109 = arith.constant 1 : i32
      %while3A_110 = arith.divsi %while3A_107, %while3A_109 : i32
      %while3A_111 = arith.muli %while3A_110, %while3A_109 : i32
      %while3A_112 = arith.addi %while3A_106, %while3A_111 : i32
      %while3A_113 = arith.constant 1 : i32
      scf.for %while3A_371 = %while3A_106 to %while3A_112 step %while3A_113  : i32 {
        %mul3A_372 = arith.constant 16 : i32
        %mul3A_373 = arith.muli %while3A_371, %mul3A_372 : i32
        %get3A = arith.index_cast %mul3A_373 : i32 to index
        %get3A_374 = tpu.vector_load %arg6[%get3A] {strides = array<i32>} : memref<32784xi32, #tpu.memory_space<vmem>>, vector<16xi32>,
        %mul3A_375 = arith.constant 16 : i32
        %mul3A_376 = arith.muli %while3A_371, %mul3A_375 : i32
        %add3A_377 = vector.broadcast %mul3A_376 : i32 to vector<16xi32>
        %add3A_378 = arith.addi %add3A_377, %iota3A : vector<16xi32>
        %lt3A = vector.broadcast %scan3A_52#1 : i32 to vector<16xi32>
        %lt3A_379 = arith.cmpi slt, %add3A_378, %lt3A : vector<16xi32>
        %shift_right_logical3A = arith.constant 16 : i32
        %shift_right_logical3A_380 = vector.broadcast %shift_right_logical3A : i32 to vector<16xi32>
        %shift_right_logical3A_381 = arith.shrui %get3A_374, %shift_right_logical3A_380 : vector<16xi32>
        %and3A_382 = arith.constant 255 : i32
        %and3A_383 = vector.broadcast %and3A_382 : i32 to vector<16xi32>
        %and3A_384 = arith.andi %shift_right_logical3A_381, %and3A_383 : vector<16xi32>
        %unique3A, %unique3A_385 = tpu.scan_count mask(%lt3A_379 : vector<16xi1>) value(%and3A_384 : vector<16xi32>) : vector<16xi1>, vector<16xi32>
        tpu.vector_store_idx %arg8[%and3A_384], %unique3A_385 masked %unique3A {add = true} : memref<256xi32, #tpu.memory_space<vmem>>[vector<16xi32>], vector<16xi32>, vector<16xi1>
      }
      %while3A_114 = arith.constant 1 : i32
      scf.for %while3A_371 = %while3A_112 to %while3A_108 step %while3A_114  : i32 {
        %mul3A_372 = arith.constant 16 : i32
        %mul3A_373 = arith.muli %while3A_371, %mul3A_372 : i32
        %get3A = arith.index_cast %mul3A_373 : i32 to index
        %get3A_374 = tpu.vector_load %arg6[%get3A] {strides = array<i32>} : memref<32784xi32, #tpu.memory_space<vmem>>, vector<16xi32>,
        %mul3A_375 = arith.constant 16 : i32
        %mul3A_376 = arith.muli %while3A_371, %mul3A_375 : i32
        %add3A_377 = vector.broadcast %mul3A_376 : i32 to vector<16xi32>
        %add3A_378 = arith.addi %add3A_377, %iota3A : vector<16xi32>
        %lt3A = vector.broadcast %scan3A_52#1 : i32 to vector<16xi32>
        %lt3A_379 = arith.cmpi slt, %add3A_378, %lt3A : vector<16xi32>
        %shift_right_logical3A = arith.constant 16 : i32
        %shift_right_logical3A_380 = vector.broadcast %shift_right_logical3A : i32 to vector<16xi32>
        %shift_right_logical3A_381 = arith.shrui %get3A_374, %shift_right_logical3A_380 : vector<16xi32>
        %and3A_382 = arith.constant 255 : i32
        %and3A_383 = vector.broadcast %and3A_382 : i32 to vector<16xi32>
        %and3A_384 = arith.andi %shift_right_logical3A_381, %and3A_383 : vector<16xi32>
        %unique3A, %unique3A_385 = tpu.scan_count mask(%lt3A_379 : vector<16xi1>) value(%and3A_384 : vector<16xi32>) : vector<16xi1>, vector<16xi32>
        tpu.vector_store_idx %arg8[%and3A_384], %unique3A_385 masked %unique3A {add = true} : memref<256xi32, #tpu.memory_space<vmem>>[vector<16xi32>], vector<16xi32>, vector<16xi1>
      }
      %iota3A_115 = tpu.iota {dimensions = array<i32: 0>} : vector<16xi32>
      %scan3A_116 = arith.constant 0 : i32
      %scan3A_117 = arith.constant false
      %scan3A_118 = arith.constant 0 : i32
      %scan3A_119 = arith.constant 0 : i32
      %scan3A_120 = arith.constant 0 : i32
      %scan3A_121 = arith.constant 16 : i32
      %scan3A_122 = arith.addi %scan3A_120, %scan3A_121 : i32
      %scan3A_123 = arith.constant 1 : i32
      %scan3A_124:4 = scf.for %scan3A_371 = %scan3A_120 to %scan3A_122 step %scan3A_123 iter_args(%scan3A_372 = %scan3A_116, %scan3A_373 = %scan3A_117, %scan3A_374 = %scan3A_118, %scan3A_375 = %scan3A_119) -> (i32, i1, i32, i32)  : i32 {
        %sub3A_376 = arith.constant 15 : i32
        %sub3A_377 = arith.subi %sub3A_376, %scan3A_371 : i32
        %mul3A_378 = arith.constant 16 : i32
        %mul3A_379 = arith.muli %sub3A_377, %mul3A_378 : i32
        %get3A = arith.index_cast %mul3A_379 : i32 to index
        %get3A_380 = tpu.vector_load %arg8[%get3A] {strides = array<i32>} : memref<256xi32, #tpu.memory_space<vmem>>, vector<16xi32>,
        %rev3A = arith.constant 15 : i32
        %rev3A_381 = vector.broadcast %rev3A : i32 to vector<16xi32>
        %rev3A_382 = tpu.iota {dimensions = array<i32: 0>} : vector<16xi32>
        %rev3A_383 = arith.subi %rev3A_381, %rev3A_382 : vector<16xi32>
        %rev3A_384 = tpu.dynamic_gather %get3A_380[%rev3A_383] in [0] : vector<16xi32>, vector<16xi32> -> vector<16xi32>
        %broadcast_in_dim3A_385 = arith.constant true
        %broadcast_in_dim3A_386 = vector.broadcast %broadcast_in_dim3A_385 : i1 to vector<16xi1>
        %masked_cumsum3A = tpu.scan <sum>, %rev3A_384 masked %broadcast_in_dim3A_386 : vector<16xi32>, vector<16xi1> -> vector<16xi32>
        %add3A_387 = vector.broadcast %scan3A_372 : i32 to vector<16xi32>
        %add3A_388 = arith.addi %masked_cumsum3A, %add3A_387 : vector<16xi32>
        %ge3A = vector.broadcast %sub3A_45 : i32 to vector<16xi32>
        %ge3A_389 = arith.cmpi sge, %add3A_388, %ge3A : vector<16xi32>
        %jit3A_390 = arith.constant 16 : i32
        %broadcast_in_dim3A_391 = vector.broadcast %jit3A_390 : i32 to vector<16xi32>
        %select_n3A_392 = arith.select %ge3A_389, %iota3A_115, %broadcast_in_dim3A_391 : vector<16xi1>, vector<16xi32>
        %reduce_min3A = arith.constant true
        %reduce_min3A_393 = vector.broadcast %reduce_min3A : i1 to vector<16xi1>
        %reduce_min3A_394 = arith.constant -2147483648 : i32
        %reduce_min3A_395 = vector.broadcast %reduce_min3A_394 : i32 to vector<16xi32>
        %reduce_min3A_396 = arith.xori %select_n3A_392, %reduce_min3A_395 : vector<16xi32>
        %reduce_min3A_397 = tpu.scan <min>, %reduce_min3A_396 masked %reduce_min3A_393 : vector<16xi32>, vector<16xi1> -> vector<16xi32>
        %reduce_min3A_398 = arith.xori %reduce_min3A_397, %reduce_min3A_395 : vector<16xi32>
        %reduce_min3A_399 = vector.extract %reduce_min3A_398[15] : i32 from vector<16xi32>
        %lt3A = arith.constant 16 : i32
        %lt3A_400 = arith.cmpi slt, %reduce_min3A_399, %lt3A : i32
        %eq3A = vector.broadcast %reduce_min3A_399 : i32 to vector<16xi32>
        %eq3A_401 = arith.cmpi eq, %iota3A_115, %eq3A : vector<16xi32>
        %jit3A_402 = arith.constant 0 : i32
        %broadcast_in_dim3A_403 = vector.broadcast %jit3A_402 : i32 to vector<16xi32>
        %select_n3A_404 = arith.select %eq3A_401, %rev3A_384, %broadcast_in_dim3A_403 : vector<16xi1>, vector<16xi32>
        %reduce_max3A = arith.constant true
        %reduce_max3A_405 = vector.broadcast %reduce_max3A : i1 to vector<16xi1>
        %reduce_max3A_406 = arith.constant -2147483648 : i32
        %reduce_max3A_407 = vector.broadcast %reduce_max3A_406 : i32 to vector<16xi32>
        %reduce_max3A_408 = arith.xori %select_n3A_404, %reduce_max3A_407 : vector<16xi32>
        %reduce_max3A_409 = tpu.scan <max>, %reduce_max3A_408 masked %reduce_max3A_405 : vector<16xi32>, vector<16xi1> -> vector<16xi32>
        %reduce_max3A_410 = arith.xori %reduce_max3A_409, %reduce_max3A_407 : vector<16xi32>
        %reduce_max3A_411 = vector.extract %reduce_max3A_410[15] : i32 from vector<16xi32>
        %jit3A_412 = arith.constant 0 : i32
        %broadcast_in_dim3A_413 = vector.broadcast %jit3A_412 : i32 to vector<16xi32>
        %select_n3A_414 = arith.select %eq3A_401, %add3A_388, %broadcast_in_dim3A_413 : vector<16xi1>, vector<16xi32>
        %reduce_max3A_415 = arith.constant true
        %reduce_max3A_416 = vector.broadcast %reduce_max3A_415 : i1 to vector<16xi1>
        %reduce_max3A_417 = arith.constant -2147483648 : i32
        %reduce_max3A_418 = vector.broadcast %reduce_max3A_417 : i32 to vector<16xi32>
        %reduce_max3A_419 = arith.xori %select_n3A_414, %reduce_max3A_418 : vector<16xi32>
        %reduce_max3A_420 = tpu.scan <max>, %reduce_max3A_419 masked %reduce_max3A_416 : vector<16xi32>, vector<16xi1> -> vector<16xi32>
        %reduce_max3A_421 = arith.xori %reduce_max3A_420, %reduce_max3A_418 : vector<16xi32>
        %reduce_max3A_422 = vector.extract %reduce_max3A_421[15] : i32 from vector<16xi32>
        %not3A = arith.constant true
        %not3A_423 = arith.xori %scan3A_373, %not3A : i1
        %and3A_424 = arith.andi %lt3A_400, %not3A_423 : i1
        %mul3A_425 = arith.constant 16 : i32
        %mul3A_426 = arith.muli %sub3A_377, %mul3A_425 : i32
        %add3A_427 = arith.constant 15 : i32
        %add3A_428 = arith.addi %mul3A_426, %add3A_427 : i32
        %sub3A_429 = arith.subi %add3A_428, %reduce_min3A_399 : i32
        %select_n3A_430 = arith.select %and3A_424, %sub3A_429, %scan3A_374 : i32
        %sub3A_431 = arith.subi %reduce_max3A_422, %reduce_max3A_411 : i32
        %select_n3A_432 = arith.select %and3A_424, %sub3A_431, %scan3A_375 : i32
        %reduce_max3A_433 = arith.constant true
        %reduce_max3A_434 = vector.broadcast %reduce_max3A_433 : i1 to vector<16xi1>
        %reduce_max3A_435 = arith.constant -2147483648 : i32
        %reduce_max3A_436 = vector.broadcast %reduce_max3A_435 : i32 to vector<16xi32>
        %reduce_max3A_437 = arith.xori %masked_cumsum3A, %reduce_max3A_436 : vector<16xi32>
        %reduce_max3A_438 = tpu.scan <max>, %reduce_max3A_437 masked %reduce_max3A_434 : vector<16xi32>, vector<16xi1> -> vector<16xi32>
        %reduce_max3A_439 = arith.xori %reduce_max3A_438, %reduce_max3A_436 : vector<16xi32>
        %reduce_max3A_440 = vector.extract %reduce_max3A_439[15] : i32 from vector<16xi32>
        %add3A_441 = arith.addi %scan3A_372, %reduce_max3A_440 : i32
        %or3A = arith.ori %scan3A_373, %lt3A_400 : i1
        scf.yield %add3A_441, %or3A, %select_n3A_430, %select_n3A_432 : i32, i1, i32, i32
      }
      %scan3A_125 = arith.constant 16 : i32
      %sub3A_126 = arith.subi %sub3A_45, %scan3A_124#3 : i32
      %while3A_127 = arith.constant 0 : i32
      %while3A_128 = arith.constant 0 : i32
      %while3A_129 = arith.subi %select_n3A, %while3A_127 : i32
      %while3A_130 = arith.addi %while3A_127, %while3A_129 : i32
      %while3A_131 = arith.constant 1 : i32
      %while3A_132 = arith.divsi %while3A_129, %while3A_131 : i32
      %while3A_133 = arith.muli %while3A_132, %while3A_131 : i32
      %while3A_134 = arith.addi %while3A_127, %while3A_133 : i32
      %while3A_135 = arith.constant 1 : i32
      %while3A_136:2 = scf.for %while3A_371 = %while3A_127 to %while3A_134 step %while3A_135 iter_args(%while3A_372 = %scan3A_52#0, %while3A_373 = %while3A_128) -> (i32, i32)  : i32 {
        %mul3A_374 = arith.constant 16 : i32
        %mul3A_375 = arith.muli %while3A_371, %mul3A_374 : i32
        %get3A = arith.index_cast %mul3A_375 : i32 to index
        %get3A_376 = tpu.vector_load %arg6[%get3A] {strides = array<i32>} : memref<32784xi32, #tpu.memory_space<vmem>>, vector<16xi32>,
        %mul3A_377 = arith.constant 16 : i32
        %mul3A_378 = arith.muli %while3A_371, %mul3A_377 : i32
        %get3A_379 = arith.index_cast %mul3A_378 : i32 to index
        %get3A_380 = tpu.vector_load %arg7[%get3A_379] {strides = array<i32>} : memref<32784xi32, #tpu.memory_space<vmem>>, vector<16xi32>,
        %mul3A_381 = arith.constant 16 : i32
        %mul3A_382 = arith.muli %while3A_371, %mul3A_381 : i32
        %add3A_383 = vector.broadcast %mul3A_382 : i32 to vector<16xi32>
        %add3A_384 = arith.addi %add3A_383, %iota3A : vector<16xi32>
        %lt3A = vector.broadcast %scan3A_52#1 : i32 to vector<16xi32>
        %lt3A_385 = arith.cmpi slt, %add3A_384, %lt3A : vector<16xi32>
        %shift_right_logical3A = arith.constant 16 : i32
        %shift_right_logical3A_386 = vector.broadcast %shift_right_logical3A : i32 to vector<16xi32>
        %shift_right_logical3A_387 = arith.shrui %get3A_376, %shift_right_logical3A_386 : vector<16xi32>
        %and3A_388 = arith.constant 255 : i32
        %and3A_389 = vector.broadcast %and3A_388 : i32 to vector<16xi32>
        %and3A_390 = arith.andi %shift_right_logical3A_387, %and3A_389 : vector<16xi32>
        %gt3A = vector.broadcast %scan3A_124#2 : i32 to vector<16xi32>
        %gt3A_391 = arith.cmpi sgt, %and3A_390, %gt3A : vector<16xi32>
        %and3A_392 = arith.andi %lt3A_385, %gt3A_391 : vector<16xi1>
        %eq3A = vector.broadcast %scan3A_124#2 : i32 to vector<16xi32>
        %eq3A_393 = arith.cmpi eq, %and3A_390, %eq3A : vector<16xi32>
        %and3A_394 = arith.andi %lt3A_385, %eq3A_393 : vector<16xi1>
        %swap3A_395 = arith.index_cast %while3A_372 : i32 to index
        %swap3A_396 = tpu.vector_load %arg11[%swap3A_395] masked %and3A_392 {strides = array<i32>} : memref<272xi32, #tpu.memory_space<vmem>>, vector<16xi32>, vector<16xi1>
        tpu.vector_store %arg11[%swap3A_395], %get3A_376 masked %and3A_392 {strides = array<i32>} : memref<272xi32, #tpu.memory_space<vmem>>, vector<16xi32>, vector<16xi1>
        %swap3A_397 = arith.index_cast %while3A_372 : i32 to index
        %swap3A_398 = tpu.vector_load %arg12[%swap3A_397] masked %and3A_392 {strides = array<i32>} : memref<272xi32, #tpu.memory_space<vmem>>, vector<16xi32>, vector<16xi1>
        tpu.vector_store %arg12[%swap3A_397], %get3A_380 masked %and3A_392 {strides = array<i32>} : memref<272xi32, #tpu.memory_space<vmem>>, vector<16xi32>, vector<16xi1>
        %convert_element_type3A = arith.extui %and3A_392 : vector<16xi1> to vector<16xi32>
        %reduce_sum3A = arith.constant true
        %reduce_sum3A_399 = vector.broadcast %reduce_sum3A : i1 to vector<16xi1>
        %reduce_sum3A_400 = tpu.scan <sum>, %convert_element_type3A masked %reduce_sum3A_399 : vector<16xi32>, vector<16xi1> -> vector<16xi32>
        %reduce_sum3A_401 = vector.extract %reduce_sum3A_400[15] : i32 from vector<16xi32>
        %add3A_402 = arith.addi %while3A_372, %reduce_sum3A_401 : i32
        %swap3A_403 = arith.index_cast %while3A_373 : i32 to index
        %swap3A_404 = tpu.vector_load %arg6[%swap3A_403] masked %and3A_394 {strides = array<i32>} : memref<32784xi32, #tpu.memory_space<vmem>>, vector<16xi32>, vector<16xi1>
        tpu.vector_store %arg6[%swap3A_403], %get3A_376 masked %and3A_394 {strides = array<i32>} : memref<32784xi32, #tpu.memory_space<vmem>>, vector<16xi32>, vector<16xi1>
        %swap3A_405 = arith.index_cast %while3A_373 : i32 to index
        %swap3A_406 = tpu.vector_load %arg7[%swap3A_405] masked %and3A_394 {strides = array<i32>} : memref<32784xi32, #tpu.memory_space<vmem>>, vector<16xi32>, vector<16xi1>
        tpu.vector_store %arg7[%swap3A_405], %get3A_380 masked %and3A_394 {strides = array<i32>} : memref<32784xi32, #tpu.memory_space<vmem>>, vector<16xi32>, vector<16xi1>
        %convert_element_type3A_407 = arith.extui %and3A_394 : vector<16xi1> to vector<16xi32>
        %reduce_sum3A_408 = arith.constant true
        %reduce_sum3A_409 = vector.broadcast %reduce_sum3A_408 : i1 to vector<16xi1>
        %reduce_sum3A_410 = tpu.scan <sum>, %convert_element_type3A_407 masked %reduce_sum3A_409 : vector<16xi32>, vector<16xi1> -> vector<16xi32>
        %reduce_sum3A_411 = vector.extract %reduce_sum3A_410[15] : i32 from vector<16xi32>
        %add3A_412 = arith.addi %while3A_373, %reduce_sum3A_411 : i32
        scf.yield %add3A_402, %add3A_412 : i32, i32
      }
      %while3A_137 = arith.constant 1 : i32
      %while3A_138:2 = scf.for %while3A_371 = %while3A_134 to %while3A_130 step %while3A_137 iter_args(%while3A_372 = %while3A_136#0, %while3A_373 = %while3A_136#1) -> (i32, i32)  : i32 {
        %mul3A_374 = arith.constant 16 : i32
        %mul3A_375 = arith.muli %while3A_371, %mul3A_374 : i32
        %get3A = arith.index_cast %mul3A_375 : i32 to index
        %get3A_376 = tpu.vector_load %arg6[%get3A] {strides = array<i32>} : memref<32784xi32, #tpu.memory_space<vmem>>, vector<16xi32>,
        %mul3A_377 = arith.constant 16 : i32
        %mul3A_378 = arith.muli %while3A_371, %mul3A_377 : i32
        %get3A_379 = arith.index_cast %mul3A_378 : i32 to index
        %get3A_380 = tpu.vector_load %arg7[%get3A_379] {strides = array<i32>} : memref<32784xi32, #tpu.memory_space<vmem>>, vector<16xi32>,
        %mul3A_381 = arith.constant 16 : i32
        %mul3A_382 = arith.muli %while3A_371, %mul3A_381 : i32
        %add3A_383 = vector.broadcast %mul3A_382 : i32 to vector<16xi32>
        %add3A_384 = arith.addi %add3A_383, %iota3A : vector<16xi32>
        %lt3A = vector.broadcast %scan3A_52#1 : i32 to vector<16xi32>
        %lt3A_385 = arith.cmpi slt, %add3A_384, %lt3A : vector<16xi32>
        %shift_right_logical3A = arith.constant 16 : i32
        %shift_right_logical3A_386 = vector.broadcast %shift_right_logical3A : i32 to vector<16xi32>
        %shift_right_logical3A_387 = arith.shrui %get3A_376, %shift_right_logical3A_386 : vector<16xi32>
        %and3A_388 = arith.constant 255 : i32
        %and3A_389 = vector.broadcast %and3A_388 : i32 to vector<16xi32>
        %and3A_390 = arith.andi %shift_right_logical3A_387, %and3A_389 : vector<16xi32>
        %gt3A = vector.broadcast %scan3A_124#2 : i32 to vector<16xi32>
        %gt3A_391 = arith.cmpi sgt, %and3A_390, %gt3A : vector<16xi32>
        %and3A_392 = arith.andi %lt3A_385, %gt3A_391 : vector<16xi1>
        %eq3A = vector.broadcast %scan3A_124#2 : i32 to vector<16xi32>
        %eq3A_393 = arith.cmpi eq, %and3A_390, %eq3A : vector<16xi32>
        %and3A_394 = arith.andi %lt3A_385, %eq3A_393 : vector<16xi1>
        %swap3A_395 = arith.index_cast %while3A_372 : i32 to index
        %swap3A_396 = tpu.vector_load %arg11[%swap3A_395] masked %and3A_392 {strides = array<i32>} : memref<272xi32, #tpu.memory_space<vmem>>, vector<16xi32>, vector<16xi1>
        tpu.vector_store %arg11[%swap3A_395], %get3A_376 masked %and3A_392 {strides = array<i32>} : memref<272xi32, #tpu.memory_space<vmem>>, vector<16xi32>, vector<16xi1>
        %swap3A_397 = arith.index_cast %while3A_372 : i32 to index
        %swap3A_398 = tpu.vector_load %arg12[%swap3A_397] masked %and3A_392 {strides = array<i32>} : memref<272xi32, #tpu.memory_space<vmem>>, vector<16xi32>, vector<16xi1>
        tpu.vector_store %arg12[%swap3A_397], %get3A_380 masked %and3A_392 {strides = array<i32>} : memref<272xi32, #tpu.memory_space<vmem>>, vector<16xi32>, vector<16xi1>
        %convert_element_type3A = arith.extui %and3A_392 : vector<16xi1> to vector<16xi32>
        %reduce_sum3A = arith.constant true
        %reduce_sum3A_399 = vector.broadcast %reduce_sum3A : i1 to vector<16xi1>
        %reduce_sum3A_400 = tpu.scan <sum>, %convert_element_type3A masked %reduce_sum3A_399 : vector<16xi32>, vector<16xi1> -> vector<16xi32>
        %reduce_sum3A_401 = vector.extract %reduce_sum3A_400[15] : i32 from vector<16xi32>
        %add3A_402 = arith.addi %while3A_372, %reduce_sum3A_401 : i32
        %swap3A_403 = arith.index_cast %while3A_373 : i32 to index
        %swap3A_404 = tpu.vector_load %arg6[%swap3A_403] masked %and3A_394 {strides = array<i32>} : memref<32784xi32, #tpu.memory_space<vmem>>, vector<16xi32>, vector<16xi1>
        tpu.vector_store %arg6[%swap3A_403], %get3A_376 masked %and3A_394 {strides = array<i32>} : memref<32784xi32, #tpu.memory_space<vmem>>, vector<16xi32>, vector<16xi1>
        %swap3A_405 = arith.index_cast %while3A_373 : i32 to index
        %swap3A_406 = tpu.vector_load %arg7[%swap3A_405] masked %and3A_394 {strides = array<i32>} : memref<32784xi32, #tpu.memory_space<vmem>>, vector<16xi32>, vector<16xi1>
        tpu.vector_store %arg7[%swap3A_405], %get3A_380 masked %and3A_394 {strides = array<i32>} : memref<32784xi32, #tpu.memory_space<vmem>>, vector<16xi32>, vector<16xi1>
        %convert_element_type3A_407 = arith.extui %and3A_394 : vector<16xi1> to vector<16xi32>
        %reduce_sum3A_408 = arith.constant true
        %reduce_sum3A_409 = vector.broadcast %reduce_sum3A_408 : i1 to vector<16xi1>
        %reduce_sum3A_410 = tpu.scan <sum>, %convert_element_type3A_407 masked %reduce_sum3A_409 : vector<16xi32>, vector<16xi1> -> vector<16xi32>
        %reduce_sum3A_411 = vector.extract %reduce_sum3A_410[15] : i32 from vector<16xi32>
        %add3A_412 = arith.addi %while3A_373, %reduce_sum3A_411 : i32
        scf.yield %add3A_402, %add3A_412 : i32, i32
      }
      %add3A_139 = arith.constant 15 : i32
      %add3A_140 = arith.addi %while3A_138#1, %add3A_139 : i32
      %jit3A_141 = arith.constant 16 : i32
      %div3A_142 = arith.divsi %add3A_140, %jit3A_141 : i32
      %sign3A_143 = arith.constant 0 : i32
      %sign3A_144 = arith.cmpi sgt, %add3A_140, %sign3A_143 : i32
      %sign3A_145 = arith.extui %sign3A_144 : i1 to i32
      %sign3A_146 = arith.constant 0 : i32
      %sign3A_147 = arith.cmpi slt, %add3A_140, %sign3A_146 : i32
      %sign3A_148 = arith.extui %sign3A_147 : i1 to i32
      %sign3A_149 = arith.subi %sign3A_145, %sign3A_148 : i32
      %sign3A_150 = arith.constant 0 : i32
      %sign3A_151 = arith.cmpi sgt, %jit3A_141, %sign3A_150 : i32
      %sign3A_152 = arith.extui %sign3A_151 : i1 to i32
      %sign3A_153 = arith.constant 0 : i32
      %sign3A_154 = arith.cmpi slt, %jit3A_141, %sign3A_153 : i32
      %sign3A_155 = arith.extui %sign3A_154 : i1 to i32
      %sign3A_156 = arith.subi %sign3A_152, %sign3A_155 : i32
      %ne3A_157 = arith.cmpi ne, %sign3A_149, %sign3A_156 : i32
      %rem3A_158 = arith.remsi %add3A_140, %jit3A_141 : i32
      %ne3A_159 = arith.constant 0 : i32
      %ne3A_160 = arith.cmpi ne, %rem3A_158, %ne3A_159 : i32
      %and3A_161 = arith.andi %ne3A_157, %ne3A_160 : i1
      %sub3A_162 = arith.constant 1 : i32
      %sub3A_163 = arith.subi %div3A_142, %sub3A_162 : i32
      %select_n3A_164 = arith.select %and3A_161, %sub3A_163, %div3A_142 : i32
      %broadcast_in_dim3A_165 = arith.constant 0 : i32
      %broadcast_in_dim3A_166 = vector.broadcast %broadcast_in_dim3A_165 : i32 to vector<16xi32>
      %swap3A_167 = arith.constant 0 : index
      %swap3A_168 = tpu.vector_load %arg8[%swap3A_167] {strides = array<i32>} : memref<256xi32, #tpu.memory_space<vmem>>, vector<16xi32>,
      tpu.vector_store %arg8[%swap3A_167], %broadcast_in_dim3A_166 {strides = array<i32>} : memref<256xi32, #tpu.memory_space<vmem>>, vector<16xi32>,
      %swap3A_169 = arith.constant 16 : index
      %swap3A_170 = tpu.vector_load %arg8[%swap3A_169] {strides = array<i32>} : memref<256xi32, #tpu.memory_space<vmem>>, vector<16xi32>,
      tpu.vector_store %arg8[%swap3A_169], %broadcast_in_dim3A_166 {strides = array<i32>} : memref<256xi32, #tpu.memory_space<vmem>>, vector<16xi32>,
      %swap3A_171 = arith.constant 32 : index
      %swap3A_172 = tpu.vector_load %arg8[%swap3A_171] {strides = array<i32>} : memref<256xi32, #tpu.memory_space<vmem>>, vector<16xi32>,
      tpu.vector_store %arg8[%swap3A_171], %broadcast_in_dim3A_166 {strides = array<i32>} : memref<256xi32, #tpu.memory_space<vmem>>, vector<16xi32>,
      %swap3A_173 = arith.constant 48 : index
      %swap3A_174 = tpu.vector_load %arg8[%swap3A_173] {strides = array<i32>} : memref<256xi32, #tpu.memory_space<vmem>>, vector<16xi32>,
      tpu.vector_store %arg8[%swap3A_173], %broadcast_in_dim3A_166 {strides = array<i32>} : memref<256xi32, #tpu.memory_space<vmem>>, vector<16xi32>,
      %swap3A_175 = arith.constant 64 : index
      %swap3A_176 = tpu.vector_load %arg8[%swap3A_175] {strides = array<i32>} : memref<256xi32, #tpu.memory_space<vmem>>, vector<16xi32>,
      tpu.vector_store %arg8[%swap3A_175], %broadcast_in_dim3A_166 {strides = array<i32>} : memref<256xi32, #tpu.memory_space<vmem>>, vector<16xi32>,
      %swap3A_177 = arith.constant 80 : index
      %swap3A_178 = tpu.vector_load %arg8[%swap3A_177] {strides = array<i32>} : memref<256xi32, #tpu.memory_space<vmem>>, vector<16xi32>,
      tpu.vector_store %arg8[%swap3A_177], %broadcast_in_dim3A_166 {strides = array<i32>} : memref<256xi32, #tpu.memory_space<vmem>>, vector<16xi32>,
      %swap3A_179 = arith.constant 96 : index
      %swap3A_180 = tpu.vector_load %arg8[%swap3A_179] {strides = array<i32>} : memref<256xi32, #tpu.memory_space<vmem>>, vector<16xi32>,
      tpu.vector_store %arg8[%swap3A_179], %broadcast_in_dim3A_166 {strides = array<i32>} : memref<256xi32, #tpu.memory_space<vmem>>, vector<16xi32>,
      %swap3A_181 = arith.constant 112 : index
      %swap3A_182 = tpu.vector_load %arg8[%swap3A_181] {strides = array<i32>} : memref<256xi32, #tpu.memory_space<vmem>>, vector<16xi32>,
      tpu.vector_store %arg8[%swap3A_181], %broadcast_in_dim3A_166 {strides = array<i32>} : memref<256xi32, #tpu.memory_space<vmem>>, vector<16xi32>,
      %swap3A_183 = arith.constant 128 : index
      %swap3A_184 = tpu.vector_load %arg8[%swap3A_183] {strides = array<i32>} : memref<256xi32, #tpu.memory_space<vmem>>, vector<16xi32>,
      tpu.vector_store %arg8[%swap3A_183], %broadcast_in_dim3A_166 {strides = array<i32>} : memref<256xi32, #tpu.memory_space<vmem>>, vector<16xi32>,
      %swap3A_185 = arith.constant 144 : index
      %swap3A_186 = tpu.vector_load %arg8[%swap3A_185] {strides = array<i32>} : memref<256xi32, #tpu.memory_space<vmem>>, vector<16xi32>,
      tpu.vector_store %arg8[%swap3A_185], %broadcast_in_dim3A_166 {strides = array<i32>} : memref<256xi32, #tpu.memory_space<vmem>>, vector<16xi32>,
      %swap3A_187 = arith.constant 160 : index
      %swap3A_188 = tpu.vector_load %arg8[%swap3A_187] {strides = array<i32>} : memref<256xi32, #tpu.memory_space<vmem>>, vector<16xi32>,
      tpu.vector_store %arg8[%swap3A_187], %broadcast_in_dim3A_166 {strides = array<i32>} : memref<256xi32, #tpu.memory_space<vmem>>, vector<16xi32>,
      %swap3A_189 = arith.constant 176 : index
      %swap3A_190 = tpu.vector_load %arg8[%swap3A_189] {strides = array<i32>} : memref<256xi32, #tpu.memory_space<vmem>>, vector<16xi32>,
      tpu.vector_store %arg8[%swap3A_189], %broadcast_in_dim3A_166 {strides = array<i32>} : memref<256xi32, #tpu.memory_space<vmem>>, vector<16xi32>,
      %swap3A_191 = arith.constant 192 : index
      %swap3A_192 = tpu.vector_load %arg8[%swap3A_191] {strides = array<i32>} : memref<256xi32, #tpu.memory_space<vmem>>, vector<16xi32>,
      tpu.vector_store %arg8[%swap3A_191], %broadcast_in_dim3A_166 {strides = array<i32>} : memref<256xi32, #tpu.memory_space<vmem>>, vector<16xi32>,
      %swap3A_193 = arith.constant 208 : index
      %swap3A_194 = tpu.vector_load %arg8[%swap3A_193] {strides = array<i32>} : memref<256xi32, #tpu.memory_space<vmem>>, vector<16xi32>,
      tpu.vector_store %arg8[%swap3A_193], %broadcast_in_dim3A_166 {strides = array<i32>} : memref<256xi32, #tpu.memory_space<vmem>>, vector<16xi32>,
      %swap3A_195 = arith.constant 224 : index
      %swap3A_196 = tpu.vector_load %arg8[%swap3A_195] {strides = array<i32>} : memref<256xi32, #tpu.memory_space<vmem>>, vector<16xi32>,
      tpu.vector_store %arg8[%swap3A_195], %broadcast_in_dim3A_166 {strides = array<i32>} : memref<256xi32, #tpu.memory_space<vmem>>, vector<16xi32>,
      %swap3A_197 = arith.constant 240 : index
      %swap3A_198 = tpu.vector_load %arg8[%swap3A_197] {strides = array<i32>} : memref<256xi32, #tpu.memory_space<vmem>>, vector<16xi32>,
      tpu.vector_store %arg8[%swap3A_197], %broadcast_in_dim3A_166 {strides = array<i32>} : memref<256xi32, #tpu.memory_space<vmem>>, vector<16xi32>,
      %while3A_199 = arith.constant 0 : i32
      %while3A_200 = arith.constant 0 : i32
      %while3A_201 = arith.subi %select_n3A_164, %while3A_200 : i32
      %while3A_202 = arith.addi %while3A_200, %while3A_201 : i32
      %while3A_203 = arith.constant 1 : i32
      %while3A_204 = arith.divsi %while3A_201, %while3A_203 : i32
      %while3A_205 = arith.muli %while3A_204, %while3A_203 : i32
      %while3A_206 = arith.addi %while3A_200, %while3A_205 : i32
      %while3A_207 = arith.constant 1 : i32
      scf.for %while3A_371 = %while3A_200 to %while3A_206 step %while3A_207  : i32 {
        %mul3A_372 = arith.constant 16 : i32
        %mul3A_373 = arith.muli %while3A_371, %mul3A_372 : i32
        %get3A = arith.index_cast %mul3A_373 : i32 to index
        %get3A_374 = tpu.vector_load %arg6[%get3A] {strides = array<i32>} : memref<32784xi32, #tpu.memory_space<vmem>>, vector<16xi32>,
        %mul3A_375 = arith.constant 16 : i32
        %mul3A_376 = arith.muli %while3A_371, %mul3A_375 : i32
        %add3A_377 = vector.broadcast %mul3A_376 : i32 to vector<16xi32>
        %add3A_378 = arith.addi %add3A_377, %iota3A : vector<16xi32>
        %lt3A = vector.broadcast %while3A_138#1 : i32 to vector<16xi32>
        %lt3A_379 = arith.cmpi slt, %add3A_378, %lt3A : vector<16xi32>
        %shift_right_logical3A = arith.constant 8 : i32
        %shift_right_logical3A_380 = vector.broadcast %shift_right_logical3A : i32 to vector<16xi32>
        %shift_right_logical3A_381 = arith.shrui %get3A_374, %shift_right_logical3A_380 : vector<16xi32>
        %and3A_382 = arith.constant 255 : i32
        %and3A_383 = vector.broadcast %and3A_382 : i32 to vector<16xi32>
        %and3A_384 = arith.andi %shift_right_logical3A_381, %and3A_383 : vector<16xi32>
        %unique3A, %unique3A_385 = tpu.scan_count mask(%lt3A_379 : vector<16xi1>) value(%and3A_384 : vector<16xi32>) : vector<16xi1>, vector<16xi32>
        tpu.vector_store_idx %arg8[%and3A_384], %unique3A_385 masked %unique3A {add = true} : memref<256xi32, #tpu.memory_space<vmem>>[vector<16xi32>], vector<16xi32>, vector<16xi1>
      }
      %while3A_208 = arith.constant 1 : i32
      scf.for %while3A_371 = %while3A_206 to %while3A_202 step %while3A_208  : i32 {
        %mul3A_372 = arith.constant 16 : i32
        %mul3A_373 = arith.muli %while3A_371, %mul3A_372 : i32
        %get3A = arith.index_cast %mul3A_373 : i32 to index
        %get3A_374 = tpu.vector_load %arg6[%get3A] {strides = array<i32>} : memref<32784xi32, #tpu.memory_space<vmem>>, vector<16xi32>,
        %mul3A_375 = arith.constant 16 : i32
        %mul3A_376 = arith.muli %while3A_371, %mul3A_375 : i32
        %add3A_377 = vector.broadcast %mul3A_376 : i32 to vector<16xi32>
        %add3A_378 = arith.addi %add3A_377, %iota3A : vector<16xi32>
        %lt3A = vector.broadcast %while3A_138#1 : i32 to vector<16xi32>
        %lt3A_379 = arith.cmpi slt, %add3A_378, %lt3A : vector<16xi32>
        %shift_right_logical3A = arith.constant 8 : i32
        %shift_right_logical3A_380 = vector.broadcast %shift_right_logical3A : i32 to vector<16xi32>
        %shift_right_logical3A_381 = arith.shrui %get3A_374, %shift_right_logical3A_380 : vector<16xi32>
        %and3A_382 = arith.constant 255 : i32
        %and3A_383 = vector.broadcast %and3A_382 : i32 to vector<16xi32>
        %and3A_384 = arith.andi %shift_right_logical3A_381, %and3A_383 : vector<16xi32>
        %unique3A, %unique3A_385 = tpu.scan_count mask(%lt3A_379 : vector<16xi1>) value(%and3A_384 : vector<16xi32>) : vector<16xi1>, vector<16xi32>
        tpu.vector_store_idx %arg8[%and3A_384], %unique3A_385 masked %unique3A {add = true} : memref<256xi32, #tpu.memory_space<vmem>>[vector<16xi32>], vector<16xi32>, vector<16xi1>
      }
      %iota3A_209 = tpu.iota {dimensions = array<i32: 0>} : vector<16xi32>
      %scan3A_210 = arith.constant 0 : i32
      %scan3A_211 = arith.constant false
      %scan3A_212 = arith.constant 0 : i32
      %scan3A_213 = arith.constant 0 : i32
      %scan3A_214 = arith.constant 0 : i32
      %scan3A_215 = arith.constant 16 : i32
      %scan3A_216 = arith.addi %scan3A_214, %scan3A_215 : i32
      %scan3A_217 = arith.constant 1 : i32
      %scan3A_218:4 = scf.for %scan3A_371 = %scan3A_214 to %scan3A_216 step %scan3A_217 iter_args(%scan3A_372 = %scan3A_210, %scan3A_373 = %scan3A_211, %scan3A_374 = %scan3A_212, %scan3A_375 = %scan3A_213) -> (i32, i1, i32, i32)  : i32 {
        %sub3A_376 = arith.constant 15 : i32
        %sub3A_377 = arith.subi %sub3A_376, %scan3A_371 : i32
        %mul3A_378 = arith.constant 16 : i32
        %mul3A_379 = arith.muli %sub3A_377, %mul3A_378 : i32
        %get3A = arith.index_cast %mul3A_379 : i32 to index
        %get3A_380 = tpu.vector_load %arg8[%get3A] {strides = array<i32>} : memref<256xi32, #tpu.memory_space<vmem>>, vector<16xi32>,
        %rev3A = arith.constant 15 : i32
        %rev3A_381 = vector.broadcast %rev3A : i32 to vector<16xi32>
        %rev3A_382 = tpu.iota {dimensions = array<i32: 0>} : vector<16xi32>
        %rev3A_383 = arith.subi %rev3A_381, %rev3A_382 : vector<16xi32>
        %rev3A_384 = tpu.dynamic_gather %get3A_380[%rev3A_383] in [0] : vector<16xi32>, vector<16xi32> -> vector<16xi32>
        %broadcast_in_dim3A_385 = arith.constant true
        %broadcast_in_dim3A_386 = vector.broadcast %broadcast_in_dim3A_385 : i1 to vector<16xi1>
        %masked_cumsum3A = tpu.scan <sum>, %rev3A_384 masked %broadcast_in_dim3A_386 : vector<16xi32>, vector<16xi1> -> vector<16xi32>
        %add3A_387 = vector.broadcast %scan3A_372 : i32 to vector<16xi32>
        %add3A_388 = arith.addi %masked_cumsum3A, %add3A_387 : vector<16xi32>
        %ge3A = vector.broadcast %sub3A_126 : i32 to vector<16xi32>
        %ge3A_389 = arith.cmpi sge, %add3A_388, %ge3A : vector<16xi32>
        %jit3A_390 = arith.constant 16 : i32
        %broadcast_in_dim3A_391 = vector.broadcast %jit3A_390 : i32 to vector<16xi32>
        %select_n3A_392 = arith.select %ge3A_389, %iota3A_209, %broadcast_in_dim3A_391 : vector<16xi1>, vector<16xi32>
        %reduce_min3A = arith.constant true
        %reduce_min3A_393 = vector.broadcast %reduce_min3A : i1 to vector<16xi1>
        %reduce_min3A_394 = arith.constant -2147483648 : i32
        %reduce_min3A_395 = vector.broadcast %reduce_min3A_394 : i32 to vector<16xi32>
        %reduce_min3A_396 = arith.xori %select_n3A_392, %reduce_min3A_395 : vector<16xi32>
        %reduce_min3A_397 = tpu.scan <min>, %reduce_min3A_396 masked %reduce_min3A_393 : vector<16xi32>, vector<16xi1> -> vector<16xi32>
        %reduce_min3A_398 = arith.xori %reduce_min3A_397, %reduce_min3A_395 : vector<16xi32>
        %reduce_min3A_399 = vector.extract %reduce_min3A_398[15] : i32 from vector<16xi32>
        %lt3A = arith.constant 16 : i32
        %lt3A_400 = arith.cmpi slt, %reduce_min3A_399, %lt3A : i32
        %eq3A = vector.broadcast %reduce_min3A_399 : i32 to vector<16xi32>
        %eq3A_401 = arith.cmpi eq, %iota3A_209, %eq3A : vector<16xi32>
        %jit3A_402 = arith.constant 0 : i32
        %broadcast_in_dim3A_403 = vector.broadcast %jit3A_402 : i32 to vector<16xi32>
        %select_n3A_404 = arith.select %eq3A_401, %rev3A_384, %broadcast_in_dim3A_403 : vector<16xi1>, vector<16xi32>
        %reduce_max3A = arith.constant true
        %reduce_max3A_405 = vector.broadcast %reduce_max3A : i1 to vector<16xi1>
        %reduce_max3A_406 = arith.constant -2147483648 : i32
        %reduce_max3A_407 = vector.broadcast %reduce_max3A_406 : i32 to vector<16xi32>
        %reduce_max3A_408 = arith.xori %select_n3A_404, %reduce_max3A_407 : vector<16xi32>
        %reduce_max3A_409 = tpu.scan <max>, %reduce_max3A_408 masked %reduce_max3A_405 : vector<16xi32>, vector<16xi1> -> vector<16xi32>
        %reduce_max3A_410 = arith.xori %reduce_max3A_409, %reduce_max3A_407 : vector<16xi32>
        %reduce_max3A_411 = vector.extract %reduce_max3A_410[15] : i32 from vector<16xi32>
        %jit3A_412 = arith.constant 0 : i32
        %broadcast_in_dim3A_413 = vector.broadcast %jit3A_412 : i32 to vector<16xi32>
        %select_n3A_414 = arith.select %eq3A_401, %add3A_388, %broadcast_in_dim3A_413 : vector<16xi1>, vector<16xi32>
        %reduce_max3A_415 = arith.constant true
        %reduce_max3A_416 = vector.broadcast %reduce_max3A_415 : i1 to vector<16xi1>
        %reduce_max3A_417 = arith.constant -2147483648 : i32
        %reduce_max3A_418 = vector.broadcast %reduce_max3A_417 : i32 to vector<16xi32>
        %reduce_max3A_419 = arith.xori %select_n3A_414, %reduce_max3A_418 : vector<16xi32>
        %reduce_max3A_420 = tpu.scan <max>, %reduce_max3A_419 masked %reduce_max3A_416 : vector<16xi32>, vector<16xi1> -> vector<16xi32>
        %reduce_max3A_421 = arith.xori %reduce_max3A_420, %reduce_max3A_418 : vector<16xi32>
        %reduce_max3A_422 = vector.extract %reduce_max3A_421[15] : i32 from vector<16xi32>
        %not3A = arith.constant true
        %not3A_423 = arith.xori %scan3A_373, %not3A : i1
        %and3A_424 = arith.andi %lt3A_400, %not3A_423 : i1
        %mul3A_425 = arith.constant 16 : i32
        %mul3A_426 = arith.muli %sub3A_377, %mul3A_425 : i32
        %add3A_427 = arith.constant 15 : i32
        %add3A_428 = arith.addi %mul3A_426, %add3A_427 : i32
        %sub3A_429 = arith.subi %add3A_428, %reduce_min3A_399 : i32
        %select_n3A_430 = arith.select %and3A_424, %sub3A_429, %scan3A_374 : i32
        %sub3A_431 = arith.subi %reduce_max3A_422, %reduce_max3A_411 : i32
        %select_n3A_432 = arith.select %and3A_424, %sub3A_431, %scan3A_375 : i32
        %reduce_max3A_433 = arith.constant true
        %reduce_max3A_434 = vector.broadcast %reduce_max3A_433 : i1 to vector<16xi1>
        %reduce_max3A_435 = arith.constant -2147483648 : i32
        %reduce_max3A_436 = vector.broadcast %reduce_max3A_435 : i32 to vector<16xi32>
        %reduce_max3A_437 = arith.xori %masked_cumsum3A, %reduce_max3A_436 : vector<16xi32>
        %reduce_max3A_438 = tpu.scan <max>, %reduce_max3A_437 masked %reduce_max3A_434 : vector<16xi32>, vector<16xi1> -> vector<16xi32>
        %reduce_max3A_439 = arith.xori %reduce_max3A_438, %reduce_max3A_436 : vector<16xi32>
        %reduce_max3A_440 = vector.extract %reduce_max3A_439[15] : i32 from vector<16xi32>
        %add3A_441 = arith.addi %scan3A_372, %reduce_max3A_440 : i32
        %or3A = arith.ori %scan3A_373, %lt3A_400 : i1
        scf.yield %add3A_441, %or3A, %select_n3A_430, %select_n3A_432 : i32, i1, i32, i32
      }
      %scan3A_219 = arith.constant 16 : i32
      %sub3A_220 = arith.subi %sub3A_126, %scan3A_218#3 : i32
      %while3A_221 = arith.constant 0 : i32
      %while3A_222 = arith.constant 0 : i32
      %while3A_223 = arith.subi %select_n3A_164, %while3A_221 : i32
      %while3A_224 = arith.addi %while3A_221, %while3A_223 : i32
      %while3A_225 = arith.constant 1 : i32
      %while3A_226 = arith.divsi %while3A_223, %while3A_225 : i32
      %while3A_227 = arith.muli %while3A_226, %while3A_225 : i32
      %while3A_228 = arith.addi %while3A_221, %while3A_227 : i32
      %while3A_229 = arith.constant 1 : i32
      %while3A_230:2 = scf.for %while3A_371 = %while3A_221 to %while3A_228 step %while3A_229 iter_args(%while3A_372 = %while3A_138#0, %while3A_373 = %while3A_222) -> (i32, i32)  : i32 {
        %mul3A_374 = arith.constant 16 : i32
        %mul3A_375 = arith.muli %while3A_371, %mul3A_374 : i32
        %get3A = arith.index_cast %mul3A_375 : i32 to index
        %get3A_376 = tpu.vector_load %arg6[%get3A] {strides = array<i32>} : memref<32784xi32, #tpu.memory_space<vmem>>, vector<16xi32>,
        %mul3A_377 = arith.constant 16 : i32
        %mul3A_378 = arith.muli %while3A_371, %mul3A_377 : i32
        %get3A_379 = arith.index_cast %mul3A_378 : i32 to index
        %get3A_380 = tpu.vector_load %arg7[%get3A_379] {strides = array<i32>} : memref<32784xi32, #tpu.memory_space<vmem>>, vector<16xi32>,
        %mul3A_381 = arith.constant 16 : i32
        %mul3A_382 = arith.muli %while3A_371, %mul3A_381 : i32
        %add3A_383 = vector.broadcast %mul3A_382 : i32 to vector<16xi32>
        %add3A_384 = arith.addi %add3A_383, %iota3A : vector<16xi32>
        %lt3A = vector.broadcast %while3A_138#1 : i32 to vector<16xi32>
        %lt3A_385 = arith.cmpi slt, %add3A_384, %lt3A : vector<16xi32>
        %shift_right_logical3A = arith.constant 8 : i32
        %shift_right_logical3A_386 = vector.broadcast %shift_right_logical3A : i32 to vector<16xi32>
        %shift_right_logical3A_387 = arith.shrui %get3A_376, %shift_right_logical3A_386 : vector<16xi32>
        %and3A_388 = arith.constant 255 : i32
        %and3A_389 = vector.broadcast %and3A_388 : i32 to vector<16xi32>
        %and3A_390 = arith.andi %shift_right_logical3A_387, %and3A_389 : vector<16xi32>
        %gt3A = vector.broadcast %scan3A_218#2 : i32 to vector<16xi32>
        %gt3A_391 = arith.cmpi sgt, %and3A_390, %gt3A : vector<16xi32>
        %and3A_392 = arith.andi %lt3A_385, %gt3A_391 : vector<16xi1>
        %eq3A = vector.broadcast %scan3A_218#2 : i32 to vector<16xi32>
        %eq3A_393 = arith.cmpi eq, %and3A_390, %eq3A : vector<16xi32>
        %and3A_394 = arith.andi %lt3A_385, %eq3A_393 : vector<16xi1>
        %swap3A_395 = arith.index_cast %while3A_372 : i32 to index
        %swap3A_396 = tpu.vector_load %arg11[%swap3A_395] masked %and3A_392 {strides = array<i32>} : memref<272xi32, #tpu.memory_space<vmem>>, vector<16xi32>, vector<16xi1>
        tpu.vector_store %arg11[%swap3A_395], %get3A_376 masked %and3A_392 {strides = array<i32>} : memref<272xi32, #tpu.memory_space<vmem>>, vector<16xi32>, vector<16xi1>
        %swap3A_397 = arith.index_cast %while3A_372 : i32 to index
        %swap3A_398 = tpu.vector_load %arg12[%swap3A_397] masked %and3A_392 {strides = array<i32>} : memref<272xi32, #tpu.memory_space<vmem>>, vector<16xi32>, vector<16xi1>
        tpu.vector_store %arg12[%swap3A_397], %get3A_380 masked %and3A_392 {strides = array<i32>} : memref<272xi32, #tpu.memory_space<vmem>>, vector<16xi32>, vector<16xi1>
        %convert_element_type3A = arith.extui %and3A_392 : vector<16xi1> to vector<16xi32>
        %reduce_sum3A = arith.constant true
        %reduce_sum3A_399 = vector.broadcast %reduce_sum3A : i1 to vector<16xi1>
        %reduce_sum3A_400 = tpu.scan <sum>, %convert_element_type3A masked %reduce_sum3A_399 : vector<16xi32>, vector<16xi1> -> vector<16xi32>
        %reduce_sum3A_401 = vector.extract %reduce_sum3A_400[15] : i32 from vector<16xi32>
        %add3A_402 = arith.addi %while3A_372, %reduce_sum3A_401 : i32
        %swap3A_403 = arith.index_cast %while3A_373 : i32 to index
        %swap3A_404 = tpu.vector_load %arg6[%swap3A_403] masked %and3A_394 {strides = array<i32>} : memref<32784xi32, #tpu.memory_space<vmem>>, vector<16xi32>, vector<16xi1>
        tpu.vector_store %arg6[%swap3A_403], %get3A_376 masked %and3A_394 {strides = array<i32>} : memref<32784xi32, #tpu.memory_space<vmem>>, vector<16xi32>, vector<16xi1>
        %swap3A_405 = arith.index_cast %while3A_373 : i32 to index
        %swap3A_406 = tpu.vector_load %arg7[%swap3A_405] masked %and3A_394 {strides = array<i32>} : memref<32784xi32, #tpu.memory_space<vmem>>, vector<16xi32>, vector<16xi1>
        tpu.vector_store %arg7[%swap3A_405], %get3A_380 masked %and3A_394 {strides = array<i32>} : memref<32784xi32, #tpu.memory_space<vmem>>, vector<16xi32>, vector<16xi1>
        %convert_element_type3A_407 = arith.extui %and3A_394 : vector<16xi1> to vector<16xi32>
        %reduce_sum3A_408 = arith.constant true
        %reduce_sum3A_409 = vector.broadcast %reduce_sum3A_408 : i1 to vector<16xi1>
        %reduce_sum3A_410 = tpu.scan <sum>, %convert_element_type3A_407 masked %reduce_sum3A_409 : vector<16xi32>, vector<16xi1> -> vector<16xi32>
        %reduce_sum3A_411 = vector.extract %reduce_sum3A_410[15] : i32 from vector<16xi32>
        %add3A_412 = arith.addi %while3A_373, %reduce_sum3A_411 : i32
        scf.yield %add3A_402, %add3A_412 : i32, i32
      }
      %while3A_231 = arith.constant 1 : i32
      %while3A_232:2 = scf.for %while3A_371 = %while3A_228 to %while3A_224 step %while3A_231 iter_args(%while3A_372 = %while3A_230#0, %while3A_373 = %while3A_230#1) -> (i32, i32)  : i32 {
        %mul3A_374 = arith.constant 16 : i32
        %mul3A_375 = arith.muli %while3A_371, %mul3A_374 : i32
        %get3A = arith.index_cast %mul3A_375 : i32 to index
        %get3A_376 = tpu.vector_load %arg6[%get3A] {strides = array<i32>} : memref<32784xi32, #tpu.memory_space<vmem>>, vector<16xi32>,
        %mul3A_377 = arith.constant 16 : i32
        %mul3A_378 = arith.muli %while3A_371, %mul3A_377 : i32
        %get3A_379 = arith.index_cast %mul3A_378 : i32 to index
        %get3A_380 = tpu.vector_load %arg7[%get3A_379] {strides = array<i32>} : memref<32784xi32, #tpu.memory_space<vmem>>, vector<16xi32>,
        %mul3A_381 = arith.constant 16 : i32
        %mul3A_382 = arith.muli %while3A_371, %mul3A_381 : i32
        %add3A_383 = vector.broadcast %mul3A_382 : i32 to vector<16xi32>
        %add3A_384 = arith.addi %add3A_383, %iota3A : vector<16xi32>
        %lt3A = vector.broadcast %while3A_138#1 : i32 to vector<16xi32>
        %lt3A_385 = arith.cmpi slt, %add3A_384, %lt3A : vector<16xi32>
        %shift_right_logical3A = arith.constant 8 : i32
        %shift_right_logical3A_386 = vector.broadcast %shift_right_logical3A : i32 to vector<16xi32>
        %shift_right_logical3A_387 = arith.shrui %get3A_376, %shift_right_logical3A_386 : vector<16xi32>
        %and3A_388 = arith.constant 255 : i32
        %and3A_389 = vector.broadcast %and3A_388 : i32 to vector<16xi32>
        %and3A_390 = arith.andi %shift_right_logical3A_387, %and3A_389 : vector<16xi32>
        %gt3A = vector.broadcast %scan3A_218#2 : i32 to vector<16xi32>
        %gt3A_391 = arith.cmpi sgt, %and3A_390, %gt3A : vector<16xi32>
        %and3A_392 = arith.andi %lt3A_385, %gt3A_391 : vector<16xi1>
        %eq3A = vector.broadcast %scan3A_218#2 : i32 to vector<16xi32>
        %eq3A_393 = arith.cmpi eq, %and3A_390, %eq3A : vector<16xi32>
        %and3A_394 = arith.andi %lt3A_385, %eq3A_393 : vector<16xi1>
        %swap3A_395 = arith.index_cast %while3A_372 : i32 to index
        %swap3A_396 = tpu.vector_load %arg11[%swap3A_395] masked %and3A_392 {strides = array<i32>} : memref<272xi32, #tpu.memory_space<vmem>>, vector<16xi32>, vector<16xi1>
        tpu.vector_store %arg11[%swap3A_395], %get3A_376 masked %and3A_392 {strides = array<i32>} : memref<272xi32, #tpu.memory_space<vmem>>, vector<16xi32>, vector<16xi1>
        %swap3A_397 = arith.index_cast %while3A_372 : i32 to index
        %swap3A_398 = tpu.vector_load %arg12[%swap3A_397] masked %and3A_392 {strides = array<i32>} : memref<272xi32, #tpu.memory_space<vmem>>, vector<16xi32>, vector<16xi1>
        tpu.vector_store %arg12[%swap3A_397], %get3A_380 masked %and3A_392 {strides = array<i32>} : memref<272xi32, #tpu.memory_space<vmem>>, vector<16xi32>, vector<16xi1>
        %convert_element_type3A = arith.extui %and3A_392 : vector<16xi1> to vector<16xi32>
        %reduce_sum3A = arith.constant true
        %reduce_sum3A_399 = vector.broadcast %reduce_sum3A : i1 to vector<16xi1>
        %reduce_sum3A_400 = tpu.scan <sum>, %convert_element_type3A masked %reduce_sum3A_399 : vector<16xi32>, vector<16xi1> -> vector<16xi32>
        %reduce_sum3A_401 = vector.extract %reduce_sum3A_400[15] : i32 from vector<16xi32>
        %add3A_402 = arith.addi %while3A_372, %reduce_sum3A_401 : i32
        %swap3A_403 = arith.index_cast %while3A_373 : i32 to index
        %swap3A_404 = tpu.vector_load %arg6[%swap3A_403] masked %and3A_394 {strides = array<i32>} : memref<32784xi32, #tpu.memory_space<vmem>>, vector<16xi32>, vector<16xi1>
        tpu.vector_store %arg6[%swap3A_403], %get3A_376 masked %and3A_394 {strides = array<i32>} : memref<32784xi32, #tpu.memory_space<vmem>>, vector<16xi32>, vector<16xi1>
        %swap3A_405 = arith.index_cast %while3A_373 : i32 to index
        %swap3A_406 = tpu.vector_load %arg7[%swap3A_405] masked %and3A_394 {strides = array<i32>} : memref<32784xi32, #tpu.memory_space<vmem>>, vector<16xi32>, vector<16xi1>
        tpu.vector_store %arg7[%swap3A_405], %get3A_380 masked %and3A_394 {strides = array<i32>} : memref<32784xi32, #tpu.memory_space<vmem>>, vector<16xi32>, vector<16xi1>
        %convert_element_type3A_407 = arith.extui %and3A_394 : vector<16xi1> to vector<16xi32>
        %reduce_sum3A_408 = arith.constant true
        %reduce_sum3A_409 = vector.broadcast %reduce_sum3A_408 : i1 to vector<16xi1>
        %reduce_sum3A_410 = tpu.scan <sum>, %convert_element_type3A_407 masked %reduce_sum3A_409 : vector<16xi32>, vector<16xi1> -> vector<16xi32>
        %reduce_sum3A_411 = vector.extract %reduce_sum3A_410[15] : i32 from vector<16xi32>
        %add3A_412 = arith.addi %while3A_373, %reduce_sum3A_411 : i32
        scf.yield %add3A_402, %add3A_412 : i32, i32
      }
      %add3A_233 = arith.constant 15 : i32
      %add3A_234 = arith.addi %while3A_232#1, %add3A_233 : i32
      %jit3A_235 = arith.constant 16 : i32
      %div3A_236 = arith.divsi %add3A_234, %jit3A_235 : i32
      %sign3A_237 = arith.constant 0 : i32
      %sign3A_238 = arith.cmpi sgt, %add3A_234, %sign3A_237 : i32
      %sign3A_239 = arith.extui %sign3A_238 : i1 to i32
      %sign3A_240 = arith.constant 0 : i32
      %sign3A_241 = arith.cmpi slt, %add3A_234, %sign3A_240 : i32
      %sign3A_242 = arith.extui %sign3A_241 : i1 to i32
      %sign3A_243 = arith.subi %sign3A_239, %sign3A_242 : i32
      %sign3A_244 = arith.constant 0 : i32
      %sign3A_245 = arith.cmpi sgt, %jit3A_235, %sign3A_244 : i32
      %sign3A_246 = arith.extui %sign3A_245 : i1 to i32
      %sign3A_247 = arith.constant 0 : i32
      %sign3A_248 = arith.cmpi slt, %jit3A_235, %sign3A_247 : i32
      %sign3A_249 = arith.extui %sign3A_248 : i1 to i32
      %sign3A_250 = arith.subi %sign3A_246, %sign3A_249 : i32
      %ne3A_251 = arith.cmpi ne, %sign3A_243, %sign3A_250 : i32
      %rem3A_252 = arith.remsi %add3A_234, %jit3A_235 : i32
      %ne3A_253 = arith.constant 0 : i32
      %ne3A_254 = arith.cmpi ne, %rem3A_252, %ne3A_253 : i32
      %and3A_255 = arith.andi %ne3A_251, %ne3A_254 : i1
      %sub3A_256 = arith.constant 1 : i32
      %sub3A_257 = arith.subi %div3A_236, %sub3A_256 : i32
      %select_n3A_258 = arith.select %and3A_255, %sub3A_257, %div3A_236 : i32
      %broadcast_in_dim3A_259 = arith.constant 0 : i32
      %broadcast_in_dim3A_260 = vector.broadcast %broadcast_in_dim3A_259 : i32 to vector<16xi32>
      %swap3A_261 = arith.constant 0 : index
      %swap3A_262 = tpu.vector_load %arg8[%swap3A_261] {strides = array<i32>} : memref<256xi32, #tpu.memory_space<vmem>>, vector<16xi32>,
      tpu.vector_store %arg8[%swap3A_261], %broadcast_in_dim3A_260 {strides = array<i32>} : memref<256xi32, #tpu.memory_space<vmem>>, vector<16xi32>,
      %swap3A_263 = arith.constant 16 : index
      %swap3A_264 = tpu.vector_load %arg8[%swap3A_263] {strides = array<i32>} : memref<256xi32, #tpu.memory_space<vmem>>, vector<16xi32>,
      tpu.vector_store %arg8[%swap3A_263], %broadcast_in_dim3A_260 {strides = array<i32>} : memref<256xi32, #tpu.memory_space<vmem>>, vector<16xi32>,
      %swap3A_265 = arith.constant 32 : index
      %swap3A_266 = tpu.vector_load %arg8[%swap3A_265] {strides = array<i32>} : memref<256xi32, #tpu.memory_space<vmem>>, vector<16xi32>,
      tpu.vector_store %arg8[%swap3A_265], %broadcast_in_dim3A_260 {strides = array<i32>} : memref<256xi32, #tpu.memory_space<vmem>>, vector<16xi32>,
      %swap3A_267 = arith.constant 48 : index
      %swap3A_268 = tpu.vector_load %arg8[%swap3A_267] {strides = array<i32>} : memref<256xi32, #tpu.memory_space<vmem>>, vector<16xi32>,
      tpu.vector_store %arg8[%swap3A_267], %broadcast_in_dim3A_260 {strides = array<i32>} : memref<256xi32, #tpu.memory_space<vmem>>, vector<16xi32>,
      %swap3A_269 = arith.constant 64 : index
      %swap3A_270 = tpu.vector_load %arg8[%swap3A_269] {strides = array<i32>} : memref<256xi32, #tpu.memory_space<vmem>>, vector<16xi32>,
      tpu.vector_store %arg8[%swap3A_269], %broadcast_in_dim3A_260 {strides = array<i32>} : memref<256xi32, #tpu.memory_space<vmem>>, vector<16xi32>,
      %swap3A_271 = arith.constant 80 : index
      %swap3A_272 = tpu.vector_load %arg8[%swap3A_271] {strides = array<i32>} : memref<256xi32, #tpu.memory_space<vmem>>, vector<16xi32>,
      tpu.vector_store %arg8[%swap3A_271], %broadcast_in_dim3A_260 {strides = array<i32>} : memref<256xi32, #tpu.memory_space<vmem>>, vector<16xi32>,
      %swap3A_273 = arith.constant 96 : index
      %swap3A_274 = tpu.vector_load %arg8[%swap3A_273] {strides = array<i32>} : memref<256xi32, #tpu.memory_space<vmem>>, vector<16xi32>,
      tpu.vector_store %arg8[%swap3A_273], %broadcast_in_dim3A_260 {strides = array<i32>} : memref<256xi32, #tpu.memory_space<vmem>>, vector<16xi32>,
      %swap3A_275 = arith.constant 112 : index
      %swap3A_276 = tpu.vector_load %arg8[%swap3A_275] {strides = array<i32>} : memref<256xi32, #tpu.memory_space<vmem>>, vector<16xi32>,
      tpu.vector_store %arg8[%swap3A_275], %broadcast_in_dim3A_260 {strides = array<i32>} : memref<256xi32, #tpu.memory_space<vmem>>, vector<16xi32>,
      %swap3A_277 = arith.constant 128 : index
      %swap3A_278 = tpu.vector_load %arg8[%swap3A_277] {strides = array<i32>} : memref<256xi32, #tpu.memory_space<vmem>>, vector<16xi32>,
      tpu.vector_store %arg8[%swap3A_277], %broadcast_in_dim3A_260 {strides = array<i32>} : memref<256xi32, #tpu.memory_space<vmem>>, vector<16xi32>,
      %swap3A_279 = arith.constant 144 : index
      %swap3A_280 = tpu.vector_load %arg8[%swap3A_279] {strides = array<i32>} : memref<256xi32, #tpu.memory_space<vmem>>, vector<16xi32>,
      tpu.vector_store %arg8[%swap3A_279], %broadcast_in_dim3A_260 {strides = array<i32>} : memref<256xi32, #tpu.memory_space<vmem>>, vector<16xi32>,
      %swap3A_281 = arith.constant 160 : index
      %swap3A_282 = tpu.vector_load %arg8[%swap3A_281] {strides = array<i32>} : memref<256xi32, #tpu.memory_space<vmem>>, vector<16xi32>,
      tpu.vector_store %arg8[%swap3A_281], %broadcast_in_dim3A_260 {strides = array<i32>} : memref<256xi32, #tpu.memory_space<vmem>>, vector<16xi32>,
      %swap3A_283 = arith.constant 176 : index
      %swap3A_284 = tpu.vector_load %arg8[%swap3A_283] {strides = array<i32>} : memref<256xi32, #tpu.memory_space<vmem>>, vector<16xi32>,
      tpu.vector_store %arg8[%swap3A_283], %broadcast_in_dim3A_260 {strides = array<i32>} : memref<256xi32, #tpu.memory_space<vmem>>, vector<16xi32>,
      %swap3A_285 = arith.constant 192 : index
      %swap3A_286 = tpu.vector_load %arg8[%swap3A_285] {strides = array<i32>} : memref<256xi32, #tpu.memory_space<vmem>>, vector<16xi32>,
      tpu.vector_store %arg8[%swap3A_285], %broadcast_in_dim3A_260 {strides = array<i32>} : memref<256xi32, #tpu.memory_space<vmem>>, vector<16xi32>,
      %swap3A_287 = arith.constant 208 : index
      %swap3A_288 = tpu.vector_load %arg8[%swap3A_287] {strides = array<i32>} : memref<256xi32, #tpu.memory_space<vmem>>, vector<16xi32>,
      tpu.vector_store %arg8[%swap3A_287], %broadcast_in_dim3A_260 {strides = array<i32>} : memref<256xi32, #tpu.memory_space<vmem>>, vector<16xi32>,
      %swap3A_289 = arith.constant 224 : index
      %swap3A_290 = tpu.vector_load %arg8[%swap3A_289] {strides = array<i32>} : memref<256xi32, #tpu.memory_space<vmem>>, vector<16xi32>,
      tpu.vector_store %arg8[%swap3A_289], %broadcast_in_dim3A_260 {strides = array<i32>} : memref<256xi32, #tpu.memory_space<vmem>>, vector<16xi32>,
      %swap3A_291 = arith.constant 240 : index
      %swap3A_292 = tpu.vector_load %arg8[%swap3A_291] {strides = array<i32>} : memref<256xi32, #tpu.memory_space<vmem>>, vector<16xi32>,
      tpu.vector_store %arg8[%swap3A_291], %broadcast_in_dim3A_260 {strides = array<i32>} : memref<256xi32, #tpu.memory_space<vmem>>, vector<16xi32>,
      %while3A_293 = arith.constant 0 : i32
      %while3A_294 = arith.constant 0 : i32
      %while3A_295 = arith.subi %select_n3A_258, %while3A_294 : i32
      %while3A_296 = arith.addi %while3A_294, %while3A_295 : i32
      %while3A_297 = arith.constant 1 : i32
      %while3A_298 = arith.divsi %while3A_295, %while3A_297 : i32
      %while3A_299 = arith.muli %while3A_298, %while3A_297 : i32
      %while3A_300 = arith.addi %while3A_294, %while3A_299 : i32
      %while3A_301 = arith.constant 1 : i32
      scf.for %while3A_371 = %while3A_294 to %while3A_300 step %while3A_301  : i32 {
        %mul3A_372 = arith.constant 16 : i32
        %mul3A_373 = arith.muli %while3A_371, %mul3A_372 : i32
        %get3A = arith.index_cast %mul3A_373 : i32 to index
        %get3A_374 = tpu.vector_load %arg6[%get3A] {strides = array<i32>} : memref<32784xi32, #tpu.memory_space<vmem>>, vector<16xi32>,
        %mul3A_375 = arith.constant 16 : i32
        %mul3A_376 = arith.muli %while3A_371, %mul3A_375 : i32
        %add3A_377 = vector.broadcast %mul3A_376 : i32 to vector<16xi32>
        %add3A_378 = arith.addi %add3A_377, %iota3A : vector<16xi32>
        %lt3A = vector.broadcast %while3A_232#1 : i32 to vector<16xi32>
        %lt3A_379 = arith.cmpi slt, %add3A_378, %lt3A : vector<16xi32>
        %shift_right_logical3A = arith.constant 0 : i32
        %shift_right_logical3A_380 = vector.broadcast %shift_right_logical3A : i32 to vector<16xi32>
        %shift_right_logical3A_381 = arith.shrui %get3A_374, %shift_right_logical3A_380 : vector<16xi32>
        %and3A_382 = arith.constant 255 : i32
        %and3A_383 = vector.broadcast %and3A_382 : i32 to vector<16xi32>
        %and3A_384 = arith.andi %shift_right_logical3A_381, %and3A_383 : vector<16xi32>
        %unique3A, %unique3A_385 = tpu.scan_count mask(%lt3A_379 : vector<16xi1>) value(%and3A_384 : vector<16xi32>) : vector<16xi1>, vector<16xi32>
        tpu.vector_store_idx %arg8[%and3A_384], %unique3A_385 masked %unique3A {add = true} : memref<256xi32, #tpu.memory_space<vmem>>[vector<16xi32>], vector<16xi32>, vector<16xi1>
      }
      %while3A_302 = arith.constant 1 : i32
      scf.for %while3A_371 = %while3A_300 to %while3A_296 step %while3A_302  : i32 {
        %mul3A_372 = arith.constant 16 : i32
        %mul3A_373 = arith.muli %while3A_371, %mul3A_372 : i32
        %get3A = arith.index_cast %mul3A_373 : i32 to index
        %get3A_374 = tpu.vector_load %arg6[%get3A] {strides = array<i32>} : memref<32784xi32, #tpu.memory_space<vmem>>, vector<16xi32>,
        %mul3A_375 = arith.constant 16 : i32
        %mul3A_376 = arith.muli %while3A_371, %mul3A_375 : i32
        %add3A_377 = vector.broadcast %mul3A_376 : i32 to vector<16xi32>
        %add3A_378 = arith.addi %add3A_377, %iota3A : vector<16xi32>
        %lt3A = vector.broadcast %while3A_232#1 : i32 to vector<16xi32>
        %lt3A_379 = arith.cmpi slt, %add3A_378, %lt3A : vector<16xi32>
        %shift_right_logical3A = arith.constant 0 : i32
        %shift_right_logical3A_380 = vector.broadcast %shift_right_logical3A : i32 to vector<16xi32>
        %shift_right_logical3A_381 = arith.shrui %get3A_374, %shift_right_logical3A_380 : vector<16xi32>
        %and3A_382 = arith.constant 255 : i32
        %and3A_383 = vector.broadcast %and3A_382 : i32 to vector<16xi32>
        %and3A_384 = arith.andi %shift_right_logical3A_381, %and3A_383 : vector<16xi32>
        %unique3A, %unique3A_385 = tpu.scan_count mask(%lt3A_379 : vector<16xi1>) value(%and3A_384 : vector<16xi32>) : vector<16xi1>, vector<16xi32>
        tpu.vector_store_idx %arg8[%and3A_384], %unique3A_385 masked %unique3A {add = true} : memref<256xi32, #tpu.memory_space<vmem>>[vector<16xi32>], vector<16xi32>, vector<16xi1>
      }
      %iota3A_303 = tpu.iota {dimensions = array<i32: 0>} : vector<16xi32>
      %scan3A_304 = arith.constant 0 : i32
      %scan3A_305 = arith.constant false
      %scan3A_306 = arith.constant 0 : i32
      %scan3A_307 = arith.constant 0 : i32
      %scan3A_308 = arith.constant 0 : i32
      %scan3A_309 = arith.constant 16 : i32
      %scan3A_310 = arith.addi %scan3A_308, %scan3A_309 : i32
      %scan3A_311 = arith.constant 1 : i32
      %scan3A_312:4 = scf.for %scan3A_371 = %scan3A_308 to %scan3A_310 step %scan3A_311 iter_args(%scan3A_372 = %scan3A_304, %scan3A_373 = %scan3A_305, %scan3A_374 = %scan3A_306, %scan3A_375 = %scan3A_307) -> (i32, i1, i32, i32)  : i32 {
        %sub3A_376 = arith.constant 15 : i32
        %sub3A_377 = arith.subi %sub3A_376, %scan3A_371 : i32
        %mul3A_378 = arith.constant 16 : i32
        %mul3A_379 = arith.muli %sub3A_377, %mul3A_378 : i32
        %get3A = arith.index_cast %mul3A_379 : i32 to index
        %get3A_380 = tpu.vector_load %arg8[%get3A] {strides = array<i32>} : memref<256xi32, #tpu.memory_space<vmem>>, vector<16xi32>,
        %rev3A = arith.constant 15 : i32
        %rev3A_381 = vector.broadcast %rev3A : i32 to vector<16xi32>
        %rev3A_382 = tpu.iota {dimensions = array<i32: 0>} : vector<16xi32>
        %rev3A_383 = arith.subi %rev3A_381, %rev3A_382 : vector<16xi32>
        %rev3A_384 = tpu.dynamic_gather %get3A_380[%rev3A_383] in [0] : vector<16xi32>, vector<16xi32> -> vector<16xi32>
        %broadcast_in_dim3A_385 = arith.constant true
        %broadcast_in_dim3A_386 = vector.broadcast %broadcast_in_dim3A_385 : i1 to vector<16xi1>
        %masked_cumsum3A = tpu.scan <sum>, %rev3A_384 masked %broadcast_in_dim3A_386 : vector<16xi32>, vector<16xi1> -> vector<16xi32>
        %add3A_387 = vector.broadcast %scan3A_372 : i32 to vector<16xi32>
        %add3A_388 = arith.addi %masked_cumsum3A, %add3A_387 : vector<16xi32>
        %ge3A = vector.broadcast %sub3A_220 : i32 to vector<16xi32>
        %ge3A_389 = arith.cmpi sge, %add3A_388, %ge3A : vector<16xi32>
        %jit3A_390 = arith.constant 16 : i32
        %broadcast_in_dim3A_391 = vector.broadcast %jit3A_390 : i32 to vector<16xi32>
        %select_n3A_392 = arith.select %ge3A_389, %iota3A_303, %broadcast_in_dim3A_391 : vector<16xi1>, vector<16xi32>
        %reduce_min3A = arith.constant true
        %reduce_min3A_393 = vector.broadcast %reduce_min3A : i1 to vector<16xi1>
        %reduce_min3A_394 = arith.constant -2147483648 : i32
        %reduce_min3A_395 = vector.broadcast %reduce_min3A_394 : i32 to vector<16xi32>
        %reduce_min3A_396 = arith.xori %select_n3A_392, %reduce_min3A_395 : vector<16xi32>
        %reduce_min3A_397 = tpu.scan <min>, %reduce_min3A_396 masked %reduce_min3A_393 : vector<16xi32>, vector<16xi1> -> vector<16xi32>
        %reduce_min3A_398 = arith.xori %reduce_min3A_397, %reduce_min3A_395 : vector<16xi32>
        %reduce_min3A_399 = vector.extract %reduce_min3A_398[15] : i32 from vector<16xi32>
        %lt3A = arith.constant 16 : i32
        %lt3A_400 = arith.cmpi slt, %reduce_min3A_399, %lt3A : i32
        %eq3A = vector.broadcast %reduce_min3A_399 : i32 to vector<16xi32>
        %eq3A_401 = arith.cmpi eq, %iota3A_303, %eq3A : vector<16xi32>
        %jit3A_402 = arith.constant 0 : i32
        %broadcast_in_dim3A_403 = vector.broadcast %jit3A_402 : i32 to vector<16xi32>
        %select_n3A_404 = arith.select %eq3A_401, %rev3A_384, %broadcast_in_dim3A_403 : vector<16xi1>, vector<16xi32>
        %reduce_max3A = arith.constant true
        %reduce_max3A_405 = vector.broadcast %reduce_max3A : i1 to vector<16xi1>
        %reduce_max3A_406 = arith.constant -2147483648 : i32
        %reduce_max3A_407 = vector.broadcast %reduce_max3A_406 : i32 to vector<16xi32>
        %reduce_max3A_408 = arith.xori %select_n3A_404, %reduce_max3A_407 : vector<16xi32>
        %reduce_max3A_409 = tpu.scan <max>, %reduce_max3A_408 masked %reduce_max3A_405 : vector<16xi32>, vector<16xi1> -> vector<16xi32>
        %reduce_max3A_410 = arith.xori %reduce_max3A_409, %reduce_max3A_407 : vector<16xi32>
        %reduce_max3A_411 = vector.extract %reduce_max3A_410[15] : i32 from vector<16xi32>
        %jit3A_412 = arith.constant 0 : i32
        %broadcast_in_dim3A_413 = vector.broadcast %jit3A_412 : i32 to vector<16xi32>
        %select_n3A_414 = arith.select %eq3A_401, %add3A_388, %broadcast_in_dim3A_413 : vector<16xi1>, vector<16xi32>
        %reduce_max3A_415 = arith.constant true
        %reduce_max3A_416 = vector.broadcast %reduce_max3A_415 : i1 to vector<16xi1>
        %reduce_max3A_417 = arith.constant -2147483648 : i32
        %reduce_max3A_418 = vector.broadcast %reduce_max3A_417 : i32 to vector<16xi32>
        %reduce_max3A_419 = arith.xori %select_n3A_414, %reduce_max3A_418 : vector<16xi32>
        %reduce_max3A_420 = tpu.scan <max>, %reduce_max3A_419 masked %reduce_max3A_416 : vector<16xi32>, vector<16xi1> -> vector<16xi32>
        %reduce_max3A_421 = arith.xori %reduce_max3A_420, %reduce_max3A_418 : vector<16xi32>
        %reduce_max3A_422 = vector.extract %reduce_max3A_421[15] : i32 from vector<16xi32>
        %not3A = arith.constant true
        %not3A_423 = arith.xori %scan3A_373, %not3A : i1
        %and3A_424 = arith.andi %lt3A_400, %not3A_423 : i1
        %mul3A_425 = arith.constant 16 : i32
        %mul3A_426 = arith.muli %sub3A_377, %mul3A_425 : i32
        %add3A_427 = arith.constant 15 : i32
        %add3A_428 = arith.addi %mul3A_426, %add3A_427 : i32
        %sub3A_429 = arith.subi %add3A_428, %reduce_min3A_399 : i32
        %select_n3A_430 = arith.select %and3A_424, %sub3A_429, %scan3A_374 : i32
        %sub3A_431 = arith.subi %reduce_max3A_422, %reduce_max3A_411 : i32
        %select_n3A_432 = arith.select %and3A_424, %sub3A_431, %scan3A_375 : i32
        %reduce_max3A_433 = arith.constant true
        %reduce_max3A_434 = vector.broadcast %reduce_max3A_433 : i1 to vector<16xi1>
        %reduce_max3A_435 = arith.constant -2147483648 : i32
        %reduce_max3A_436 = vector.broadcast %reduce_max3A_435 : i32 to vector<16xi32>
        %reduce_max3A_437 = arith.xori %masked_cumsum3A, %reduce_max3A_436 : vector<16xi32>
        %reduce_max3A_438 = tpu.scan <max>, %reduce_max3A_437 masked %reduce_max3A_434 : vector<16xi32>, vector<16xi1> -> vector<16xi32>
        %reduce_max3A_439 = arith.xori %reduce_max3A_438, %reduce_max3A_436 : vector<16xi32>
        %reduce_max3A_440 = vector.extract %reduce_max3A_439[15] : i32 from vector<16xi32>
        %add3A_441 = arith.addi %scan3A_372, %reduce_max3A_440 : i32
        %or3A = arith.ori %scan3A_373, %lt3A_400 : i1
        scf.yield %add3A_441, %or3A, %select_n3A_430, %select_n3A_432 : i32, i1, i32, i32
      }
      %scan3A_313 = arith.constant 16 : i32
      %sub3A_314 = arith.subi %sub3A_220, %scan3A_312#3 : i32
      %while3A_315 = arith.constant 0 : i32
      %while3A_316 = arith.constant 0 : i32
      %while3A_317 = arith.subi %select_n3A_258, %while3A_315 : i32
      %while3A_318 = arith.addi %while3A_315, %while3A_317 : i32
      %while3A_319 = arith.constant 1 : i32
      %while3A_320 = arith.divsi %while3A_317, %while3A_319 : i32
      %while3A_321 = arith.muli %while3A_320, %while3A_319 : i32
      %while3A_322 = arith.addi %while3A_315, %while3A_321 : i32
      %while3A_323 = arith.constant 1 : i32
      %while3A_324:2 = scf.for %while3A_371 = %while3A_315 to %while3A_322 step %while3A_323 iter_args(%while3A_372 = %while3A_232#0, %while3A_373 = %while3A_316) -> (i32, i32)  : i32 {
        %mul3A_374 = arith.constant 16 : i32
        %mul3A_375 = arith.muli %while3A_371, %mul3A_374 : i32
        %get3A = arith.index_cast %mul3A_375 : i32 to index
        %get3A_376 = tpu.vector_load %arg6[%get3A] {strides = array<i32>} : memref<32784xi32, #tpu.memory_space<vmem>>, vector<16xi32>,
        %mul3A_377 = arith.constant 16 : i32
        %mul3A_378 = arith.muli %while3A_371, %mul3A_377 : i32
        %get3A_379 = arith.index_cast %mul3A_378 : i32 to index
        %get3A_380 = tpu.vector_load %arg7[%get3A_379] {strides = array<i32>} : memref<32784xi32, #tpu.memory_space<vmem>>, vector<16xi32>,
        %mul3A_381 = arith.constant 16 : i32
        %mul3A_382 = arith.muli %while3A_371, %mul3A_381 : i32
        %add3A_383 = vector.broadcast %mul3A_382 : i32 to vector<16xi32>
        %add3A_384 = arith.addi %add3A_383, %iota3A : vector<16xi32>
        %lt3A = vector.broadcast %while3A_232#1 : i32 to vector<16xi32>
        %lt3A_385 = arith.cmpi slt, %add3A_384, %lt3A : vector<16xi32>
        %shift_right_logical3A = arith.constant 0 : i32
        %shift_right_logical3A_386 = vector.broadcast %shift_right_logical3A : i32 to vector<16xi32>
        %shift_right_logical3A_387 = arith.shrui %get3A_376, %shift_right_logical3A_386 : vector<16xi32>
        %and3A_388 = arith.constant 255 : i32
        %and3A_389 = vector.broadcast %and3A_388 : i32 to vector<16xi32>
        %and3A_390 = arith.andi %shift_right_logical3A_387, %and3A_389 : vector<16xi32>
        %gt3A = vector.broadcast %scan3A_312#2 : i32 to vector<16xi32>
        %gt3A_391 = arith.cmpi sgt, %and3A_390, %gt3A : vector<16xi32>
        %and3A_392 = arith.andi %lt3A_385, %gt3A_391 : vector<16xi1>
        %eq3A = vector.broadcast %scan3A_312#2 : i32 to vector<16xi32>
        %eq3A_393 = arith.cmpi eq, %and3A_390, %eq3A : vector<16xi32>
        %and3A_394 = arith.andi %lt3A_385, %eq3A_393 : vector<16xi1>
        %swap3A_395 = arith.index_cast %while3A_372 : i32 to index
        %swap3A_396 = tpu.vector_load %arg11[%swap3A_395] masked %and3A_392 {strides = array<i32>} : memref<272xi32, #tpu.memory_space<vmem>>, vector<16xi32>, vector<16xi1>
        tpu.vector_store %arg11[%swap3A_395], %get3A_376 masked %and3A_392 {strides = array<i32>} : memref<272xi32, #tpu.memory_space<vmem>>, vector<16xi32>, vector<16xi1>
        %swap3A_397 = arith.index_cast %while3A_372 : i32 to index
        %swap3A_398 = tpu.vector_load %arg12[%swap3A_397] masked %and3A_392 {strides = array<i32>} : memref<272xi32, #tpu.memory_space<vmem>>, vector<16xi32>, vector<16xi1>
        tpu.vector_store %arg12[%swap3A_397], %get3A_380 masked %and3A_392 {strides = array<i32>} : memref<272xi32, #tpu.memory_space<vmem>>, vector<16xi32>, vector<16xi1>
        %convert_element_type3A = arith.extui %and3A_392 : vector<16xi1> to vector<16xi32>
        %reduce_sum3A = arith.constant true
        %reduce_sum3A_399 = vector.broadcast %reduce_sum3A : i1 to vector<16xi1>
        %reduce_sum3A_400 = tpu.scan <sum>, %convert_element_type3A masked %reduce_sum3A_399 : vector<16xi32>, vector<16xi1> -> vector<16xi32>
        %reduce_sum3A_401 = vector.extract %reduce_sum3A_400[15] : i32 from vector<16xi32>
        %add3A_402 = arith.addi %while3A_372, %reduce_sum3A_401 : i32
        %swap3A_403 = arith.index_cast %while3A_373 : i32 to index
        %swap3A_404 = tpu.vector_load %arg6[%swap3A_403] masked %and3A_394 {strides = array<i32>} : memref<32784xi32, #tpu.memory_space<vmem>>, vector<16xi32>, vector<16xi1>
        tpu.vector_store %arg6[%swap3A_403], %get3A_376 masked %and3A_394 {strides = array<i32>} : memref<32784xi32, #tpu.memory_space<vmem>>, vector<16xi32>, vector<16xi1>
        %swap3A_405 = arith.index_cast %while3A_373 : i32 to index
        %swap3A_406 = tpu.vector_load %arg7[%swap3A_405] masked %and3A_394 {strides = array<i32>} : memref<32784xi32, #tpu.memory_space<vmem>>, vector<16xi32>, vector<16xi1>
        tpu.vector_store %arg7[%swap3A_405], %get3A_380 masked %and3A_394 {strides = array<i32>} : memref<32784xi32, #tpu.memory_space<vmem>>, vector<16xi32>, vector<16xi1>
        %convert_element_type3A_407 = arith.extui %and3A_394 : vector<16xi1> to vector<16xi32>
        %reduce_sum3A_408 = arith.constant true
        %reduce_sum3A_409 = vector.broadcast %reduce_sum3A_408 : i1 to vector<16xi1>
        %reduce_sum3A_410 = tpu.scan <sum>, %convert_element_type3A_407 masked %reduce_sum3A_409 : vector<16xi32>, vector<16xi1> -> vector<16xi32>
        %reduce_sum3A_411 = vector.extract %reduce_sum3A_410[15] : i32 from vector<16xi32>
        %add3A_412 = arith.addi %while3A_373, %reduce_sum3A_411 : i32
        scf.yield %add3A_402, %add3A_412 : i32, i32
      }
      %while3A_325 = arith.constant 1 : i32
      %while3A_326:2 = scf.for %while3A_371 = %while3A_322 to %while3A_318 step %while3A_325 iter_args(%while3A_372 = %while3A_324#0, %while3A_373 = %while3A_324#1) -> (i32, i32)  : i32 {
        %mul3A_374 = arith.constant 16 : i32
        %mul3A_375 = arith.muli %while3A_371, %mul3A_374 : i32
        %get3A = arith.index_cast %mul3A_375 : i32 to index
        %get3A_376 = tpu.vector_load %arg6[%get3A] {strides = array<i32>} : memref<32784xi32, #tpu.memory_space<vmem>>, vector<16xi32>,
        %mul3A_377 = arith.constant 16 : i32
        %mul3A_378 = arith.muli %while3A_371, %mul3A_377 : i32
        %get3A_379 = arith.index_cast %mul3A_378 : i32 to index
        %get3A_380 = tpu.vector_load %arg7[%get3A_379] {strides = array<i32>} : memref<32784xi32, #tpu.memory_space<vmem>>, vector<16xi32>,
        %mul3A_381 = arith.constant 16 : i32
        %mul3A_382 = arith.muli %while3A_371, %mul3A_381 : i32
        %add3A_383 = vector.broadcast %mul3A_382 : i32 to vector<16xi32>
        %add3A_384 = arith.addi %add3A_383, %iota3A : vector<16xi32>
        %lt3A = vector.broadcast %while3A_232#1 : i32 to vector<16xi32>
        %lt3A_385 = arith.cmpi slt, %add3A_384, %lt3A : vector<16xi32>
        %shift_right_logical3A = arith.constant 0 : i32
        %shift_right_logical3A_386 = vector.broadcast %shift_right_logical3A : i32 to vector<16xi32>
        %shift_right_logical3A_387 = arith.shrui %get3A_376, %shift_right_logical3A_386 : vector<16xi32>
        %and3A_388 = arith.constant 255 : i32
        %and3A_389 = vector.broadcast %and3A_388 : i32 to vector<16xi32>
        %and3A_390 = arith.andi %shift_right_logical3A_387, %and3A_389 : vector<16xi32>
        %gt3A = vector.broadcast %scan3A_312#2 : i32 to vector<16xi32>
        %gt3A_391 = arith.cmpi sgt, %and3A_390, %gt3A : vector<16xi32>
        %and3A_392 = arith.andi %lt3A_385, %gt3A_391 : vector<16xi1>
        %eq3A = vector.broadcast %scan3A_312#2 : i32 to vector<16xi32>
        %eq3A_393 = arith.cmpi eq, %and3A_390, %eq3A : vector<16xi32>
        %and3A_394 = arith.andi %lt3A_385, %eq3A_393 : vector<16xi1>
        %swap3A_395 = arith.index_cast %while3A_372 : i32 to index
        %swap3A_396 = tpu.vector_load %arg11[%swap3A_395] masked %and3A_392 {strides = array<i32>} : memref<272xi32, #tpu.memory_space<vmem>>, vector<16xi32>, vector<16xi1>
        tpu.vector_store %arg11[%swap3A_395], %get3A_376 masked %and3A_392 {strides = array<i32>} : memref<272xi32, #tpu.memory_space<vmem>>, vector<16xi32>, vector<16xi1>
        %swap3A_397 = arith.index_cast %while3A_372 : i32 to index
        %swap3A_398 = tpu.vector_load %arg12[%swap3A_397] masked %and3A_392 {strides = array<i32>} : memref<272xi32, #tpu.memory_space<vmem>>, vector<16xi32>, vector<16xi1>
        tpu.vector_store %arg12[%swap3A_397], %get3A_380 masked %and3A_392 {strides = array<i32>} : memref<272xi32, #tpu.memory_space<vmem>>, vector<16xi32>, vector<16xi1>
        %convert_element_type3A = arith.extui %and3A_392 : vector<16xi1> to vector<16xi32>
        %reduce_sum3A = arith.constant true
        %reduce_sum3A_399 = vector.broadcast %reduce_sum3A : i1 to vector<16xi1>
        %reduce_sum3A_400 = tpu.scan <sum>, %convert_element_type3A masked %reduce_sum3A_399 : vector<16xi32>, vector<16xi1> -> vector<16xi32>
        %reduce_sum3A_401 = vector.extract %reduce_sum3A_400[15] : i32 from vector<16xi32>
        %add3A_402 = arith.addi %while3A_372, %reduce_sum3A_401 : i32
        %swap3A_403 = arith.index_cast %while3A_373 : i32 to index
        %swap3A_404 = tpu.vector_load %arg6[%swap3A_403] masked %and3A_394 {strides = array<i32>} : memref<32784xi32, #tpu.memory_space<vmem>>, vector<16xi32>, vector<16xi1>
        tpu.vector_store %arg6[%swap3A_403], %get3A_376 masked %and3A_394 {strides = array<i32>} : memref<32784xi32, #tpu.memory_space<vmem>>, vector<16xi32>, vector<16xi1>
        %swap3A_405 = arith.index_cast %while3A_373 : i32 to index
        %swap3A_406 = tpu.vector_load %arg7[%swap3A_405] masked %and3A_394 {strides = array<i32>} : memref<32784xi32, #tpu.memory_space<vmem>>, vector<16xi32>, vector<16xi1>
        tpu.vector_store %arg7[%swap3A_405], %get3A_380 masked %and3A_394 {strides = array<i32>} : memref<32784xi32, #tpu.memory_space<vmem>>, vector<16xi32>, vector<16xi1>
        %convert_element_type3A_407 = arith.extui %and3A_394 : vector<16xi1> to vector<16xi32>
        %reduce_sum3A_408 = arith.constant true
        %reduce_sum3A_409 = vector.broadcast %reduce_sum3A_408 : i1 to vector<16xi1>
        %reduce_sum3A_410 = tpu.scan <sum>, %convert_element_type3A_407 masked %reduce_sum3A_409 : vector<16xi32>, vector<16xi1> -> vector<16xi32>
        %reduce_sum3A_411 = vector.extract %reduce_sum3A_410[15] : i32 from vector<16xi32>
        %add3A_412 = arith.addi %while3A_373, %reduce_sum3A_411 : i32
        scf.yield %add3A_402, %add3A_412 : i32, i32
      }
      %add3A_327 = arith.constant 15 : i32
      %add3A_328 = arith.addi %sub3A_314, %add3A_327 : i32
      %jit3A_329 = arith.constant 16 : i32
      %div3A_330 = arith.divsi %add3A_328, %jit3A_329 : i32
      %sign3A_331 = arith.constant 0 : i32
      %sign3A_332 = arith.cmpi sgt, %add3A_328, %sign3A_331 : i32
      %sign3A_333 = arith.extui %sign3A_332 : i1 to i32
      %sign3A_334 = arith.constant 0 : i32
      %sign3A_335 = arith.cmpi slt, %add3A_328, %sign3A_334 : i32
      %sign3A_336 = arith.extui %sign3A_335 : i1 to i32
      %sign3A_337 = arith.subi %sign3A_333, %sign3A_336 : i32
      %sign3A_338 = arith.constant 0 : i32
      %sign3A_339 = arith.cmpi sgt, %jit3A_329, %sign3A_338 : i32
      %sign3A_340 = arith.extui %sign3A_339 : i1 to i32
      %sign3A_341 = arith.constant 0 : i32
      %sign3A_342 = arith.cmpi slt, %jit3A_329, %sign3A_341 : i32
      %sign3A_343 = arith.extui %sign3A_342 : i1 to i32
      %sign3A_344 = arith.subi %sign3A_340, %sign3A_343 : i32
      %ne3A_345 = arith.cmpi ne, %sign3A_337, %sign3A_344 : i32
      %rem3A_346 = arith.remsi %add3A_328, %jit3A_329 : i32
      %ne3A_347 = arith.constant 0 : i32
      %ne3A_348 = arith.cmpi ne, %rem3A_346, %ne3A_347 : i32
      %and3A_349 = arith.andi %ne3A_345, %ne3A_348 : i1
      %sub3A_350 = arith.constant 1 : i32
      %sub3A_351 = arith.subi %div3A_330, %sub3A_350 : i32
      %select_n3A_352 = arith.select %and3A_349, %sub3A_351, %div3A_330 : i32
      %while3A_353 = arith.constant 0 : i32
      %while3A_354 = arith.subi %select_n3A_352, %while3A_353 : i32
      %while3A_355 = arith.addi %while3A_353, %while3A_354 : i32
      %while3A_356 = arith.constant 1 : i32
      %while3A_357 = arith.divsi %while3A_354, %while3A_356 : i32
      %while3A_358 = arith.muli %while3A_357, %while3A_356 : i32
      %while3A_359 = arith.addi %while3A_353, %while3A_358 : i32
      %while3A_360 = arith.constant 1 : i32
      %while3A_361 = scf.for %while3A_371 = %while3A_353 to %while3A_359 step %while3A_360 iter_args(%while3A_372 = %while3A_326#0) -> (i32)  : i32 {
        %mul3A_373 = arith.constant 16 : i32
        %mul3A_374 = arith.muli %while3A_371, %mul3A_373 : i32
        %get3A = arith.index_cast %mul3A_374 : i32 to index
        %get3A_375 = tpu.vector_load %arg6[%get3A] {strides = array<i32>} : memref<32784xi32, #tpu.memory_space<vmem>>, vector<16xi32>,
        %mul3A_376 = arith.constant 16 : i32
        %mul3A_377 = arith.muli %while3A_371, %mul3A_376 : i32
        %get3A_378 = arith.index_cast %mul3A_377 : i32 to index
        %get3A_379 = tpu.vector_load %arg7[%get3A_378] {strides = array<i32>} : memref<32784xi32, #tpu.memory_space<vmem>>, vector<16xi32>,
        %mul3A_380 = arith.constant 16 : i32
        %mul3A_381 = arith.muli %while3A_371, %mul3A_380 : i32
        %add3A_382 = vector.broadcast %mul3A_381 : i32 to vector<16xi32>
        %add3A_383 = arith.addi %add3A_382, %iota3A : vector<16xi32>
        %lt3A = vector.broadcast %sub3A_314 : i32 to vector<16xi32>
        %lt3A_384 = arith.cmpi slt, %add3A_383, %lt3A : vector<16xi32>
        %swap3A_385 = arith.index_cast %while3A_372 : i32 to index
        %swap3A_386 = tpu.vector_load %arg11[%swap3A_385] masked %lt3A_384 {strides = array<i32>} : memref<272xi32, #tpu.memory_space<vmem>>, vector<16xi32>, vector<16xi1>
        tpu.vector_store %arg11[%swap3A_385], %get3A_375 masked %lt3A_384 {strides = array<i32>} : memref<272xi32, #tpu.memory_space<vmem>>, vector<16xi32>, vector<16xi1>
        %swap3A_387 = arith.index_cast %while3A_372 : i32 to index
        %swap3A_388 = tpu.vector_load %arg12[%swap3A_387] masked %lt3A_384 {strides = array<i32>} : memref<272xi32, #tpu.memory_space<vmem>>, vector<16xi32>, vector<16xi1>
        tpu.vector_store %arg12[%swap3A_387], %get3A_379 masked %lt3A_384 {strides = array<i32>} : memref<272xi32, #tpu.memory_space<vmem>>, vector<16xi32>, vector<16xi1>
        %convert_element_type3A = arith.extui %lt3A_384 : vector<16xi1> to vector<16xi32>
        %reduce_sum3A = arith.constant true
        %reduce_sum3A_389 = vector.broadcast %reduce_sum3A : i1 to vector<16xi1>
        %reduce_sum3A_390 = tpu.scan <sum>, %convert_element_type3A masked %reduce_sum3A_389 : vector<16xi32>, vector<16xi1> -> vector<16xi32>
        %reduce_sum3A_391 = vector.extract %reduce_sum3A_390[15] : i32 from vector<16xi32>
        %add3A_392 = arith.addi %while3A_372, %reduce_sum3A_391 : i32
        scf.yield %add3A_392 : i32
      }
      %while3A_362 = arith.constant 1 : i32
      %while3A_363 = scf.for %while3A_371 = %while3A_359 to %while3A_355 step %while3A_362 iter_args(%while3A_372 = %while3A_361) -> (i32)  : i32 {
        %mul3A_373 = arith.constant 16 : i32
        %mul3A_374 = arith.muli %while3A_371, %mul3A_373 : i32
        %get3A = arith.index_cast %mul3A_374 : i32 to index
        %get3A_375 = tpu.vector_load %arg6[%get3A] {strides = array<i32>} : memref<32784xi32, #tpu.memory_space<vmem>>, vector<16xi32>,
        %mul3A_376 = arith.constant 16 : i32
        %mul3A_377 = arith.muli %while3A_371, %mul3A_376 : i32
        %get3A_378 = arith.index_cast %mul3A_377 : i32 to index
        %get3A_379 = tpu.vector_load %arg7[%get3A_378] {strides = array<i32>} : memref<32784xi32, #tpu.memory_space<vmem>>, vector<16xi32>,
        %mul3A_380 = arith.constant 16 : i32
        %mul3A_381 = arith.muli %while3A_371, %mul3A_380 : i32
        %add3A_382 = vector.broadcast %mul3A_381 : i32 to vector<16xi32>
        %add3A_383 = arith.addi %add3A_382, %iota3A : vector<16xi32>
        %lt3A = vector.broadcast %sub3A_314 : i32 to vector<16xi32>
        %lt3A_384 = arith.cmpi slt, %add3A_383, %lt3A : vector<16xi32>
        %swap3A_385 = arith.index_cast %while3A_372 : i32 to index
        %swap3A_386 = tpu.vector_load %arg11[%swap3A_385] masked %lt3A_384 {strides = array<i32>} : memref<272xi32, #tpu.memory_space<vmem>>, vector<16xi32>, vector<16xi1>
        tpu.vector_store %arg11[%swap3A_385], %get3A_375 masked %lt3A_384 {strides = array<i32>} : memref<272xi32, #tpu.memory_space<vmem>>, vector<16xi32>, vector<16xi1>
        %swap3A_387 = arith.index_cast %while3A_372 : i32 to index
        %swap3A_388 = tpu.vector_load %arg12[%swap3A_387] masked %lt3A_384 {strides = array<i32>} : memref<272xi32, #tpu.memory_space<vmem>>, vector<16xi32>, vector<16xi1>
        tpu.vector_store %arg12[%swap3A_387], %get3A_379 masked %lt3A_384 {strides = array<i32>} : memref<272xi32, #tpu.memory_space<vmem>>, vector<16xi32>, vector<16xi1>
        %convert_element_type3A = arith.extui %lt3A_384 : vector<16xi1> to vector<16xi32>
        %reduce_sum3A = arith.constant true
        %reduce_sum3A_389 = vector.broadcast %reduce_sum3A : i1 to vector<16xi1>
        %reduce_sum3A_390 = tpu.scan <sum>, %convert_element_type3A masked %reduce_sum3A_389 : vector<16xi32>, vector<16xi1> -> vector<16xi32>
        %reduce_sum3A_391 = vector.extract %reduce_sum3A_390[15] : i32 from vector<16xi32>
        %add3A_392 = arith.addi %while3A_372, %reduce_sum3A_391 : i32
        scf.yield %add3A_392 : i32
      }
      %scan3A_364 = arith.constant 0 : i32
      %scan3A_365 = arith.constant 0 : i32
      %scan3A_366 = arith.constant 16 : i32
      %scan3A_367 = arith.addi %scan3A_365, %scan3A_366 : i32
      %scan3A_368 = arith.constant 1 : i32
      scf.for %scan3A_371 = %scan3A_365 to %scan3A_367 step %scan3A_368  : i32 {
        %mul3A_372 = arith.constant 16 : i32
        %mul3A_373 = arith.muli %scan3A_371, %mul3A_372 : i32
        %get3A = arith.index_cast %mul3A_373 : i32 to index
        %get3A_374 = tpu.vector_load %arg11[%get3A] {strides = array<i32>} : memref<272xi32, #tpu.memory_space<vmem>>, vector<16xi32>,
        %shift_right_arithmetic3A = arith.constant 31 : i32
        %shift_right_arithmetic3A_375 = vector.broadcast %shift_right_arithmetic3A : i32 to vector<16xi32>
        %shift_right_arithmetic3A_376 = arith.shrsi %get3A_374, %shift_right_arithmetic3A_375 : vector<16xi32>
        %shift_right_logical3A = arith.constant 1 : i32
        %shift_right_logical3A_377 = vector.broadcast %shift_right_logical3A : i32 to vector<16xi32>
        %shift_right_logical3A_378 = arith.shrui %shift_right_arithmetic3A_376, %shift_right_logical3A_377 : vector<16xi32>
        %xor3A = arith.xori %get3A_374, %shift_right_logical3A_378 : vector<16xi32>
        %bitcast3A = vector.bitcast %xor3A : vector<16xi32> to vector<16xf32>
        %mul3A_379 = arith.constant 16 : i32
        %mul3A_380 = arith.muli %scan3A_371, %mul3A_379 : i32
        %swap3A_381 = arith.index_cast %mul3A_380 : i32 to index
        %swap3A_382 = tpu.vector_load %arg13[%swap3A_381] {strides = array<i32>} : memref<272xf32, #tpu.memory_space<vmem>>, vector<16xf32>,
        tpu.vector_store %arg13[%swap3A_381], %bitcast3A {strides = array<i32>} : memref<272xf32, #tpu.memory_space<vmem>>, vector<16xf32>,
      }
      %scan3A_369 = arith.constant 16 : i32
      "tpu.region"() ({
        %run_scoped3A = tpu.sem_alloc : memref<!tpu.dma_semaphore, #tpu.memory_space<semaphore_mem>>
        %dma_start3A = arith.constant 0 : i32
        %dma_start3A_371 = tpu.memref_slice %arg13[%dma_start3A] : memref<272xf32, #tpu.memory_space<vmem>> -> memref<256xf32, #tpu.memory_space<vmem>>
        %dma_start3A_372 = arith.constant 0 : i32
        %dma_start3A_373 = tpu.memref_slice %arg3[%add3A_11, %dma_start3A_372] : memref<64x256xf32, #tpu.memory_space<hbm>> -> memref<1x256xf32, #tpu.memory_space<hbm>>
        %dma_start3A_374 = tpu.memref_squeeze %dma_start3A_373 : memref<1x256xf32, #tpu.memory_space<hbm>> -> memref<256xf32, #tpu.memory_space<hbm>>
        %dma_start3A_375 = arith.constant 0 : i32
        %dma_start3A_376 = tpu.memref_slice %arg3[%add3A_11, %dma_start3A_375] : memref<64x256xf32, #tpu.memory_space<hbm>> -> memref<1x256xf32, #tpu.memory_space<hbm>>
        %dma_start3A_377 = tpu.memref_squeeze %dma_start3A_376 : memref<1x256xf32, #tpu.memory_space<hbm>> -> memref<256xf32, #tpu.memory_space<hbm>>
        %dma_start3A_378 = arith.constant 0 : i32
        %dma_start3A_379 = tpu.memref_slice %arg13[%dma_start3A_378] : memref<272xf32, #tpu.memory_space<vmem>> -> memref<256xf32, #tpu.memory_space<vmem>>
        tpu.enqueue_dma source(%dma_start3A_379 : memref<256xf32, #tpu.memory_space<vmem>>) target(%dma_start3A_377 : memref<256xf32, #tpu.memory_space<hbm>>) target_semaphore(%run_scoped3A : memref<!tpu.dma_semaphore, #tpu.memory_space<semaphore_mem>>)
        %dma_wait3A = arith.constant 0 : i32
        %dma_wait3A_380 = tpu.memref_slice %arg13[%dma_wait3A] : memref<272xf32, #tpu.memory_space<vmem>> -> memref<256xf32, #tpu.memory_space<vmem>>
        %dma_wait3A_381 = arith.constant 0 : i32
        %dma_wait3A_382 = tpu.memref_slice %arg3[%add3A_11, %dma_wait3A_381] : memref<64x256xf32, #tpu.memory_space<hbm>> -> memref<1x256xf32, #tpu.memory_space<hbm>>
        %dma_wait3A_383 = tpu.memref_squeeze %dma_wait3A_382 : memref<1x256xf32, #tpu.memory_space<hbm>> -> memref<256xf32, #tpu.memory_space<hbm>>
        %dma_wait3A_384 = arith.constant 0 : i32
        %dma_wait3A_385 = tpu.memref_slice %arg3[%add3A_11, %dma_wait3A_384] : memref<64x256xf32, #tpu.memory_space<hbm>> -> memref<1x256xf32, #tpu.memory_space<hbm>>
        %dma_wait3A_386 = tpu.memref_squeeze %dma_wait3A_385 : memref<1x256xf32, #tpu.memory_space<hbm>> -> memref<256xf32, #tpu.memory_space<hbm>>
        %dma_wait3A_387 = arith.constant 0 : i32
        %dma_wait3A_388 = tpu.memref_slice %arg13[%dma_wait3A_387] : memref<272xf32, #tpu.memory_space<vmem>> -> memref<256xf32, #tpu.memory_space<vmem>>
        tpu.wait_dma2 semaphore(%run_scoped3A : memref<!tpu.dma_semaphore, #tpu.memory_space<semaphore_mem>>) src(%dma_wait3A_388 : memref<256xf32, #tpu.memory_space<vmem>>) dst(%dma_wait3A_386 : memref<256xf32, #tpu.memory_space<hbm>>)
        tpu.yield
      }) : () -> ()
      "tpu.region"() ({
        %run_scoped3A = tpu.sem_alloc : memref<!tpu.dma_semaphore, #tpu.memory_space<semaphore_mem>>
        %dma_start3A = arith.constant 0 : i32
        %dma_start3A_371 = tpu.memref_slice %arg12[%dma_start3A] : memref<272xi32, #tpu.memory_space<vmem>> -> memref<256xi32, #tpu.memory_space<vmem>>
        %dma_start3A_372 = arith.constant 0 : i32
        %dma_start3A_373 = tpu.memref_slice %arg4[%add3A_11, %dma_start3A_372] : memref<64x256xi32, #tpu.memory_space<hbm>> -> memref<1x256xi32, #tpu.memory_space<hbm>>
        %dma_start3A_374 = tpu.memref_squeeze %dma_start3A_373 : memref<1x256xi32, #tpu.memory_space<hbm>> -> memref<256xi32, #tpu.memory_space<hbm>>
        %dma_start3A_375 = arith.constant 0 : i32
        %dma_start3A_376 = tpu.memref_slice %arg4[%add3A_11, %dma_start3A_375] : memref<64x256xi32, #tpu.memory_space<hbm>> -> memref<1x256xi32, #tpu.memory_space<hbm>>
        %dma_start3A_377 = tpu.memref_squeeze %dma_start3A_376 : memref<1x256xi32, #tpu.memory_space<hbm>> -> memref<256xi32, #tpu.memory_space<hbm>>
        %dma_start3A_378 = arith.constant 0 : i32
        %dma_start3A_379 = tpu.memref_slice %arg12[%dma_start3A_378] : memref<272xi32, #tpu.memory_space<vmem>> -> memref<256xi32, #tpu.memory_space<vmem>>
        tpu.enqueue_dma source(%dma_start3A_379 : memref<256xi32, #tpu.memory_space<vmem>>) target(%dma_start3A_377 : memref<256xi32, #tpu.memory_space<hbm>>) target_semaphore(%run_scoped3A : memref<!tpu.dma_semaphore, #tpu.memory_space<semaphore_mem>>)
        %dma_wait3A = arith.constant 0 : i32
        %dma_wait3A_380 = tpu.memref_slice %arg12[%dma_wait3A] : memref<272xi32, #tpu.memory_space<vmem>> -> memref<256xi32, #tpu.memory_space<vmem>>
        %dma_wait3A_381 = arith.constant 0 : i32
        %dma_wait3A_382 = tpu.memref_slice %arg4[%add3A_11, %dma_wait3A_381] : memref<64x256xi32, #tpu.memory_space<hbm>> -> memref<1x256xi32, #tpu.memory_space<hbm>>
        %dma_wait3A_383 = tpu.memref_squeeze %dma_wait3A_382 : memref<1x256xi32, #tpu.memory_space<hbm>> -> memref<256xi32, #tpu.memory_space<hbm>>
        %dma_wait3A_384 = arith.constant 0 : i32
        %dma_wait3A_385 = tpu.memref_slice %arg4[%add3A_11, %dma_wait3A_384] : memref<64x256xi32, #tpu.memory_space<hbm>> -> memref<1x256xi32, #tpu.memory_space<hbm>>
        %dma_wait3A_386 = tpu.memref_squeeze %dma_wait3A_385 : memref<1x256xi32, #tpu.memory_space<hbm>> -> memref<256xi32, #tpu.memory_space<hbm>>
        %dma_wait3A_387 = arith.constant 0 : i32
        %dma_wait3A_388 = tpu.memref_slice %arg12[%dma_wait3A_387] : memref<272xi32, #tpu.memory_space<vmem>> -> memref<256xi32, #tpu.memory_space<vmem>>
        tpu.wait_dma2 semaphore(%run_scoped3A : memref<!tpu.dma_semaphore, #tpu.memory_space<semaphore_mem>>) src(%dma_wait3A_388 : memref<256xi32, #tpu.memory_space<vmem>>) dst(%dma_wait3A_386 : memref<256xi32, #tpu.memory_space<hbm>>)
        tpu.yield
      }) : () -> ()
      %scan3A_370 = arith.constant 0 : i32
      scf.yield %scan3A_370 : i32
    }
    %scan3A_6 = arith.constant 2 : i32
    return
  }
}

</mosaic_0001>

<sc_bundles>
// kernel: kernel.3.cloned.1.call-start
scs
__scs_entry_jumppad:
0x0: {  	(pc) =	sbr.rel $0x88, $3  }
0x1: {  	(tag) =	ssettag $0x0;
	lr =	simm.s32 $0x1  }
0x2: {  	[smem:$0x3FA0] =	sst lr;
	_ =	strace $0xD0000000  }
0x3: {  	_ = 	snop  }
0x4: {  	_ = 	snop  }
0x5: {  	_ = 	snop  }
0x6: {  	_ = 	snop  }
0x7: {  	_ = 	snop  }
__scs_overlays_trampoline_lowered:
0x8: {  	[smem:$0x3FAF] =	sst s0  }
0x9: {  	[smem:$0x3FB0] =	sst s1  }
0xa: {  	[smem:$0x3FB1] =	sst s2  }
0xb: {  	[smem:$0x3FB2] =	sst s3  }
0xc: {  	[smem:$0x3FB3] =	sst s4  }
0xd: {  	[smem:$0x3FB4] =	sst s5  }
0xe: {  	[smem:$0x3FB5] =	sst s6  }
0xf: {  	[smem:$0x3FB6] =	sst s7  }
0x10: {  	[smem:$0x3FB7] =	sst s8  }
0x11: {  	[smem:$0x3FB8] =	sst s9;
	s0 =	simm.s32 @!p0 $0x0  }
0x12: {  	s1 =	sld [smem:$0x3F9E];
	s0 =	simm.s32 @p0 $0x1  }
0x13: {  	[smem:$0x3FB9] =	sst s0;
	s0 =	simm.s32 @!p1 $0x0  }
0x14: {  	s2 =	sld [smem:$0x3F9D];
	s0 =	simm.s32 @p1 $0x1  }
0x15: {  	[smem:$0x3FBA] =	sst s0;
	s0 =	simm.s32 @!p2 $0x0  }
0x16: {  	s3 =	sld [smem:$0x3FDB];
	s0 =	simm.s32 @p2 $0x1  }
0x17: {  	s4 =	simm.s32 $0x1BF5;
	[smem:$0x3FBC] =	sst s0  }
0x18: {  	s0 =	sld [smem:$0x3F9F];
	_ =	swait.ge [sflag:s4], $0x0  }
0x19: {  	s7 =	sld [smem:$0x3FA0]  }
0x1a: {  	s8 =	sadd.s32 $0xFFFFE003, lr  }
0x1b: {  	s9 =	sadd.s32 $0xFFFFFEF7, lr;
	s5 =	simm.s32 $0xFFFFFFFF;
	p2 =	slt.u32 s8, $0xFFFFF086  }
0x1c: {  	p1 =	slt.u32 s9, $0xF7A;
	s5 =	simm.s32 @!p2 $0x0  }
0x1d: {  	s5 =	simm.s32 @p1 $0x1;
	p0 =	seq.s32 s7, s2  }
0x1e: {  	s7 =	smul.u32 @!p0 $0xF7A, s2;
	p2 =	seq.s32 @!p0 s5, $0x0  }
0x1f: {  	s9 =	smul.u32 $0xF7A, s1;
	s8 =	simm.s32 @!p0 $0x1BF5;
	p2 =	por !p2, p0  }
0x20: {  	[sflag:s8] =	ssyncset.s32 @!p0 $0xFFFFF086;
	s6 =	sadd.s32 @!p0 s3, s7;
	s7 =	simm.s32 @!p0 $0x108  }
0x21: {  	s3 =	sadd.s32 s3, s9;
	s6 =	sadd.s32 @!p0 $0x88, s6;
	s7 =	simm.s32 @p2 $0x1082  }
0x22: {  	[simem:s7], [sflag:s8] =	dma.local @!p0 [hbm:s6], $0xF7A  }
0x23: {  	s9 =	sor.u32 $0xD0000000, s2;
	s6 =	simm.s32 $0x108;
	_ =	swait.ge @!p0 [sflag:s8], $0x0  }
0x24: {  	s3 =	sadd.s32 $0x88, s3;
	s6 =	simm.s32 @!p1 $0x1082;
	[sflag:s4] =	ssyncset.s32 $0xFFFFF086  }
0x25: {  	[simem:s6], [sflag:s4] =	dma.local [hbm:s3], $0xF7A  }
0x26: {  	[smem:$0x3FA0] =	sst s1;
	(tag) =	ssettag s2;
	_ =	strace s9  }
0x27: {  	s1 =	sld [smem:$0x3FB0]  }
0x28: {  	s2 =	sld [smem:$0x3FB1]  }
0x29: {  	s4 =	sld [smem:$0x3FB3]  }
0x2a: {  	p0 =	seq.s32 s5, $0x0;
	s5 =	sld [smem:$0x3FB4]  }
0x2b: {  	s6 =	sld [smem:$0x3FB5]  }
0x2c: {  	s7 =	sld [smem:$0x3FB6]  }
0x2d: {  	s3 =	simm.s32 $0x108;
	s8 =	sld [smem:$0x3FB7]  }
0x2e: {  	s3 =	simm.s32 @!p0 $0x1082;
	s9 =	sld [smem:$0x3FB8]  }
0x2f: {  	lr =	sadd.s32 s0, s3;
	s0 =	sld [smem:$0x3FAF]  }
0x30: {  	s3 =	sld [smem:$0x3FB2]  }
0x31: {  	[smem:$0x3FBB] =	sst s10  }
0x32: {  	s10 =	sld [smem:$0x3FB9];
	_ =	sdelay $0x3  }
0x33: {  	p0 =	seq.s32 s10, $0x1;
	s10 =	sld [smem:$0x3FBB];
	_ =	sdelay $0x3  }
0x34: {  	[smem:$0x3FBB] =	sst s10  }
0x35: {  	s10 =	sld [smem:$0x3FBA];
	_ =	sdelay $0x3  }
0x36: {  	p1 =	seq.s32 s10, $0x1;
	s10 =	sld [smem:$0x3FBB];
	_ =	sdelay $0x3  }
0x37: {  	[smem:$0x3FBB] =	sst s10  }
0x38: {  	s10 =	sld [smem:$0x3FBC]  }
0x39: {  	_ = 	snop;
	(pc) =	sbr.ind lr, $3  }
0x3a: {  	_ = 	snop  }
0x3b: {  	_ = 	snop  }
0x3c: {  	p2 =	seq.s32 s10, $0x1;
	s10 =	sld [smem:$0x3FBB]  }
0x3d: {  	_ =	shalt  }
0x3e: {  	_ =	shalt  }
0x3f: {  	_ =	shalt  }
0x40: {  	_ =	shalt  }
0x41: {  	_ =	shalt  }
0x42: {  	_ =	shalt  }
0x43: {  	_ =	shalt  }
0x44: {  	_ =	shalt  }
0x45: {  	_ =	shalt  }
0x46: {  	_ =	shalt  }
0x47: {  	_ =	shalt  }
0x48: {  	_ =	shalt  }
0x49: {  	_ =	shalt  }
0x4a: {  	_ =	shalt  }
0x4b: {  	_ =	shalt  }
0x4c: {  	_ =	shalt  }
0x4d: {  	_ =	shalt  }
0x4e: {  	_ =	shalt  }
0x4f: {  	_ =	shalt  }
0x50: {  	_ =	shalt  }
0x51: {  	_ =	shalt  }
0x52: {  	_ =	shalt  }
0x53: {  	_ =	shalt  }
0x54: {  	_ =	shalt  }
0x55: {  	_ =	shalt  }
0x56: {  	_ =	shalt  }
0x57: {  	_ =	shalt  }
0x58: {  	_ =	shalt  }
0x59: {  	_ =	shalt  }
0x5a: {  	_ =	shalt  }
0x5b: {  	_ =	shalt  }
0x5c: {  	_ =	shalt  }
0x5d: {  	_ =	shalt  }
0x5e: {  	_ =	shalt  }
0x5f: {  	_ =	shalt  }
0x60: {  	_ =	shalt  }
0x61: {  	_ =	shalt  }
0x62: {  	_ =	shalt  }
0x63: {  	_ =	shalt  }
0x64: {  	_ =	shalt  }
0x65: {  	_ =	shalt  }
0x66: {  	_ =	shalt  }
0x67: {  	_ =	shalt  }
0x68: {  	_ =	shalt  }
0x69: {  	_ =	shalt  }
0x6a: {  	_ =	shalt  }
0x6b: {  	_ =	shalt  }
0x6c: {  	_ =	shalt  }
0x6d: {  	_ =	shalt  }
0x6e: {  	_ =	shalt  }
0x6f: {  	_ =	shalt  }
0x70: {  	_ =	shalt  }
0x71: {  	_ =	shalt  }
0x72: {  	_ =	shalt  }
0x73: {  	_ =	shalt  }
0x74: {  	_ =	shalt  }
0x75: {  	_ =	shalt  }
0x76: {  	_ =	shalt  }
0x77: {  	_ =	shalt  }
0x78: {  	_ =	shalt  }
0x79: {  	_ =	shalt  }
0x7a: {  	_ =	shalt  }
0x7b: {  	_ =	shalt  }
0x7c: {  	_ =	shalt  }
0x7d: {  	_ =	shalt  }
0x7e: {  	_ =	shalt  }
0x7f: {  	_ =	shalt  }
0x80: {  	_ =	shalt  }
0x81: {  	_ =	shalt  }
0x82: {  	_ =	shalt  }
0x83: {  	_ =	shalt  }
0x84: {  	_ =	shalt  }
0x85: {  	_ =	shalt  }
0x86: {  	_ =	shalt  }
0x87: {  	_ =	shalt  }
.Lfunc_end0:
.L_simem_size_0:
called_computation_lowered:
.L_overlay_start_0:
0x88: {  	s2 =	sld [smem:$0x3FD9]  }
0x89: {  	s3 =	sld [smem:$0x3FFE];
	_ =	sdelay $0x1  }
0x8a: {  	s1 =	srdreg.scid  }
0x8b: {  	s0 =	sand.u32 $0x1, s1  }
0x8c: {  	s15 =	sshll.u32 s0, $0xA;
	s2 =	sadd.s32 s3, s2  }
0x8d: {  	s2 =	sadd.s32 s2, s15  }
0x8e: {  	[smem:$0x3FC7] =	sst s2  }
0x8f: {  	_ = 	snop  }
0x90: {  	s2 =	sld [smem:$0x3FD0];
	_ =	sdelay $0x2  }
0x91: {  	s4 =	simm.s32 $0xA;
	s5 =	simm.s32 $0x10;
	s16 =	sld [smem:$0x3FC9]  }
0x92: {  	[smem:s5], [sflag:s4] =	dma.local [hbm:s2], $0x1  }
0x93: {  	_ =	swait.eq [sflag:s4], $0x1  }
0x94: {  	[sflag:s4] =	ssyncset.done $0x0  }
0x95: {  	s17 =	sld [smem:$0x10];
	[sflag:s4] =	ssyncadd.s32 $0xFFFFFFFF  }
0x96: {  	s18 =	sld [smem:$0x11];
	(tm) =	ssettm $0x1  }
0x97: {  	s19 =	sld [smem:$0x3FFB];
	_ =	sdelay $0x3  }
0x98: {  	_ =	strace s19  }
0x99: {  	s5 =	sld [smem:$0x3FFC];
	_ =	sdelay $0x3  }
0x9a: {  	_ =	strace s5  }
0x9b: {  	s5 =	sld [smem:$0x3FFD];
	_ =	sdelay $0x3  }
0x9c: {  	_ =	strace s5  }
0x9d: {  	_ =	strace $0x8FFFFFFF  }
0x9e: {  	s20 =	sld [smem:$0x3FDB];
	_ =	sdelay $0x1  }
0x9f: {  	s6 =	simm.s32 $_scs_section_size  }
0xa0: {  	s7 =	simm.s32 $_size__tile_overlayer_lowered;
	s8 =	simm.s32 $_tile_overlayer_lowered  }
0xa1: {  	s23 =	simm.s32 $0x1BFF;
	s22 =	sshll.u32 s8, $0x1;
	s5 =	sadd.s32 s6, s20  }
0xa2: {  	s9 =	simm.s32 $0x0;
	s21 =	sshll.u32 s7, $0x1;
	s7 =	sadd.s32 s22, s5  }
0xa3: {  	[timem:s9], [sflag:s23] =	dma.local [hbm:s7], s21  }
0xa4: {  	_ =	swait.ge [sflag:s23], s21  }
0xa5: {  	s6 =	ssub.s32 $0x0, s21;
	[sflag:s23] =	ssyncset.done $0x0  }
0xa6: {  	[sflag:s23] =	ssyncadd.s32 s6;
	_ =	sdelay $0x1  }
0xa7: {  	s24 =	simm.s32 $0x1B8B  }
0xa8: {  	_ =	swait.ge [sflag:s24], $0x1  }
0xa9: {  	[sflag:s24] =	ssyncset.done $0x0  }
0xaa: {  	s25 =	simm.s32 $0x1B8E;
	[sflag:s24] =	ssyncadd.s32 $0xFFFFFFFF  }
0xab: {  	s26 =	simm.s32 $execute0_lowered;
	[smem:$0x3FD2] =	sst s25  }
0xac: {  	s6 =	sshll.u32 s26, $0x1;
	_ =	strace $0x80000046;
	[dreg:$0x1] =	wrdreg $0xFFFFFFFF  }
0xad: {  	s28 =	simm.s32 $_size_execute0_lowered;
	s5 =	sadd.s32 s5, s6;
	[dreg:$0x0] =	wrdreg $0x0  }
0xae: {  	s6 =	sshll.u32 s28, $0x1;
	[dreg:$0x2] =	wrdreg s5  }
0xaf: {  	[dreg:$0x3] =	wrdreg s6  }
0xb0: {  	[dreg:$0x4] =	wrdreg $0xC0  }
0xb1: {  	_ =	task [dreg:s9], $0x5FFFF  }
0xb2: {  	[dreg:$0x1] =	wrdreg $0xFFFFFFFF  }
0xb3: {  	[dreg:$0x0] =	wrdreg $0x60  }
0xb4: {  	[dreg:$0x2] =	wrdreg s16  }
0xb5: {  	[dreg:$0x3] =	wrdreg s17  }
0xb6: {  	[dreg:$0x4] =	wrdreg s18  }
0xb7: {  	[dreg:$0x5] =	wrdreg $0x9  }
0xb8: {  	_ =	task.clear_ibuf [dreg:s9], $0x6FFFF;
	_ =	strace $0x90000046  }
0xb9: {  	s29 =	simm.s32 $0x9;
	_ =	strace $0x80000048  }
0xba: {  	_ =	swait.ge [sflag:s29], $0x1  }
0xbb: {  	[sflag:s29] =	ssyncadd.s32 $0xFFFFFFFF  }
0xbc: {  	_ =	strace $0x90000048  }
0xbd: {  	_ =	sfence  }
0xbe: {  	s30 =	sld [smem:$0x0];
	_ =	sdelay $0x2  }
0xbf: {  	s31 =	sshll.u32 s1, $0xD;
	s1 =	sshrl.u32 s1, $0x2  }
0xc0: {  	s3 =	sand.u32 $0x4000, s31;
	s1 =	sadd.s32 s1, s30  }
0xc1: {  	s0 =	sor.u32 s3, s0;
	s1 =	sshll.u32 s1, $0x11  }
0xc2: {  	s0 =	sor.u32 s1, s0  }
0xc3: {  	s0 =	sadd.s32 $0x8F2B, s0  }
0xc4: {  	[sflag:s0] =	ssyncadd.remote.s32 $0x1  }
0xc5: {  	_ =	sfence.sel $0xFFFF  }
0xc6: {  	[dreg:$0x0] =	wrdreg $0xFFFFFFFF;
	(pc) =	sbr.abs _section_cstart, $3  }
0xc7: {  	[dreg:$0x1] =	wrdreg $0xFFFFFFFF  }
0xc8: {  	_ =	task.clear_ibuf [dreg:s9], $0x2FFFF;
	_ =	strace $0x9FFFFFFF  }
0xc9: {  	(tm) =	ssettm $0x7FFFFFFF  }
tec
execute0_lowered:
.L_overlay_start_1:
0x0: {  	(tag) =	ssettag $0x1  }
0x1: {  	s0 =	srdreg.scid;
	s3 =	simm.s32 $0x0  }
0x2: {  	s2 =	simm.s32 $0x0;
	s28 =	stileid.u32;
	s9 =	simm.s32 $0x400  }
0x3: {  	s10 =	simm.s32 $0x1;
	s0 =	sand.u32 $0x1, s0;
	[dreg:$0x4] =	wrdreg s2  }
0x4: {  	[smem:$0x7FF] =	sst s3;
	s30 =	sshrl.u32 s28, $0x1;
	s3 =	sshll.u32 s28, $0x9  }
0x5: {  	s1 =	ssub.s32 $0x2, s0;
	_ =	strace $0x80000047;
	s0 =	sshll.u32 s0, $0x8  }
.Ltmp0:
0x6: {  	s4 =	sshll.u32 s30, $0x12;
	s2 =	sshll.u32 s30, $0xB;
	(pc) =	sbr.rel .LBB2_1-.Ltmp0, $4  }
0x7: {  	v0 =	vlaneseq.u32;
	s31 =	sand.u32 $0x200, s3;
	s29 =	sshrl.u32 s1, $0x1;
	[dreg:$0x5] =	wrdreg s4  }
0x8: {  	v4 =	vmul.u32 $0x10, v0;
	v5 =	vmul.u32 $0xFFFFFFFF, v0;
	[dreg:$0x6] =	wrdreg s2;
	s0 =	sor.u32 s0, s31;
	s1 =	ssub.s32 s1, s29  }
0x9: {  	v1 =	vimm.s32 $0x0;
	v3 =	vimm.s32 $0x1;
	s13 =	simm.s32 $0x18200;
	v2 =	vor.u32 $0x800, v0;
	[dreg:$0x8] =	wrdreg s0;
	s1 =	smax.u32 s1, $0x1  }
0xa: {  	s14 =	simm.s32 $0x19200;
	s15 =	simm.s32 $0x18100;
	v6 =	vor.u32 $0x80000000, v0;
	v4 =	vor.u32 $0xF, v4;
	v5 =	vadd.s32 $0xF, v5;
	[dreg:$0x7] =	wrdreg s1  }
.LBB2_82:
0xb: {  	s0 =	rddreg [dreg:$0x4]  }
0xc: {  	s1 =	rddreg [dreg:$0x7];
	s0 =	sadd.s32 $0x1, s0  }
0xd: {  	p0 =	sne.s32 s0, s1  }
.Ltmp1:
0xe: {  	_ = 	snop;
	(pc) =	sbr.rel @!p0 .LBB2_83-.Ltmp1, $2  }
0xf: {  	_ =	sdelay $0x2  }
0x10: {  	[dreg:$0x4] =	wrdreg s0  }
.LBB2_1:
.Ltmp2:
0x11: {  	(pc) =	sbr.rel .LBB2_2-.Ltmp2, $2  }
0x12: {  	_ =	sdelay $0x2  }
0x13: {  	p0 =	por $0x1, $0x1;
	s0 =	simm.s32 $0x0  }
.LBB2_70:
0x14: {  	s3 =	smov.u32 s19  }
0x15: {  	s1 =	simm.s32 $0x0;
	s2 =	simm.s32 $0x8000;
	s6 =	simm.s32 $0x10080  }
.LBB2_80:
0x16: {  	s7 =	spop @p4 (v2sf)  }
0x17: {  	s1 =	sadd.s32 @p1 $0x10, s1;
	s3 =	sadd.s32 @p4 s3, s7;
	s7 =	smov.u32 s19  }
0x18: {  	(xrf0) =	vadd.scan.msk.s32 @p1 $0xffff, v11;
	s5 =	smov.u32 @p1 s1;
	s7 =	smov.u32 @p4 s3  }
0x19: {  	(v2sf) =	vpush @p2 v12, $0xF;
	s1 =	sadd.s32 @p3 $0x10, s2;
	s2 =	simm.s32 $0x8000;
	v63 =	vor.u32 s5, v0;
	[tilespmem:s7+$0x19300] =	vst.msk @p3 vm4, v13  }
0x1a: {  	s2 =	smov.u32 @p3 s1;
	vm5 =	vlt.s32 v63, v7;
	[tilespmem:s7+$0x19480] =	vst.msk @p3 vm4, v14  }
0x1b: {  	v7 =	vsel vm5, $0x1, v1;
	v11 =	vld @p2 [tilespmem:s2+$0x0]  }
0x1c: {  	s1 =	sadd.s32 @p3 $0x10, s6;
	s3 =	simm.s32 $0x10080  }
0x1d: {  	s3 =	smov.u32 @p3 s1;
	(xrf0) =	vadd.scan.msk.s32 $0xffff, v7  }
0x1e: {  	v12 =	vld @p2 [tilespmem:s3+$0x0];
	v7, _, _ =	vpop @p1 (xrf0)  }
0x1f: {  	v7 =	vpsel p1, v7, v9  }
0x20: {  	s1 =	spop @p3 (v2sf);
	(v2sf) =	vpush @p1 v7, $0xF;
	v7 =	vpsel p2, v11, v8  }
0x21: {  	vm2 =	vmmov @p2 vm2;
	s5 =	smov.u32 s19;
	s1 =	sadd.s32 @p3 s7, s1  }
0x22: {  	vm3 =	vmmov @p2 vm2;
	s5 =	smov.u32 @p3 s1  }
0x23: {  	s1 =	sadd.s32 @p2 $0x10, s2;
	s2 =	simm.s32 $0x8000;
	v8 =	vpsel p2, v12, v10;
	[tilespmem:s5+$0x19300] =	vst.msk @p2 vm3, v7;
	v7, _, _ =	vpop (xrf0)  }
0x24: {  	s2 =	smov.u32 @p2 s1;
	s1 =	sadd.s32 @p2 $0x10, s3;
	s3 =	simm.s32 $0x10080;
	[tilespmem:s5+$0x19480] =	vst.msk @p2 vm3, v8;
	(v2sf) =	vpush v7, $0xF  }
0x25: {  	s3 =	smov.u32 @p2 s1;
	v7 =	vld @p1 [tilespmem:s2+$0x0]  }
0x26: {  	v8 =	vld @p1 [tilespmem:s3+$0x0]  }
0x27: {  	vm0 =	vmmov @p1 vm0  }
0x28: {  	vm1 =	vmmov @p1 vm0;
	s1 =	spop @p2 (v2sf)  }
0x29: {  	vm0 =	vmmov @p1 vm1;
	s1 =	sadd.s32 @p2 s5, s1;
	s5 =	smov.u32 s19  }
0x2a: {  	vm0 =	vmmov @p1 vm0;
	s5 =	smov.u32 @p2 s1;
	v7 =	vpsel p1, v7, v0  }
0x2b: {  	s1 =	sadd.s32 @p1 $0x10, s2;
	v8 =	vpsel p1, v8, v0;
	[tilespmem:s5+$0x19300] =	vst.msk @p1 vm0, v7  }
0x2c: {  	s4 =	smov.u32 @p1 s1;
	s1 =	sadd.s32 @p1 $0x10, s3;
	[tilespmem:s5+$0x19480] =	vst.msk @p1 vm0, v8  }
0x2d: {  	s0 =	smov.u32 @p1 s1;
	v7 =	vld [tilespmem:s4+$0x0]  }
0x2e: {  	v8 =	vld [tilespmem:s0+$0x0]  }
0x2f: {  	s0 =	spop @p1 (v2sf)  }
0x30: {  	vm15 =	vmmov vm5;
	s0 =	sadd.s32 @p1 s5, s0  }
0x31: {  	vm0 =	vmmov vm15;
	s19 =	smov.u32 @p1 s0  }
0x32: {  	[tilespmem:s19+$0x19300] =	vst.msk vm0, v7  }
0x33: {  	[tilespmem:s19+$0x19480] =	vst.msk vm0, v8;
	s31 =	spop (v2sf)  }
.LBB2_81:
0x34: {  	v7 =	vld [tilespmem:$0x19300]  }
0x35: {  	v8 =	vld [tilespmem:$0x19310]  }
0x36: {  	v9 =	vld [tilespmem:$0x19320]  }
0x37: {  	v10 =	vld [tilespmem:$0x19330]  }
0x38: {  	v11 =	vld [tilespmem:$0x19340]  }
0x39: {  	v13 =	vld [tilespmem:$0x19350];
	v12 =	vshra.s32 v7, $0x1F  }
0x3a: {  	v15 =	vld [tilespmem:$0x19360];
	v14 =	vshra.s32 v8, $0x1F;
	v12 =	vshrl.u32 v12, $0x1  }
0x3b: {  	v16 =	vld [tilespmem:$0x19370];
	v42 =	vshra.s32 v9, $0x1F;
	v41 =	vshrl.u32 v14, $0x1;
	v7 =	vxor.u32 v7, v12  }
0x3c: {  	v44 =	vld [tilespmem:$0x19380];
	v43 =	vshra.s32 v10, $0x1F;
	[tilespmem:$0x19600] =	vst v7;
	v7 =	vxor.u32 v8, v41;
	v8 =	vshrl.u32 v42, $0x1  }
0x3d: {  	v46 =	vld [tilespmem:$0x19390];
	v45 =	vshra.s32 v11, $0x1F;
	[tilespmem:$0x19610] =	vst v7;
	v7 =	vxor.u32 v9, v8;
	v8 =	vshrl.u32 v43, $0x1  }
0x3e: {  	v48 =	vld [tilespmem:$0x193A0];
	v47 =	vshra.s32 v13, $0x1F;
	[tilespmem:$0x19620] =	vst v7;
	v7 =	vxor.u32 v10, v8;
	v8 =	vshrl.u32 v45, $0x1  }
0x3f: {  	v50 =	vld [tilespmem:$0x193B0];
	v49 =	vshra.s32 v15, $0x1F;
	[tilespmem:$0x19630] =	vst v7;
	v7 =	vxor.u32 v11, v8;
	v8 =	vshrl.u32 v47, $0x1  }
0x40: {  	v52 =	vld [tilespmem:$0x193C0];
	v51 =	vshra.s32 v16, $0x1F;
	[tilespmem:$0x19640] =	vst v7;
	v7 =	vxor.u32 v13, v8;
	v8 =	vshrl.u32 v49, $0x1  }
0x41: {  	v54 =	vld [tilespmem:$0x193D0];
	v53 =	vshra.s32 v44, $0x1F;
	[tilespmem:$0x19650] =	vst v7;
	v7 =	vxor.u32 v15, v8;
	v8 =	vshrl.u32 v51, $0x1  }
0x42: {  	v56 =	vld [tilespmem:$0x193E0];
	v55 =	vshra.s32 v46, $0x1F;
	[tilespmem:$0x19660] =	vst v7;
	v7 =	vxor.u32 v16, v8;
	v8 =	vshrl.u32 v53, $0x1  }
0x43: {  	v58 =	vld [tilespmem:$0x193F0];
	v57 =	vshra.s32 v48, $0x1F;
	[tilespmem:$0x19670] =	vst v7;
	v7 =	vxor.u32 v44, v8;
	v8 =	vshrl.u32 v55, $0x1  }
0x44: {  	v59 =	vshra.s32 v50, $0x1F;
	[tilespmem:$0x19680] =	vst v7;
	v7 =	vxor.u32 v46, v8;
	v8 =	vshrl.u32 v57, $0x1  }
0x45: {  	v60 =	vshra.s32 v52, $0x1F;
	[tilespmem:$0x19690] =	vst v7;
	v7 =	vxor.u32 v48, v8;
	v8 =	vshrl.u32 v59, $0x1  }
0x46: {  	v61 =	vshra.s32 v54, $0x1F;
	[tilespmem:$0x196A0] =	vst v7;
	v7 =	vxor.u32 v50, v8;
	v8 =	vshrl.u32 v60, $0x1  }
0x47: {  	v62 =	vshra.s32 v56, $0x1F;
	[tilespmem:$0x196B0] =	vst v7;
	v7 =	vxor.u32 v52, v8;
	v8 =	vshrl.u32 v61, $0x1  }
0x48: {  	s0 =	rddreg [dreg:$0x6];
	v63 =	vshra.s32 v58, $0x1F;
	[tilespmem:$0x196C0] =	vst v7;
	v7 =	vxor.u32 v54, v8;
	v8 =	vshrl.u32 v62, $0x1  }
0x49: {  	s0 =	sor.u32 s0, s11;
	[tilespmem:$0x196D0] =	vst v7;
	v7 =	vxor.u32 v56, v8;
	v8 =	vshrl.u32 v63, $0x1  }
0x4a: {  	s28 =	rddreg [dreg:$0x1];
	s1 =	sshrl.u32 s0, $0x3;
	[tilespmem:$0x196E0] =	vst v7;
	v7 =	vxor.u32 v58, v8  }
0x4b: {  	s3 =	simm.s32 $0x19600;
	s0 =	simm.s32 $0x80;
	s2 =	sadd.s32 s28, s1;
	[tilespmem:$0x196F0] =	vst v7  }
0x4c: {  	[hbm4b:s2+s0] =	stream.strided.scatter [tilespmem:s3], [sflag:$0x1], $0x100, s9, s0, $0x38;
	[tilespmem:$0x19780] =	vst v63  }
0x4d: {  	_ =	swait.ge [sflag:s10], $0x100  }
0x4e: {  	[sflag:s10] =	ssyncset.done $0x0  }
0x4f: {  	[sflag:s10] =	ssyncadd.s32 $0xFFFFFF00  }
0x50: {  	s29 =	rddreg [dreg:$0x2]  }
0x51: {  	s30 =	simm.s32 $0x19480;
	s1 =	sadd.s32 s29, s1  }
0x52: {  	[hbm4b:s1+s0] =	stream.strided.scatter [tilespmem:s30], [sflag:$0x1], $0x100, s9, s0, $0x38;
	[tilespmem:$0x19780] =	vst v63  }
0x53: {  	_ =	swait.ge [sflag:s10], $0x100  }
0x54: {  	s31 =	sld [smem:$0x7FD];
	_ =	sdelay $0x2  }
0x55: {  	p1 =	seq.s32 s31, $0x1  }
.Ltmp3:
0x56: {  	_ = 	snop;
	(pc) =	sbr.rel @!p1 .LBB2_82-.Ltmp3, $3  }
0x57: {  	_ =	sdelay $0x1  }
0x58: {  	[sflag:s10] =	ssyncset.done $0x0  }
0x59: {  	p0 =	por $0x0, $0x0;
	[sflag:s10] =	ssyncadd.s32 $0xFFFFFF00  }
.LBB2_2:
0x5a: {  	s1 =	rddreg [dreg:$0x8]  }
0x5b: {  	s29 =	rddreg [dreg:$0x5];
	s3 =	sor.u32 s1, s0  }
0x5c: {  	s0 =	sor.u32 s29, s3  }
0x5d: {  	s30 =	rddreg [dreg:$0x0];
	s0 =	sshrl.u32 s0, $0x3  }
0x5e: {  	s31 =	simm.s32 $0x0;
	s2 =	simm.s32 $0x80;
	s0 =	sadd.s32 s30, s0  }
0x5f: {  	[tilespmem:s31], [sflag:$0x1] =	stream.strided.gather [hbm4b:s0+s2], $0x8000, s9, s2, $0x38;
	[tilespmem:$0x19780] =	vst v63  }
0x60: {  	s0 =	simm.s32 @!p0 $0x0;
	_ =	swait.ge [sflag:s10], $0x8000  }
0x61: {  	s1 =	simm.s32 $0x200;
	s0 =	simm.s32 @p0 $0x1;
	[sflag:s10] =	ssyncset.done $0x0  }
0x62: {  	[smem:$0x7FD] =	sst s0;
	s0 =	simm.s32 $0x0;
	[sflag:s10] =	ssyncadd.s32 $0xFFFF8000  }
.LBB2_3:
0x63: {  	p0 =	sne.s32 s1, $0x3E00;
	[tilespmem:s0+$0x18270] =	vst v1  }
0x64: {  	[tilespmem:s0+$0x18200] =	vst v1  }
0x65: {  	[tilespmem:s0+$0x18210] =	vst v1  }
.Ltmp4:
0x66: {  	[tilespmem:s0+$0x18220] =	vst v1;
	(pc) =	sbr.rel @p0 .LBB2_3-.Ltmp4, $4  }
0x67: {  	[tilespmem:s0+$0x18230] =	vst v1  }
0x68: {  	[tilespmem:s0+$0x18240] =	vst v1  }
0x69: {  	[tilespmem:s0+$0x18250] =	vst v1  }
0x6a: {  	[tilespmem:s0+$0x18260] =	vst v1;
	s0 =	sshra.s32 s1, $0x2;
	s1 =	sadd.s32 $0x200, s1  }
0x6b: {  	[tilespmem:s0+$0x18270] =	vst v1  }
0x6c: {  	[tilespmem:s0+$0x18200] =	vst v1  }
0x6d: {  	[tilespmem:s0+$0x18210] =	vst v1  }
0x6e: {  	[tilespmem:s0+$0x18220] =	vst v1  }
0x6f: {  	[tilespmem:s0+$0x18230] =	vst v1  }
0x70: {  	[tilespmem:s0+$0x18240] =	vst v1  }
0x71: {  	[tilespmem:s0+$0x18250] =	vst v1  }
0x72: {  	[tilespmem:s0+$0x18260] =	vst v1;
	s31 =	simm.s32 $0x0  }
0x73: {  	v7 =	vld [tilespmem:s31+$0x30]  }
0x74: {  	v8 =	vld [tilespmem:s31+$0x20]  }
0x75: {  	v9 =	vld [tilespmem:s31+$0x10]  }
0x76: {  	v10 =	vld [tilespmem:s31+$0x0]  }
0x77: {  	v11 =	vld [tilespmem:s31+$0x40]  }
0x78: {  	v12 =	vld [tilespmem:s31+$0x50];
	_ =	sdelay $0x1  }
0x79: {  	v7 =	vadd.f32 $0.0e+00, v7  }
0x7a: {  	v8 =	vadd.f32 $0.0e+00, v8;
	v9 =	vadd.f32 $0.0e+00, v9  }
0x7b: {  	v10 =	vadd.f32 $0.0e+00, v10;
	v17 =	vadd.f32 $0.0e+00, v11  }
0x7c: {  	v15 =	vld [tilespmem:s31+$0x60];
	v12 =	vadd.f32 $0.0e+00, v12;
	v13 =	vshra.s32 v7, $0x1F;
	v7 =	vshrl.u32 v7, $0x18  }
0x7d: {  	v14 =	vshra.s32 v8, $0x1F;
	v8 =	vshrl.u32 v8, $0x18;
	v16 =	vshra.s32 v9, $0x1F  }
0x7e: {  	v9 =	vshrl.u32 v9, $0x18;
	v11 =	vshra.s32 v10, $0x1F;
	v10 =	vshrl.u32 v10, $0x18  }
0x7f: {  	v18 =	vld [tilespmem:s31+$0x70];
	v19 =	vshra.s32 v17, $0x1F;
	v16 =	vshrl.u32 v16, $0x19;
	v11 =	vshrl.u32 v11, $0x19  }
0x80: {  	v14 =	vshrl.u32 v14, $0x19;
	v10 =	vxor.u32 v10, v11;
	v11 =	vxor.u32 v9, v16  }
0x81: {  	v16 =	vadd.f32 $0.0e+00, v15;
	v14 =	vxor.u32 v8, v14;
	v9 =	vshll.u32 v10, $0x4  }
0x82: {  	v10 =	vshrl.u32 v12, $0x18;
	v12 =	vshra.s32 v12, $0x1F;
	v20 =	vxor.u32 v2, v9  }
0x83: {  	v11 =	vshll.u32 v11, $0x4;
	v15 =	vshll.u32 v14, $0x4;
	v9 =	vshrl.u32 v13, $0x19  }
0x84: {  	v13 =	vshra.s32 v16, $0x1F;
	v9 =	vxor.u32 v7, v9;
	v7 =	vadd.f32 $0.0e+00, v18  }
0x85: {  	v12 =	vshrl.u32 v12, $0x19;
	v14 =	vshrl.u32 v16, $0x18;
	v11 =	vxor.u32 v2, v11  }
0x86: {  	v16 =	vshrl.u32 v17, $0x18;
	v10 =	vxor.u32 v10, v12;
	v12 =	vshra.s32 v7, $0x1F  }
0x87: {  	s0 =	simm.s32 $0x200;
	v8 =	vshrl.u32 v13, $0x19;
	v13 =	vshrl.u32 v19, $0x19;
	v12 =	vshrl.u32 v12, $0x19;
	[tilespmem:v20+s13+$0x0] =	vst.idx.add.s32.msk $0xffff, v3  }
.LBB2_5:
0x88: {  	p1 =	sne.s32 s0, $0x1FE00;
	v15 =	vxor.u32 v2, v15;
	v9 =	vshll.u32 v9, $0x4;
	v13 =	vxor.u32 v16, v13;
	s1 =	smov.u32 s0;
	s0 =	sadd.s32 $0x200, s0  }
0x89: {  	v8 =	vxor.u32 v14, v8;
	v9 =	vxor.u32 v2, v9;
	v13 =	vshll.u32 v13, $0x4  }
0x8a: {  	v10 =	vshll.u32 v10, $0x4;
	v7 =	vshrl.u32 v7, $0x18;
	v13 =	vxor.u32 v2, v13  }
0x8b: {  	v10 =	vxor.u32 v2, v10;
	v8 =	vshll.u32 v8, $0x4;
	v7 =	vxor.u32 v7, v12  }
0x8c: {  	v8 =	vxor.u32 v2, v8;
	v7 =	vshll.u32 v7, $0x4;
	[tilespmem:v11+s13+$0x0] =	vst.idx.add.s32.msk $0xffff, v3  }
0x8d: {  	v7 =	vxor.u32 v2, v7;
	[tilespmem:v15+s13+$0x0] =	vst.idx.add.s32.msk $0xffff, v3  }
0x8e: {  	[tilespmem:v9+s13+$0x0] =	vst.idx.add.s32.msk $0xffff, v3  }
0x8f: {  	s1 =	sshra.s32 s1, $0x2;
	[tilespmem:v13+s13+$0x0] =	vst.idx.add.s32.msk $0xffff, v3  }
0x90: {  	[tilespmem:v10+s13+$0x0] =	vst.idx.add.s32.msk $0xffff, v3  }
0x91: {  	[tilespmem:v8+s13+$0x0] =	vst.idx.add.s32.msk $0xffff, v3  }
0x92: {  	[tilespmem:v7+s13+$0x0] =	vst.idx.add.s32.msk $0xffff, v3  }
0x93: {  	v7 =	vld [tilespmem:s1+$0x30]  }
0x94: {  	v8 =	vld [tilespmem:s1+$0x20]  }
0x95: {  	v9 =	vld [tilespmem:s1+$0x10]  }
0x96: {  	v10 =	vld [tilespmem:s1+$0x0]  }
0x97: {  	v11 =	vld [tilespmem:s1+$0x40]  }
0x98: {  	v7 =	vadd.f32 $0.0e+00, v7;
	v12 =	vld [tilespmem:s1+$0x50]  }
0x99: {  	v8 =	vadd.f32 $0.0e+00, v8  }
0x9a: {  	v9 =	vadd.f32 $0.0e+00, v9;
	v13 =	vshra.s32 v7, $0x1F;
	v7 =	vshrl.u32 v7, $0x18  }
0x9b: {  	v10 =	vadd.f32 $0.0e+00, v10;
	v14 =	vshra.s32 v8, $0x1F;
	v15 =	vld [tilespmem:s1+$0x60];
	v8 =	vshrl.u32 v8, $0x18  }
0x9c: {  	v16 =	vshra.s32 v9, $0x1F;
	v17 =	vadd.f32 $0.0e+00, v11;
	v9 =	vshrl.u32 v9, $0x18  }
0x9d: {  	v11 =	vshra.s32 v10, $0x1F;
	v12 =	vadd.f32 $0.0e+00, v12;
	v18 =	vld [tilespmem:s1+$0x70];
	v16 =	vshrl.u32 v16, $0x19  }
0x9e: {  	v14 =	vshrl.u32 v14, $0x19;
	v10 =	vshrl.u32 v10, $0x18;
	v11 =	vshrl.u32 v11, $0x19  }
0x9f: {  	v19 =	vshra.s32 v17, $0x1F;
	v10 =	vxor.u32 v10, v11;
	v11 =	vxor.u32 v9, v16  }
0xa0: {  	v16 =	vadd.f32 $0.0e+00, v15;
	v9 =	vshll.u32 v10, $0x4;
	v10 =	vshrl.u32 v12, $0x18  }
0xa1: {  	v12 =	vshra.s32 v12, $0x1F;
	v20 =	vxor.u32 v2, v9;
	v9 =	vshrl.u32 v13, $0x19  }
.Ltmp5:
0xa2: {  	v12 =	vshrl.u32 v12, $0x19;
	v13 =	vshra.s32 v16, $0x1F;
	v9 =	vxor.u32 v7, v9;
	(pc) =	sbr.rel @p1 .LBB2_5-.Ltmp5, $4  }
0xa3: {  	v14 =	vxor.u32 v8, v14;
	v7 =	vadd.f32 $0.0e+00, v18;
	v8 =	vshrl.u32 v13, $0x19  }
0xa4: {  	v11 =	vshll.u32 v11, $0x4;
	v10 =	vxor.u32 v10, v12;
	v13 =	vshrl.u32 v19, $0x19  }
0xa5: {  	v15 =	vshll.u32 v14, $0x4;
	v14 =	vshrl.u32 v16, $0x18;
	v12 =	vshra.s32 v7, $0x1F  }
0xa6: {  	v11 =	vxor.u32 v2, v11;
	v16 =	vshrl.u32 v17, $0x18;
	v12 =	vshrl.u32 v12, $0x19;
	[tilespmem:v20+s13+$0x0] =	vst.idx.add.s32.msk $0xffff, v3  }
0xa7: {  	v15 =	vxor.u32 v2, v15;
	v9 =	vshll.u32 v9, $0x4;
	v13 =	vxor.u32 v16, v13  }
0xa8: {  	v8 =	vxor.u32 v14, v8;
	v9 =	vxor.u32 v2, v9;
	v13 =	vshll.u32 v13, $0x4  }
0xa9: {  	v10 =	vshll.u32 v10, $0x4;
	v7 =	vshrl.u32 v7, $0x18;
	v13 =	vxor.u32 v2, v13  }
0xaa: {  	v10 =	vxor.u32 v2, v10;
	v8 =	vshll.u32 v8, $0x4;
	v7 =	vxor.u32 v7, v12  }
0xab: {  	[tilespmem:v11+s13+$0x0] =	vst.idx.add.s32.msk $0xffff, v3;
	v8 =	vxor.u32 v2, v8;
	v7 =	vshll.u32 v7, $0x4  }
0xac: {  	v7 =	vxor.u32 v2, v7;
	[tilespmem:v15+s13+$0x0] =	vst.idx.add.s32.msk $0xffff, v3  }
0xad: {  	[tilespmem:v9+s13+$0x0] =	vst.idx.add.s32.msk $0xffff, v3  }
0xae: {  	[tilespmem:v13+s13+$0x0] =	vst.idx.add.s32.msk $0xffff, v3  }
0xaf: {  	[tilespmem:v10+s13+$0x0] =	vst.idx.add.s32.msk $0xffff, v3  }
0xb0: {  	[tilespmem:v8+s13+$0x0] =	vst.idx.add.s32.msk $0xffff, v3  }
0xb1: {  	[dreg:$0x9] =	wrdreg s3;
	s4 =	simm.s32 $0x18280;
	[tilespmem:v7+s13+$0x0] =	vst.idx.add.s32.msk $0xffff, v3  }
0xb2: {  	s20 =	simm.s32 $0x0;
	s19 =	simm.s32 $0x40;
	s0 =	simm.s32 $0x0;
	v7 =	vld [tilespmem:s4+$0xFFFFFF80]  }
.LBB2_7:
0xb3: {  	p1 =	sne.s32 s19, $0x3C0;
	_ =	sdelay $0x3  }
0xb4: {  	(xrf0) =	vadd.scan.msk.s32 $0xffff, v7;
	_ =	sdelay $0x5  }
0xb5: {  	v7, _, _ =	vpop (xrf0)  }
0xb6: {  	[tilespmem:$0x19200] =	vst v7  }
0xb7: {  	v7 =	vld [tilespmem:s4+$0xFFFFFF90];
	_ =	sdelay $0x4  }
0xb8: {  	(xrf0) =	vadd.scan.msk.s32 $0xffff, v7;
	_ =	sdelay $0x5  }
0xb9: {  	v7, _, _ =	vpop (xrf0)  }
0xba: {  	[tilespmem:$0x19210] =	vst v7  }
0xbb: {  	v7 =	vld [tilespmem:s4+$0xFFFFFFA0];
	_ =	sdelay $0x4  }
0xbc: {  	(xrf0) =	vadd.scan.msk.s32 $0xffff, v7;
	_ =	sdelay $0x5  }
0xbd: {  	v7, _, _ =	vpop (xrf0)  }
0xbe: {  	[tilespmem:$0x19220] =	vst v7  }
0xbf: {  	v7 =	vld [tilespmem:s4+$0xFFFFFFB0];
	_ =	sdelay $0x4  }
0xc0: {  	(xrf0) =	vadd.scan.msk.s32 $0xffff, v7;
	_ =	sdelay $0x5  }
0xc1: {  	v7, _, _ =	vpop (xrf0)  }
0xc2: {  	[tilespmem:$0x19230] =	vst v7  }
0xc3: {  	v7 =	vld [tilespmem:s4+$0xFFFFFFC0];
	_ =	sdelay $0x4  }
0xc4: {  	(xrf0) =	vadd.scan.msk.s32 $0xffff, v7;
	_ =	sdelay $0x5  }
0xc5: {  	v7, _, _ =	vpop (xrf0)  }
0xc6: {  	[tilespmem:$0x19240] =	vst v7  }
0xc7: {  	v7 =	vld [tilespmem:s4+$0xFFFFFFD0];
	_ =	sdelay $0x4  }
0xc8: {  	(xrf0) =	vadd.scan.msk.s32 $0xffff, v7;
	_ =	sdelay $0x5  }
0xc9: {  	v7, _, _ =	vpop (xrf0)  }
0xca: {  	[tilespmem:$0x19250] =	vst v7  }
0xcb: {  	v7 =	vld [tilespmem:s4+$0xFFFFFFE0];
	_ =	sdelay $0x4  }
0xcc: {  	(xrf0) =	vadd.scan.msk.s32 $0xffff, v7;
	_ =	sdelay $0x5  }
0xcd: {  	v7, _, _ =	vpop (xrf0)  }
0xce: {  	[tilespmem:$0x19260] =	vst v7  }
0xcf: {  	v7 =	vld [tilespmem:s4+$0xFFFFFFF0];
	_ =	sdelay $0x4  }
0xd0: {  	(xrf0) =	vadd.scan.msk.s32 $0xffff, v7;
	_ =	sdelay $0x5  }
0xd1: {  	v7, _, _ =	vpop (xrf0)  }
0xd2: {  	[tilespmem:$0x19270] =	vst v7  }
0xd3: {  	v7 =	vld [tilespmem:s4+$0x0];
	_ =	sdelay $0x4  }
0xd4: {  	(xrf0) =	vadd.scan.msk.s32 $0xffff, v7;
	_ =	sdelay $0x5  }
0xd5: {  	v7, _, _ =	vpop (xrf0)  }
0xd6: {  	[tilespmem:$0x19280] =	vst v7  }
0xd7: {  	v7 =	vld [tilespmem:s4+$0x10];
	_ =	sdelay $0x4  }
0xd8: {  	(xrf0) =	vadd.scan.msk.s32 $0xffff, v7;
	_ =	sdelay $0x5  }
0xd9: {  	v7, _, _ =	vpop (xrf0)  }
0xda: {  	[tilespmem:$0x19290] =	vst v7  }
0xdb: {  	v7 =	vld [tilespmem:s4+$0x20];
	_ =	sdelay $0x4  }
0xdc: {  	(xrf0) =	vadd.scan.msk.s32 $0xffff, v7;
	_ =	sdelay $0x5  }
0xdd: {  	v7, _, _ =	vpop (xrf0)  }
0xde: {  	[tilespmem:$0x192A0] =	vst v7  }
0xdf: {  	v7 =	vld [tilespmem:s4+$0x30];
	_ =	sdelay $0x4  }
0xe0: {  	(xrf0) =	vadd.scan.msk.s32 $0xffff, v7;
	_ =	sdelay $0x5  }
0xe1: {  	v7, _, _ =	vpop (xrf0)  }
0xe2: {  	[tilespmem:$0x192B0] =	vst v7  }
0xe3: {  	v7 =	vld [tilespmem:s4+$0x40];
	_ =	sdelay $0x4  }
0xe4: {  	(xrf0) =	vadd.scan.msk.s32 $0xffff, v7;
	_ =	sdelay $0x5  }
0xe5: {  	v7, _, _ =	vpop (xrf0)  }
0xe6: {  	[tilespmem:$0x192C0] =	vst v7  }
0xe7: {  	v7 =	vld [tilespmem:s4+$0x50];
	_ =	sdelay $0x4  }
0xe8: {  	(xrf0) =	vadd.scan.msk.s32 $0xffff, v7;
	_ =	sdelay $0x5  }
0xe9: {  	v7, _, _ =	vpop (xrf0)  }
0xea: {  	[tilespmem:$0x192D0] =	vst v7  }
0xeb: {  	v7 =	vld [tilespmem:s4+$0x60];
	_ =	sdelay $0x4  }
0xec: {  	(xrf0) =	vadd.scan.msk.s32 $0xffff, v7;
	_ =	sdelay $0x5  }
0xed: {  	v7, _, _ =	vpop (xrf0)  }
0xee: {  	[tilespmem:$0x192E0] =	vst v7  }
0xef: {  	v7 =	vld [tilespmem:s4+$0x70];
	_ =	sdelay $0x4  }
0xf0: {  	(xrf0) =	vadd.scan.msk.s32 $0xffff, v7;
	_ =	sdelay $0x5  }
0xf1: {  	v7, _, _ =	vpop (xrf0)  }
0xf2: {  	[tilespmem:$0x192F0] =	vst v7  }
0xf3: {  	v7 =	vld.idx.msk [tilespmem:v4+s14+$0x0], $0xffff;
	_ =	sdelay $0x2  }
.Ltmp6:
0xf4: {  	(pc) =	sbr.rel @p1 .LBB2_7-.Ltmp6, $4  }
0xf5: {  	_ = 	snop  }
0xf6: {  	s1 =	sshra.s32 s0, $0x2;
	s0 =	smov.u32 s19  }
0xf7: {  	s4 =	sadd.s32 $0x100, s4;
	[tilespmem:s1+$0x18100] =	vst v7  }
0xf8: {  	s19 =	sadd.s32 $0x40, s19;
	v7 =	vld [tilespmem:s4+$0xFFFFFF80]  }
0xf9: {  	_ =	sdelay $0x3  }
0xfa: {  	(xrf0) =	vadd.scan.msk.s32 $0xffff, v7;
	_ =	sdelay $0x5  }
0xfb: {  	v7, _, _ =	vpop (xrf0)  }
0xfc: {  	[tilespmem:$0x19200] =	vst v7  }
0xfd: {  	v7 =	vld [tilespmem:s4+$0xFFFFFF90];
	_ =	sdelay $0x4  }
0xfe: {  	(xrf0) =	vadd.scan.msk.s32 $0xffff, v7;
	_ =	sdelay $0x5  }
0xff: {  	v7, _, _ =	vpop (xrf0)  }
0x100: {  	[tilespmem:$0x19210] =	vst v7  }
0x101: {  	v7 =	vld [tilespmem:s4+$0xFFFFFFA0];
	_ =	sdelay $0x4  }
0x102: {  	(xrf0) =	vadd.scan.msk.s32 $0xffff, v7;
	_ =	sdelay $0x5  }
0x103: {  	v7, _, _ =	vpop (xrf0)  }
0x104: {  	[tilespmem:$0x19220] =	vst v7  }
0x105: {  	v7 =	vld [tilespmem:s4+$0xFFFFFFB0];
	_ =	sdelay $0x4  }
0x106: {  	(xrf0) =	vadd.scan.msk.s32 $0xffff, v7;
	_ =	sdelay $0x5  }
0x107: {  	v7, _, _ =	vpop (xrf0)  }
0x108: {  	[tilespmem:$0x19230] =	vst v7  }
0x109: {  	v7 =	vld [tilespmem:s4+$0xFFFFFFC0];
	_ =	sdelay $0x4  }
0x10a: {  	(xrf0) =	vadd.scan.msk.s32 $0xffff, v7;
	_ =	sdelay $0x5  }
0x10b: {  	v7, _, _ =	vpop (xrf0)  }
0x10c: {  	[tilespmem:$0x19240] =	vst v7  }
0x10d: {  	v7 =	vld [tilespmem:s4+$0xFFFFFFD0];
	_ =	sdelay $0x4  }
0x10e: {  	(xrf0) =	vadd.scan.msk.s32 $0xffff, v7;
	_ =	sdelay $0x5  }
0x10f: {  	v7, _, _ =	vpop (xrf0)  }
0x110: {  	[tilespmem:$0x19250] =	vst v7  }
0x111: {  	v7 =	vld [tilespmem:s4+$0xFFFFFFE0];
	_ =	sdelay $0x4  }
0x112: {  	(xrf0) =	vadd.scan.msk.s32 $0xffff, v7;
	_ =	sdelay $0x5  }
0x113: {  	v7, _, _ =	vpop (xrf0)  }
0x114: {  	[tilespmem:$0x19260] =	vst v7  }
0x115: {  	v7 =	vld [tilespmem:s4+$0xFFFFFFF0];
	_ =	sdelay $0x4  }
0x116: {  	(xrf0) =	vadd.scan.msk.s32 $0xffff, v7;
	_ =	sdelay $0x5  }
0x117: {  	v7, _, _ =	vpop (xrf0)  }
0x118: {  	[tilespmem:$0x19270] =	vst v7  }
0x119: {  	v7 =	vld [tilespmem:s4+$0x0];
	_ =	sdelay $0x4  }
0x11a: {  	(xrf0) =	vadd.scan.msk.s32 $0xffff, v7;
	_ =	sdelay $0x5  }
0x11b: {  	v7, _, _ =	vpop (xrf0)  }
0x11c: {  	[tilespmem:$0x19280] =	vst v7  }
0x11d: {  	v7 =	vld [tilespmem:s4+$0x10];
	_ =	sdelay $0x4  }
0x11e: {  	(xrf0) =	vadd.scan.msk.s32 $0xffff, v7;
	_ =	sdelay $0x5  }
0x11f: {  	v7, _, _ =	vpop (xrf0)  }
0x120: {  	[tilespmem:$0x19290] =	vst v7  }
0x121: {  	v7 =	vld [tilespmem:s4+$0x20];
	_ =	sdelay $0x4  }
0x122: {  	(xrf0) =	vadd.scan.msk.s32 $0xffff, v7;
	_ =	sdelay $0x5  }
0x123: {  	v7, _, _ =	vpop (xrf0)  }
0x124: {  	[tilespmem:$0x192A0] =	vst v7  }
0x125: {  	v7 =	vld [tilespmem:s4+$0x30];
	_ =	sdelay $0x4  }
0x126: {  	(xrf0) =	vadd.scan.msk.s32 $0xffff, v7;
	_ =	sdelay $0x5  }
0x127: {  	v7, _, _ =	vpop (xrf0)  }
0x128: {  	[tilespmem:$0x192B0] =	vst v7  }
0x129: {  	v7 =	vld [tilespmem:s4+$0x40];
	_ =	sdelay $0x4  }
0x12a: {  	(xrf0) =	vadd.scan.msk.s32 $0xffff, v7;
	_ =	sdelay $0x5  }
0x12b: {  	v7, _, _ =	vpop (xrf0)  }
0x12c: {  	[tilespmem:$0x192C0] =	vst v7  }
0x12d: {  	v7 =	vld [tilespmem:s4+$0x50];
	_ =	sdelay $0x4  }
0x12e: {  	(xrf0) =	vadd.scan.msk.s32 $0xffff, v7;
	_ =	sdelay $0x5  }
0x12f: {  	v7, _, _ =	vpop (xrf0)  }
0x130: {  	[tilespmem:$0x192D0] =	vst v7  }
0x131: {  	v7 =	vld [tilespmem:s4+$0x60];
	_ =	sdelay $0x4  }
0x132: {  	(xrf0) =	vadd.scan.msk.s32 $0xffff, v7;
	_ =	sdelay $0x5  }
0x133: {  	v7, _, _ =	vpop (xrf0)  }
0x134: {  	[tilespmem:$0x192E0] =	vst v7  }
0x135: {  	v7 =	vld [tilespmem:s4+$0x70];
	_ =	sdelay $0x4  }
0x136: {  	(xrf0) =	vadd.scan.msk.s32 $0xffff, v7;
	_ =	sdelay $0x5  }
0x137: {  	v7, _, _ =	vpop (xrf0)  }
0x138: {  	[tilespmem:$0x192F0] =	vst v7  }
0x139: {  	v7 =	vld.idx.msk [tilespmem:v4+s14+$0x0], $0xffff;
	_ =	sdelay $0x3  }
0x13a: {  	s0 =	sshra.s32 s0, $0x2  }
0x13b: {  	s3 =	simm.s32 $0x181F0;
	[tilespmem:s0+$0x18100] =	vst v7  }
0x13c: {  	v7 =	vld [tilespmem:s3+$0x0];
	_ =	sdelay $0x4  }
0x13d: {  	v7 =	vperm.xlane v7, v5;
	_ =	sdelay $0x1  }
0x13e: {  	(xrf0) =	vadd.scan.msk.s32 $0xffff, v7;
	_ =	sdelay $0x2  }
0x13f: {  	s4 =	simm.s32 $0x181E0  }
0x140: {  	v8 =	vld [tilespmem:s4+$0x0];
	_ =	sdelay $0x1  }
0x141: {  	v9, _, _ =	vpop (xrf0)  }
0x142: {  	v10 =	vxor.u32 $0x80000000, v9  }
0x143: {  	(xrf0) =	vmax.scan.msk.u32 $0xffff, v10  }
0x144: {  	v8 =	vperm.xlane v8, v5;
	_ =	sdelay $0x1  }
0x145: {  	(xrf0) =	vadd.scan.msk.s32 $0xffff, v8;
	_ =	sdelay $0x1  }
0x146: {  	s5 =	simm.s32 $0x181D0  }
0x147: {  	v10 =	vld [tilespmem:s5+$0x0];
	v11, _, _ =	vpop (xrf0)  }
0x148: {  	(v2sf) =	vpush v11, $0xF;
	_ =	sdelay $0x1  }
0x149: {  	v11, _, _ =	vpop (xrf0)  }
0x14a: {  	v12 =	vxor.u32 $0x80000000, v11  }
0x14b: {  	v10 =	vperm.xlane v10, v5;
	(xrf0) =	vmax.scan.msk.u32 $0xffff, v12;
	_ =	sdelay $0x1  }
0x14c: {  	(xrf0) =	vadd.scan.msk.s32 $0xffff, v10  }
0x14d: {  	s6 =	simm.s32 $0x181C0  }
0x14e: {  	v12 =	vld [tilespmem:s6+$0x0];
	_ =	sdelay $0x1  }
0x14f: {  	v9 =	vadd.s32 s20, v9;
	v13, _, _ =	vpop (xrf0)  }
0x150: {  	vm0 =	vgt.s32 v9, $0xFF;
	(v2sf) =	vpush v13, $0xF  }
0x151: {  	v13 =	vnsel vm0, $0x80000010, v6;
	v14, _, _ =	vpop (xrf0)  }
0x152: {  	v12 =	vperm.xlane v12, v5;
	(xrf0) =	vmin.scan.msk.u32 $0xffff, v13;
	v13 =	vxor.u32 $0x80000000, v14  }
0x153: {  	(xrf0) =	vmax.scan.msk.u32 $0xffff, v13  }
0x154: {  	(xrf0) =	vadd.scan.msk.s32 $0xffff, v12;
	s7 =	spop (v2sf)  }
0x155: {  	s0 =	sadd.s32 $0x0, s7  }
0x156: {  	s0 =	sadd.s32 $0x80000000, s0  }
0x157: {  	s1 =	simm.s32 $0x181B0;
	v11 =	vadd.s32 s0, v11  }
0x158: {  	v13 =	vld [tilespmem:s1+$0x0];
	v15, _, _ =	vpop (xrf0);
	vm9 =	vgt.s32 v11, $0xFF  }
0x159: {  	v16, _, _ =	vpop (xrf0);
	v17 =	vnsel vm9, $0x80000010, v6  }
0x15a: {  	v18, _, _ =	vpop (xrf0);
	(xrf0) =	vmin.scan.msk.u32 $0xffff, v17  }
0x15b: {  	v17 =	vxor.u32 $0x80000000, v18  }
0x15c: {  	(xrf0) =	vmax.scan.msk.u32 $0xffff, v17  }
0x15d: {  	v13 =	vperm.xlane v13, v5;
	(v2sf) =	vpush v15, $0xF  }
0x15e: {  	(v2sf) =	vpush v16, $0xF  }
0x15f: {  	(xrf0) =	vadd.scan.msk.s32 $0xffff, v13;
	s8 =	spop (v2sf)  }
0x160: {  	s0 =	sadd.s32 s8, s0;
	v15, _, _ =	vpop (xrf0)  }
0x161: {  	s0 =	sadd.s32 $0x80000000, s0;
	(v2sf) =	vpush v15, $0xF  }
0x162: {  	v14 =	vadd.s32 s0, v14;
	v15, _, _ =	vpop (xrf0)  }
0x163: {  	vm10 =	vgt.s32 v14, $0xFF;
	(v2sf) =	vpush v15, $0xF  }
0x164: {  	s9 =	simm.s32 $0x181A0;
	v15 =	vnsel vm10, $0x80000010, v6  }
0x165: {  	v16, _, _ =	vpop (xrf0);
	(xrf0) =	vmin.scan.msk.u32 $0xffff, v15;
	v15 =	vld [tilespmem:s9+$0x0]  }
0x166: {  	v17 =	vxor.u32 $0x80000000, v16  }
0x167: {  	(xrf0) =	vmax.scan.msk.u32 $0xffff, v17;
	_ =	sdelay $0x2  }
0x168: {  	v15 =	vperm.xlane v15, v5;
	_ =	sdelay $0x1  }
0x169: {  	s11 =	simm.s32 $0x18190;
	s10 =	spop (v2sf);
	v17, _, _ =	vpop (xrf0);
	(xrf0) =	vadd.scan.msk.s32 $0xffff, v15  }
0x16a: {  	v19 =	vld [tilespmem:s11+$0x0];
	s2 =	sxor.u32 $0x80000000, s10;
	s3 =	spop (v2sf);
	(v2sf) =	vpush v17, $0xF;
	v17, _, _ =	vpop (xrf0)  }
0x16b: {  	s0 =	sadd.s32 s3, s0;
	(v2sf) =	vpush v17, $0xF;
	v17 =	vmov s2  }
0x16c: {  	v7 =	vxor.u32 $0x80000000, v7;
	s3 =	sadd.s32 $0x80000000, s0;
	vm11 =	veq.s32 v17, v0  }
0x16d: {  	v9 =	vxor.u32 $0x80000000, v9;
	v17 =	vadd.s32 s3, v18;
	v7 =	vnsel vm11, $0x80000000, v7;
	s12 =	spop (v2sf)  }
0x16e: {  	v9 =	vnsel vm11, $0x80000000, v9;
	vm12 =	vgt.s32 v17, $0xFF;
	(xrf0) =	vmax.scan.msk.u32 $0xffff, v7;
	s5 =	sxor.u32 $0x80000000, s12  }
0x16f: {  	v19 =	vperm.xlane v19, v5;
	v7 =	vnsel vm12, $0x80000010, v6;
	(xrf0) =	vmax.scan.msk.u32 $0xffff, v9;
	v18, _, _ =	vpop (xrf0);
	s6 =	spop (v2sf);
	v9 =	vmov s5  }
0x170: {  	v8 =	vxor.u32 $0x80000000, v8;
	(xrf0) =	vmin.scan.msk.u32 $0xffff, v7;
	v7 =	vxor.u32 $0x80000000, v18;
	s3 =	sadd.s32 s6, s3;
	vm13 =	veq.s32 v9, v0  }
0x171: {  	(xrf0) =	vmax.scan.msk.u32 $0xffff, v7;
	s16 =	sadd.s32 $0x80000000, s3;
	v8 =	vnsel vm13, $0x80000000, v8  }
0x172: {  	s29 =	simm.s32 $0x800000BF;
	s28 =	simm.s32 $0x800000AF;
	v7 =	vxor.u32 $0x80000000, v11;
	(xrf0) =	vadd.scan.msk.s32 $0xffff, v19;
	v16 =	vadd.s32 s16, v16  }
0x173: {  	s26 =	simm.s32 $0x8000009F;
	s25 =	simm.s32 $0x8000008F;
	v7 =	vnsel vm13, $0x80000000, v7;
	(xrf0) =	vmax.scan.msk.u32 $0xffff, v8;
	vm14 =	vgt.s32 v16, $0xFF  }
0x174: {  	p0 =	por $0x0, $0x0;
	s24 =	simm.s32 $0x8000007F;
	s22 =	simm.s32 $0x8000006F;
	(xrf0) =	vmax.scan.msk.u32 $0xffff, v7;
	v7 =	vnsel vm14, $0x80000010, v6;
	v8, _, _ =	vpop (xrf0)  }
0x175: {  	s19 =	simm.s32 $0x8000005F;
	s17 =	simm.s32 $0x18180;
	s21 =	simm.s32 $0x0;
	(v2sf) =	vpush v8, $0xF;
	v8, _, _ =	vpop (xrf0)  }
0x176: {  	s23 =	simm.s32 $0x8000004F;
	p1 =	por !p0, !p0;
	p2 =	slt.s32 s2, $0x10;
	(v2sf) =	vpush v8, $0xF  }
0x177: {  	s1 =	ssub.s32 $0x800000FF, s10;
	p3 =	por !p2, !p1;
	p0 =	por p0, p2;
	(xrf0) =	vmin.scan.msk.u32 $0xffff, v7;
	v7, _, _ =	vpop (xrf0)  }
0x178: {  	v20 =	vld [tilespmem:s17+$0x0];
	s0 =	simm.s32 $0x800000CF;
	p4 =	por !p0, !p0;
	p2 =	por !p3, !p3;
	(v2sf) =	vpush v7, $0xF  }
0x179: {  	v21 =	vxor.u32 $0x80000000, v10;
	s21 =	smov.u32 @p2 s1;
	p2 =	por p2, p2;
	p5 =	slt.s32 s5, $0x10;
	v8, _, _ =	vpop (xrf0)  }
0x17a: {  	v10 =	vxor.u32 $0x80000000, v12;
	p2 =	por p2, p2;
	s1 =	ssub.s32 $0x800000EF, s12;
	v11 =	vxor.u32 $0x80000000, v13;
	p0 =	por p0, p5;
	v9 =	vxor.u32 $0x80000000, v15;
	v15, _, _ =	vpop (xrf0)  }
0x17b: {  	p1 =	por !p5, !p4;
	s3 =	simm.s32 $0x8000003F;
	s18 =	spop (v2sf);
	v7 =	vxor.u32 $0x80000000, v19;
	(v2sf) =	vpush v8, $0xF;
	v8 =	vxor.u32 $0x80000000, v15;
	v19, _, _ =	vpop (xrf0)  }
0x17c: {  	v13 =	vxor.u32 $0x80000000, v17;
	p1 =	por !p1, !p1;
	v12 =	vxor.u32 $0x80000000, v16;
	s30 =	sxor.u32 $0x80000000, s18;
	s31 =	spop (v2sf);
	(xrf0) =	vmax.scan.msk.u32 $0xffff, v8;
	(v2sf) =	vpush v19, $0xF;
	v16, _, _ =	vpop (xrf0)  }
0x17d: {  	v17 =	vperm.xlane v20, v5;
	p6 =	por !p0, !p0;
	s21 =	smov.u32 @p1 s1;
	p1 =	por p1, p1;
	v63 =	vmov s30;
	(v2sf) =	vpush v16, $0xF;
	v19, _, _ =	vpop (xrf0)  }
0x17e: {  	s1 =	simm.s32 $0x18170;
	p4 =	slt.s32 s30, $0x10;
	s2 =	sadd.s32 s31, s16;
	vm15 =	veq.s32 v63, v0;
	(v2sf) =	vpush v19, $0xF  }
0x17f: {  	v14 =	vxor.u32 $0x80000000, v14;
	p5 =	por !p4, !p6;
	p3 =	por p0, p4;
	s2 =	sadd.s32 $0x80000000, s2;
	v20 =	vnsel vm15, $0x80000000, v21;
	(xrf0) =	vadd.scan.msk.s32 $0xffff, v17  }
0x180: {  	s4 =	ssub.s32 $0x800000DF, s18;
	v8 =	vxor.u32 $0x80000000, v17;
	p4 =	por !p3, !p3;
	p5 =	por !p5, !p5;
	v17 =	vnsel vm15, $0x80000000, v14;
	v14 =	vld [tilespmem:s1+$0x0];
	v16 =	vadd.s32 s2, v18;
	(xrf0) =	vmax.scan.msk.u32 $0xffff, v20  }
.LBB2_9:
0x181: {  	p6 =	sne.s32 s3, $0x8000000F;
	s21 =	smov.u32 @p5 s4  }
0x182: {  	v18, _, _ =	vpop (xrf0);
	vm0 =	vgt.s32 v16, $0xFF;
	v19 =	vxor.u32 $0x80000000, v16;
	(xrf0) =	vmax.scan.msk.u32 $0xffff, v17;
	s5 =	smov.u32 s28;
	s28 =	smov.u32 s26;
	s26 =	smov.u32 s25  }
0x183: {  	v16 =	vmovc v10;
	v10 =	vmovc v11;
	v11 =	vmov v9;
	v9 =	vmov v7;
	v7 =	vmov v8;
	p0 =	por p2, p2;
	p2 =	por p1, p1;
	p1 =	por p5, p5  }
0x184: {  	s25 =	smov.u32 s24;
	s24 =	smov.u32 s22;
	(v2sf) =	vpush v18, $0xF;
	v8 =	vnsel vm0, $0x80000010, v6;
	s4 =	spop (v2sf)  }
0x185: {  	s22 =	smov.u32 s19;
	v18, _, _ =	vpop (xrf0);
	(xrf0) =	vmin.scan.msk.u32 $0xffff, v8;
	s4 =	sxor.u32 $0x80000000, s4;
	s6 =	spop (v2sf)  }
0x186: {  	s19 =	smov.u32 s23;
	s23 =	smov.u32 s3;
	v8 =	vxor.u32 $0x80000000, v18;
	s6 =	sxor.u32 $0x80000000, s6  }
0x187: {  	s7 =	spop (v2sf)  }
0x188: {  	v14 =	vperm.xlane v14, v5;
	(xrf0) =	vmax.scan.msk.u32 $0xffff, v8;
	s6 =	ssub.s32 s6, s4;
	s8 =	sxor.u32 $0x80000000, s7  }
.Ltmp7:
0x189: {  	s4 =	ssub.s32 s0, s7;
	v17, _, _ =	vpop (xrf0);
	s20 =	smov.u32 @p0 s6;
	(pc) =	sbr.rel @p6 .LBB2_9-.Ltmp7, $4  }
0x18a: {  	s0 =	smov.u32 s29;
	v8 =	vxor.u32 $0x80000000, v14;
	(xrf0) =	vadd.scan.msk.s32 $0xffff, v14;
	s6 =	spop (v2sf);
	p5 =	slt.s32 s8, $0x10;
	v14 =	vmov s8;
	(v2sf) =	vpush v17, $0xF;
	v17, _, _ =	vpop (xrf0)  }
0x18b: {  	s2 =	sadd.s32 s6, s2;
	vm0 =	veq.s32 v14, v0;
	p0 =	por !p5, !p4;
	p3 =	por p3, p5;
	(v2sf) =	vpush v17, $0xF  }
0x18c: {  	s1 =	sadd.s32 $0xFFFFFFF0, s1;
	s2 =	sadd.s32 $0x80000000, s2;
	v20, _, _ =	vpop (xrf0);
	p4 =	por !p3, !p3;
	v21 =	vnsel vm0, $0x80000000, v16;
	v17 =	vnsel vm0, $0x80000000, v13;
	v13 =	vmov v12  }
0x18d: {  	s3 =	sadd.s32 $0xFFFFFFF0, s3;
	s29 =	smov.u32 s5;
	p5 =	por !p0, !p0;
	v12 =	vmovc v19;
	v14 =	vld [tilespmem:s1+$0x0];
	v16 =	vadd.s32 s2, v15;
	(v2sf) =	vpush v20, $0xF;
	(xrf0) =	vmax.scan.msk.u32 $0xffff, v21;
	v15 =	vmov v18  }
0x18e: {  	_ = 	snop  }
0x18f: {  	v18, _, _ =	vpop (xrf0);
	vm0 =	vgt.s32 v16, $0xFF  }
0x190: {  	(xrf0) =	vmax.scan.msk.u32 $0xffff, v17;
	(v2sf) =	vpush v18, $0xF;
	v48 =	vnsel vm0, $0x80000010, v6;
	v49, _, _ =	vpop (xrf0)  }
0x191: {  	(xrf0) =	vmin.scan.msk.u32 $0xffff, v48;
	v50 =	vxor.u32 $0x80000000, v49  }
0x192: {  	(xrf0) =	vmax.scan.msk.u32 $0xffff, v50  }
0x193: {  	s3 =	spop (v2sf);
	v14 =	vperm.xlane v14, v5  }
0x194: {  	s7 =	spop (v2sf)  }
0x195: {  	s9 =	spop (v2sf);
	v51, _, _ =	vpop (xrf0);
	(xrf0) =	vadd.scan.msk.s32 $0xffff, v14  }
0x196: {  	s1 =	sadd.s32 $0xFFFFFFF0, s1;
	s10 =	sxor.u32 $0x80000000, s9;
	s8 =	spop (v2sf);
	(v2sf) =	vpush v51, $0xF;
	v52, _, _ =	vpop (xrf0)  }
0x197: {  	v20 =	vld [tilespmem:s1+$0x0];
	v19 =	vmov s10;
	s2 =	sadd.s32 s8, s2;
	(v2sf) =	vpush v52, $0xF;
	v53, _, _ =	vpop (xrf0)  }
0x198: {  	vm13 =	veq.s32 v19, v0;
	s2 =	sadd.s32 $0x80000000, s2;
	(v2sf) =	vpush v53, $0xF;
	v54, _, _ =	vpop (xrf0)  }
0x199: {  	v10 =	vnsel vm13, $0x80000000, v10;
	v15 =	vadd.s32 s2, v15;
	(v2sf) =	vpush v54, $0xF  }
0x19a: {  	v13 =	vnsel vm13, $0x80000000, v13;
	(xrf0) =	vmax.scan.msk.u32 $0xffff, v10;
	vm14 =	vgt.s32 v15, $0xFF  }
0x19b: {  	(xrf0) =	vmax.scan.msk.u32 $0xffff, v13;
	v55 =	vnsel vm14, $0x80000010, v6;
	v56, _, _ =	vpop (xrf0)  }
0x19c: {  	v10 =	vperm.xlane v20, v5;
	s11 =	spop (v2sf);
	(xrf0) =	vmin.scan.msk.u32 $0xffff, v55;
	v57 =	vxor.u32 $0x80000000, v56  }
0x19d: {  	s12 =	spop (v2sf);
	(xrf0) =	vmax.scan.msk.u32 $0xffff, v57  }
0x19e: {  	s1 =	sadd.s32 $0xFFFFFFF0, s1;
	s8 =	spop (v2sf);
	(xrf0) =	vadd.scan.msk.s32 $0xffff, v10  }
0x19f: {  	[dreg:$0x18] =	wrdreg s11;
	s11 =	sxor.u32 $0x80000000, s8;
	s16 =	spop (v2sf)  }
0x1a0: {  	v60 =	vld [tilespmem:s1+$0x0];
	v58, _, _ =	vpop (xrf0);
	v59 =	vmov s11;
	s2 =	sadd.s32 s16, s2  }
0x1a1: {  	v21, _, _ =	vpop (xrf0);
	vm15 =	veq.s32 v59, v0;
	s2 =	sadd.s32 $0x80000000, s2  }
0x1a2: {  	v61, _, _ =	vpop (xrf0);
	v11 =	vnsel vm15, $0x80000000, v11;
	v18 =	vadd.s32 s2, v49  }
0x1a3: {  	v12 =	vnsel vm15, $0x80000000, v12;
	(xrf0) =	vmax.scan.msk.u32 $0xffff, v11;
	v22, _, _ =	vpop (xrf0);
	vm4 =	vgt.s32 v18, $0xFF  }
0x1a4: {  	(v2sf) =	vpush v58, $0xF;
	(xrf0) =	vmax.scan.msk.u32 $0xffff, v12;
	v62 =	vnsel vm4, $0x80000010, v6;
	v63, _, _ =	vpop (xrf0)  }
0x1a5: {  	v24 =	vperm.xlane v60, v5;
	(v2sf) =	vpush v21, $0xF;
	s17 =	spop (v2sf);
	(xrf0) =	vmin.scan.msk.u32 $0xffff, v62;
	v23 =	vxor.u32 $0x80000000, v63  }
0x1a6: {  	(v2sf) =	vpush v61, $0xF;
	s18 =	spop (v2sf);
	(xrf0) =	vmax.scan.msk.u32 $0xffff, v23  }
0x1a7: {  	s16 =	spop (v2sf);
	(xrf0) =	vadd.scan.msk.s32 $0xffff, v24  }
0x1a8: {  	s5 =	sxor.u32 $0x80000000, s16;
	s30 =	spop (v2sf)  }
0x1a9: {  	v25, _, _ =	vpop (xrf0);
	v26 =	vmov s5;
	s2 =	sadd.s32 s30, s2  }
0x1aa: {  	[dreg:$0x10] =	wrdreg s3;
	v27, _, _ =	vpop (xrf0);
	vm5 =	veq.s32 v26, v0;
	s3 =	sadd.s32 $0x80000000, s2  }
0x1ab: {  	v28 =	vxor.u32 $0x80000000, v16;
	v29, _, _ =	vpop (xrf0);
	v9 =	vnsel vm5, $0x80000000, v9;
	v13 =	vadd.s32 s3, v56  }
0x1ac: {  	v16 =	vnsel vm5, $0x80000000, v28;
	(xrf0) =	vmax.scan.msk.u32 $0xffff, v9;
	v30, _, _ =	vpop (xrf0);
	vm6 =	vgt.s32 v13, $0xFF  }
0x1ad: {  	(xrf0) =	vmax.scan.msk.u32 $0xffff, v16;
	v32, _, _ =	vpop (xrf0);
	v31 =	vnsel vm6, $0x80000010, v6  }
0x1ae: {  	(v2sf) =	vpush v22, $0xF;
	v33 =	vxor.u32 $0x80000000, v32;
	(xrf0) =	vmin.scan.msk.u32 $0xffff, v31  }
0x1af: {  	(v2sf) =	vpush v25, $0xF;
	(xrf0) =	vmax.scan.msk.u32 $0xffff, v33  }
0x1b0: {  	(v2sf) =	vpush v27, $0xF  }
0x1b1: {  	s1 =	sadd.s32 $0xFFFFFFF0, s1;
	(v2sf) =	vpush v29, $0xF  }
0x1b2: {  	v37 =	vld [tilespmem:s1+$0x0];
	(v2sf) =	vpush v30, $0xF;
	v34, _, _ =	vpop (xrf0)  }
0x1b3: {  	[smem:$0x7F7] =	sst s17;
	s17 =	spop (v2sf);
	(v2sf) =	vpush v34, $0xF;
	v35, _, _ =	vpop (xrf0)  }
0x1b4: {  	[dreg:$0x1c] =	wrdreg s12;
	s12 =	spop (v2sf);
	(v2sf) =	vpush v35, $0xF;
	v36, _, _ =	vpop (xrf0)  }
0x1b5: {  	s2 =	spop (v2sf);
	(v2sf) =	vpush v36, $0xF;
	v38, _, _ =	vpop (xrf0)  }
0x1b6: {  	[dreg:$0x14] =	wrdreg s7;
	s7 =	sxor.u32 $0x80000000, s2;
	(v2sf) =	vpush v38, $0xF  }
0x1b7: {  	v39 =	vperm.xlane v37, v5;
	v40 =	vmov s7  }
0x1b8: {  	vm7 =	veq.s32 v40, v0  }
0x1b9: {  	(xrf0) =	vadd.scan.msk.s32 $0xffff, v39;
	v7 =	vnsel vm7, $0x80000000, v7  }
0x1ba: {  	v15 =	vxor.u32 $0x80000000, v15;
	(xrf0) =	vmax.scan.msk.u32 $0xffff, v7  }
0x1bb: {  	v15 =	vnsel vm7, $0x80000000, v15  }
0x1bc: {  	(xrf0) =	vmax.scan.msk.u32 $0xffff, v15  }
0x1bd: {  	s6 =	spop (v2sf)  }
0x1be: {  	s31 =	spop (v2sf)  }
0x1bf: {  	[smem:$0x7F8] =	sst s18;
	s3 =	sadd.s32 s6, s3;
	s18 =	spop (v2sf);
	v41, _, _ =	vpop (xrf0)  }
0x1c0: {  	s6 =	sadd.s32 $0x80000000, s3;
	[smem:$0x7FA] =	sst s18;
	s18 =	spop (v2sf);
	v44, _, _ =	vpop (xrf0)  }
0x1c1: {  	v7 =	vadd.s32 s6, v63;
	[smem:$0x7F9] =	sst s31;
	s31 =	spop (v2sf);
	(v2sf) =	vpush v44, $0xF  }
0x1c2: {  	vm8 =	vgt.s32 v7, $0xFF;
	s3 =	sxor.u32 $0x80000000, s18;
	v47, _, _ =	vpop (xrf0);
	s30 =	spop (v2sf)  }
0x1c3: {  	v43 =	vnsel vm8, $0x80000010, v6;
	s6 =	sadd.s32 s31, s6;
	v45 =	vmov s3;
	(v2sf) =	vpush v47, $0xF;
	s31 =	spop (v2sf)  }
0x1c4: {  	(xrf0) =	vmin.scan.msk.u32 $0xffff, v43;
	v46 =	vxor.u32 $0x80000000, v41;
	vm9 =	veq.s32 v45, v0;
	s1 =	sadd.s32 $0x80000000, s6;
	[smem:$0x7FB] =	sst s30;
	s6 =	spop (v2sf)  }
0x1c5: {  	v42 =	vxor.u32 $0x80000000, v18;
	(xrf0) =	vmax.scan.msk.u32 $0xffff, v46;
	v8 =	vnsel vm9, $0x80000000, v8;
	v48 =	vadd.s32 s1, v32;
	[smem:$0x7FC] =	sst s31;
	s31 =	sxor.u32 $0x80000000, s6;
	s30 =	spop (v2sf)  }
0x1c6: {  	s21 =	smov.u32 @p5 s4;
	v15 =	vnsel vm9, $0x80000000, v42;
	(xrf0) =	vmax.scan.msk.u32 $0xffff, v8;
	vm10 =	vgt.s32 v48, $0xFF;
	s1 =	sadd.s32 s30, s1;
	v8 =	vmov s31  }
0x1c7: {  	p2 =	por p2, p2;
	p6 =	slt.s32 s10, $0x10;
	v14 =	vxor.u32 $0x80000000, v14;
	(xrf0) =	vmax.scan.msk.u32 $0xffff, v15;
	v49 =	vnsel vm10, $0x80000010, v6;
	vm11 =	veq.s32 v8, v0;
	s1 =	sadd.s32 $0x80000000, s1  }
0x1c8: {  	s0 =	ssub.s32 s0, s9;
	s10 =	rddreg [dreg:$0x10];
	p0 =	por !p6, !p4;
	v50 =	vxor.u32 $0x80000000, v13;
	(xrf0) =	vmin.scan.msk.u32 $0xffff, v49;
	v8 =	vadd.s32 s1, v41;
	v51 =	vnsel vm11, $0x80000000, v14  }
0x1c9: {  	p4 =	por p1, p1;
	p1 =	por p3, p6;
	p6 =	por p5, p5;
	v12 =	vnsel vm11, $0x80000000, v50;
	(xrf0) =	vmax.scan.msk.u32 $0xffff, v51;
	vm12 =	vgt.s32 v8, $0xFF  }
0x1ca: {  	p0 =	por !p0, !p0;
	p3 =	por !p1, !p1;
	p4 =	por p4, p4;
	v52, _, _ =	vpop (xrf0);
	(xrf0) =	vmax.scan.msk.u32 $0xffff, v12;
	v53 =	vnsel vm12, $0x80000010, v6  }
0x1cb: {  	p6 =	por p6, p6;
	s21 =	smov.u32 @p0 s0;
	s4 =	rddreg [dreg:$0x18];
	v54, _, _ =	vpop (xrf0);
	(v2sf) =	vpush v52, $0xF;
	(xrf0) =	vmin.scan.msk.u32 $0xffff, v53  }
0x1cc: {  	p0 =	por p0, p0;
	s0 =	sxor.u32 $0x80000000, s4;
	v55, _, _ =	vpop (xrf0);
	s30 =	rddreg [dreg:$0x14];
	(v2sf) =	vpush v54, $0xF  }
0x1cd: {  	s9 =	rddreg [dreg:$0x1c];
	v56, _, _ =	vpop (xrf0);
	(v2sf) =	vpush v55, $0xF;
	s1 =	sxor.u32 $0x80000000, s10;
	s10 =	sxor.u32 $0x80000000, s30  }
0x1ce: {  	s2 =	ssub.s32 s26, s2;
	s6 =	ssub.s32 s24, s6;
	v57, _, _ =	vpop (xrf0);
	(v2sf) =	vpush v56, $0xF;
	s1 =	ssub.s32 s10, s1  }
0x1cf: {  	(v2sf) =	vpush v57, $0xF;
	s10 =	sld [smem:$0x7F7];
	s20 =	smov.u32 @p2 s1;
	p2 =	slt.s32 s11, $0x10;
	v58, _, _ =	vpop (xrf0)  }
0x1d0: {  	s1 =	sxor.u32 $0x80000000, s9;
	s11 =	sld [smem:$0x7F8];
	s4 =	spop (v2sf);
	(v2sf) =	vpush v58, $0xF;
	v59, _, _ =	vpop (xrf0)  }
0x1d1: {  	s0 =	ssub.s32 s1, s0;
	p3 =	por !p2, !p3;
	s1 =	ssub.s32 s29, s8;
	(v2sf) =	vpush v59, $0xF;
	v60, _, _ =	vpop (xrf0)  }
0x1d2: {  	s8 =	spop (v2sf);
	p1 =	por p1, p2;
	p2 =	por p6, p6;
	(v2sf) =	vpush v60, $0xF  }
0x1d3: {  	p6 =	por p0, p0;
	s29 =	sld [smem:$0x7F9];
	s4 =	sxor.u32 $0x80000000, s4  }
0x1d4: {  	s20 =	smov.u32 @p4 s0;
	p3 =	por !p3, !p3;
	s0 =	sxor.u32 $0x80000000, s10  }
0x1d5: {  	p4 =	slt.s32 s5, $0x10;
	p5 =	por !p1, !p1;
	s8 =	sxor.u32 $0x80000000, s8  }
0x1d6: {  	s21 =	smov.u32 @p3 s1;
	s1 =	sxor.u32 $0x80000000, s11;
	p3 =	por p3, p3  }
0x1d7: {  	p5 =	por !p4, !p5;
	p0 =	por p1, p4;
	p4 =	por p6, p6  }
0x1d8: {  	s4 =	ssub.s32 s8, s4;
	s8 =	simm.s32 $0x0;
	s0 =	ssub.s32 s1, s0  }
0x1d9: {  	s1 =	ssub.s32 s28, s16;
	p1 =	por !p5, !p5;
	p3 =	por p3, p3  }
0x1da: {  	s16 =	sxor.u32 $0x80000000, s17;
	s17 =	sxor.u32 $0x80000000, s12;
	s5 =	spop (v2sf)  }
0x1db: {  	p5 =	slt.s32 s7, $0x10;
	s20 =	smov.u32 @p2 s0;
	s28 =	spop (v2sf)  }
0x1dc: {  	p2 =	por !p0, !p0;
	s0 =	ssub.s32 s17, s16;
	s7 =	spop (v2sf)  }
0x1dd: {  	s21 =	smov.u32 @p1 s1;
	s20 =	smov.u32 @p4 s0;
	s9 =	spop (v2sf)  }
0x1de: {  	p6 =	por !p5, !p2;
	s12 =	sxor.u32 $0x80000000, s5;
	s1 =	spop (v2sf)  }
0x1df: {  	p2 =	por p0, p5;
	p0 =	por !p6, !p6;
	v61 =	vmov s12;
	s0 =	spop (v2sf)  }
0x1e0: {  	v10 =	vxor.u32 $0x80000000, v10;
	s21 =	smov.u32 @p0 s2;
	vm13 =	veq.s32 v61, v0;
	s11 =	sxor.u32 $0x80000000, s1;
	s2 =	spop (v2sf)  }
0x1e1: {  	v7 =	vxor.u32 $0x80000000, v7;
	s30 =	sxor.u32 $0x80000000, s29;
	s17 =	sld [smem:$0x7FA];
	v10 =	vnsel vm13, $0x80000000, v10;
	v62 =	vmov s11;
	s26 =	spop (v2sf)  }
0x1e2: {  	v11 =	vxor.u32 $0x80000000, v24;
	s29 =	sld [smem:$0x7FB];
	p1 =	por p1, p1;
	v7 =	vnsel vm13, $0x80000000, v7;
	(xrf0) =	vmax.scan.msk.u32 $0xffff, v10;
	vm14 =	veq.s32 v62, v0;
	s28 =	sxor.u32 $0x80000000, s26  }
0x1e3: {  	p4 =	slt.s32 s3, $0x10;
	p1 =	por p1, p1;
	p6 =	por !p2, !p2;
	(xrf0) =	vmax.scan.msk.u32 $0xffff, v7;
	v7 =	vxor.u32 $0x80000000, v48;
	v10 =	vnsel vm14, $0x80000000, v11;
	v63 =	vmov s28  }
0x1e4: {  	v9 =	vxor.u32 $0x80000000, v39;
	p2 =	por p2, p4;
	s16 =	sxor.u32 $0x80000000, s17;
	p5 =	por !p4, !p6;
	v7 =	vnsel vm14, $0x80000000, v7;
	(xrf0) =	vmax.scan.msk.u32 $0xffff, v10;
	vm15 =	veq.s32 v63, v0  }
0x1e5: {  	s17 =	ssub.s32 s25, s18;
	p6 =	por p3, p3;
	p4 =	por !p2, !p2;
	(xrf0) =	vmax.scan.msk.u32 $0xffff, v7;
	v7 =	vnsel vm15, $0x80000000, v9  }
0x1e6: {  	v8 =	vxor.u32 $0x80000000, v8;
	p0 =	por p0, p0;
	s16 =	ssub.s32 s16, s30;
	p3 =	por !p5, !p5  }
0x1e7: {  	s30 =	sld [smem:$0x7FC];
	p5 =	por p1, p1;
	p0 =	por p0, p0;
	v8 =	vnsel vm15, $0x80000000, v8;
	(xrf0) =	vmax.scan.msk.u32 $0xffff, v7  }
0x1e8: {  	s20 =	smov.u32 @p6 s16;
	s21 =	smov.u32 @p3 s17;
	p6 =	slt.s32 s31, $0x10;
	v7, _, _ =	vpop (xrf0);
	(xrf0) =	vmax.scan.msk.u32 $0xffff, v8  }
0x1e9: {  	s16 =	sxor.u32 $0x80000000, s29;
	p3 =	por p3, p3;
	p4 =	por !p6, !p4  }
0x1ea: {  	p2 =	por p2, p6;
	p6 =	por p0, p0;
	p1 =	por p3, p3;
	v8, _, _ =	vpop (xrf0);
	(v2sf) =	vpush v7, $0xF  }
0x1eb: {  	s17 =	sxor.u32 $0x80000000, s30;
	p4 =	por !p4, !p4;
	p1 =	por p1, p1;
	(v2sf) =	vpush v8, $0xF;
	v7, _, _ =	vpop (xrf0)  }
0x1ec: {  	s16 =	ssub.s32 s17, s16;
	s21 =	smov.u32 @p4 s6;
	p0 =	por p4, p4;
	(v2sf) =	vpush v7, $0xF;
	v7, _, _ =	vpop (xrf0)  }
0x1ed: {  	p4 =	slt.s32 s12, $0x10;
	s17 =	sxor.u32 $0x80000000, s7;
	s20 =	smov.u32 @p5 s16;
	(v2sf) =	vpush v7, $0xF;
	v7, _, _ =	vpop (xrf0)  }
0x1ee: {  	p5 =	por !p2, !p2;
	p2 =	por p2, p4;
	s18 =	sxor.u32 $0x80000000, s9;
	(v2sf) =	vpush v7, $0xF;
	v7, _, _ =	vpop (xrf0)  }
0x1ef: {  	p0 =	por p0, p0;
	s20 =	smov.u32 @p6 s4;
	s4 =	ssub.s32 s22, s5;
	(v2sf) =	vpush v7, $0xF  }
0x1f0: {  	p5 =	por !p4, !p5;
	p3 =	por !p2, !p2;
	s5 =	ssub.s32 s18, s17  }
0x1f1: {  	s1 =	ssub.s32 s19, s1;
	p0 =	por p0, p0;
	s19 =	simm.s32 $0x0  }
0x1f2: {  	p4 =	por !p5, !p5;
	s20 =	smov.u32 @p1 s5;
	p6 =	slt.s32 s11, $0x10  }
0x1f3: {  	s21 =	smov.u32 @p4 s4;
	p3 =	por !p6, !p3;
	p1 =	por p2, p6  }
0x1f4: {  	p4 =	por p4, p4;
	p2 =	por !p3, !p3;
	p1 =	por !p1, !p1  }
0x1f5: {  	p5 =	por p4, p4;
	s21 =	smov.u32 @p2 s1;
	p2 =	por p2, p2  }
0x1f6: {  	s0 =	sxor.u32 $0x80000000, s0;
	s22 =	sxor.u32 $0x80000000, s2;
	p6 =	slt.s32 s28, $0x10  }
0x1f7: {  	p2 =	por p2, p2;
	s0 =	ssub.s32 s22, s0;
	p1 =	por !p6, !p1  }
0x1f8: {  	s1 =	ssub.s32 s23, s26;
	s20 =	smov.u32 @p0 s0;
	p0 =	por !p1, !p1  }
0x1f9: {  	p1 =	por p5, p5;
	p5 =	por p0, p0;
	s23 =	spop (v2sf)  }
0x1fa: {  	s21 =	smov.u32 @p0 s1;
	p6 =	por p5, p5;
	s24 =	spop (v2sf)  }
0x1fb: {  	s2 =	sxor.u32 $0x80000000, s23;
	s0 =	sxor.u32 $0x80000000, s24;
	s25 =	spop (v2sf)  }
0x1fc: {  	s0 =	ssub.s32 s0, s2;
	s26 =	spop (v2sf);
	s2 =	sxor.u32 $0x80000000, s25  }
.Ltmp8:
0x1fd: {  	s20 =	smov.u32 @p1 s0;
	s28 =	spop (v2sf);
	(pc) =	sbr.rel .LBB2_11-.Ltmp8, $4  }
0x1fe: {  	p1 =	por p2, p2;
	s0 =	sxor.u32 $0x80000000, s26;
	s29 =	spop (v2sf)  }
0x1ff: {  	s0 =	ssub.s32 s0, s2;
	s30 =	sxor.u32 $0x80000000, s28;
	s31 =	sxor.u32 $0x80000000, s29  }
0x200: {  	s20 =	smov.u32 @p1 s0;
	p1 =	por p6, p6;
	s0 =	ssub.s32 s31, s30  }
0x201: {  	s4 =	simm.s32 $0x40;
	v7 =	vmov s21;
	s20 =	smov.u32 @p1 s0;
	s0 =	simm.s32 $0x70  }
.LBB2_13:
0x202: {  	s0 =	sadd.s32 $0x80, s0  }
0x203: {  	p0 =	sne.s32 s0, $0x8070  }
.Ltmp9:
0x204: {  	_ = 	snop;
	(pc) =	sbr.rel @!p0 .LBB2_14-.Ltmp9, $2  }
0x205: {  	_ =	sdelay $0x2  }
0x206: {  	s4 =	sadd.s32 $0x80, s4  }
.LBB2_11:
0x207: {  	v8 =	vld [tilespmem:s4+$0xFFFFFFC0]  }
0x208: {  	v9 =	vld [tilespmem:s4+$0xFFFFFFD0]  }
0x209: {  	v10 =	vld [tilespmem:s4+$0xFFFFFFE0]  }
0x20a: {  	v11 =	vld [tilespmem:s4+$0xFFFFFFF0]  }
0x20b: {  	v12 =	vld [tilespmem:s4+$0x0]  }
0x20c: {  	v16 =	vld [tilespmem:s4+$0x10]  }
0x20d: {  	v17 =	vld [tilespmem:s4+$0x20]  }
0x20e: {  	v18 =	vld [tilespmem:s4+$0x30];
	_ =	sdelay $0x1  }
0x20f: {  	v8 =	vadd.f32 $0.0e+00, v8;
	v9 =	vadd.f32 $0.0e+00, v9  }
0x210: {  	v10 =	vadd.f32 $0.0e+00, v10;
	v11 =	vadd.f32 $0.0e+00, v11  }
0x211: {  	v20 =	vadd.f32 $0.0e+00, v12;
	v16 =	vadd.f32 $0.0e+00, v16  }
0x212: {  	v17 =	vadd.f32 $0.0e+00, v17;
	v18 =	vadd.f32 $0.0e+00, v18;
	v13 =	vshra.s32 v8, $0x1F  }
0x213: {  	v14 =	vshra.s32 v9, $0x1F;
	v19 =	vshra.s32 v11, $0x1F;
	v13 =	vshrl.u32 v13, $0x1  }
0x214: {  	v15 =	vxor.u32 v8, v13;
	v8 =	vshrl.u32 v14, $0x1;
	v13 =	vshra.s32 v10, $0x1F  }
0x215: {  	v14 =	vxor.u32 v9, v8;
	v8 =	vshrl.u32 v13, $0x1;
	v9 =	vshrl.u32 v19, $0x1  }
0x216: {  	v19 =	vshra.s32 v20, $0x1F;
	v13 =	vxor.u32 v10, v8;
	v12 =	vxor.u32 v11, v9  }
0x217: {  	v8 =	vshrl.u32 v19, $0x1;
	v9 =	vshra.s32 v16, $0x1F;
	v10 =	vshra.s32 v17, $0x1F  }
0x218: {  	v11 =	vxor.u32 v20, v8;
	v8 =	vshrl.u32 v9, $0x1;
	v9 =	vshrl.u32 v10, $0x1  }
0x219: {  	v10 =	vxor.u32 v16, v8;
	v9 =	vxor.u32 v17, v9;
	v8 =	vshra.s32 v18, $0x1F  }
0x21a: {  	v16 =	vshrl.u32 v15, $0x18;
	v17 =	vshrl.u32 v14, $0x18;
	v8 =	vshrl.u32 v8, $0x1  }
0x21b: {  	v23 =	vxor.u32 $0x80, v16;
	v22 =	vxor.u32 $0x80, v17;
	v16 =	vshrl.u32 v13, $0x18  }
0x21c: {  	v8 =	vxor.u32 v18, v8;
	vm0 =	vge.s32 v23, v7;
	vm1 =	vge.s32 v22, v7  }
0x21d: {  	v21 =	vxor.u32 $0x80, v16;
	v16 =	vshrl.u32 v12, $0x18;
	vm0 =	vmor vm0, vm1  }
0x21e: {  	vm10 =	vge.s32 v21, v7;
	v20 =	vxor.u32 $0x80, v16;
	v16 =	vshrl.u32 v11, $0x18  }
0x21f: {  	vm0 =	vmor vm0, vm10;
	vm11 =	vge.s32 v20, v7;
	v19 =	vxor.u32 $0x80, v16  }
0x220: {  	v16 =	vshrl.u32 v10, $0x18;
	vm0 =	vmor vm0, vm11;
	vm12 =	vge.s32 v19, v7  }
0x221: {  	v18 =	vxor.u32 $0x80, v16;
	v16 =	vshrl.u32 v9, $0x18;
	vm0 =	vmor vm0, vm12  }
0x222: {  	vm13 =	vge.s32 v18, v7;
	v17 =	vxor.u32 $0x80, v16;
	v16 =	vshrl.u32 v8, $0x18  }
0x223: {  	vm0 =	vmor vm0, vm13;
	vm14 =	vge.s32 v17, v7;
	v16 =	vxor.u32 $0x80, v16  }
0x224: {  	vm0 =	vmor vm0, vm14;
	vm15 =	vge.s32 v16, v7  }
0x225: {  	vm0 =	vmor vm0, vm15  }
0x226: {  	v24 =	vsel vm0, $0x1, v1  }
0x227: {  	v24 =	vor.u32 $0x80000000, v24  }
0x228: {  	(xrf0) =	vmax.scan.msk.u32 $0xffff, v24;
	_ =	sdelay $0x5  }
0x229: {  	v24, _, _ =	vpop (xrf0)  }
0x22a: {  	(v2sf) =	vpush v24, $0xF;
	_ =	sdelay $0xe  }
0x22b: {  	s1 =	spop (v2sf)  }
0x22c: {  	p0 =	slt.u32 s1, $0x80000001  }
.Ltmp10:
0x22d: {  	_ = 	snop;
	(pc) =	sbr.rel @p0 .LBB2_13-.Ltmp10, $1  }
0x22e: {  	_ =	sdelay $0x3  }
0x22f: {  	vm6 =	vgt.s32 v23, v7  }
0x230: {  	v24 =	vsel vm6, $0x1, v1  }
0x231: {  	vm10 =	veq.s32 v23, v7;
	(xrf0) =	vadd.scan.msk.s32 $0xffff, v24  }
0x232: {  	v23 =	vsel vm10, $0x1, v1  }
0x233: {  	vm9 =	vgt.s32 v22, v7;
	(xrf0) =	vadd.scan.msk.s32 $0xffff, v23  }
0x234: {  	v31 =	vsel vm9, $0x1, v1  }
0x235: {  	vm12 =	veq.s32 v22, v7;
	(xrf0) =	vadd.scan.msk.s32 $0xffff, v31  }
0x236: {  	v22 =	vsel vm12, $0x1, v1  }
0x237: {  	vm8 =	vgt.s32 v21, v7;
	(xrf0) =	vadd.scan.msk.s32 $0xffff, v22;
	v32, _, _ =	vpop (xrf0)  }
0x238: {  	v33 =	vsel vm8, $0x1, v1;
	(v2sf) =	vpush v32, $0xF  }
0x239: {  	vm7 =	veq.s32 v21, v7;
	v34, _, _ =	vpop (xrf0);
	(xrf0) =	vadd.scan.msk.s32 $0xffff, v33  }
0x23a: {  	v21 =	vsel vm7, $0x1, v1;
	(v2sf) =	vpush v34, $0xF  }
0x23b: {  	vm4 =	vgt.s32 v20, v7;
	v35, _, _ =	vpop (xrf0);
	(xrf0) =	vadd.scan.msk.s32 $0xffff, v21  }
0x23c: {  	v36 =	vsel vm4, $0x1, v1;
	(v2sf) =	vpush v35, $0xF  }
0x23d: {  	vm3 =	veq.s32 v20, v7;
	v37, _, _ =	vpop (xrf0);
	(xrf0) =	vadd.scan.msk.s32 $0xffff, v36  }
0x23e: {  	v20 =	vsel vm3, $0x1, v1;
	(v2sf) =	vpush v37, $0xF  }
0x23f: {  	vm0 =	vgt.s32 v19, v7;
	v38, _, _ =	vpop (xrf0);
	(xrf0) =	vadd.scan.msk.s32 $0xffff, v20  }
0x240: {  	v39 =	vsel vm0, $0x1, v1;
	(v2sf) =	vpush v38, $0xF  }
0x241: {  	vm1 =	veq.s32 v19, v7;
	v40, _, _ =	vpop (xrf0);
	(xrf0) =	vadd.scan.msk.s32 $0xffff, v39  }
0x242: {  	v19 =	vsel vm1, $0x1, v1;
	(v2sf) =	vpush v40, $0xF  }
0x243: {  	vm2 =	vgt.s32 v18, v7;
	v41, _, _ =	vpop (xrf0);
	(xrf0) =	vadd.scan.msk.s32 $0xffff, v19  }
0x244: {  	s1 =	sadd.s32 $0xFFFFFF90, s0;
	v42 =	vsel vm2, $0x1, v1;
	(v2sf) =	vpush v41, $0xF  }
0x245: {  	vm5 =	veq.s32 v18, v7;
	v43 =	vor.u32 s1, v0;
	[tilespmem:s19+$0x19300] =	vst.msk vm6, v15;
	(xrf0) =	vadd.scan.msk.s32 $0xffff, v42;
	v44, _, _ =	vpop (xrf0)  }
0x246: {  	v18 =	vsel vm5, $0x1, v1;
	[tilespmem:s19+$0x19480] =	vst.msk vm6, v43;
	(v2sf) =	vpush v44, $0xF  }
0x247: {  	vm13 =	vgt.s32 v17, v7;
	[tilespmem:s8+$0x8000] =	vst.msk vm10, v15;
	(xrf0) =	vadd.scan.msk.s32 $0xffff, v18;
	v45, _, _ =	vpop (xrf0);
	s7 =	spop (v2sf)  }
0x248: {  	s2 =	sadd.s32 $0xFFFFFFA0, s0;
	v46 =	vsel vm13, $0x1, v1;
	[tilespmem:s8+$0x10080] =	vst.msk vm10, v43;
	(v2sf) =	vpush v45, $0xF;
	s1 =	sadd.s32 s19, s7  }
0x249: {  	vm11 =	veq.s32 v17, v7;
	v47 =	vor.u32 s2, v0;
	(xrf0) =	vadd.scan.msk.s32 $0xffff, v46;
	v48, _, _ =	vpop (xrf0);
	s3 =	spop (v2sf);
	[tilespmem:s1+$0x19300] =	vst.msk vm9, v14  }
0x24a: {  	vm14 =	vgt.s32 v16, v7;
	v49 =	vsel vm11, $0x1, v1;
	(v2sf) =	vpush v48, $0xF;
	s8 =	sadd.s32 s8, s3;
	[tilespmem:s1+$0x19480] =	vst.msk vm9, v47  }
0x24b: {  	vm15 =	veq.s32 v16, v7;
	v51 =	vsel vm14, $0x1, v1;
	(xrf0) =	vadd.scan.msk.s32 $0xffff, v49;
	v50, _, _ =	vpop (xrf0);
	s9 =	spop (v2sf);
	[tilespmem:s8+$0x8000] =	vst.msk vm12, v14  }
0x24c: {  	s5 =	sadd.s32 $0xFFFFFFB0, s0;
	v52 =	vsel vm15, $0x1, v1;
	(xrf0) =	vadd.scan.msk.s32 $0xffff, v51;
	(v2sf) =	vpush v50, $0xF;
	s1 =	sadd.s32 s9, s1;
	[tilespmem:s8+$0x10080] =	vst.msk vm12, v47  }
0x24d: {  	v54 =	vor.u32 s5, v0;
	s10 =	spop (v2sf);
	v53, _, _ =	vpop (xrf0);
	(xrf0) =	vadd.scan.msk.s32 $0xffff, v52;
	[tilespmem:s1+$0x19300] =	vst.msk vm8, v13  }
0x24e: {  	s2 =	sadd.s32 s10, s8;
	(v2sf) =	vpush v53, $0xF;
	[tilespmem:s1+$0x19480] =	vst.msk vm8, v54  }
0x24f: {  	v55, _, _ =	vpop (xrf0);
	s11 =	spop (v2sf);
	[tilespmem:s2+$0x8000] =	vst.msk vm7, v13  }
0x250: {  	s12 =	sadd.s32 $0xFFFFFFC0, s0;
	(v2sf) =	vpush v55, $0xF;
	s1 =	sadd.s32 s11, s1;
	[tilespmem:s2+$0x10080] =	vst.msk vm7, v54  }
0x251: {  	v57 =	vor.u32 s12, v0;
	v56, _, _ =	vpop (xrf0);
	s16 =	spop (v2sf);
	[tilespmem:s1+$0x19300] =	vst.msk vm4, v12  }
0x252: {  	v58, _, _ =	vpop (xrf0);
	(v2sf) =	vpush v56, $0xF;
	s2 =	sadd.s32 s16, s2;
	[tilespmem:s1+$0x19480] =	vst.msk vm4, v57  }
0x253: {  	s17 =	spop (v2sf);
	(v2sf) =	vpush v58, $0xF;
	v59, _, _ =	vpop (xrf0);
	[tilespmem:s2+$0x8000] =	vst.msk vm3, v12  }
0x254: {  	s18 =	sadd.s32 $0xFFFFFFD0, s0;
	(v2sf) =	vpush v59, $0xF;
	s1 =	sadd.s32 s17, s1;
	[tilespmem:s2+$0x10080] =	vst.msk vm3, v57  }
0x255: {  	v60 =	vor.u32 s18, v0;
	s19 =	spop (v2sf);
	[tilespmem:s1+$0x19300] =	vst.msk vm0, v11  }
0x256: {  	s2 =	sadd.s32 s19, s2;
	[tilespmem:s1+$0x19480] =	vst.msk vm0, v60  }
0x257: {  	s21 =	spop (v2sf);
	[tilespmem:s2+$0x8000] =	vst.msk vm1, v11  }
0x258: {  	s22 =	sadd.s32 $0xFFFFFFE0, s0;
	s1 =	sadd.s32 s21, s1;
	[tilespmem:s2+$0x10080] =	vst.msk vm1, v60  }
0x259: {  	v61 =	vor.u32 s22, v0;
	s23 =	spop (v2sf);
	[tilespmem:s1+$0x19300] =	vst.msk vm2, v10  }
0x25a: {  	s2 =	sadd.s32 s23, s2;
	[tilespmem:s1+$0x19480] =	vst.msk vm2, v61  }
0x25b: {  	s24 =	spop (v2sf);
	[tilespmem:s2+$0x8000] =	vst.msk vm5, v10  }
0x25c: {  	s25 =	sadd.s32 $0xFFFFFFF0, s0;
	s1 =	sadd.s32 s24, s1;
	[tilespmem:s2+$0x10080] =	vst.msk vm5, v61  }
0x25d: {  	v62 =	vor.u32 s25, v0;
	s26 =	spop (v2sf);
	[tilespmem:s1+$0x19300] =	vst.msk vm13, v9  }
0x25e: {  	s2 =	sadd.s32 s26, s2;
	[tilespmem:s1+$0x19480] =	vst.msk vm13, v62  }
0x25f: {  	s28 =	spop (v2sf);
	[tilespmem:s2+$0x8000] =	vst.msk vm11, v9  }
.Ltmp11:
0x260: {  	s1 =	sadd.s32 s28, s1;
	[tilespmem:s2+$0x10080] =	vst.msk vm11, v62;
	(pc) =	sbr.rel .LBB2_13-.Ltmp11, $4  }
0x261: {  	v63 =	vor.u32 s0, v0;
	s29 =	spop (v2sf);
	[tilespmem:s1+$0x19300] =	vst.msk vm14, v8  }
0x262: {  	s30 =	spop (v2sf);
	s2 =	sadd.s32 s29, s2;
	[tilespmem:s1+$0x19480] =	vst.msk vm14, v63  }
0x263: {  	s31 =	spop (v2sf);
	[tilespmem:s2+$0x8000] =	vst.msk vm15, v8  }
0x264: {  	s19 =	sadd.s32 s30, s1;
	s8 =	sadd.s32 s31, s2;
	[tilespmem:s2+$0x10080] =	vst.msk vm15, v63  }
.LBB2_14:
0x265: {  	[tilespmem:$0x18100] =	vst v1  }
0x266: {  	[tilespmem:$0x18110] =	vst v1  }
0x267: {  	[tilespmem:$0x18120] =	vst v1  }
0x268: {  	[tilespmem:$0x18130] =	vst v1;
	s0 =	sadd.s32 $0xF, s8  }
0x269: {  	[tilespmem:$0x18140] =	vst v1;
	s1 =	sand.u32 $0xF, s0  }
0x26a: {  	[tilespmem:$0x18150] =	vst v1;
	s31 =	sshra.s32 s0, $0x1F;
	p1 =	slt.s32 s0, $0x1;
	p0 =	sne.s32 s1, $0x0  }
0x26b: {  	[tilespmem:$0x18160] =	vst v1;
	s1 =	sshrl.u32 s31, $0x1C;
	p0 =	por !p1, !p0  }
0x26c: {  	[tilespmem:$0x18170] =	vst v1;
	s0 =	sadd.s32 s1, s0;
	s1 =	simm.s32 $0x1;
	p0 =	por !p0, !p0  }
0x26d: {  	[tilespmem:$0x18180] =	vst v1;
	s0 =	sshra.s32 s0, $0x4;
	s1 =	simm.s32 @!p0 $0x0  }
0x26e: {  	[tilespmem:$0x18190] =	vst v1;
	s4 =	ssub.s32 s0, s1  }
0x26f: {  	[tilespmem:$0x181A0] =	vst v1;
	p0 =	slt.s32 s4, $0x1  }
.Ltmp12:
0x270: {  	[tilespmem:$0x181B0] =	vst v1;
	(pc) =	sbr.rel @p0 .LBB2_21-.Ltmp12, $4  }
0x271: {  	[tilespmem:$0x181C0] =	vst v1  }
0x272: {  	[tilespmem:$0x181D0] =	vst v1;
	s0 =	simm.s32 @!p0 $0x0  }
0x273: {  	[tilespmem:$0x181E0] =	vst v1;
	s0 =	simm.s32 @p0 $0x1  }
0x274: {  	[tilespmem:$0x181F0] =	vst v1;
	v7 =	vmov s8;
	[smem:$0x7F6] =	sst s0  }
0x275: {  	p1 =	seq.s32 s4, $0x1  }
.Ltmp13:
0x276: {  	_ = 	snop;
	(pc) =	sbr.rel @p1 .LBB2_16-.Ltmp13, $3  }
0x277: {  	_ =	sdelay $0x1  }
0x278: {  	s1 =	simm.s32 $0x8000  }
0x279: {  	s0 =	simm.s32 $0x0;
	p0 =	por $0x0, $0x0;
	v8 =	vld [tilespmem:s1+$0x0];
	s1 =	sadd.s32 $0xFFFFFFFF, s4  }
0x27a: {  	_ =	sdelay $0x3  }
0x27b: {  	v9 =	vor.u32 s0, v0;
	v8 =	vshrl.u32 v8, $0x10  }
0x27c: {  	vm0 =	vlt.s32 v9, v7;
	v8 =	vand.u32 $0xFF, v8  }
0x27d: {  	(xrf1) =	vunique.msk.u32 vm0, v8;
	_ =	sdelay $0xd  }
0x27e: {  	_, v9, vm0 =	vpop (xrf1);
	_ =	sdelay $0x1  }
0x27f: {  	p1 =	seq.s32 s1, $0x1  }
.Ltmp14:
0x280: {  	_ = 	snop;
	(pc) =	sbr.rel @p1 .LBB2_18-.Ltmp14, $3  }
0x281: {  	_ =	sdelay $0x1  }
0x282: {  	s2 =	simm.s32 $0x8010;
	[tilespmem:v8+s15+$0x0] =	vst.idx.add.s32.msk vm0, v9  }
0x283: {  	s3 =	sadd.s32 $0xFFFFFFFF, s1;
	p0 =	por $0x1, $0x1;
	s1 =	simm.s32 $0x0;
	v8 =	vld [tilespmem:s2+$0x0]  }
.LBB2_19:
0x284: {  	p2 =	seq.s32 s3, $0x1;
	_ =	sdelay $0x2  }
0x285: {  	s1 =	sadd.s32 $0x10, s1  }
0x286: {  	v9 =	vor.u32 s1, v0;
	v8 =	vshrl.u32 v8, $0x10  }
0x287: {  	vm0 =	vlt.s32 v9, v7;
	v8 =	vand.u32 $0xFF, v8  }
0x288: {  	(xrf1) =	vunique.msk.u32 vm0, v8;
	_ =	sdelay $0xd  }
0x289: {  	_, v9, vm0 =	vpop (xrf1);
	_ =	sdelay $0x2  }
.Ltmp15:
0x28a: {  	(pc) =	sbr.rel @!p2 .LBB2_19-.Ltmp15, $3  }
0x28b: {  	_ =	sdelay $0x1  }
0x28c: {  	s2 =	sadd.s32 $0x10, s2;
	[tilespmem:v8+s15+$0x0] =	vst.idx.add.s32.msk vm0, v9  }
0x28d: {  	s3 =	sadd.s32 $0xFFFFFFFF, s3;
	v8 =	vld [tilespmem:s2+$0x0]  }
.LBB2_20:
0x28e: {  	_ =	sdelay $0x1  }
0x28f: {  	s1 =	sadd.s32 @p0 $0x10, s1  }
0x290: {  	s0 =	smov.u32 @p0 s1  }
0x291: {  	v9 =	vor.u32 s0, v0;
	v8 =	vshrl.u32 v8, $0x10  }
0x292: {  	vm0 =	vlt.s32 v9, v7;
	v8 =	vand.u32 $0xFF, v8  }
0x293: {  	(xrf1) =	vunique.msk.u32 vm0, v8;
	_ =	sdelay $0xd  }
0x294: {  	_, v9, vm0 =	vpop (xrf1);
	_ =	sdelay $0x5  }
0x295: {  	[tilespmem:v8+s15+$0x0] =	vst.idx.add.s32.msk vm0, v9  }
.LBB2_21:
0x296: {  	[dreg:$0xd] =	wrdreg s4;
	s4 =	simm.s32 $0x181F0  }
0x297: {  	v9 =	vld [tilespmem:s4+$0x0];
	_ =	sdelay $0x4  }
0x298: {  	v9 =	vperm.xlane v9, v5;
	_ =	sdelay $0x1  }
0x299: {  	(xrf0) =	vadd.scan.msk.s32 $0xffff, v9;
	_ =	sdelay $0x2  }
0x29a: {  	s5 =	simm.s32 $0x181E0  }
0x29b: {  	v10 =	vld [tilespmem:s5+$0x0];
	_ =	sdelay $0x1  }
0x29c: {  	v11, _, _ =	vpop (xrf0)  }
0x29d: {  	v12 =	vxor.u32 $0x80000000, v11  }
0x29e: {  	(xrf0) =	vmax.scan.msk.u32 $0xffff, v12  }
0x29f: {  	v10 =	vperm.xlane v10, v5;
	_ =	sdelay $0x1  }
0x2a0: {  	(xrf0) =	vadd.scan.msk.s32 $0xffff, v10;
	_ =	sdelay $0x1  }
0x2a1: {  	s6 =	simm.s32 $0x181D0  }
0x2a2: {  	v12 =	vld [tilespmem:s6+$0x0];
	v13, _, _ =	vpop (xrf0)  }
0x2a3: {  	(v2sf) =	vpush v13, $0xF;
	_ =	sdelay $0x1  }
0x2a4: {  	v13, _, _ =	vpop (xrf0)  }
0x2a5: {  	v14 =	vxor.u32 $0x80000000, v13  }
0x2a6: {  	v12 =	vperm.xlane v12, v5;
	(xrf0) =	vmax.scan.msk.u32 $0xffff, v14;
	_ =	sdelay $0x1  }
0x2a7: {  	(xrf0) =	vadd.scan.msk.s32 $0xffff, v12  }
0x2a8: {  	s7 =	simm.s32 $0x181C0  }
0x2a9: {  	v14 =	vld [tilespmem:s7+$0x0]  }
0x2aa: {  	s0 =	ssub.s32 $0x100, s20;
	s21 =	simm.s32 $0x0  }
0x2ab: {  	v8 =	vmov s0;
	v11 =	vadd.s32 s21, v11;
	v15, _, _ =	vpop (xrf0)  }
0x2ac: {  	vm0 =	vlt.s32 v11, v8;
	(v2sf) =	vpush v15, $0xF  }
0x2ad: {  	v15 =	vsel vm0, $0x80000010, v6;
	v16, _, _ =	vpop (xrf0)  }
0x2ae: {  	v14 =	vperm.xlane v14, v5;
	(xrf0) =	vmin.scan.msk.u32 $0xffff, v15;
	v15 =	vxor.u32 $0x80000000, v16  }
0x2af: {  	(xrf0) =	vmax.scan.msk.u32 $0xffff, v15  }
0x2b0: {  	(xrf0) =	vadd.scan.msk.s32 $0xffff, v14;
	s8 =	spop (v2sf)  }
0x2b1: {  	[dreg:$0xa] =	wrdreg s0;
	s0 =	sadd.s32 $0x0, s8  }
0x2b2: {  	s0 =	sadd.s32 $0x80000000, s0  }
0x2b3: {  	s1 =	simm.s32 $0x181B0;
	v13 =	vadd.s32 s0, v13  }
0x2b4: {  	v15 =	vld [tilespmem:s1+$0x0];
	v17, _, _ =	vpop (xrf0);
	vm9 =	vlt.s32 v13, v8  }
0x2b5: {  	v18, _, _ =	vpop (xrf0);
	v19 =	vsel vm9, $0x80000010, v6  }
0x2b6: {  	v20, _, _ =	vpop (xrf0);
	(xrf0) =	vmin.scan.msk.u32 $0xffff, v19  }
0x2b7: {  	v19 =	vxor.u32 $0x80000000, v20  }
0x2b8: {  	(xrf0) =	vmax.scan.msk.u32 $0xffff, v19  }
0x2b9: {  	v15 =	vperm.xlane v15, v5;
	(v2sf) =	vpush v17, $0xF  }
0x2ba: {  	(v2sf) =	vpush v18, $0xF  }
0x2bb: {  	(xrf0) =	vadd.scan.msk.s32 $0xffff, v15;
	s9 =	spop (v2sf)  }
0x2bc: {  	s0 =	sadd.s32 s9, s0;
	v17, _, _ =	vpop (xrf0)  }
0x2bd: {  	s0 =	sadd.s32 $0x80000000, s0;
	(v2sf) =	vpush v17, $0xF  }
0x2be: {  	v16 =	vadd.s32 s0, v16;
	v17, _, _ =	vpop (xrf0)  }
0x2bf: {  	vm10 =	vlt.s32 v16, v8;
	(v2sf) =	vpush v17, $0xF  }
0x2c0: {  	s10 =	simm.s32 $0x181A0;
	v17 =	vsel vm10, $0x80000010, v6  }
0x2c1: {  	v18, _, _ =	vpop (xrf0);
	(xrf0) =	vmin.scan.msk.u32 $0xffff, v17;
	v17 =	vld [tilespmem:s10+$0x0]  }
0x2c2: {  	v19 =	vxor.u32 $0x80000000, v18  }
0x2c3: {  	(xrf0) =	vmax.scan.msk.u32 $0xffff, v19;
	_ =	sdelay $0x2  }
0x2c4: {  	v17 =	vperm.xlane v17, v5;
	_ =	sdelay $0x1  }
0x2c5: {  	s12 =	simm.s32 $0x18190;
	s11 =	spop (v2sf);
	v19, _, _ =	vpop (xrf0);
	(xrf0) =	vadd.scan.msk.s32 $0xffff, v17  }
0x2c6: {  	v21 =	vld [tilespmem:s12+$0x0];
	s2 =	sxor.u32 $0x80000000, s11;
	s3 =	spop (v2sf);
	(v2sf) =	vpush v19, $0xF;
	v19, _, _ =	vpop (xrf0)  }
0x2c7: {  	s0 =	sadd.s32 s3, s0;
	(v2sf) =	vpush v19, $0xF;
	v19 =	vmov s2  }
0x2c8: {  	v9 =	vxor.u32 $0x80000000, v9;
	s3 =	sadd.s32 $0x80000000, s0;
	vm11 =	veq.s32 v19, v0  }
0x2c9: {  	v11 =	vxor.u32 $0x80000000, v11;
	v19 =	vadd.s32 s3, v20;
	v9 =	vnsel vm11, $0x80000000, v9;
	s5 =	spop (v2sf)  }
0x2ca: {  	v11 =	vnsel vm11, $0x80000000, v11;
	vm12 =	vlt.s32 v19, v8;
	(xrf0) =	vmax.scan.msk.u32 $0xffff, v9;
	s6 =	sxor.u32 $0x80000000, s5  }
0x2cb: {  	v21 =	vperm.xlane v21, v5;
	v9 =	vsel vm12, $0x80000010, v6;
	(xrf0) =	vmax.scan.msk.u32 $0xffff, v11;
	v20, _, _ =	vpop (xrf0);
	s7 =	spop (v2sf);
	v11 =	vmov s6  }
0x2cc: {  	v10 =	vxor.u32 $0x80000000, v10;
	(xrf0) =	vmin.scan.msk.u32 $0xffff, v9;
	v9 =	vxor.u32 $0x80000000, v20;
	s3 =	sadd.s32 s7, s3;
	vm13 =	veq.s32 v11, v0  }
0x2cd: {  	(xrf0) =	vmax.scan.msk.u32 $0xffff, v9;
	s16 =	sadd.s32 $0x80000000, s3;
	v10 =	vnsel vm13, $0x80000000, v10  }
0x2ce: {  	s31 =	simm.s32 $0x800000AF;
	s30 =	simm.s32 $0x8000009F;
	v9 =	vxor.u32 $0x80000000, v13;
	(xrf0) =	vadd.scan.msk.s32 $0xffff, v21;
	v18 =	vadd.s32 s16, v18  }
0x2cf: {  	s29 =	simm.s32 $0x8000008F;
	s28 =	simm.s32 $0x8000007F;
	v9 =	vnsel vm13, $0x80000000, v9;
	(xrf0) =	vmax.scan.msk.u32 $0xffff, v10;
	vm14 =	vlt.s32 v18, v8  }
0x2d0: {  	p2 =	por $0x0, $0x0;
	s25 =	simm.s32 $0x8000006F;
	s24 =	simm.s32 $0x8000005F;
	(xrf0) =	vmax.scan.msk.u32 $0xffff, v9;
	v9 =	vsel vm14, $0x80000010, v6;
	v10, _, _ =	vpop (xrf0)  }
0x2d1: {  	s17 =	simm.s32 $0x18180;
	s23 =	simm.s32 $0x0;
	s26 =	simm.s32 $0x8000004F;
	(v2sf) =	vpush v10, $0xF;
	v10, _, _ =	vpop (xrf0)  }
0x2d2: {  	s4 =	simm.s32 $0x800000CF;
	p0 =	por !p2, !p2;
	p1 =	slt.s32 s2, $0x10;
	(v2sf) =	vpush v10, $0xF  }
0x2d3: {  	s1 =	ssub.s32 $0x800000FF, s11;
	p3 =	por !p1, !p0;
	p6 =	por p2, p1;
	(xrf0) =	vmin.scan.msk.u32 $0xffff, v9;
	v9, _, _ =	vpop (xrf0)  }
0x2d4: {  	v22 =	vld [tilespmem:s17+$0x0];
	s0 =	simm.s32 $0x800000BF;
	p1 =	por !p6, !p6;
	p2 =	por !p3, !p3;
	(v2sf) =	vpush v9, $0xF  }
0x2d5: {  	s23 =	smov.u32 @p2 s1;
	p2 =	por p2, p2;
	p4 =	slt.s32 s6, $0x10;
	v10, _, _ =	vpop (xrf0)  }
0x2d6: {  	v23 =	vxor.u32 $0x80000000, v12;
	v12 =	vxor.u32 $0x80000000, v14;
	s1 =	ssub.s32 $0x800000EF, s5;
	p0 =	por p6, p4;
	p3 =	por !p4, !p1;
	v11 =	vxor.u32 $0x80000000, v17;
	v17, _, _ =	vpop (xrf0)  }
0x2d7: {  	v13 =	vxor.u32 $0x80000000, v15;
	s3 =	simm.s32 $0x8000003F;
	p5 =	por !p0, !p0;
	s18 =	spop (v2sf);
	(v2sf) =	vpush v10, $0xF;
	v10 =	vxor.u32 $0x80000000, v17;
	v61, _, _ =	vpop (xrf0)  }
0x2d8: {  	v15 =	vxor.u32 $0x80000000, v19;
	p4 =	por !p3, !p3;
	v14 =	vxor.u32 $0x80000000, v18;
	s20 =	sxor.u32 $0x80000000, s18;
	s22 =	spop (v2sf);
	(xrf0) =	vmax.scan.msk.u32 $0xffff, v10;
	(v2sf) =	vpush v61, $0xF;
	v18, _, _ =	vpop (xrf0)  }
0x2d9: {  	v19 =	vperm.xlane v22, v5;
	p3 =	por p2, p2;
	s23 =	smov.u32 @p4 s1;
	p2 =	por p4, p4;
	v62 =	vmov s20;
	(v2sf) =	vpush v18, $0xF;
	v63, _, _ =	vpop (xrf0)  }
0x2da: {  	s1 =	simm.s32 $0x18170;
	p6 =	slt.s32 s20, $0x10;
	s2 =	sadd.s32 s22, s16;
	vm15 =	veq.s32 v62, v0;
	(v2sf) =	vpush v63, $0xF  }
0x2db: {  	v16 =	vxor.u32 $0x80000000, v16;
	v9 =	vxor.u32 $0x80000000, v21;
	p1 =	por !p6, !p5;
	p4 =	por p0, p6;
	s2 =	sadd.s32 $0x80000000, s2;
	v22 =	vnsel vm15, $0x80000000, v23;
	(xrf0) =	vadd.scan.msk.s32 $0xffff, v19  }
0x2dc: {  	s8 =	ssub.s32 $0x800000DF, s18;
	v10 =	vxor.u32 $0x80000000, v19;
	p5 =	por !p4, !p4;
	p6 =	por !p1, !p1;
	v19 =	vnsel vm15, $0x80000000, v16;
	v16 =	vld [tilespmem:s1+$0x0];
	v18 =	vadd.s32 s2, v20;
	(xrf0) =	vmax.scan.msk.u32 $0xffff, v22  }
.LBB2_22:
0x2dd: {  	p0 =	sne.s32 s3, $0x8000000F;
	s23 =	smov.u32 @p6 s8  }
0x2de: {  	v20, _, _ =	vpop (xrf0);
	vm0 =	vlt.s32 v18, v8;
	v21 =	vxor.u32 $0x80000000, v18;
	(xrf0) =	vmax.scan.msk.u32 $0xffff, v19;
	s5 =	smov.u32 s31;
	s31 =	smov.u32 s30;
	s30 =	smov.u32 s29  }
0x2df: {  	v18 =	vmovc v12;
	v12 =	vmovc v13;
	v13 =	vmov v11;
	v11 =	vmov v9;
	v9 =	vmov v10;
	p1 =	por p3, p3;
	p3 =	por p2, p2;
	p2 =	por p6, p6  }
0x2e0: {  	s29 =	smov.u32 s28;
	s28 =	smov.u32 s25;
	(v2sf) =	vpush v20, $0xF;
	v10 =	vsel vm0, $0x80000010, v6;
	s6 =	spop (v2sf)  }
0x2e1: {  	s25 =	smov.u32 s24;
	v20, _, _ =	vpop (xrf0);
	(xrf0) =	vmin.scan.msk.u32 $0xffff, v10;
	s6 =	sxor.u32 $0x80000000, s6;
	s7 =	spop (v2sf)  }
0x2e2: {  	s24 =	smov.u32 s26;
	s26 =	smov.u32 s3;
	v10 =	vxor.u32 $0x80000000, v20;
	s7 =	sxor.u32 $0x80000000, s7  }
0x2e3: {  	s8 =	spop (v2sf)  }
0x2e4: {  	v16 =	vperm.xlane v16, v5;
	(xrf0) =	vmax.scan.msk.u32 $0xffff, v10;
	s6 =	ssub.s32 s7, s6;
	s7 =	sxor.u32 $0x80000000, s8  }
.Ltmp16:
0x2e5: {  	s8 =	ssub.s32 s4, s8;
	v19, _, _ =	vpop (xrf0);
	s21 =	smov.u32 @p1 s6;
	(pc) =	sbr.rel @p0 .LBB2_22-.Ltmp16, $4  }
0x2e6: {  	s4 =	smov.u32 s0;
	v10 =	vxor.u32 $0x80000000, v16;
	(xrf0) =	vadd.scan.msk.s32 $0xffff, v16;
	s6 =	spop (v2sf);
	p6 =	slt.s32 s7, $0x10;
	v16 =	vmov s7;
	(v2sf) =	vpush v19, $0xF;
	v19, _, _ =	vpop (xrf0)  }
0x2e7: {  	s0 =	sadd.s32 s6, s2;
	vm0 =	veq.s32 v16, v0;
	p1 =	por !p6, !p5;
	p4 =	por p4, p6;
	(v2sf) =	vpush v19, $0xF  }
0x2e8: {  	s1 =	sadd.s32 $0xFFFFFFF0, s1;
	s2 =	sadd.s32 $0x80000000, s0;
	v22, _, _ =	vpop (xrf0);
	p5 =	por !p4, !p4;
	v23 =	vnsel vm0, $0x80000000, v18;
	v19 =	vnsel vm0, $0x80000000, v15;
	v15 =	vmov v14  }
0x2e9: {  	s3 =	sadd.s32 $0xFFFFFFF0, s3;
	p6 =	por !p1, !p1;
	v14 =	vmovc v21;
	s0 =	smov.u32 s5;
	v16 =	vld [tilespmem:s1+$0x0];
	v18 =	vadd.s32 s2, v17;
	(v2sf) =	vpush v22, $0xF;
	(xrf0) =	vmax.scan.msk.u32 $0xffff, v23;
	v17 =	vmov v20  }
0x2ea: {  	_ = 	snop  }
0x2eb: {  	v20, _, _ =	vpop (xrf0);
	vm0 =	vlt.s32 v18, v8  }
0x2ec: {  	(xrf0) =	vmax.scan.msk.u32 $0xffff, v19;
	(v2sf) =	vpush v20, $0xF;
	v47 =	vsel vm0, $0x80000010, v6;
	v48, _, _ =	vpop (xrf0)  }
0x2ed: {  	(xrf0) =	vmin.scan.msk.u32 $0xffff, v47;
	v49 =	vxor.u32 $0x80000000, v48  }
0x2ee: {  	(xrf0) =	vmax.scan.msk.u32 $0xffff, v49  }
0x2ef: {  	s3 =	spop (v2sf);
	v16 =	vperm.xlane v16, v5  }
0x2f0: {  	s20 =	spop (v2sf)  }
0x2f1: {  	s12 =	spop (v2sf);
	v50, _, _ =	vpop (xrf0);
	(xrf0) =	vadd.scan.msk.s32 $0xffff, v16  }
0x2f2: {  	s1 =	sadd.s32 $0xFFFFFFF0, s1;
	s17 =	sxor.u32 $0x80000000, s12;
	s22 =	spop (v2sf);
	(v2sf) =	vpush v50, $0xF;
	v51, _, _ =	vpop (xrf0)  }
0x2f3: {  	v22 =	vld [tilespmem:s1+$0x0];
	v21 =	vmov s17;
	s2 =	sadd.s32 s22, s2;
	(v2sf) =	vpush v51, $0xF;
	v52, _, _ =	vpop (xrf0)  }
0x2f4: {  	vm13 =	veq.s32 v21, v0;
	s2 =	sadd.s32 $0x80000000, s2;
	(v2sf) =	vpush v52, $0xF;
	v53, _, _ =	vpop (xrf0)  }
0x2f5: {  	v12 =	vnsel vm13, $0x80000000, v12;
	v17 =	vadd.s32 s2, v17;
	(v2sf) =	vpush v53, $0xF  }
0x2f6: {  	v15 =	vnsel vm13, $0x80000000, v15;
	(xrf0) =	vmax.scan.msk.u32 $0xffff, v12;
	vm14 =	vlt.s32 v17, v8  }
0x2f7: {  	(xrf0) =	vmax.scan.msk.u32 $0xffff, v15;
	v54 =	vsel vm14, $0x80000010, v6;
	v55, _, _ =	vpop (xrf0)  }
0x2f8: {  	v12 =	vperm.xlane v22, v5;
	s5 =	spop (v2sf);
	(xrf0) =	vmin.scan.msk.u32 $0xffff, v54;
	v56 =	vxor.u32 $0x80000000, v55  }
0x2f9: {  	s6 =	spop (v2sf);
	(xrf0) =	vmax.scan.msk.u32 $0xffff, v56  }
0x2fa: {  	s10 =	spop (v2sf);
	(xrf0) =	vadd.scan.msk.s32 $0xffff, v12  }
0x2fb: {  	s1 =	sadd.s32 $0xFFFFFFF0, s1;
	s18 =	sxor.u32 $0x80000000, s10;
	s7 =	spop (v2sf)  }
0x2fc: {  	v59 =	vld [tilespmem:s1+$0x0];
	v57, _, _ =	vpop (xrf0);
	v58 =	vmov s18;
	s2 =	sadd.s32 s7, s2  }
0x2fd: {  	v23, _, _ =	vpop (xrf0);
	vm15 =	veq.s32 v58, v0;
	s2 =	sadd.s32 $0x80000000, s2  }
0x2fe: {  	v60, _, _ =	vpop (xrf0);
	v13 =	vnsel vm15, $0x80000000, v13;
	v20 =	vadd.s32 s2, v48  }
0x2ff: {  	v14 =	vnsel vm15, $0x80000000, v14;
	(xrf0) =	vmax.scan.msk.u32 $0xffff, v13;
	v24, _, _ =	vpop (xrf0);
	vm4 =	vlt.s32 v20, v8  }
0x300: {  	(xrf0) =	vmax.scan.msk.u32 $0xffff, v14;
	v61 =	vsel vm4, $0x80000010, v6;
	v62, _, _ =	vpop (xrf0)  }
0x301: {  	v63 =	vperm.xlane v59, v5;
	s9 =	spop (v2sf);
	(xrf0) =	vmin.scan.msk.u32 $0xffff, v61;
	v25 =	vxor.u32 $0x80000000, v62  }
0x302: {  	(v2sf) =	vpush v57, $0xF;
	s11 =	spop (v2sf);
	(xrf0) =	vmax.scan.msk.u32 $0xffff, v25  }
0x303: {  	(v2sf) =	vpush v23, $0xF;
	[smem:$0x7F0] =	sst s11;
	s11 =	spop (v2sf);
	(xrf0) =	vadd.scan.msk.s32 $0xffff, v63  }
0x304: {  	[dreg:$0x19] =	wrdreg s5;
	(v2sf) =	vpush v60, $0xF;
	s5 =	sxor.u32 $0x80000000, s11;
	s16 =	spop (v2sf)  }
0x305: {  	v26, _, _ =	vpop (xrf0);
	v27 =	vmov s5;
	s2 =	sadd.s32 s16, s2  }
0x306: {  	[dreg:$0x11] =	wrdreg s3;
	v28, _, _ =	vpop (xrf0);
	vm5 =	veq.s32 v27, v0;
	s3 =	sadd.s32 $0x80000000, s2  }
0x307: {  	v29 =	vxor.u32 $0x80000000, v18;
	v30, _, _ =	vpop (xrf0);
	v11 =	vnsel vm5, $0x80000000, v11;
	v15 =	vadd.s32 s3, v55  }
0x308: {  	v18 =	vnsel vm5, $0x80000000, v29;
	(xrf0) =	vmax.scan.msk.u32 $0xffff, v11;
	v31, _, _ =	vpop (xrf0);
	vm6 =	vlt.s32 v15, v8  }
0x309: {  	(xrf0) =	vmax.scan.msk.u32 $0xffff, v18;
	v33, _, _ =	vpop (xrf0);
	v32 =	vsel vm6, $0x80000010, v6  }
0x30a: {  	(v2sf) =	vpush v24, $0xF;
	v34 =	vxor.u32 $0x80000000, v33;
	(xrf0) =	vmin.scan.msk.u32 $0xffff, v32  }
0x30b: {  	(v2sf) =	vpush v26, $0xF;
	(xrf0) =	vmax.scan.msk.u32 $0xffff, v34  }
0x30c: {  	(v2sf) =	vpush v28, $0xF  }
0x30d: {  	(v2sf) =	vpush v30, $0xF  }
0x30e: {  	(v2sf) =	vpush v31, $0xF;
	v35, _, _ =	vpop (xrf0)  }
0x30f: {  	s1 =	sadd.s32 $0xFFFFFFF0, s1;
	(v2sf) =	vpush v35, $0xF;
	v36, _, _ =	vpop (xrf0)  }
0x310: {  	v38 =	vld [tilespmem:s1+$0x0];
	(v2sf) =	vpush v36, $0xF;
	v37, _, _ =	vpop (xrf0)  }
0x311: {  	[dreg:$0x15] =	wrdreg s20;
	s20 =	spop (v2sf);
	(v2sf) =	vpush v37, $0xF;
	v39, _, _ =	vpop (xrf0)  }
0x312: {  	s16 =	spop (v2sf);
	(v2sf) =	vpush v39, $0xF  }
0x313: {  	s2 =	spop (v2sf)  }
0x314: {  	[smem:$0x7EF] =	sst s9;
	s9 =	sxor.u32 $0x80000000, s2  }
0x315: {  	v40 =	vperm.xlane v38, v5;
	v41 =	vmov s9  }
0x316: {  	vm7 =	veq.s32 v41, v0  }
0x317: {  	(xrf0) =	vadd.scan.msk.s32 $0xffff, v40;
	v9 =	vnsel vm7, $0x80000000, v9  }
0x318: {  	(xrf0) =	vmax.scan.msk.u32 $0xffff, v9  }
0x319: {  	[dreg:$0x1d] =	wrdreg s6;
	s6 =	spop (v2sf)  }
0x31a: {  	v17 =	vxor.u32 $0x80000000, v17;
	s22 =	spop (v2sf)  }
0x31b: {  	v17 =	vnsel vm7, $0x80000000, v17;
	s3 =	sadd.s32 s6, s3;
	s7 =	spop (v2sf)  }
0x31c: {  	s6 =	sadd.s32 $0x80000000, s3;
	(xrf0) =	vmax.scan.msk.u32 $0xffff, v17;
	[smem:$0x7F2] =	sst s22;
	s22 =	spop (v2sf)  }
0x31d: {  	v42 =	vadd.s32 s6, v62;
	v43, _, _ =	vpop (xrf0);
	[smem:$0x7F3] =	sst s7;
	s7 =	spop (v2sf)  }
0x31e: {  	[smem:$0x7F1] =	sst s20;
	vm8 =	vlt.s32 v42, v8;
	v46, _, _ =	vpop (xrf0);
	s3 =	sxor.u32 $0x80000000, s22;
	s20 =	spop (v2sf)  }
0x31f: {  	v45 =	vsel vm8, $0x80000010, v6;
	(v2sf) =	vpush v46, $0xF;
	s6 =	sadd.s32 s7, s6;
	v47 =	vmov s3;
	s7 =	spop (v2sf)  }
0x320: {  	v16 =	vxor.u32 $0x80000000, v16;
	(xrf0) =	vmin.scan.msk.u32 $0xffff, v45;
	v48 =	vxor.u32 $0x80000000, v43;
	vm9 =	veq.s32 v47, v0;
	s1 =	sadd.s32 $0x80000000, s6;
	[smem:$0x7F5] =	sst s7;
	s7 =	spop (v2sf)  }
0x321: {  	v44 =	vxor.u32 $0x80000000, v20;
	(xrf0) =	vmax.scan.msk.u32 $0xffff, v48;
	v10 =	vnsel vm9, $0x80000000, v10;
	v50 =	vadd.s32 s1, v33;
	[smem:$0x7F4] =	sst s20;
	s6 =	sxor.u32 $0x80000000, s7;
	s20 =	spop (v2sf)  }
0x322: {  	s23 =	smov.u32 @p6 s8;
	p0 =	slt.s32 s17, $0x10;
	v49, _, _ =	vpop (xrf0);
	v17 =	vnsel vm9, $0x80000000, v44;
	(xrf0) =	vmax.scan.msk.u32 $0xffff, v10;
	vm10 =	vlt.s32 v50, v8;
	s1 =	sadd.s32 s20, s1;
	v51 =	vmov s6  }
0x323: {  	s4 =	ssub.s32 s4, s12;
	p1 =	por !p0, !p5;
	(v2sf) =	vpush v49, $0xF;
	(xrf0) =	vmax.scan.msk.u32 $0xffff, v17;
	v52 =	vsel vm10, $0x80000010, v6;
	vm11 =	veq.s32 v51, v0;
	s1 =	sadd.s32 $0x80000000, s1  }
0x324: {  	s17 =	rddreg [dreg:$0x11];
	p5 =	por p3, p3;
	p3 =	por !p1, !p1;
	v54 =	vxor.u32 $0x80000000, v15;
	(xrf0) =	vmin.scan.msk.u32 $0xffff, v52;
	v53 =	vadd.s32 s1, v43;
	v55 =	vnsel vm11, $0x80000000, v16  }
0x325: {  	p6 =	por p6, p6;
	s23 =	smov.u32 @p3 s4;
	s4 =	rddreg [dreg:$0x19];
	v14 =	vnsel vm11, $0x80000000, v54;
	(xrf0) =	vmax.scan.msk.u32 $0xffff, v55;
	vm12 =	vlt.s32 v53, v8  }
0x326: {  	p6 =	por p6, p6;
	p3 =	por p3, p3;
	s8 =	rddreg [dreg:$0x1d];
	v8, _, _ =	vpop (xrf0);
	(xrf0) =	vmax.scan.msk.u32 $0xffff, v14;
	v56 =	vsel vm12, $0x80000010, v6  }
0x327: {  	p3 =	por p3, p3;
	s0 =	ssub.s32 s0, s10;
	s10 =	sld [smem:$0x7EF];
	(v2sf) =	vpush v8, $0xF;
	v8, _, _ =	vpop (xrf0);
	(xrf0) =	vmin.scan.msk.u32 $0xffff, v56  }
0x328: {  	p3 =	por p3, p3;
	p1 =	slt.s32 s18, $0x10;
	s20 =	rddreg [dreg:$0x15];
	v57, _, _ =	vpop (xrf0);
	(v2sf) =	vpush v8, $0xF  }
0x329: {  	s12 =	sld [smem:$0x7F0];
	s1 =	sxor.u32 $0x80000000, s17;
	s17 =	sxor.u32 $0x80000000, s20;
	(v2sf) =	vpush v57, $0xF;
	v8, _, _ =	vpop (xrf0)  }
0x32a: {  	s18 =	sxor.u32 $0x80000000, s16;
	s2 =	ssub.s32 s30, s2;
	s1 =	ssub.s32 s17, s1;
	(v2sf) =	vpush v8, $0xF;
	v8, _, _ =	vpop (xrf0)  }
0x32b: {  	s30 =	sld [smem:$0x7F2];
	s21 =	smov.u32 @p5 s1;
	p5 =	por p2, p2;
	(v2sf) =	vpush v8, $0xF;
	v8, _, _ =	vpop (xrf0)  }
0x32c: {  	p2 =	por p4, p0;
	s1 =	sxor.u32 $0x80000000, s4;
	s4 =	sxor.u32 $0x80000000, s8;
	(v2sf) =	vpush v8, $0xF;
	v8, _, _ =	vpop (xrf0)  }
0x32d: {  	s17 =	sld [smem:$0x7F1];
	p0 =	por !p2, !p2;
	s1 =	ssub.s32 s4, s1;
	(v2sf) =	vpush v8, $0xF;
	v8, _, _ =	vpop (xrf0)  }
0x32e: {  	p4 =	por p5, p5;
	s4 =	spop (v2sf);
	p0 =	por !p1, !p0;
	(v2sf) =	vpush v8, $0xF  }
0x32f: {  	s21 =	smov.u32 @p4 s1;
	s1 =	sxor.u32 $0x80000000, s12;
	p4 =	slt.s32 s5, $0x10  }
0x330: {  	p1 =	por p2, p1;
	p2 =	por p6, p6;
	p0 =	por !p0, !p0  }
0x331: {  	s4 =	sxor.u32 $0x80000000, s4;
	p5 =	por !p1, !p1;
	s23 =	smov.u32 @p0 s0  }
0x332: {  	s0 =	sxor.u32 $0x80000000, s10;
	s10 =	spop (v2sf);
	p6 =	por p0, p0  }
0x333: {  	p5 =	por !p4, !p5;
	p0 =	por p1, p4;
	s0 =	ssub.s32 s1, s0  }
0x334: {  	s1 =	ssub.s32 s31, s11;
	p1 =	por !p0, !p0;
	p4 =	por p6, p6  }
0x335: {  	s31 =	sxor.u32 $0x80000000, s30;
	s30 =	sld [smem:$0x7F4];
	s10 =	sxor.u32 $0x80000000, s10  }
0x336: {  	s21 =	smov.u32 @p2 s0;
	p2 =	por !p5, !p5;
	s5 =	spop (v2sf)  }
0x337: {  	s0 =	sxor.u32 $0x80000000, s17;
	p5 =	slt.s32 s9, $0x10;
	s20 =	spop (v2sf)  }
0x338: {  	s23 =	smov.u32 @p2 s1;
	s0 =	ssub.s32 s18, s0;
	s8 =	spop (v2sf)  }
0x339: {  	p1 =	por !p5, !p1;
	s18 =	sld [smem:$0x7F3];
	s9 =	spop (v2sf)  }
0x33a: {  	s21 =	smov.u32 @p3 s0;
	s16 =	sxor.u32 $0x80000000, s5;
	s1 =	spop (v2sf)  }
0x33b: {  	p3 =	por p0, p5;
	p0 =	por !p1, !p1;
	v8 =	vmov s16;
	s0 =	spop (v2sf)  }
0x33c: {  	v12 =	vxor.u32 $0x80000000, v12;
	s23 =	smov.u32 @p0 s2;
	vm13 =	veq.s32 v8, v0;
	s12 =	sxor.u32 $0x80000000, s1;
	s2 =	spop (v2sf)  }
0x33d: {  	s4 =	ssub.s32 s10, s4;
	p5 =	slt.s32 s3, $0x10;
	v8 =	vxor.u32 $0x80000000, v42;
	v58 =	vnsel vm13, $0x80000000, v12;
	v59 =	vmov s12;
	s3 =	spop (v2sf)  }
0x33e: {  	v60 =	vxor.u32 $0x80000000, v63;
	p2 =	por p2, p2;
	p6 =	por !p3, !p3;
	v8 =	vnsel vm13, $0x80000000, v8;
	(xrf0) =	vmax.scan.msk.u32 $0xffff, v58;
	vm14 =	veq.s32 v59, v0;
	s20 =	sxor.u32 $0x80000000, s3  }
0x33f: {  	p0 =	por p0, p0;
	s17 =	sxor.u32 $0x80000000, s18;
	p1 =	por !p5, !p6;
	(xrf0) =	vmax.scan.msk.u32 $0xffff, v8;
	v8 =	vxor.u32 $0x80000000, v50;
	v9 =	vnsel vm14, $0x80000000, v60;
	v61 =	vmov s20  }
0x340: {  	v11 =	vxor.u32 $0x80000000, v40;
	s18 =	ssub.s32 s29, s22;
	p6 =	por p4, p4;
	p0 =	por p0, p0;
	v8 =	vnsel vm14, $0x80000000, v8;
	(xrf0) =	vmax.scan.msk.u32 $0xffff, v9;
	vm15 =	veq.s32 v61, v0  }
0x341: {  	s17 =	ssub.s32 s17, s31;
	p4 =	por !p1, !p1;
	s31 =	sld [smem:$0x7F5];
	(xrf0) =	vmax.scan.msk.u32 $0xffff, v8;
	v8 =	vnsel vm15, $0x80000000, v11  }
0x342: {  	v62 =	vxor.u32 $0x80000000, v53;
	p1 =	por p3, p5;
	s21 =	smov.u32 @p6 s17;
	s23 =	smov.u32 @p4 s18  }
0x343: {  	s17 =	sxor.u32 $0x80000000, s30;
	p6 =	por p2, p2;
	p2 =	slt.s32 s6, $0x10;
	v9 =	vnsel vm15, $0x80000000, v62;
	(xrf0) =	vmax.scan.msk.u32 $0xffff, v8  }
0x344: {  	p3 =	por !p1, !p1;
	s6 =	ssub.s32 s28, s7;
	p4 =	por p4, p4;
	v8, _, _ =	vpop (xrf0);
	(xrf0) =	vmax.scan.msk.u32 $0xffff, v9  }
0x345: {  	p5 =	por p6, p6;
	p3 =	por !p2, !p3;
	p2 =	por p1, p2  }
0x346: {  	p6 =	por p0, p0;
	p1 =	por p4, p4;
	s18 =	sxor.u32 $0x80000000, s31;
	v63, _, _ =	vpop (xrf0);
	(v2sf) =	vpush v8, $0xF  }
0x347: {  	p3 =	por !p3, !p3;
	p1 =	por p1, p1;
	s31 =	sld [smem:$0x7F6];
	(v2sf) =	vpush v63, $0xF;
	v8, _, _ =	vpop (xrf0)  }
0x348: {  	s17 =	ssub.s32 s18, s17;
	s23 =	smov.u32 @p3 s6;
	p0 =	por p3, p3;
	(v2sf) =	vpush v8, $0xF;
	v8, _, _ =	vpop (xrf0)  }
0x349: {  	s21 =	smov.u32 @p5 s17;
	p5 =	por !p2, !p2;
	p0 =	por p0, p0;
	(v2sf) =	vpush v8, $0xF;
	v8, _, _ =	vpop (xrf0)  }
0x34a: {  	s21 =	smov.u32 @p6 s4;
	p4 =	slt.s32 s16, $0x10;
	s4 =	ssub.s32 s25, s5;
	(v2sf) =	vpush v8, $0xF;
	v8, _, _ =	vpop (xrf0)  }
0x34b: {  	p0 =	por p0, p0;
	p5 =	por !p4, !p5;
	p2 =	por p2, p4;
	(v2sf) =	vpush v8, $0xF  }
0x34c: {  	s16 =	sxor.u32 $0x80000000, s8;
	s17 =	sxor.u32 $0x80000000, s9;
	p4 =	por !p5, !p5  }
0x34d: {  	p3 =	por !p2, !p2;
	s5 =	ssub.s32 s17, s16;
	s23 =	smov.u32 @p4 s4  }
0x34e: {  	p4 =	por p4, p4;
	s1 =	ssub.s32 s24, s1;
	p6 =	slt.s32 s12, $0x10  }
0x34f: {  	s21 =	smov.u32 @p1 s5;
	p5 =	por p4, p4;
	p3 =	por !p6, !p3  }
0x350: {  	p1 =	por p2, p6;
	s0 =	sxor.u32 $0x80000000, s0;
	p2 =	por !p3, !p3  }
0x351: {  	p1 =	por !p1, !p1;
	s18 =	sxor.u32 $0x80000000, s2;
	s23 =	smov.u32 @p2 s1  }
0x352: {  	p2 =	por p2, p2;
	s0 =	ssub.s32 s18, s0;
	p6 =	slt.s32 s20, $0x10  }
0x353: {  	s1 =	ssub.s32 s26, s3;
	s21 =	smov.u32 @p0 s0;
	p1 =	por !p6, !p1  }
0x354: {  	p2 =	por p2, p2;
	p0 =	por !p1, !p1;
	p1 =	por p5, p5  }
0x355: {  	p5 =	por p0, p0;
	s23 =	smov.u32 @p0 s1;
	s20 =	spop (v2sf)  }
0x356: {  	p0 =	seq.s32 s31, $0x1;
	p6 =	por p5, p5;
	s22 =	spop (v2sf)  }
0x357: {  	s2 =	sxor.u32 $0x80000000, s20;
	s0 =	sxor.u32 $0x80000000, s22;
	s24 =	spop (v2sf)  }
0x358: {  	s0 =	ssub.s32 s0, s2;
	s25 =	spop (v2sf);
	s2 =	sxor.u32 $0x80000000, s24  }
.Ltmp17:
0x359: {  	s21 =	smov.u32 @p1 s0;
	s26 =	spop (v2sf);
	(pc) =	sbr.rel @p0 .LBB2_24-.Ltmp17, $4  }
0x35a: {  	p1 =	por p2, p2;
	s0 =	sxor.u32 $0x80000000, s25;
	s28 =	spop (v2sf)  }
0x35b: {  	s0 =	ssub.s32 s0, s2;
	s29 =	sxor.u32 $0x80000000, s26;
	s30 =	sxor.u32 $0x80000000, s28  }
0x35c: {  	s21 =	smov.u32 @p1 s0;
	p1 =	por p6, p6;
	s0 =	ssub.s32 s30, s29  }
0x35d: {  	s21 =	smov.u32 @p1 s0  }
0x35e: {  	s0 =	simm.s32 $0x8000  }
0x35f: {  	v8 =	vld [tilespmem:s0+$0x0];
	_ =	sdelay $0x4  }
0x360: {  	s2 =	rddreg [dreg:$0xd];
	s0 =	simm.s32 $0x0;
	v10 =	vshrl.u32 v8, $0x10  }
0x361: {  	v9 =	vmov s23;
	p0 =	sne.s32 s2, $0x1;
	v11 =	vor.u32 s0, v0;
	v10 =	vand.u32 $0xFF, v10  }
.Ltmp18:
0x362: {  	vm0 =	vlt.s32 v11, v7;
	vm1 =	vgt.s32 v10, v9;
	(pc) =	sbr.rel @!p0 .LBB2_26-.Ltmp18, $4  }
0x363: {  	vm2 =	veq.s32 v10, v9;
	vm1 =	vmand vm0, vm1  }
0x364: {  	vm0 =	vmand vm0, vm2;
	v10 =	vsel vm1, $0x1, v1  }
0x365: {  	s1 =	simm.s32 $0x10080;
	v11 =	vsel vm0, $0x1, v1;
	(xrf0) =	vadd.scan.msk.s32 $0xffff, v10  }
0x366: {  	p1 =	por $0x0, $0x0;
	s3 =	sadd.s32 $0xFFFFFFFF, s2;
	v10 =	vld [tilespmem:s1+$0x0];
	(xrf0) =	vadd.scan.msk.s32 $0xffff, v11  }
0x367: {  	_ =	sdelay $0x3  }
0x368: {  	s2 =	simm.s32 $0x10;
	v11, _, _ =	vpop (xrf0)  }
0x369: {  	[tilespmem:s19+$0x19300] =	vst.msk vm1, v8;
	(v2sf) =	vpush v11, $0xF;
	v11 =	vor.u32 s2, v0  }
0x36a: {  	[tilespmem:s19+$0x19480] =	vst.msk vm1, v10  }
0x36b: {  	[tilespmem:s0+$0x8000] =	vst.msk vm0, v8  }
0x36c: {  	[tilespmem:s0+$0x10080] =	vst.msk vm0, v10;
	vm0 =	vlt.s32 v11, v7;
	v11, _, _ =	vpop (xrf0)  }
0x36d: {  	s1 =	simm.s32 $0x8010;
	(v2sf) =	vpush v11, $0xF  }
0x36e: {  	v8 =	vld [tilespmem:s1+$0x0];
	_ =	sdelay $0x4  }
0x36f: {  	v10 =	vshrl.u32 v8, $0x10  }
0x370: {  	v10 =	vand.u32 $0xFF, v10  }
0x371: {  	vm1 =	vgt.s32 v10, v9  }
0x372: {  	p0 =	sne.s32 s3, $0x1;
	vm2 =	veq.s32 v10, v9;
	vm1 =	vmand vm0, vm1  }
.Ltmp19:
0x373: {  	vm0 =	vmand vm0, vm2;
	v10 =	vsel vm1, $0x1, v1;
	(pc) =	sbr.rel @!p0 .LBB2_28-.Ltmp19, $4  }
0x374: {  	s6 =	simm.s32 $0x10090;
	v12 =	vsel vm0, $0x1, v1;
	(xrf0) =	vadd.scan.msk.s32 $0xffff, v10  }
0x375: {  	v10 =	vld [tilespmem:s6+$0x0];
	(xrf0) =	vadd.scan.msk.s32 $0xffff, v12  }
0x376: {  	s5 =	sadd.s32 $0xFFFFFFFF, s3;
	p1 =	por $0x1, $0x1  }
0x377: {  	s3 =	smov.u32 s19;
	s4 =	simm.s32 $0x0;
	s7 =	spop (v2sf)  }
.LBB2_29:
0x378: {  	p0 =	sne.s32 s5, $0x1;
	s3 =	sadd.s32 s3, s7;
	s7 =	spop (v2sf)  }
0x379: {  	s5 =	sadd.s32 $0xFFFFFFFF, s5;
	[tilespmem:s3+$0x19300] =	vst.msk vm1, v8;
	s4 =	sadd.s32 s4, s7  }
0x37a: {  	[tilespmem:s3+$0x19480] =	vst.msk vm1, v10;
	v11, _, _ =	vpop (xrf0)  }
0x37b: {  	[tilespmem:s4+$0x8000] =	vst.msk vm0, v8;
	(v2sf) =	vpush v11, $0xF;
	v8, _, _ =	vpop (xrf0)  }
0x37c: {  	s1 =	sadd.s32 $0x10, s1;
	[tilespmem:s4+$0x10080] =	vst.msk vm0, v10;
	(v2sf) =	vpush v8, $0xF  }
0x37d: {  	v8 =	vld [tilespmem:s1+$0x0];
	_ =	sdelay $0x4  }
0x37e: {  	s2 =	sadd.s32 $0x10, s2;
	v10 =	vshrl.u32 v8, $0x10  }
0x37f: {  	v11 =	vor.u32 s2, v0;
	v10 =	vand.u32 $0xFF, v10  }
0x380: {  	vm0 =	vlt.s32 v11, v7;
	vm1 =	vgt.s32 v10, v9;
	vm2 =	veq.s32 v10, v9  }
0x381: {  	vm1 =	vmand vm0, vm1;
	vm0 =	vmand vm0, vm2  }
.Ltmp20:
0x382: {  	v10 =	vsel vm1, $0x1, v1;
	v11 =	vsel vm0, $0x1, v1;
	(pc) =	sbr.rel @p0 .LBB2_29-.Ltmp20, $3  }
0x383: {  	s6 =	sadd.s32 $0x10, s6;
	(xrf0) =	vadd.scan.msk.s32 $0xffff, v10  }
0x384: {  	v10 =	vld [tilespmem:s6+$0x0];
	(xrf0) =	vadd.scan.msk.s32 $0xffff, v11;
	_ =	sdelay $0x1  }
0x385: {  	s7 =	spop (v2sf)  }
0x386: {  	s5 =	rddreg [dreg:$0xa]  }
.LBB2_31:
0x387: {  	_ = 	snop  }
0x388: {  	v7, _, _ =	vpop (xrf0)  }
0x389: {  	(v2sf) =	vpush v7, $0xF;
	v7, _, _ =	vpop (xrf0)  }
0x38a: {  	(v2sf) =	vpush v7, $0xF;
	_ =	sdelay $0xa  }
0x38b: {  	s1 =	sadd.s32 @p1 s3, s7  }
.Ltmp21:
0x38c: {  	s2 =	spop @p1 (v2sf);
	s19 =	smov.u32 @p1 s1;
	(pc) =	sbr.rel .LBB2_32-.Ltmp21, $4  }
0x38d: {  	s1 =	sadd.s32 @p1 s4, s2;
	[tilespmem:s19+$0x19300] =	vst.msk vm1, v8  }
0x38e: {  	s0 =	smov.u32 @p1 s1;
	[tilespmem:s19+$0x19480] =	vst.msk vm1, v10;
	s30 =	spop (v2sf)  }
0x38f: {  	[tilespmem:s0+$0x8000] =	vst.msk vm0, v8;
	s31 =	spop (v2sf)  }
0x390: {  	[tilespmem:s0+$0x10080] =	vst.msk vm0, v10;
	s19 =	sadd.s32 s19, s30;
	s0 =	sadd.s32 s0, s31  }
.LBB2_24:
0x391: {  	s0 =	simm.s32 $0x0;
	s5 =	rddreg [dreg:$0xa]  }
.LBB2_32:
0x392: {  	[tilespmem:$0x18100] =	vst v1  }
0x393: {  	[tilespmem:$0x18110] =	vst v1  }
0x394: {  	[tilespmem:$0x18120] =	vst v1  }
0x395: {  	[tilespmem:$0x18130] =	vst v1;
	s1 =	sadd.s32 $0xF, s0  }
0x396: {  	[tilespmem:$0x18140] =	vst v1;
	s2 =	sand.u32 $0xF, s1  }
0x397: {  	[tilespmem:$0x18150] =	vst v1;
	s31 =	sshra.s32 s1, $0x1F;
	p1 =	slt.s32 s1, $0x1;
	p0 =	sne.s32 s2, $0x0  }
0x398: {  	[tilespmem:$0x18160] =	vst v1;
	s2 =	sshrl.u32 s31, $0x1C;
	p0 =	por !p1, !p0  }
0x399: {  	[tilespmem:$0x18170] =	vst v1;
	s1 =	sadd.s32 s2, s1;
	s2 =	simm.s32 $0x1;
	p0 =	por !p0, !p0  }
0x39a: {  	[tilespmem:$0x18180] =	vst v1;
	s1 =	sshra.s32 s1, $0x4;
	s2 =	simm.s32 @!p0 $0x0  }
0x39b: {  	[tilespmem:$0x18190] =	vst v1;
	s4 =	ssub.s32 s1, s2  }
0x39c: {  	[tilespmem:$0x181A0] =	vst v1;
	p0 =	slt.s32 s4, $0x1  }
.Ltmp22:
0x39d: {  	[tilespmem:$0x181B0] =	vst v1;
	(pc) =	sbr.rel @p0 .LBB2_39-.Ltmp22, $4  }
0x39e: {  	[tilespmem:$0x181C0] =	vst v1  }
0x39f: {  	[tilespmem:$0x181D0] =	vst v1;
	v7 =	vmov s0;
	s0 =	simm.s32 @!p0 $0x0  }
0x3a0: {  	[tilespmem:$0x181E0] =	vst v1;
	s0 =	simm.s32 @p0 $0x1  }
0x3a1: {  	[tilespmem:$0x181F0] =	vst v1;
	[smem:$0x7EE] =	sst s0  }
0x3a2: {  	p1 =	seq.s32 s4, $0x1  }
.Ltmp23:
0x3a3: {  	_ = 	snop;
	(pc) =	sbr.rel @p1 .LBB2_34-.Ltmp23, $3  }
0x3a4: {  	_ =	sdelay $0x1  }
0x3a5: {  	s1 =	simm.s32 $0x8000  }
0x3a6: {  	s0 =	simm.s32 $0x0;
	p0 =	por $0x0, $0x0;
	v8 =	vld [tilespmem:s1+$0x0];
	s1 =	sadd.s32 $0xFFFFFFFF, s4  }
0x3a7: {  	_ =	sdelay $0x3  }
0x3a8: {  	v9 =	vor.u32 s0, v0;
	v8 =	vshrl.u32 v8, $0x8  }
0x3a9: {  	vm0 =	vlt.s32 v9, v7;
	v8 =	vand.u32 $0xFF, v8  }
0x3aa: {  	(xrf1) =	vunique.msk.u32 vm0, v8;
	_ =	sdelay $0xd  }
0x3ab: {  	_, v9, vm0 =	vpop (xrf1);
	_ =	sdelay $0x1  }
0x3ac: {  	p1 =	seq.s32 s1, $0x1  }
.Ltmp24:
0x3ad: {  	_ = 	snop;
	(pc) =	sbr.rel @p1 .LBB2_36-.Ltmp24, $3  }
0x3ae: {  	_ =	sdelay $0x1  }
0x3af: {  	s2 =	simm.s32 $0x8010;
	[tilespmem:v8+s15+$0x0] =	vst.idx.add.s32.msk vm0, v9  }
0x3b0: {  	s3 =	sadd.s32 $0xFFFFFFFF, s1;
	p0 =	por $0x1, $0x1;
	s1 =	simm.s32 $0x0;
	v8 =	vld [tilespmem:s2+$0x0]  }
.LBB2_37:
0x3b1: {  	p2 =	seq.s32 s3, $0x1;
	_ =	sdelay $0x2  }
0x3b2: {  	s1 =	sadd.s32 $0x10, s1  }
0x3b3: {  	v9 =	vor.u32 s1, v0;
	v8 =	vshrl.u32 v8, $0x8  }
0x3b4: {  	vm0 =	vlt.s32 v9, v7;
	v8 =	vand.u32 $0xFF, v8  }
0x3b5: {  	(xrf1) =	vunique.msk.u32 vm0, v8;
	_ =	sdelay $0xd  }
0x3b6: {  	_, v9, vm0 =	vpop (xrf1);
	_ =	sdelay $0x2  }
.Ltmp25:
0x3b7: {  	(pc) =	sbr.rel @!p2 .LBB2_37-.Ltmp25, $3  }
0x3b8: {  	_ =	sdelay $0x1  }
0x3b9: {  	s2 =	sadd.s32 $0x10, s2;
	[tilespmem:v8+s15+$0x0] =	vst.idx.add.s32.msk vm0, v9  }
0x3ba: {  	s3 =	sadd.s32 $0xFFFFFFFF, s3;
	v8 =	vld [tilespmem:s2+$0x0]  }
.LBB2_38:
0x3bb: {  	_ =	sdelay $0x1  }
0x3bc: {  	s1 =	sadd.s32 @p0 $0x10, s1  }
0x3bd: {  	s0 =	smov.u32 @p0 s1  }
0x3be: {  	v9 =	vor.u32 s0, v0;
	v8 =	vshrl.u32 v8, $0x8  }
0x3bf: {  	vm0 =	vlt.s32 v9, v7;
	v8 =	vand.u32 $0xFF, v8  }
0x3c0: {  	(xrf1) =	vunique.msk.u32 vm0, v8;
	_ =	sdelay $0xd  }
0x3c1: {  	_, v9, vm0 =	vpop (xrf1);
	_ =	sdelay $0x5  }
0x3c2: {  	[tilespmem:v8+s15+$0x0] =	vst.idx.add.s32.msk vm0, v9  }
.LBB2_39:
0x3c3: {  	s3 =	simm.s32 $0x181F0  }
0x3c4: {  	v9 =	vld [tilespmem:s3+$0x0];
	_ =	sdelay $0x4  }
0x3c5: {  	v9 =	vperm.xlane v9, v5;
	_ =	sdelay $0x1  }
0x3c6: {  	(xrf0) =	vadd.scan.msk.s32 $0xffff, v9;
	_ =	sdelay $0x2  }
0x3c7: {  	[dreg:$0xe] =	wrdreg s4;
	s4 =	simm.s32 $0x181E0  }
0x3c8: {  	v10 =	vld [tilespmem:s4+$0x0];
	_ =	sdelay $0x1  }
0x3c9: {  	v11, _, _ =	vpop (xrf0)  }
0x3ca: {  	v12 =	vxor.u32 $0x80000000, v11  }
0x3cb: {  	(xrf0) =	vmax.scan.msk.u32 $0xffff, v12  }
0x3cc: {  	v10 =	vperm.xlane v10, v5;
	_ =	sdelay $0x1  }
0x3cd: {  	(xrf0) =	vadd.scan.msk.s32 $0xffff, v10;
	_ =	sdelay $0x1  }
0x3ce: {  	s0 =	ssub.s32 s5, s21;
	s5 =	simm.s32 $0x181D0  }
0x3cf: {  	v12 =	vld [tilespmem:s5+$0x0];
	v13, _, _ =	vpop (xrf0)  }
0x3d0: {  	(v2sf) =	vpush v13, $0xF;
	_ =	sdelay $0x1  }
0x3d1: {  	v13, _, _ =	vpop (xrf0)  }
0x3d2: {  	v14 =	vxor.u32 $0x80000000, v13  }
0x3d3: {  	v12 =	vperm.xlane v12, v5;
	(xrf0) =	vmax.scan.msk.u32 $0xffff, v14;
	_ =	sdelay $0x1  }
0x3d4: {  	(xrf0) =	vadd.scan.msk.s32 $0xffff, v12  }
0x3d5: {  	s6 =	simm.s32 $0x181C0  }
0x3d6: {  	v14 =	vld [tilespmem:s6+$0x0]  }
0x3d7: {  	s21 =	simm.s32 $0x0  }
0x3d8: {  	v8 =	vmov s0;
	v11 =	vadd.s32 s21, v11;
	v15, _, _ =	vpop (xrf0)  }
0x3d9: {  	vm0 =	vlt.s32 v11, v8;
	(v2sf) =	vpush v15, $0xF  }
0x3da: {  	v15 =	vsel vm0, $0x80000010, v6;
	v16, _, _ =	vpop (xrf0)  }
0x3db: {  	v14 =	vperm.xlane v14, v5;
	(xrf0) =	vmin.scan.msk.u32 $0xffff, v15;
	v15 =	vxor.u32 $0x80000000, v16  }
0x3dc: {  	(xrf0) =	vmax.scan.msk.u32 $0xffff, v15  }
0x3dd: {  	(xrf0) =	vadd.scan.msk.s32 $0xffff, v14;
	s7 =	spop (v2sf)  }
0x3de: {  	[dreg:$0xb] =	wrdreg s0;
	s0 =	sadd.s32 $0x0, s7  }
0x3df: {  	s0 =	sadd.s32 $0x80000000, s0  }
0x3e0: {  	s1 =	simm.s32 $0x181B0;
	v13 =	vadd.s32 s0, v13  }
0x3e1: {  	v15 =	vld [tilespmem:s1+$0x0];
	v17, _, _ =	vpop (xrf0);
	vm9 =	vlt.s32 v13, v8  }
0x3e2: {  	v18, _, _ =	vpop (xrf0);
	v19 =	vsel vm9, $0x80000010, v6  }
0x3e3: {  	v20, _, _ =	vpop (xrf0);
	(xrf0) =	vmin.scan.msk.u32 $0xffff, v19  }
0x3e4: {  	v19 =	vxor.u32 $0x80000000, v20  }
0x3e5: {  	(xrf0) =	vmax.scan.msk.u32 $0xffff, v19  }
0x3e6: {  	v15 =	vperm.xlane v15, v5;
	(v2sf) =	vpush v17, $0xF  }
0x3e7: {  	(v2sf) =	vpush v18, $0xF  }
0x3e8: {  	(xrf0) =	vadd.scan.msk.s32 $0xffff, v15;
	s8 =	spop (v2sf)  }
0x3e9: {  	s0 =	sadd.s32 s8, s0;
	v17, _, _ =	vpop (xrf0)  }
0x3ea: {  	s0 =	sadd.s32 $0x80000000, s0;
	(v2sf) =	vpush v17, $0xF  }
0x3eb: {  	v16 =	vadd.s32 s0, v16;
	v17, _, _ =	vpop (xrf0)  }
0x3ec: {  	vm10 =	vlt.s32 v16, v8;
	(v2sf) =	vpush v17, $0xF  }
0x3ed: {  	s9 =	simm.s32 $0x181A0;
	v17 =	vsel vm10, $0x80000010, v6  }
0x3ee: {  	v18, _, _ =	vpop (xrf0);
	(xrf0) =	vmin.scan.msk.u32 $0xffff, v17;
	v17 =	vld [tilespmem:s9+$0x0]  }
0x3ef: {  	v19 =	vxor.u32 $0x80000000, v18  }
0x3f0: {  	(xrf0) =	vmax.scan.msk.u32 $0xffff, v19;
	_ =	sdelay $0x2  }
0x3f1: {  	v17 =	vperm.xlane v17, v5;
	_ =	sdelay $0x1  }
0x3f2: {  	s11 =	simm.s32 $0x18190;
	s10 =	spop (v2sf);
	v19, _, _ =	vpop (xrf0);
	(xrf0) =	vadd.scan.msk.s32 $0xffff, v17  }
0x3f3: {  	v21 =	vld [tilespmem:s11+$0x0];
	s2 =	sxor.u32 $0x80000000, s10;
	s3 =	spop (v2sf);
	(v2sf) =	vpush v19, $0xF;
	v19, _, _ =	vpop (xrf0)  }
0x3f4: {  	s0 =	sadd.s32 s3, s0;
	(v2sf) =	vpush v19, $0xF;
	v19 =	vmov s2  }
0x3f5: {  	v9 =	vxor.u32 $0x80000000, v9;
	s3 =	sadd.s32 $0x80000000, s0;
	vm11 =	veq.s32 v19, v0  }
0x3f6: {  	v11 =	vxor.u32 $0x80000000, v11;
	v19 =	vadd.s32 s3, v20;
	v9 =	vnsel vm11, $0x80000000, v9;
	s12 =	spop (v2sf)  }
0x3f7: {  	v11 =	vnsel vm11, $0x80000000, v11;
	vm12 =	vlt.s32 v19, v8;
	(xrf0) =	vmax.scan.msk.u32 $0xffff, v9;
	s6 =	sxor.u32 $0x80000000, s12  }
0x3f8: {  	v21 =	vperm.xlane v21, v5;
	v9 =	vsel vm12, $0x80000010, v6;
	(xrf0) =	vmax.scan.msk.u32 $0xffff, v11;
	v20, _, _ =	vpop (xrf0);
	s7 =	spop (v2sf);
	v11 =	vmov s6  }
0x3f9: {  	v10 =	vxor.u32 $0x80000000, v10;
	(xrf0) =	vmin.scan.msk.u32 $0xffff, v9;
	v9 =	vxor.u32 $0x80000000, v20;
	s3 =	sadd.s32 s7, s3;
	vm13 =	veq.s32 v11, v0  }
0x3fa: {  	(xrf0) =	vmax.scan.msk.u32 $0xffff, v9;
	s16 =	sadd.s32 $0x80000000, s3;
	v10 =	vnsel vm13, $0x80000000, v10  }
0x3fb: {  	s31 =	simm.s32 $0x800000AF;
	s30 =	simm.s32 $0x8000009F;
	v9 =	vxor.u32 $0x80000000, v13;
	(xrf0) =	vadd.scan.msk.s32 $0xffff, v21;
	v18 =	vadd.s32 s16, v18  }
0x3fc: {  	s29 =	simm.s32 $0x8000008F;
	s28 =	simm.s32 $0x8000007F;
	v9 =	vnsel vm13, $0x80000000, v9;
	(xrf0) =	vmax.scan.msk.u32 $0xffff, v10;
	vm14 =	vlt.s32 v18, v8  }
0x3fd: {  	p2 =	por $0x0, $0x0;
	s25 =	simm.s32 $0x8000006F;
	s24 =	simm.s32 $0x8000005F;
	(xrf0) =	vmax.scan.msk.u32 $0xffff, v9;
	v9 =	vsel vm14, $0x80000010, v6;
	v10, _, _ =	vpop (xrf0)  }
0x3fe: {  	s17 =	simm.s32 $0x18180;
	s23 =	simm.s32 $0x0;
	s26 =	simm.s32 $0x8000004F;
	(v2sf) =	vpush v10, $0xF;
	v10, _, _ =	vpop (xrf0)  }
0x3ff: {  	s4 =	simm.s32 $0x800000CF;
	p0 =	por !p2, !p2;
	p1 =	slt.s32 s2, $0x10;
	(v2sf) =	vpush v10, $0xF  }
0x400: {  	s1 =	ssub.s32 $0x800000FF, s10;
	p3 =	por !p1, !p0;
	p6 =	por p2, p1;
	(xrf0) =	vmin.scan.msk.u32 $0xffff, v9;
	v9, _, _ =	vpop (xrf0)  }
0x401: {  	v22 =	vld [tilespmem:s17+$0x0];
	s0 =	simm.s32 $0x800000BF;
	p1 =	por !p6, !p6;
	p2 =	por !p3, !p3;
	(v2sf) =	vpush v9, $0xF  }
0x402: {  	s23 =	smov.u32 @p2 s1;
	p2 =	por p2, p2;
	p4 =	slt.s32 s6, $0x10;
	v10, _, _ =	vpop (xrf0)  }
0x403: {  	v23 =	vxor.u32 $0x80000000, v12;
	v12 =	vxor.u32 $0x80000000, v14;
	s1 =	ssub.s32 $0x800000EF, s12;
	p0 =	por p6, p4;
	p3 =	por !p4, !p1;
	v11 =	vxor.u32 $0x80000000, v17;
	v17, _, _ =	vpop (xrf0)  }
0x404: {  	v13 =	vxor.u32 $0x80000000, v15;
	s3 =	simm.s32 $0x8000003F;
	p5 =	por !p0, !p0;
	s18 =	spop (v2sf);
	(v2sf) =	vpush v10, $0xF;
	v10 =	vxor.u32 $0x80000000, v17;
	v61, _, _ =	vpop (xrf0)  }
0x405: {  	v15 =	vxor.u32 $0x80000000, v19;
	p4 =	por !p3, !p3;
	v14 =	vxor.u32 $0x80000000, v18;
	s20 =	sxor.u32 $0x80000000, s18;
	s22 =	spop (v2sf);
	(xrf0) =	vmax.scan.msk.u32 $0xffff, v10;
	(v2sf) =	vpush v61, $0xF;
	v18, _, _ =	vpop (xrf0)  }
0x406: {  	v19 =	vperm.xlane v22, v5;
	p3 =	por p2, p2;
	s23 =	smov.u32 @p4 s1;
	p2 =	por p4, p4;
	v62 =	vmov s20;
	(v2sf) =	vpush v18, $0xF;
	v63, _, _ =	vpop (xrf0)  }
0x407: {  	s1 =	simm.s32 $0x18170;
	p6 =	slt.s32 s20, $0x10;
	s2 =	sadd.s32 s22, s16;
	vm15 =	veq.s32 v62, v0;
	(v2sf) =	vpush v63, $0xF  }
0x408: {  	v16 =	vxor.u32 $0x80000000, v16;
	v9 =	vxor.u32 $0x80000000, v21;
	p1 =	por !p6, !p5;
	p4 =	por p0, p6;
	s2 =	sadd.s32 $0x80000000, s2;
	v22 =	vnsel vm15, $0x80000000, v23;
	(xrf0) =	vadd.scan.msk.s32 $0xffff, v19  }
0x409: {  	s8 =	ssub.s32 $0x800000DF, s18;
	v10 =	vxor.u32 $0x80000000, v19;
	p5 =	por !p4, !p4;
	p6 =	por !p1, !p1;
	v19 =	vnsel vm15, $0x80000000, v16;
	v16 =	vld [tilespmem:s1+$0x0];
	v18 =	vadd.s32 s2, v20;
	(xrf0) =	vmax.scan.msk.u32 $0xffff, v22  }
.LBB2_40:
0x40a: {  	p0 =	sne.s32 s3, $0x8000000F;
	s23 =	smov.u32 @p6 s8  }
0x40b: {  	v20, _, _ =	vpop (xrf0);
	vm0 =	vlt.s32 v18, v8;
	v21 =	vxor.u32 $0x80000000, v18;
	(xrf0) =	vmax.scan.msk.u32 $0xffff, v19;
	s5 =	smov.u32 s31;
	s31 =	smov.u32 s30;
	s30 =	smov.u32 s29  }
0x40c: {  	v18 =	vmovc v12;
	v12 =	vmovc v13;
	v13 =	vmov v11;
	v11 =	vmov v9;
	v9 =	vmov v10;
	p1 =	por p3, p3;
	p3 =	por p2, p2;
	p2 =	por p6, p6  }
0x40d: {  	s29 =	smov.u32 s28;
	s28 =	smov.u32 s25;
	(v2sf) =	vpush v20, $0xF;
	v10 =	vsel vm0, $0x80000010, v6;
	s6 =	spop (v2sf)  }
0x40e: {  	s25 =	smov.u32 s24;
	v20, _, _ =	vpop (xrf0);
	(xrf0) =	vmin.scan.msk.u32 $0xffff, v10;
	s6 =	sxor.u32 $0x80000000, s6;
	s7 =	spop (v2sf)  }
0x40f: {  	s24 =	smov.u32 s26;
	s26 =	smov.u32 s3;
	v10 =	vxor.u32 $0x80000000, v20;
	s7 =	sxor.u32 $0x80000000, s7  }
0x410: {  	s8 =	spop (v2sf)  }
0x411: {  	v16 =	vperm.xlane v16, v5;
	(xrf0) =	vmax.scan.msk.u32 $0xffff, v10;
	s6 =	ssub.s32 s7, s6;
	s7 =	sxor.u32 $0x80000000, s8  }
.Ltmp26:
0x412: {  	s8 =	ssub.s32 s4, s8;
	v19, _, _ =	vpop (xrf0);
	s21 =	smov.u32 @p1 s6;
	(pc) =	sbr.rel @p0 .LBB2_40-.Ltmp26, $4  }
0x413: {  	s4 =	smov.u32 s0;
	v10 =	vxor.u32 $0x80000000, v16;
	(xrf0) =	vadd.scan.msk.s32 $0xffff, v16;
	s6 =	spop (v2sf);
	p6 =	slt.s32 s7, $0x10;
	v16 =	vmov s7;
	(v2sf) =	vpush v19, $0xF;
	v19, _, _ =	vpop (xrf0)  }
0x414: {  	s0 =	sadd.s32 s6, s2;
	vm0 =	veq.s32 v16, v0;
	p1 =	por !p6, !p5;
	p4 =	por p4, p6;
	(v2sf) =	vpush v19, $0xF  }
0x415: {  	s1 =	sadd.s32 $0xFFFFFFF0, s1;
	s2 =	sadd.s32 $0x80000000, s0;
	v22, _, _ =	vpop (xrf0);
	p5 =	por !p4, !p4;
	v23 =	vnsel vm0, $0x80000000, v18;
	v19 =	vnsel vm0, $0x80000000, v15;
	v15 =	vmov v14  }
0x416: {  	s3 =	sadd.s32 $0xFFFFFFF0, s3;
	p6 =	por !p1, !p1;
	v14 =	vmovc v21;
	s0 =	smov.u32 s5;
	v16 =	vld [tilespmem:s1+$0x0];
	v18 =	vadd.s32 s2, v17;
	(v2sf) =	vpush v22, $0xF;
	(xrf0) =	vmax.scan.msk.u32 $0xffff, v23;
	v17 =	vmov v20  }
0x417: {  	_ = 	snop  }
0x418: {  	v20, _, _ =	vpop (xrf0);
	vm0 =	vlt.s32 v18, v8  }
0x419: {  	(xrf0) =	vmax.scan.msk.u32 $0xffff, v19;
	(v2sf) =	vpush v20, $0xF;
	v47 =	vsel vm0, $0x80000010, v6;
	v48, _, _ =	vpop (xrf0)  }
0x41a: {  	(xrf0) =	vmin.scan.msk.u32 $0xffff, v47;
	v49 =	vxor.u32 $0x80000000, v48  }
0x41b: {  	(xrf0) =	vmax.scan.msk.u32 $0xffff, v49  }
0x41c: {  	s3 =	spop (v2sf);
	v16 =	vperm.xlane v16, v5  }
0x41d: {  	s20 =	spop (v2sf)  }
0x41e: {  	s12 =	spop (v2sf);
	v50, _, _ =	vpop (xrf0);
	(xrf0) =	vadd.scan.msk.s32 $0xffff, v16  }
0x41f: {  	s1 =	sadd.s32 $0xFFFFFFF0, s1;
	s17 =	sxor.u32 $0x80000000, s12;
	s22 =	spop (v2sf);
	(v2sf) =	vpush v50, $0xF;
	v51, _, _ =	vpop (xrf0)  }
0x420: {  	v22 =	vld [tilespmem:s1+$0x0];
	v21 =	vmov s17;
	s2 =	sadd.s32 s22, s2;
	(v2sf) =	vpush v51, $0xF;
	v52, _, _ =	vpop (xrf0)  }
0x421: {  	vm13 =	veq.s32 v21, v0;
	s2 =	sadd.s32 $0x80000000, s2;
	(v2sf) =	vpush v52, $0xF;
	v53, _, _ =	vpop (xrf0)  }
0x422: {  	v12 =	vnsel vm13, $0x80000000, v12;
	v17 =	vadd.s32 s2, v17;
	(v2sf) =	vpush v53, $0xF  }
0x423: {  	v15 =	vnsel vm13, $0x80000000, v15;
	(xrf0) =	vmax.scan.msk.u32 $0xffff, v12;
	vm14 =	vlt.s32 v17, v8  }
0x424: {  	(xrf0) =	vmax.scan.msk.u32 $0xffff, v15;
	v54 =	vsel vm14, $0x80000010, v6;
	v55, _, _ =	vpop (xrf0)  }
0x425: {  	v12 =	vperm.xlane v22, v5;
	s5 =	spop (v2sf);
	(xrf0) =	vmin.scan.msk.u32 $0xffff, v54;
	v56 =	vxor.u32 $0x80000000, v55  }
0x426: {  	s6 =	spop (v2sf);
	(xrf0) =	vmax.scan.msk.u32 $0xffff, v56  }
0x427: {  	s10 =	spop (v2sf);
	(xrf0) =	vadd.scan.msk.s32 $0xffff, v12  }
0x428: {  	s1 =	sadd.s32 $0xFFFFFFF0, s1;
	s18 =	sxor.u32 $0x80000000, s10;
	s7 =	spop (v2sf)  }
0x429: {  	v59 =	vld [tilespmem:s1+$0x0];
	v57, _, _ =	vpop (xrf0);
	v58 =	vmov s18;
	s2 =	sadd.s32 s7, s2  }
0x42a: {  	v23, _, _ =	vpop (xrf0);
	vm15 =	veq.s32 v58, v0;
	s2 =	sadd.s32 $0x80000000, s2  }
0x42b: {  	v60, _, _ =	vpop (xrf0);
	v13 =	vnsel vm15, $0x80000000, v13;
	v20 =	vadd.s32 s2, v48  }
0x42c: {  	v14 =	vnsel vm15, $0x80000000, v14;
	(xrf0) =	vmax.scan.msk.u32 $0xffff, v13;
	v24, _, _ =	vpop (xrf0);
	vm4 =	vlt.s32 v20, v8  }
0x42d: {  	(xrf0) =	vmax.scan.msk.u32 $0xffff, v14;
	v61 =	vsel vm4, $0x80000010, v6;
	v62, _, _ =	vpop (xrf0)  }
0x42e: {  	v63 =	vperm.xlane v59, v5;
	s9 =	spop (v2sf);
	(xrf0) =	vmin.scan.msk.u32 $0xffff, v61;
	v25 =	vxor.u32 $0x80000000, v62  }
0x42f: {  	(v2sf) =	vpush v57, $0xF;
	s11 =	spop (v2sf);
	(xrf0) =	vmax.scan.msk.u32 $0xffff, v25  }
0x430: {  	(v2sf) =	vpush v23, $0xF;
	[smem:$0x7E8] =	sst s11;
	s11 =	spop (v2sf);
	(xrf0) =	vadd.scan.msk.s32 $0xffff, v63  }
0x431: {  	[dreg:$0x1a] =	wrdreg s5;
	(v2sf) =	vpush v60, $0xF;
	s5 =	sxor.u32 $0x80000000, s11;
	s16 =	spop (v2sf)  }
0x432: {  	v26, _, _ =	vpop (xrf0);
	v27 =	vmov s5;
	s2 =	sadd.s32 s16, s2  }
0x433: {  	[dreg:$0x12] =	wrdreg s3;
	v28, _, _ =	vpop (xrf0);
	vm5 =	veq.s32 v27, v0;
	s3 =	sadd.s32 $0x80000000, s2  }
0x434: {  	v29 =	vxor.u32 $0x80000000, v18;
	v30, _, _ =	vpop (xrf0);
	v11 =	vnsel vm5, $0x80000000, v11;
	v15 =	vadd.s32 s3, v55  }
0x435: {  	v18 =	vnsel vm5, $0x80000000, v29;
	(xrf0) =	vmax.scan.msk.u32 $0xffff, v11;
	v31, _, _ =	vpop (xrf0);
	vm6 =	vlt.s32 v15, v8  }
0x436: {  	(xrf0) =	vmax.scan.msk.u32 $0xffff, v18;
	v33, _, _ =	vpop (xrf0);
	v32 =	vsel vm6, $0x80000010, v6  }
0x437: {  	(v2sf) =	vpush v24, $0xF;
	v34 =	vxor.u32 $0x80000000, v33;
	(xrf0) =	vmin.scan.msk.u32 $0xffff, v32  }
0x438: {  	(v2sf) =	vpush v26, $0xF;
	(xrf0) =	vmax.scan.msk.u32 $0xffff, v34  }
0x439: {  	(v2sf) =	vpush v28, $0xF  }
0x43a: {  	(v2sf) =	vpush v30, $0xF  }
0x43b: {  	(v2sf) =	vpush v31, $0xF;
	v35, _, _ =	vpop (xrf0)  }
0x43c: {  	s1 =	sadd.s32 $0xFFFFFFF0, s1;
	(v2sf) =	vpush v35, $0xF;
	v36, _, _ =	vpop (xrf0)  }
0x43d: {  	v38 =	vld [tilespmem:s1+$0x0];
	(v2sf) =	vpush v36, $0xF;
	v37, _, _ =	vpop (xrf0)  }
0x43e: {  	[dreg:$0x16] =	wrdreg s20;
	s20 =	spop (v2sf);
	(v2sf) =	vpush v37, $0xF;
	v39, _, _ =	vpop (xrf0)  }
0x43f: {  	s16 =	spop (v2sf);
	(v2sf) =	vpush v39, $0xF  }
0x440: {  	s2 =	spop (v2sf)  }
0x441: {  	[smem:$0x7E7] =	sst s9;
	s9 =	sxor.u32 $0x80000000, s2  }
0x442: {  	v40 =	vperm.xlane v38, v5;
	v41 =	vmov s9  }
0x443: {  	vm7 =	veq.s32 v41, v0  }
0x444: {  	(xrf0) =	vadd.scan.msk.s32 $0xffff, v40;
	v9 =	vnsel vm7, $0x80000000, v9  }
0x445: {  	(xrf0) =	vmax.scan.msk.u32 $0xffff, v9  }
0x446: {  	[dreg:$0x1e] =	wrdreg s6;
	s6 =	spop (v2sf)  }
0x447: {  	v17 =	vxor.u32 $0x80000000, v17;
	s22 =	spop (v2sf)  }
0x448: {  	v17 =	vnsel vm7, $0x80000000, v17;
	s3 =	sadd.s32 s6, s3;
	s7 =	spop (v2sf)  }
0x449: {  	s6 =	sadd.s32 $0x80000000, s3;
	(xrf0) =	vmax.scan.msk.u32 $0xffff, v17;
	[smem:$0x7EA] =	sst s22;
	s22 =	spop (v2sf)  }
0x44a: {  	v42 =	vadd.s32 s6, v62;
	v43, _, _ =	vpop (xrf0);
	[smem:$0x7EB] =	sst s7;
	s7 =	spop (v2sf)  }
0x44b: {  	[smem:$0x7E9] =	sst s20;
	vm8 =	vlt.s32 v42, v8;
	v46, _, _ =	vpop (xrf0);
	s3 =	sxor.u32 $0x80000000, s22;
	s20 =	spop (v2sf)  }
0x44c: {  	v45 =	vsel vm8, $0x80000010, v6;
	(v2sf) =	vpush v46, $0xF;
	s6 =	sadd.s32 s7, s6;
	v47 =	vmov s3;
	s7 =	spop (v2sf)  }
0x44d: {  	v16 =	vxor.u32 $0x80000000, v16;
	(xrf0) =	vmin.scan.msk.u32 $0xffff, v45;
	v48 =	vxor.u32 $0x80000000, v43;
	vm9 =	veq.s32 v47, v0;
	s1 =	sadd.s32 $0x80000000, s6;
	[smem:$0x7ED] =	sst s7;
	s7 =	spop (v2sf)  }
0x44e: {  	v44 =	vxor.u32 $0x80000000, v20;
	(xrf0) =	vmax.scan.msk.u32 $0xffff, v48;
	v10 =	vnsel vm9, $0x80000000, v10;
	v50 =	vadd.s32 s1, v33;
	[smem:$0x7EC] =	sst s20;
	s6 =	sxor.u32 $0x80000000, s7;
	s20 =	spop (v2sf)  }
0x44f: {  	s23 =	smov.u32 @p6 s8;
	p0 =	slt.s32 s17, $0x10;
	v49, _, _ =	vpop (xrf0);
	v17 =	vnsel vm9, $0x80000000, v44;
	(xrf0) =	vmax.scan.msk.u32 $0xffff, v10;
	vm10 =	vlt.s32 v50, v8;
	s1 =	sadd.s32 s20, s1;
	v51 =	vmov s6  }
0x450: {  	s4 =	ssub.s32 s4, s12;
	p1 =	por !p0, !p5;
	(v2sf) =	vpush v49, $0xF;
	(xrf0) =	vmax.scan.msk.u32 $0xffff, v17;
	v52 =	vsel vm10, $0x80000010, v6;
	vm11 =	veq.s32 v51, v0;
	s1 =	sadd.s32 $0x80000000, s1  }
0x451: {  	s17 =	rddreg [dreg:$0x12];
	p5 =	por p3, p3;
	p3 =	por !p1, !p1;
	v54 =	vxor.u32 $0x80000000, v15;
	(xrf0) =	vmin.scan.msk.u32 $0xffff, v52;
	v53 =	vadd.s32 s1, v43;
	v55 =	vnsel vm11, $0x80000000, v16  }
0x452: {  	p6 =	por p6, p6;
	s23 =	smov.u32 @p3 s4;
	s4 =	rddreg [dreg:$0x1a];
	v14 =	vnsel vm11, $0x80000000, v54;
	(xrf0) =	vmax.scan.msk.u32 $0xffff, v55;
	vm12 =	vlt.s32 v53, v8  }
0x453: {  	p6 =	por p6, p6;
	p3 =	por p3, p3;
	s8 =	rddreg [dreg:$0x1e];
	v8, _, _ =	vpop (xrf0);
	(xrf0) =	vmax.scan.msk.u32 $0xffff, v14;
	v56 =	vsel vm12, $0x80000010, v6  }
0x454: {  	p3 =	por p3, p3;
	s0 =	ssub.s32 s0, s10;
	s10 =	sld [smem:$0x7E7];
	(v2sf) =	vpush v8, $0xF;
	v8, _, _ =	vpop (xrf0);
	(xrf0) =	vmin.scan.msk.u32 $0xffff, v56  }
0x455: {  	p3 =	por p3, p3;
	p1 =	slt.s32 s18, $0x10;
	s20 =	rddreg [dreg:$0x16];
	v57, _, _ =	vpop (xrf0);
	(v2sf) =	vpush v8, $0xF  }
0x456: {  	s12 =	sld [smem:$0x7E8];
	s1 =	sxor.u32 $0x80000000, s17;
	s17 =	sxor.u32 $0x80000000, s20;
	(v2sf) =	vpush v57, $0xF;
	v8, _, _ =	vpop (xrf0)  }
0x457: {  	s18 =	sxor.u32 $0x80000000, s16;
	s2 =	ssub.s32 s30, s2;
	s1 =	ssub.s32 s17, s1;
	(v2sf) =	vpush v8, $0xF;
	v8, _, _ =	vpop (xrf0)  }
0x458: {  	s30 =	sld [smem:$0x7EA];
	s21 =	smov.u32 @p5 s1;
	p5 =	por p2, p2;
	(v2sf) =	vpush v8, $0xF;
	v8, _, _ =	vpop (xrf0)  }
0x459: {  	p2 =	por p4, p0;
	s1 =	sxor.u32 $0x80000000, s4;
	s4 =	sxor.u32 $0x80000000, s8;
	(v2sf) =	vpush v8, $0xF;
	v8, _, _ =	vpop (xrf0)  }
0x45a: {  	s17 =	sld [smem:$0x7E9];
	p0 =	por !p2, !p2;
	s1 =	ssub.s32 s4, s1;
	(v2sf) =	vpush v8, $0xF;
	v8, _, _ =	vpop (xrf0)  }
0x45b: {  	p4 =	por p5, p5;
	s4 =	spop (v2sf);
	p0 =	por !p1, !p0;
	(v2sf) =	vpush v8, $0xF  }
0x45c: {  	s21 =	smov.u32 @p4 s1;
	s1 =	sxor.u32 $0x80000000, s12;
	p4 =	slt.s32 s5, $0x10  }
0x45d: {  	p1 =	por p2, p1;
	p2 =	por p6, p6;
	p0 =	por !p0, !p0  }
0x45e: {  	s4 =	sxor.u32 $0x80000000, s4;
	p5 =	por !p1, !p1;
	s23 =	smov.u32 @p0 s0  }
0x45f: {  	s0 =	sxor.u32 $0x80000000, s10;
	s10 =	spop (v2sf);
	p6 =	por p0, p0  }
0x460: {  	p5 =	por !p4, !p5;
	p0 =	por p1, p4;
	s0 =	ssub.s32 s1, s0  }
0x461: {  	s1 =	ssub.s32 s31, s11;
	p1 =	por !p0, !p0;
	p4 =	por p6, p6  }
0x462: {  	s31 =	sxor.u32 $0x80000000, s30;
	s30 =	sld [smem:$0x7EC];
	s10 =	sxor.u32 $0x80000000, s10  }
0x463: {  	s21 =	smov.u32 @p2 s0;
	p2 =	por !p5, !p5;
	s5 =	spop (v2sf)  }
0x464: {  	s0 =	sxor.u32 $0x80000000, s17;
	p5 =	slt.s32 s9, $0x10;
	s20 =	spop (v2sf)  }
0x465: {  	s23 =	smov.u32 @p2 s1;
	s0 =	ssub.s32 s18, s0;
	s8 =	spop (v2sf)  }
0x466: {  	p1 =	por !p5, !p1;
	s18 =	sld [smem:$0x7EB];
	s9 =	spop (v2sf)  }
0x467: {  	s21 =	smov.u32 @p3 s0;
	s16 =	sxor.u32 $0x80000000, s5;
	s1 =	spop (v2sf)  }
0x468: {  	p3 =	por p0, p5;
	p0 =	por !p1, !p1;
	v8 =	vmov s16;
	s0 =	spop (v2sf)  }
0x469: {  	v12 =	vxor.u32 $0x80000000, v12;
	s23 =	smov.u32 @p0 s2;
	vm13 =	veq.s32 v8, v0;
	s12 =	sxor.u32 $0x80000000, s1;
	s2 =	spop (v2sf)  }
0x46a: {  	s4 =	ssub.s32 s10, s4;
	p5 =	slt.s32 s3, $0x10;
	v8 =	vxor.u32 $0x80000000, v42;
	v58 =	vnsel vm13, $0x80000000, v12;
	v59 =	vmov s12;
	s3 =	spop (v2sf)  }
0x46b: {  	v60 =	vxor.u32 $0x80000000, v63;
	p2 =	por p2, p2;
	p6 =	por !p3, !p3;
	v8 =	vnsel vm13, $0x80000000, v8;
	(xrf0) =	vmax.scan.msk.u32 $0xffff, v58;
	vm14 =	veq.s32 v59, v0;
	s20 =	sxor.u32 $0x80000000, s3  }
0x46c: {  	p0 =	por p0, p0;
	s17 =	sxor.u32 $0x80000000, s18;
	p1 =	por !p5, !p6;
	(xrf0) =	vmax.scan.msk.u32 $0xffff, v8;
	v8 =	vxor.u32 $0x80000000, v50;
	v9 =	vnsel vm14, $0x80000000, v60;
	v61 =	vmov s20  }
0x46d: {  	v11 =	vxor.u32 $0x80000000, v40;
	s18 =	ssub.s32 s29, s22;
	p6 =	por p4, p4;
	p0 =	por p0, p0;
	v8 =	vnsel vm14, $0x80000000, v8;
	(xrf0) =	vmax.scan.msk.u32 $0xffff, v9;
	vm15 =	veq.s32 v61, v0  }
0x46e: {  	s17 =	ssub.s32 s17, s31;
	p4 =	por !p1, !p1;
	s31 =	sld [smem:$0x7ED];
	(xrf0) =	vmax.scan.msk.u32 $0xffff, v8;
	v8 =	vnsel vm15, $0x80000000, v11  }
0x46f: {  	v62 =	vxor.u32 $0x80000000, v53;
	p1 =	por p3, p5;
	s21 =	smov.u32 @p6 s17;
	s23 =	smov.u32 @p4 s18  }
0x470: {  	s17 =	sxor.u32 $0x80000000, s30;
	p6 =	por p2, p2;
	p2 =	slt.s32 s6, $0x10;
	v9 =	vnsel vm15, $0x80000000, v62;
	(xrf0) =	vmax.scan.msk.u32 $0xffff, v8  }
0x471: {  	p3 =	por !p1, !p1;
	s6 =	ssub.s32 s28, s7;
	p4 =	por p4, p4;
	v8, _, _ =	vpop (xrf0);
	(xrf0) =	vmax.scan.msk.u32 $0xffff, v9  }
0x472: {  	p5 =	por p6, p6;
	p3 =	por !p2, !p3;
	p2 =	por p1, p2  }
0x473: {  	p6 =	por p0, p0;
	p1 =	por p4, p4;
	s18 =	sxor.u32 $0x80000000, s31;
	v63, _, _ =	vpop (xrf0);
	(v2sf) =	vpush v8, $0xF  }
0x474: {  	p3 =	por !p3, !p3;
	p1 =	por p1, p1;
	s31 =	sld [smem:$0x7EE];
	(v2sf) =	vpush v63, $0xF;
	v8, _, _ =	vpop (xrf0)  }
0x475: {  	s17 =	ssub.s32 s18, s17;
	s23 =	smov.u32 @p3 s6;
	p0 =	por p3, p3;
	(v2sf) =	vpush v8, $0xF;
	v8, _, _ =	vpop (xrf0)  }
0x476: {  	s21 =	smov.u32 @p5 s17;
	p5 =	por !p2, !p2;
	p0 =	por p0, p0;
	(v2sf) =	vpush v8, $0xF;
	v8, _, _ =	vpop (xrf0)  }
0x477: {  	s21 =	smov.u32 @p6 s4;
	p4 =	slt.s32 s16, $0x10;
	s4 =	ssub.s32 s25, s5;
	(v2sf) =	vpush v8, $0xF;
	v8, _, _ =	vpop (xrf0)  }
0x478: {  	p0 =	por p0, p0;
	p5 =	por !p4, !p5;
	p2 =	por p2, p4;
	(v2sf) =	vpush v8, $0xF  }
0x479: {  	s16 =	sxor.u32 $0x80000000, s8;
	s17 =	sxor.u32 $0x80000000, s9;
	p4 =	por !p5, !p5  }
0x47a: {  	p3 =	por !p2, !p2;
	s5 =	ssub.s32 s17, s16;
	s23 =	smov.u32 @p4 s4  }
0x47b: {  	p4 =	por p4, p4;
	s1 =	ssub.s32 s24, s1;
	p6 =	slt.s32 s12, $0x10  }
0x47c: {  	s21 =	smov.u32 @p1 s5;
	p5 =	por p4, p4;
	p3 =	por !p6, !p3  }
0x47d: {  	p1 =	por p2, p6;
	s0 =	sxor.u32 $0x80000000, s0;
	p2 =	por !p3, !p3  }
0x47e: {  	p1 =	por !p1, !p1;
	s18 =	sxor.u32 $0x80000000, s2;
	s23 =	smov.u32 @p2 s1  }
0x47f: {  	p2 =	por p2, p2;
	s0 =	ssub.s32 s18, s0;
	p6 =	slt.s32 s20, $0x10  }
0x480: {  	s1 =	ssub.s32 s26, s3;
	s21 =	smov.u32 @p0 s0;
	p1 =	por !p6, !p1  }
0x481: {  	p2 =	por p2, p2;
	p0 =	por !p1, !p1;
	p1 =	por p5, p5  }
0x482: {  	p5 =	por p0, p0;
	s23 =	smov.u32 @p0 s1;
	s20 =	spop (v2sf)  }
0x483: {  	p0 =	seq.s32 s31, $0x1;
	p6 =	por p5, p5;
	s22 =	spop (v2sf)  }
0x484: {  	s2 =	sxor.u32 $0x80000000, s20;
	s0 =	sxor.u32 $0x80000000, s22;
	s24 =	spop (v2sf)  }
0x485: {  	s0 =	ssub.s32 s0, s2;
	s25 =	spop (v2sf);
	s2 =	sxor.u32 $0x80000000, s24  }
.Ltmp27:
0x486: {  	s21 =	smov.u32 @p1 s0;
	s26 =	spop (v2sf);
	(pc) =	sbr.rel @p0 .LBB2_42-.Ltmp27, $4  }
0x487: {  	p1 =	por p2, p2;
	s0 =	sxor.u32 $0x80000000, s25;
	s28 =	spop (v2sf)  }
0x488: {  	s0 =	ssub.s32 s0, s2;
	s29 =	sxor.u32 $0x80000000, s26;
	s30 =	sxor.u32 $0x80000000, s28  }
0x489: {  	s21 =	smov.u32 @p1 s0;
	p1 =	por p6, p6;
	s0 =	ssub.s32 s30, s29  }
0x48a: {  	s21 =	smov.u32 @p1 s0  }
0x48b: {  	s0 =	simm.s32 $0x8000  }
0x48c: {  	v8 =	vld [tilespmem:s0+$0x0];
	_ =	sdelay $0x4  }
0x48d: {  	s2 =	rddreg [dreg:$0xe];
	s0 =	simm.s32 $0x0;
	v10 =	vshrl.u32 v8, $0x8  }
0x48e: {  	v9 =	vmov s23;
	p0 =	sne.s32 s2, $0x1;
	v11 =	vor.u32 s0, v0;
	v10 =	vand.u32 $0xFF, v10  }
.Ltmp28:
0x48f: {  	vm0 =	vlt.s32 v11, v7;
	vm1 =	vgt.s32 v10, v9;
	(pc) =	sbr.rel @!p0 .LBB2_44-.Ltmp28, $4  }
0x490: {  	vm2 =	veq.s32 v10, v9;
	vm1 =	vmand vm0, vm1  }
0x491: {  	vm0 =	vmand vm0, vm2;
	v10 =	vsel vm1, $0x1, v1  }
0x492: {  	s1 =	simm.s32 $0x10080;
	v11 =	vsel vm0, $0x1, v1;
	(xrf0) =	vadd.scan.msk.s32 $0xffff, v10  }
0x493: {  	p1 =	por $0x0, $0x0;
	s3 =	sadd.s32 $0xFFFFFFFF, s2;
	v10 =	vld [tilespmem:s1+$0x0];
	(xrf0) =	vadd.scan.msk.s32 $0xffff, v11  }
0x494: {  	_ =	sdelay $0x3  }
0x495: {  	s2 =	simm.s32 $0x10;
	v11, _, _ =	vpop (xrf0)  }
0x496: {  	[tilespmem:s19+$0x19300] =	vst.msk vm1, v8;
	(v2sf) =	vpush v11, $0xF;
	v11 =	vor.u32 s2, v0  }
0x497: {  	[tilespmem:s19+$0x19480] =	vst.msk vm1, v10  }
0x498: {  	[tilespmem:s0+$0x8000] =	vst.msk vm0, v8  }
0x499: {  	[tilespmem:s0+$0x10080] =	vst.msk vm0, v10;
	vm0 =	vlt.s32 v11, v7;
	v11, _, _ =	vpop (xrf0)  }
0x49a: {  	s1 =	simm.s32 $0x8010;
	(v2sf) =	vpush v11, $0xF  }
0x49b: {  	v8 =	vld [tilespmem:s1+$0x0];
	_ =	sdelay $0x4  }
0x49c: {  	v10 =	vshrl.u32 v8, $0x8  }
0x49d: {  	v10 =	vand.u32 $0xFF, v10  }
0x49e: {  	vm1 =	vgt.s32 v10, v9  }
0x49f: {  	p0 =	sne.s32 s3, $0x1;
	vm2 =	veq.s32 v10, v9;
	vm1 =	vmand vm0, vm1  }
.Ltmp29:
0x4a0: {  	vm0 =	vmand vm0, vm2;
	v10 =	vsel vm1, $0x1, v1;
	(pc) =	sbr.rel @!p0 .LBB2_46-.Ltmp29, $4  }
0x4a1: {  	s6 =	simm.s32 $0x10090;
	v12 =	vsel vm0, $0x1, v1;
	(xrf0) =	vadd.scan.msk.s32 $0xffff, v10  }
0x4a2: {  	v10 =	vld [tilespmem:s6+$0x0];
	(xrf0) =	vadd.scan.msk.s32 $0xffff, v12  }
0x4a3: {  	s5 =	sadd.s32 $0xFFFFFFFF, s3;
	p1 =	por $0x1, $0x1  }
0x4a4: {  	s3 =	smov.u32 s19;
	s4 =	simm.s32 $0x0;
	s7 =	spop (v2sf)  }
.LBB2_47:
0x4a5: {  	p0 =	sne.s32 s5, $0x1;
	s3 =	sadd.s32 s3, s7;
	s7 =	spop (v2sf)  }
0x4a6: {  	s5 =	sadd.s32 $0xFFFFFFFF, s5;
	[tilespmem:s3+$0x19300] =	vst.msk vm1, v8;
	s4 =	sadd.s32 s4, s7  }
0x4a7: {  	[tilespmem:s3+$0x19480] =	vst.msk vm1, v10;
	v11, _, _ =	vpop (xrf0)  }
0x4a8: {  	[tilespmem:s4+$0x8000] =	vst.msk vm0, v8;
	(v2sf) =	vpush v11, $0xF;
	v8, _, _ =	vpop (xrf0)  }
0x4a9: {  	s1 =	sadd.s32 $0x10, s1;
	[tilespmem:s4+$0x10080] =	vst.msk vm0, v10;
	(v2sf) =	vpush v8, $0xF  }
0x4aa: {  	v8 =	vld [tilespmem:s1+$0x0];
	_ =	sdelay $0x4  }
0x4ab: {  	s2 =	sadd.s32 $0x10, s2;
	v10 =	vshrl.u32 v8, $0x8  }
0x4ac: {  	v11 =	vor.u32 s2, v0;
	v10 =	vand.u32 $0xFF, v10  }
0x4ad: {  	vm0 =	vlt.s32 v11, v7;
	vm1 =	vgt.s32 v10, v9;
	vm2 =	veq.s32 v10, v9  }
0x4ae: {  	vm1 =	vmand vm0, vm1;
	vm0 =	vmand vm0, vm2  }
.Ltmp30:
0x4af: {  	v10 =	vsel vm1, $0x1, v1;
	v11 =	vsel vm0, $0x1, v1;
	(pc) =	sbr.rel @p0 .LBB2_47-.Ltmp30, $3  }
0x4b0: {  	s6 =	sadd.s32 $0x10, s6;
	(xrf0) =	vadd.scan.msk.s32 $0xffff, v10  }
0x4b1: {  	v10 =	vld [tilespmem:s6+$0x0];
	(xrf0) =	vadd.scan.msk.s32 $0xffff, v11;
	_ =	sdelay $0x1  }
0x4b2: {  	s7 =	spop (v2sf)  }
0x4b3: {  	s5 =	rddreg [dreg:$0xb]  }
.LBB2_49:
0x4b4: {  	_ = 	snop  }
0x4b5: {  	v7, _, _ =	vpop (xrf0)  }
0x4b6: {  	(v2sf) =	vpush v7, $0xF;
	v7, _, _ =	vpop (xrf0)  }
0x4b7: {  	(v2sf) =	vpush v7, $0xF;
	_ =	sdelay $0xa  }
0x4b8: {  	s1 =	sadd.s32 @p1 s3, s7  }
.Ltmp31:
0x4b9: {  	s2 =	spop @p1 (v2sf);
	s19 =	smov.u32 @p1 s1;
	(pc) =	sbr.rel .LBB2_50-.Ltmp31, $4  }
0x4ba: {  	s1 =	sadd.s32 @p1 s4, s2;
	[tilespmem:s19+$0x19300] =	vst.msk vm1, v8  }
0x4bb: {  	s0 =	smov.u32 @p1 s1;
	[tilespmem:s19+$0x19480] =	vst.msk vm1, v10;
	s30 =	spop (v2sf)  }
0x4bc: {  	[tilespmem:s0+$0x8000] =	vst.msk vm0, v8;
	s31 =	spop (v2sf)  }
0x4bd: {  	[tilespmem:s0+$0x10080] =	vst.msk vm0, v10;
	s19 =	sadd.s32 s19, s30;
	s0 =	sadd.s32 s0, s31  }
.LBB2_42:
0x4be: {  	s0 =	simm.s32 $0x0;
	s5 =	rddreg [dreg:$0xb]  }
.LBB2_50:
0x4bf: {  	[tilespmem:$0x18100] =	vst v1  }
0x4c0: {  	[tilespmem:$0x18110] =	vst v1  }
0x4c1: {  	[tilespmem:$0x18120] =	vst v1  }
0x4c2: {  	[tilespmem:$0x18130] =	vst v1;
	s1 =	sadd.s32 $0xF, s0  }
0x4c3: {  	[tilespmem:$0x18140] =	vst v1;
	s2 =	sand.u32 $0xF, s1  }
0x4c4: {  	[tilespmem:$0x18150] =	vst v1;
	s31 =	sshra.s32 s1, $0x1F;
	p1 =	slt.s32 s1, $0x1;
	p0 =	sne.s32 s2, $0x0  }
0x4c5: {  	[tilespmem:$0x18160] =	vst v1;
	s2 =	sshrl.u32 s31, $0x1C;
	p0 =	por !p1, !p0  }
0x4c6: {  	[tilespmem:$0x18170] =	vst v1;
	s1 =	sadd.s32 s2, s1;
	s2 =	simm.s32 $0x1;
	p0 =	por !p0, !p0  }
0x4c7: {  	[tilespmem:$0x18180] =	vst v1;
	s1 =	sshra.s32 s1, $0x4;
	s2 =	simm.s32 @!p0 $0x0  }
0x4c8: {  	[tilespmem:$0x18190] =	vst v1;
	s4 =	ssub.s32 s1, s2  }
0x4c9: {  	[tilespmem:$0x181A0] =	vst v1;
	p0 =	slt.s32 s4, $0x1  }
.Ltmp32:
0x4ca: {  	[tilespmem:$0x181B0] =	vst v1;
	(pc) =	sbr.rel @p0 .LBB2_57-.Ltmp32, $4  }
0x4cb: {  	[tilespmem:$0x181C0] =	vst v1  }
0x4cc: {  	[tilespmem:$0x181D0] =	vst v1;
	v7 =	vmov s0;
	s0 =	simm.s32 @!p0 $0x0  }
0x4cd: {  	[tilespmem:$0x181E0] =	vst v1;
	s0 =	simm.s32 @p0 $0x1  }
0x4ce: {  	[tilespmem:$0x181F0] =	vst v1;
	[smem:$0x7E6] =	sst s0  }
0x4cf: {  	p1 =	seq.s32 s4, $0x1  }
.Ltmp33:
0x4d0: {  	_ = 	snop;
	(pc) =	sbr.rel @p1 .LBB2_52-.Ltmp33, $3  }
0x4d1: {  	_ =	sdelay $0x1  }
0x4d2: {  	s1 =	simm.s32 $0x8000  }
0x4d3: {  	s0 =	simm.s32 $0x0;
	p0 =	por $0x0, $0x0;
	v8 =	vld [tilespmem:s1+$0x0];
	s1 =	sadd.s32 $0xFFFFFFFF, s4  }
0x4d4: {  	_ =	sdelay $0x2  }
0x4d5: {  	v9 =	vor.u32 s0, v0  }
0x4d6: {  	vm0 =	vlt.s32 v9, v7;
	v8 =	vand.u32 $0xFF, v8  }
0x4d7: {  	(xrf1) =	vunique.msk.u32 vm0, v8;
	_ =	sdelay $0xd  }
0x4d8: {  	_, v9, vm0 =	vpop (xrf1);
	_ =	sdelay $0x1  }
0x4d9: {  	p1 =	seq.s32 s1, $0x1  }
.Ltmp34:
0x4da: {  	_ = 	snop;
	(pc) =	sbr.rel @p1 .LBB2_54-.Ltmp34, $3  }
0x4db: {  	_ =	sdelay $0x1  }
0x4dc: {  	s2 =	simm.s32 $0x8010;
	[tilespmem:v8+s15+$0x0] =	vst.idx.add.s32.msk vm0, v9  }
0x4dd: {  	s3 =	sadd.s32 $0xFFFFFFFF, s1;
	p0 =	por $0x1, $0x1;
	s1 =	simm.s32 $0x0;
	v8 =	vld [tilespmem:s2+$0x0]  }
.LBB2_55:
0x4de: {  	p2 =	seq.s32 s3, $0x1;
	_ =	sdelay $0x1  }
0x4df: {  	s1 =	sadd.s32 $0x10, s1  }
0x4e0: {  	v9 =	vor.u32 s1, v0  }
0x4e1: {  	vm0 =	vlt.s32 v9, v7;
	v8 =	vand.u32 $0xFF, v8  }
0x4e2: {  	(xrf1) =	vunique.msk.u32 vm0, v8;
	_ =	sdelay $0xd  }
0x4e3: {  	_, v9, vm0 =	vpop (xrf1);
	_ =	sdelay $0x2  }
.Ltmp35:
0x4e4: {  	(pc) =	sbr.rel @!p2 .LBB2_55-.Ltmp35, $3  }
0x4e5: {  	_ =	sdelay $0x1  }
0x4e6: {  	s2 =	sadd.s32 $0x10, s2;
	[tilespmem:v8+s15+$0x0] =	vst.idx.add.s32.msk vm0, v9  }
0x4e7: {  	s3 =	sadd.s32 $0xFFFFFFFF, s3;
	v8 =	vld [tilespmem:s2+$0x0]  }
.LBB2_56:
0x4e8: {  	_ = 	snop  }
0x4e9: {  	s1 =	sadd.s32 @p0 $0x10, s1  }
0x4ea: {  	s0 =	smov.u32 @p0 s1  }
0x4eb: {  	v9 =	vor.u32 s0, v0  }
0x4ec: {  	vm0 =	vlt.s32 v9, v7;
	v8 =	vand.u32 $0xFF, v8  }
0x4ed: {  	(xrf1) =	vunique.msk.u32 vm0, v8;
	_ =	sdelay $0xd  }
0x4ee: {  	_, v9, vm0 =	vpop (xrf1);
	_ =	sdelay $0x5  }
0x4ef: {  	[tilespmem:v8+s15+$0x0] =	vst.idx.add.s32.msk vm0, v9  }
.LBB2_57:
0x4f0: {  	s3 =	simm.s32 $0x181F0  }
0x4f1: {  	v9 =	vld [tilespmem:s3+$0x0];
	_ =	sdelay $0x4  }
0x4f2: {  	v9 =	vperm.xlane v9, v5;
	_ =	sdelay $0x1  }
0x4f3: {  	(xrf0) =	vadd.scan.msk.s32 $0xffff, v9;
	_ =	sdelay $0x2  }
0x4f4: {  	[dreg:$0xf] =	wrdreg s4;
	s4 =	simm.s32 $0x181E0  }
0x4f5: {  	v10 =	vld [tilespmem:s4+$0x0];
	_ =	sdelay $0x1  }
0x4f6: {  	v11, _, _ =	vpop (xrf0)  }
0x4f7: {  	v12 =	vxor.u32 $0x80000000, v11  }
0x4f8: {  	(xrf0) =	vmax.scan.msk.u32 $0xffff, v12  }
0x4f9: {  	v10 =	vperm.xlane v10, v5;
	_ =	sdelay $0x1  }
0x4fa: {  	(xrf0) =	vadd.scan.msk.s32 $0xffff, v10;
	_ =	sdelay $0x1  }
0x4fb: {  	s0 =	ssub.s32 s5, s21;
	s5 =	simm.s32 $0x181D0  }
0x4fc: {  	v12 =	vld [tilespmem:s5+$0x0];
	v13, _, _ =	vpop (xrf0)  }
0x4fd: {  	(v2sf) =	vpush v13, $0xF;
	_ =	sdelay $0x1  }
0x4fe: {  	v13, _, _ =	vpop (xrf0)  }
0x4ff: {  	v14 =	vxor.u32 $0x80000000, v13  }
0x500: {  	v12 =	vperm.xlane v12, v5;
	(xrf0) =	vmax.scan.msk.u32 $0xffff, v14;
	_ =	sdelay $0x1  }
0x501: {  	(xrf0) =	vadd.scan.msk.s32 $0xffff, v12  }
0x502: {  	s6 =	simm.s32 $0x181C0  }
0x503: {  	v14 =	vld [tilespmem:s6+$0x0]  }
0x504: {  	s21 =	simm.s32 $0x0  }
0x505: {  	v8 =	vmov s0;
	v11 =	vadd.s32 s21, v11;
	v15, _, _ =	vpop (xrf0)  }
0x506: {  	vm0 =	vlt.s32 v11, v8;
	(v2sf) =	vpush v15, $0xF  }
0x507: {  	v15 =	vsel vm0, $0x80000010, v6;
	v16, _, _ =	vpop (xrf0)  }
0x508: {  	v14 =	vperm.xlane v14, v5;
	(xrf0) =	vmin.scan.msk.u32 $0xffff, v15;
	v15 =	vxor.u32 $0x80000000, v16  }
0x509: {  	(xrf0) =	vmax.scan.msk.u32 $0xffff, v15  }
0x50a: {  	(xrf0) =	vadd.scan.msk.s32 $0xffff, v14;
	s7 =	spop (v2sf)  }
0x50b: {  	[dreg:$0xc] =	wrdreg s0;
	s0 =	sadd.s32 $0x0, s7  }
0x50c: {  	s0 =	sadd.s32 $0x80000000, s0  }
0x50d: {  	s1 =	simm.s32 $0x181B0;
	v13 =	vadd.s32 s0, v13  }
0x50e: {  	v15 =	vld [tilespmem:s1+$0x0];
	v17, _, _ =	vpop (xrf0);
	vm9 =	vlt.s32 v13, v8  }
0x50f: {  	v18, _, _ =	vpop (xrf0);
	v19 =	vsel vm9, $0x80000010, v6  }
0x510: {  	v20, _, _ =	vpop (xrf0);
	(xrf0) =	vmin.scan.msk.u32 $0xffff, v19  }
0x511: {  	v19 =	vxor.u32 $0x80000000, v20  }
0x512: {  	(xrf0) =	vmax.scan.msk.u32 $0xffff, v19  }
0x513: {  	v15 =	vperm.xlane v15, v5;
	(v2sf) =	vpush v17, $0xF  }
0x514: {  	(v2sf) =	vpush v18, $0xF  }
0x515: {  	(xrf0) =	vadd.scan.msk.s32 $0xffff, v15;
	s8 =	spop (v2sf)  }
0x516: {  	s0 =	sadd.s32 s8, s0;
	v17, _, _ =	vpop (xrf0)  }
0x517: {  	s0 =	sadd.s32 $0x80000000, s0;
	(v2sf) =	vpush v17, $0xF  }
0x518: {  	v16 =	vadd.s32 s0, v16;
	v17, _, _ =	vpop (xrf0)  }
0x519: {  	vm10 =	vlt.s32 v16, v8;
	(v2sf) =	vpush v17, $0xF  }
0x51a: {  	s9 =	simm.s32 $0x181A0;
	v17 =	vsel vm10, $0x80000010, v6  }
0x51b: {  	v18, _, _ =	vpop (xrf0);
	(xrf0) =	vmin.scan.msk.u32 $0xffff, v17;
	v17 =	vld [tilespmem:s9+$0x0]  }
0x51c: {  	v19 =	vxor.u32 $0x80000000, v18  }
0x51d: {  	(xrf0) =	vmax.scan.msk.u32 $0xffff, v19;
	_ =	sdelay $0x2  }
0x51e: {  	v17 =	vperm.xlane v17, v5;
	_ =	sdelay $0x1  }
0x51f: {  	s11 =	simm.s32 $0x18190;
	s10 =	spop (v2sf);
	v19, _, _ =	vpop (xrf0);
	(xrf0) =	vadd.scan.msk.s32 $0xffff, v17  }
0x520: {  	v21 =	vld [tilespmem:s11+$0x0];
	s2 =	sxor.u32 $0x80000000, s10;
	s3 =	spop (v2sf);
	(v2sf) =	vpush v19, $0xF;
	v19, _, _ =	vpop (xrf0)  }
0x521: {  	s0 =	sadd.s32 s3, s0;
	(v2sf) =	vpush v19, $0xF;
	v19 =	vmov s2  }
0x522: {  	v9 =	vxor.u32 $0x80000000, v9;
	s3 =	sadd.s32 $0x80000000, s0;
	vm11 =	veq.s32 v19, v0  }
0x523: {  	v11 =	vxor.u32 $0x80000000, v11;
	v19 =	vadd.s32 s3, v20;
	v9 =	vnsel vm11, $0x80000000, v9;
	s12 =	spop (v2sf)  }
0x524: {  	v11 =	vnsel vm11, $0x80000000, v11;
	vm12 =	vlt.s32 v19, v8;
	(xrf0) =	vmax.scan.msk.u32 $0xffff, v9;
	s6 =	sxor.u32 $0x80000000, s12  }
0x525: {  	v21 =	vperm.xlane v21, v5;
	v9 =	vsel vm12, $0x80000010, v6;
	(xrf0) =	vmax.scan.msk.u32 $0xffff, v11;
	v20, _, _ =	vpop (xrf0);
	s7 =	spop (v2sf);
	v11 =	vmov s6  }
0x526: {  	v10 =	vxor.u32 $0x80000000, v10;
	(xrf0) =	vmin.scan.msk.u32 $0xffff, v9;
	v9 =	vxor.u32 $0x80000000, v20;
	s3 =	sadd.s32 s7, s3;
	vm13 =	veq.s32 v11, v0  }
0x527: {  	(xrf0) =	vmax.scan.msk.u32 $0xffff, v9;
	s16 =	sadd.s32 $0x80000000, s3;
	v10 =	vnsel vm13, $0x80000000, v10  }
0x528: {  	s31 =	simm.s32 $0x800000AF;
	s30 =	simm.s32 $0x8000009F;
	v9 =	vxor.u32 $0x80000000, v13;
	(xrf0) =	vadd.scan.msk.s32 $0xffff, v21;
	v18 =	vadd.s32 s16, v18  }
0x529: {  	s29 =	simm.s32 $0x8000008F;
	s28 =	simm.s32 $0x8000007F;
	v9 =	vnsel vm13, $0x80000000, v9;
	(xrf0) =	vmax.scan.msk.u32 $0xffff, v10;
	vm14 =	vlt.s32 v18, v8  }
0x52a: {  	p2 =	por $0x0, $0x0;
	s25 =	simm.s32 $0x8000006F;
	s24 =	simm.s32 $0x8000005F;
	(xrf0) =	vmax.scan.msk.u32 $0xffff, v9;
	v9 =	vsel vm14, $0x80000010, v6;
	v10, _, _ =	vpop (xrf0)  }
0x52b: {  	s17 =	simm.s32 $0x18180;
	s23 =	simm.s32 $0x0;
	s26 =	simm.s32 $0x8000004F;
	(v2sf) =	vpush v10, $0xF;
	v10, _, _ =	vpop (xrf0)  }
0x52c: {  	s4 =	simm.s32 $0x800000CF;
	p0 =	por !p2, !p2;
	p1 =	slt.s32 s2, $0x10;
	(v2sf) =	vpush v10, $0xF  }
0x52d: {  	s1 =	ssub.s32 $0x800000FF, s10;
	p3 =	por !p1, !p0;
	p6 =	por p2, p1;
	(xrf0) =	vmin.scan.msk.u32 $0xffff, v9;
	v9, _, _ =	vpop (xrf0)  }
0x52e: {  	v22 =	vld [tilespmem:s17+$0x0];
	s0 =	simm.s32 $0x800000BF;
	p1 =	por !p6, !p6;
	p2 =	por !p3, !p3;
	(v2sf) =	vpush v9, $0xF  }
0x52f: {  	s23 =	smov.u32 @p2 s1;
	p2 =	por p2, p2;
	p4 =	slt.s32 s6, $0x10;
	v10, _, _ =	vpop (xrf0)  }
0x530: {  	v23 =	vxor.u32 $0x80000000, v12;
	v12 =	vxor.u32 $0x80000000, v14;
	s1 =	ssub.s32 $0x800000EF, s12;
	p0 =	por p6, p4;
	p3 =	por !p4, !p1;
	v11 =	vxor.u32 $0x80000000, v17;
	v17, _, _ =	vpop (xrf0)  }
0x531: {  	v13 =	vxor.u32 $0x80000000, v15;
	s3 =	simm.s32 $0x8000003F;
	p5 =	por !p0, !p0;
	s18 =	spop (v2sf);
	(v2sf) =	vpush v10, $0xF;
	v10 =	vxor.u32 $0x80000000, v17;
	v61, _, _ =	vpop (xrf0)  }
0x532: {  	v15 =	vxor.u32 $0x80000000, v19;
	p4 =	por !p3, !p3;
	v14 =	vxor.u32 $0x80000000, v18;
	s20 =	sxor.u32 $0x80000000, s18;
	s22 =	spop (v2sf);
	(xrf0) =	vmax.scan.msk.u32 $0xffff, v10;
	(v2sf) =	vpush v61, $0xF;
	v18, _, _ =	vpop (xrf0)  }
0x533: {  	v19 =	vperm.xlane v22, v5;
	p3 =	por p2, p2;
	s23 =	smov.u32 @p4 s1;
	p2 =	por p4, p4;
	v62 =	vmov s20;
	(v2sf) =	vpush v18, $0xF;
	v63, _, _ =	vpop (xrf0)  }
0x534: {  	s1 =	simm.s32 $0x18170;
	p6 =	slt.s32 s20, $0x10;
	s2 =	sadd.s32 s22, s16;
	vm15 =	veq.s32 v62, v0;
	(v2sf) =	vpush v63, $0xF  }
0x535: {  	v16 =	vxor.u32 $0x80000000, v16;
	v9 =	vxor.u32 $0x80000000, v21;
	p1 =	por !p6, !p5;
	p4 =	por p0, p6;
	s2 =	sadd.s32 $0x80000000, s2;
	v22 =	vnsel vm15, $0x80000000, v23;
	(xrf0) =	vadd.scan.msk.s32 $0xffff, v19  }
0x536: {  	s8 =	ssub.s32 $0x800000DF, s18;
	v10 =	vxor.u32 $0x80000000, v19;
	p5 =	por !p4, !p4;
	p6 =	por !p1, !p1;
	v19 =	vnsel vm15, $0x80000000, v16;
	v16 =	vld [tilespmem:s1+$0x0];
	v18 =	vadd.s32 s2, v20;
	(xrf0) =	vmax.scan.msk.u32 $0xffff, v22  }
.LBB2_58:
0x537: {  	p0 =	sne.s32 s3, $0x8000000F;
	s23 =	smov.u32 @p6 s8  }
0x538: {  	v20, _, _ =	vpop (xrf0);
	vm0 =	vlt.s32 v18, v8;
	v21 =	vxor.u32 $0x80000000, v18;
	(xrf0) =	vmax.scan.msk.u32 $0xffff, v19;
	s5 =	smov.u32 s31;
	s31 =	smov.u32 s30;
	s30 =	smov.u32 s29  }
0x539: {  	v18 =	vmovc v12;
	v12 =	vmovc v13;
	v13 =	vmov v11;
	v11 =	vmov v9;
	v9 =	vmov v10;
	p1 =	por p3, p3;
	p3 =	por p2, p2;
	p2 =	por p6, p6  }
0x53a: {  	s29 =	smov.u32 s28;
	s28 =	smov.u32 s25;
	(v2sf) =	vpush v20, $0xF;
	v10 =	vsel vm0, $0x80000010, v6;
	s6 =	spop (v2sf)  }
0x53b: {  	s25 =	smov.u32 s24;
	v20, _, _ =	vpop (xrf0);
	(xrf0) =	vmin.scan.msk.u32 $0xffff, v10;
	s6 =	sxor.u32 $0x80000000, s6;
	s7 =	spop (v2sf)  }
0x53c: {  	s24 =	smov.u32 s26;
	s26 =	smov.u32 s3;
	v10 =	vxor.u32 $0x80000000, v20;
	s7 =	sxor.u32 $0x80000000, s7  }
0x53d: {  	s8 =	spop (v2sf)  }
0x53e: {  	v16 =	vperm.xlane v16, v5;
	(xrf0) =	vmax.scan.msk.u32 $0xffff, v10;
	s6 =	ssub.s32 s7, s6;
	s7 =	sxor.u32 $0x80000000, s8  }
.Ltmp36:
0x53f: {  	s8 =	ssub.s32 s4, s8;
	v19, _, _ =	vpop (xrf0);
	s21 =	smov.u32 @p1 s6;
	(pc) =	sbr.rel @p0 .LBB2_58-.Ltmp36, $4  }
0x540: {  	s4 =	smov.u32 s0;
	v10 =	vxor.u32 $0x80000000, v16;
	(xrf0) =	vadd.scan.msk.s32 $0xffff, v16;
	s6 =	spop (v2sf);
	p6 =	slt.s32 s7, $0x10;
	v16 =	vmov s7;
	(v2sf) =	vpush v19, $0xF;
	v19, _, _ =	vpop (xrf0)  }
0x541: {  	s0 =	sadd.s32 s6, s2;
	vm0 =	veq.s32 v16, v0;
	p1 =	por !p6, !p5;
	p4 =	por p4, p6;
	(v2sf) =	vpush v19, $0xF  }
0x542: {  	s1 =	sadd.s32 $0xFFFFFFF0, s1;
	s2 =	sadd.s32 $0x80000000, s0;
	v22, _, _ =	vpop (xrf0);
	p5 =	por !p4, !p4;
	v23 =	vnsel vm0, $0x80000000, v18;
	v19 =	vnsel vm0, $0x80000000, v15;
	v15 =	vmov v14  }
0x543: {  	s3 =	sadd.s32 $0xFFFFFFF0, s3;
	p6 =	por !p1, !p1;
	v14 =	vmovc v21;
	s0 =	smov.u32 s5;
	v16 =	vld [tilespmem:s1+$0x0];
	v18 =	vadd.s32 s2, v17;
	(v2sf) =	vpush v22, $0xF;
	(xrf0) =	vmax.scan.msk.u32 $0xffff, v23;
	v17 =	vmov v20  }
0x544: {  	_ = 	snop  }
0x545: {  	v20, _, _ =	vpop (xrf0);
	vm0 =	vlt.s32 v18, v8  }
0x546: {  	(xrf0) =	vmax.scan.msk.u32 $0xffff, v19;
	(v2sf) =	vpush v20, $0xF;
	v47 =	vsel vm0, $0x80000010, v6;
	v48, _, _ =	vpop (xrf0)  }
0x547: {  	(xrf0) =	vmin.scan.msk.u32 $0xffff, v47;
	v49 =	vxor.u32 $0x80000000, v48  }
0x548: {  	(xrf0) =	vmax.scan.msk.u32 $0xffff, v49  }
0x549: {  	s3 =	spop (v2sf);
	v16 =	vperm.xlane v16, v5  }
0x54a: {  	s20 =	spop (v2sf)  }
0x54b: {  	s12 =	spop (v2sf);
	v50, _, _ =	vpop (xrf0);
	(xrf0) =	vadd.scan.msk.s32 $0xffff, v16  }
0x54c: {  	s1 =	sadd.s32 $0xFFFFFFF0, s1;
	s17 =	sxor.u32 $0x80000000, s12;
	s22 =	spop (v2sf);
	(v2sf) =	vpush v50, $0xF;
	v51, _, _ =	vpop (xrf0)  }
0x54d: {  	v22 =	vld [tilespmem:s1+$0x0];
	v21 =	vmov s17;
	s2 =	sadd.s32 s22, s2;
	(v2sf) =	vpush v51, $0xF;
	v52, _, _ =	vpop (xrf0)  }
0x54e: {  	vm13 =	veq.s32 v21, v0;
	s2 =	sadd.s32 $0x80000000, s2;
	(v2sf) =	vpush v52, $0xF;
	v53, _, _ =	vpop (xrf0)  }
0x54f: {  	v12 =	vnsel vm13, $0x80000000, v12;
	v17 =	vadd.s32 s2, v17;
	(v2sf) =	vpush v53, $0xF  }
0x550: {  	v15 =	vnsel vm13, $0x80000000, v15;
	(xrf0) =	vmax.scan.msk.u32 $0xffff, v12;
	vm14 =	vlt.s32 v17, v8  }
0x551: {  	(xrf0) =	vmax.scan.msk.u32 $0xffff, v15;
	v54 =	vsel vm14, $0x80000010, v6;
	v55, _, _ =	vpop (xrf0)  }
0x552: {  	v12 =	vperm.xlane v22, v5;
	s5 =	spop (v2sf);
	(xrf0) =	vmin.scan.msk.u32 $0xffff, v54;
	v56 =	vxor.u32 $0x80000000, v55  }
0x553: {  	s6 =	spop (v2sf);
	(xrf0) =	vmax.scan.msk.u32 $0xffff, v56  }
0x554: {  	s10 =	spop (v2sf);
	(xrf0) =	vadd.scan.msk.s32 $0xffff, v12  }
0x555: {  	s1 =	sadd.s32 $0xFFFFFFF0, s1;
	s18 =	sxor.u32 $0x80000000, s10;
	s7 =	spop (v2sf)  }
0x556: {  	v59 =	vld [tilespmem:s1+$0x0];
	v57, _, _ =	vpop (xrf0);
	v58 =	vmov s18;
	s2 =	sadd.s32 s7, s2  }
0x557: {  	v23, _, _ =	vpop (xrf0);
	vm15 =	veq.s32 v58, v0;
	s2 =	sadd.s32 $0x80000000, s2  }
0x558: {  	v60, _, _ =	vpop (xrf0);
	v13 =	vnsel vm15, $0x80000000, v13;
	v20 =	vadd.s32 s2, v48  }
0x559: {  	v14 =	vnsel vm15, $0x80000000, v14;
	(xrf0) =	vmax.scan.msk.u32 $0xffff, v13;
	v24, _, _ =	vpop (xrf0);
	vm4 =	vlt.s32 v20, v8  }
0x55a: {  	(xrf0) =	vmax.scan.msk.u32 $0xffff, v14;
	v61 =	vsel vm4, $0x80000010, v6;
	v62, _, _ =	vpop (xrf0)  }
0x55b: {  	v63 =	vperm.xlane v59, v5;
	s9 =	spop (v2sf);
	(xrf0) =	vmin.scan.msk.u32 $0xffff, v61;
	v25 =	vxor.u32 $0x80000000, v62  }
0x55c: {  	(v2sf) =	vpush v57, $0xF;
	s11 =	spop (v2sf);
	(xrf0) =	vmax.scan.msk.u32 $0xffff, v25  }
0x55d: {  	(v2sf) =	vpush v23, $0xF;
	[smem:$0x7E0] =	sst s11;
	s11 =	spop (v2sf);
	(xrf0) =	vadd.scan.msk.s32 $0xffff, v63  }
0x55e: {  	[dreg:$0x1b] =	wrdreg s5;
	(v2sf) =	vpush v60, $0xF;
	s5 =	sxor.u32 $0x80000000, s11;
	s16 =	spop (v2sf)  }
0x55f: {  	v26, _, _ =	vpop (xrf0);
	v27 =	vmov s5;
	s2 =	sadd.s32 s16, s2  }
0x560: {  	[dreg:$0x13] =	wrdreg s3;
	v28, _, _ =	vpop (xrf0);
	vm5 =	veq.s32 v27, v0;
	s3 =	sadd.s32 $0x80000000, s2  }
0x561: {  	v29 =	vxor.u32 $0x80000000, v18;
	v30, _, _ =	vpop (xrf0);
	v11 =	vnsel vm5, $0x80000000, v11;
	v15 =	vadd.s32 s3, v55  }
0x562: {  	v18 =	vnsel vm5, $0x80000000, v29;
	(xrf0) =	vmax.scan.msk.u32 $0xffff, v11;
	v31, _, _ =	vpop (xrf0);
	vm6 =	vlt.s32 v15, v8  }
0x563: {  	(xrf0) =	vmax.scan.msk.u32 $0xffff, v18;
	v33, _, _ =	vpop (xrf0);
	v32 =	vsel vm6, $0x80000010, v6  }
0x564: {  	(v2sf) =	vpush v24, $0xF;
	v34 =	vxor.u32 $0x80000000, v33;
	(xrf0) =	vmin.scan.msk.u32 $0xffff, v32  }
0x565: {  	(v2sf) =	vpush v26, $0xF;
	(xrf0) =	vmax.scan.msk.u32 $0xffff, v34  }
0x566: {  	(v2sf) =	vpush v28, $0xF  }
0x567: {  	(v2sf) =	vpush v30, $0xF  }
0x568: {  	(v2sf) =	vpush v31, $0xF;
	v35, _, _ =	vpop (xrf0)  }
0x569: {  	s1 =	sadd.s32 $0xFFFFFFF0, s1;
	(v2sf) =	vpush v35, $0xF;
	v36, _, _ =	vpop (xrf0)  }
0x56a: {  	v38 =	vld [tilespmem:s1+$0x0];
	(v2sf) =	vpush v36, $0xF;
	v37, _, _ =	vpop (xrf0)  }
0x56b: {  	[dreg:$0x17] =	wrdreg s20;
	s20 =	spop (v2sf);
	(v2sf) =	vpush v37, $0xF;
	v39, _, _ =	vpop (xrf0)  }
0x56c: {  	s16 =	spop (v2sf);
	(v2sf) =	vpush v39, $0xF  }
0x56d: {  	s2 =	spop (v2sf)  }
0x56e: {  	[smem:$0x7DF] =	sst s9;
	s9 =	sxor.u32 $0x80000000, s2  }
0x56f: {  	v40 =	vperm.xlane v38, v5;
	v41 =	vmov s9  }
0x570: {  	vm7 =	veq.s32 v41, v0  }
0x571: {  	(xrf0) =	vadd.scan.msk.s32 $0xffff, v40;
	v9 =	vnsel vm7, $0x80000000, v9  }
0x572: {  	(xrf0) =	vmax.scan.msk.u32 $0xffff, v9  }
0x573: {  	[dreg:$0x1f] =	wrdreg s6;
	s6 =	spop (v2sf)  }
0x574: {  	v17 =	vxor.u32 $0x80000000, v17;
	s22 =	spop (v2sf)  }
0x575: {  	v17 =	vnsel vm7, $0x80000000, v17;
	s3 =	sadd.s32 s6, s3;
	s7 =	spop (v2sf)  }
0x576: {  	s6 =	sadd.s32 $0x80000000, s3;
	(xrf0) =	vmax.scan.msk.u32 $0xffff, v17;
	[smem:$0x7E2] =	sst s22;
	s22 =	spop (v2sf)  }
0x577: {  	v42 =	vadd.s32 s6, v62;
	v43, _, _ =	vpop (xrf0);
	[smem:$0x7E3] =	sst s7;
	s7 =	spop (v2sf)  }
0x578: {  	[smem:$0x7E1] =	sst s20;
	vm8 =	vlt.s32 v42, v8;
	v46, _, _ =	vpop (xrf0);
	s3 =	sxor.u32 $0x80000000, s22;
	s20 =	spop (v2sf)  }
0x579: {  	v45 =	vsel vm8, $0x80000010, v6;
	(v2sf) =	vpush v46, $0xF;
	s6 =	sadd.s32 s7, s6;
	v47 =	vmov s3;
	s7 =	spop (v2sf)  }
0x57a: {  	v16 =	vxor.u32 $0x80000000, v16;
	(xrf0) =	vmin.scan.msk.u32 $0xffff, v45;
	v48 =	vxor.u32 $0x80000000, v43;
	vm9 =	veq.s32 v47, v0;
	s1 =	sadd.s32 $0x80000000, s6;
	[smem:$0x7E5] =	sst s7;
	s7 =	spop (v2sf)  }
0x57b: {  	v44 =	vxor.u32 $0x80000000, v20;
	(xrf0) =	vmax.scan.msk.u32 $0xffff, v48;
	v10 =	vnsel vm9, $0x80000000, v10;
	v50 =	vadd.s32 s1, v33;
	[smem:$0x7E4] =	sst s20;
	s6 =	sxor.u32 $0x80000000, s7;
	s20 =	spop (v2sf)  }
0x57c: {  	s23 =	smov.u32 @p6 s8;
	p0 =	slt.s32 s17, $0x10;
	v49, _, _ =	vpop (xrf0);
	v17 =	vnsel vm9, $0x80000000, v44;
	(xrf0) =	vmax.scan.msk.u32 $0xffff, v10;
	vm10 =	vlt.s32 v50, v8;
	s1 =	sadd.s32 s20, s1;
	v51 =	vmov s6  }
0x57d: {  	s4 =	ssub.s32 s4, s12;
	p1 =	por !p0, !p5;
	(v2sf) =	vpush v49, $0xF;
	(xrf0) =	vmax.scan.msk.u32 $0xffff, v17;
	v52 =	vsel vm10, $0x80000010, v6;
	vm11 =	veq.s32 v51, v0;
	s1 =	sadd.s32 $0x80000000, s1  }
0x57e: {  	s17 =	rddreg [dreg:$0x13];
	p5 =	por p3, p3;
	p3 =	por !p1, !p1;
	v54 =	vxor.u32 $0x80000000, v15;
	(xrf0) =	vmin.scan.msk.u32 $0xffff, v52;
	v53 =	vadd.s32 s1, v43;
	v55 =	vnsel vm11, $0x80000000, v16  }
0x57f: {  	p6 =	por p6, p6;
	s23 =	smov.u32 @p3 s4;
	s4 =	rddreg [dreg:$0x1b];
	v14 =	vnsel vm11, $0x80000000, v54;
	(xrf0) =	vmax.scan.msk.u32 $0xffff, v55;
	vm12 =	vlt.s32 v53, v8  }
0x580: {  	p6 =	por p6, p6;
	p3 =	por p3, p3;
	s8 =	rddreg [dreg:$0x1f];
	v8, _, _ =	vpop (xrf0);
	(xrf0) =	vmax.scan.msk.u32 $0xffff, v14;
	v56 =	vsel vm12, $0x80000010, v6  }
0x581: {  	p3 =	por p3, p3;
	s0 =	ssub.s32 s0, s10;
	s10 =	sld [smem:$0x7DF];
	(v2sf) =	vpush v8, $0xF;
	v8, _, _ =	vpop (xrf0);
	(xrf0) =	vmin.scan.msk.u32 $0xffff, v56  }
0x582: {  	p3 =	por p3, p3;
	p1 =	slt.s32 s18, $0x10;
	s20 =	rddreg [dreg:$0x17];
	v57, _, _ =	vpop (xrf0);
	(v2sf) =	vpush v8, $0xF  }
0x583: {  	s12 =	sld [smem:$0x7E0];
	s1 =	sxor.u32 $0x80000000, s17;
	s17 =	sxor.u32 $0x80000000, s20;
	(v2sf) =	vpush v57, $0xF;
	v8, _, _ =	vpop (xrf0)  }
0x584: {  	s18 =	sxor.u32 $0x80000000, s16;
	s2 =	ssub.s32 s30, s2;
	s1 =	ssub.s32 s17, s1;
	(v2sf) =	vpush v8, $0xF;
	v8, _, _ =	vpop (xrf0)  }
0x585: {  	s30 =	sld [smem:$0x7E2];
	s21 =	smov.u32 @p5 s1;
	p5 =	por p2, p2;
	(v2sf) =	vpush v8, $0xF;
	v8, _, _ =	vpop (xrf0)  }
0x586: {  	p2 =	por p4, p0;
	s1 =	sxor.u32 $0x80000000, s4;
	s4 =	sxor.u32 $0x80000000, s8;
	(v2sf) =	vpush v8, $0xF;
	v8, _, _ =	vpop (xrf0)  }
0x587: {  	s17 =	sld [smem:$0x7E1];
	p0 =	por !p2, !p2;
	s1 =	ssub.s32 s4, s1;
	(v2sf) =	vpush v8, $0xF;
	v8, _, _ =	vpop (xrf0)  }
0x588: {  	p4 =	por p5, p5;
	s4 =	spop (v2sf);
	p0 =	por !p1, !p0;
	(v2sf) =	vpush v8, $0xF  }
0x589: {  	s21 =	smov.u32 @p4 s1;
	s1 =	sxor.u32 $0x80000000, s12;
	p4 =	slt.s32 s5, $0x10  }
0x58a: {  	p1 =	por p2, p1;
	p2 =	por p6, p6;
	p0 =	por !p0, !p0  }
0x58b: {  	s4 =	sxor.u32 $0x80000000, s4;
	p5 =	por !p1, !p1;
	s23 =	smov.u32 @p0 s0  }
0x58c: {  	s0 =	sxor.u32 $0x80000000, s10;
	s10 =	spop (v2sf);
	p6 =	por p0, p0  }
0x58d: {  	p5 =	por !p4, !p5;
	p0 =	por p1, p4;
	s0 =	ssub.s32 s1, s0  }
0x58e: {  	s1 =	ssub.s32 s31, s11;
	p1 =	por !p0, !p0;
	p4 =	por p6, p6  }
0x58f: {  	s31 =	sxor.u32 $0x80000000, s30;
	s30 =	sld [smem:$0x7E4];
	s10 =	sxor.u32 $0x80000000, s10  }
0x590: {  	s21 =	smov.u32 @p2 s0;
	p2 =	por !p5, !p5;
	s5 =	spop (v2sf)  }
0x591: {  	s0 =	sxor.u32 $0x80000000, s17;
	p5 =	slt.s32 s9, $0x10;
	s20 =	spop (v2sf)  }
0x592: {  	s23 =	smov.u32 @p2 s1;
	s0 =	ssub.s32 s18, s0;
	s8 =	spop (v2sf)  }
0x593: {  	p1 =	por !p5, !p1;
	s18 =	sld [smem:$0x7E3];
	s9 =	spop (v2sf)  }
0x594: {  	s21 =	smov.u32 @p3 s0;
	s16 =	sxor.u32 $0x80000000, s5;
	s1 =	spop (v2sf)  }
0x595: {  	p3 =	por p0, p5;
	p0 =	por !p1, !p1;
	v8 =	vmov s16;
	s0 =	spop (v2sf)  }
0x596: {  	v12 =	vxor.u32 $0x80000000, v12;
	s23 =	smov.u32 @p0 s2;
	vm13 =	veq.s32 v8, v0;
	s12 =	sxor.u32 $0x80000000, s1;
	s2 =	spop (v2sf)  }
0x597: {  	s4 =	ssub.s32 s10, s4;
	p5 =	slt.s32 s3, $0x10;
	v8 =	vxor.u32 $0x80000000, v42;
	v58 =	vnsel vm13, $0x80000000, v12;
	v59 =	vmov s12;
	s3 =	spop (v2sf)  }
0x598: {  	v60 =	vxor.u32 $0x80000000, v63;
	p2 =	por p2, p2;
	p6 =	por !p3, !p3;
	v8 =	vnsel vm13, $0x80000000, v8;
	(xrf0) =	vmax.scan.msk.u32 $0xffff, v58;
	vm14 =	veq.s32 v59, v0;
	s20 =	sxor.u32 $0x80000000, s3  }
0x599: {  	p0 =	por p0, p0;
	s17 =	sxor.u32 $0x80000000, s18;
	p1 =	por !p5, !p6;
	(xrf0) =	vmax.scan.msk.u32 $0xffff, v8;
	v8 =	vxor.u32 $0x80000000, v50;
	v9 =	vnsel vm14, $0x80000000, v60;
	v61 =	vmov s20  }
0x59a: {  	v11 =	vxor.u32 $0x80000000, v40;
	s18 =	ssub.s32 s29, s22;
	p6 =	por p4, p4;
	p0 =	por p0, p0;
	v8 =	vnsel vm14, $0x80000000, v8;
	(xrf0) =	vmax.scan.msk.u32 $0xffff, v9;
	vm15 =	veq.s32 v61, v0  }
0x59b: {  	s17 =	ssub.s32 s17, s31;
	p4 =	por !p1, !p1;
	s31 =	sld [smem:$0x7E5];
	(xrf0) =	vmax.scan.msk.u32 $0xffff, v8;
	v8 =	vnsel vm15, $0x80000000, v11  }
0x59c: {  	v62 =	vxor.u32 $0x80000000, v53;
	p1 =	por p3, p5;
	s21 =	smov.u32 @p6 s17;
	s23 =	smov.u32 @p4 s18  }
0x59d: {  	s17 =	sxor.u32 $0x80000000, s30;
	p6 =	por p2, p2;
	p2 =	slt.s32 s6, $0x10;
	v9 =	vnsel vm15, $0x80000000, v62;
	(xrf0) =	vmax.scan.msk.u32 $0xffff, v8  }
0x59e: {  	p3 =	por !p1, !p1;
	s6 =	ssub.s32 s28, s7;
	p4 =	por p4, p4;
	v8, _, _ =	vpop (xrf0);
	(xrf0) =	vmax.scan.msk.u32 $0xffff, v9  }
0x59f: {  	p5 =	por p6, p6;
	p3 =	por !p2, !p3;
	p2 =	por p1, p2  }
0x5a0: {  	p6 =	por p0, p0;
	p1 =	por p4, p4;
	s18 =	sxor.u32 $0x80000000, s31;
	v63, _, _ =	vpop (xrf0);
	(v2sf) =	vpush v8, $0xF  }
0x5a1: {  	p3 =	por !p3, !p3;
	p1 =	por p1, p1;
	s31 =	sld [smem:$0x7E6];
	(v2sf) =	vpush v63, $0xF;
	v8, _, _ =	vpop (xrf0)  }
0x5a2: {  	s17 =	ssub.s32 s18, s17;
	s23 =	smov.u32 @p3 s6;
	p0 =	por p3, p3;
	(v2sf) =	vpush v8, $0xF;
	v8, _, _ =	vpop (xrf0)  }
0x5a3: {  	s21 =	smov.u32 @p5 s17;
	p5 =	por !p2, !p2;
	p0 =	por p0, p0;
	(v2sf) =	vpush v8, $0xF;
	v8, _, _ =	vpop (xrf0)  }
0x5a4: {  	s21 =	smov.u32 @p6 s4;
	p4 =	slt.s32 s16, $0x10;
	s4 =	ssub.s32 s25, s5;
	(v2sf) =	vpush v8, $0xF;
	v8, _, _ =	vpop (xrf0)  }
0x5a5: {  	p0 =	por p0, p0;
	p5 =	por !p4, !p5;
	p2 =	por p2, p4;
	(v2sf) =	vpush v8, $0xF  }
0x5a6: {  	s16 =	sxor.u32 $0x80000000, s8;
	s17 =	sxor.u32 $0x80000000, s9;
	p4 =	por !p5, !p5  }
0x5a7: {  	p3 =	por !p2, !p2;
	s5 =	ssub.s32 s17, s16;
	s23 =	smov.u32 @p4 s4  }
0x5a8: {  	p4 =	por p4, p4;
	s1 =	ssub.s32 s24, s1;
	p6 =	slt.s32 s12, $0x10  }
0x5a9: {  	s21 =	smov.u32 @p1 s5;
	p5 =	por p4, p4;
	p3 =	por !p6, !p3  }
0x5aa: {  	p1 =	por p2, p6;
	s0 =	sxor.u32 $0x80000000, s0;
	p2 =	por !p3, !p3  }
0x5ab: {  	p1 =	por !p1, !p1;
	s18 =	sxor.u32 $0x80000000, s2;
	s23 =	smov.u32 @p2 s1  }
0x5ac: {  	p2 =	por p2, p2;
	s0 =	ssub.s32 s18, s0;
	p6 =	slt.s32 s20, $0x10  }
0x5ad: {  	s1 =	ssub.s32 s26, s3;
	s21 =	smov.u32 @p0 s0;
	p1 =	por !p6, !p1  }
0x5ae: {  	p2 =	por p2, p2;
	p0 =	por !p1, !p1;
	p1 =	por p5, p5  }
0x5af: {  	p5 =	por p0, p0;
	s23 =	smov.u32 @p0 s1;
	s20 =	spop (v2sf)  }
0x5b0: {  	p0 =	seq.s32 s31, $0x1;
	p6 =	por p5, p5;
	s22 =	spop (v2sf)  }
0x5b1: {  	s2 =	sxor.u32 $0x80000000, s20;
	s0 =	sxor.u32 $0x80000000, s22;
	s24 =	spop (v2sf)  }
0x5b2: {  	s0 =	ssub.s32 s0, s2;
	s25 =	spop (v2sf);
	s2 =	sxor.u32 $0x80000000, s24  }
.Ltmp37:
0x5b3: {  	s21 =	smov.u32 @p1 s0;
	s26 =	spop (v2sf);
	(pc) =	sbr.rel @p0 .LBB2_60-.Ltmp37, $4  }
0x5b4: {  	p1 =	por p2, p2;
	s0 =	sxor.u32 $0x80000000, s25;
	s28 =	spop (v2sf)  }
0x5b5: {  	s0 =	ssub.s32 s0, s2;
	s29 =	sxor.u32 $0x80000000, s26;
	s30 =	sxor.u32 $0x80000000, s28  }
0x5b6: {  	s21 =	smov.u32 @p1 s0;
	p1 =	por p6, p6;
	s0 =	ssub.s32 s30, s29  }
0x5b7: {  	s21 =	smov.u32 @p1 s0  }
0x5b8: {  	s0 =	simm.s32 $0x8000  }
0x5b9: {  	v8 =	vld [tilespmem:s0+$0x0];
	_ =	sdelay $0x3  }
0x5ba: {  	s2 =	rddreg [dreg:$0xf];
	s0 =	simm.s32 $0x0  }
0x5bb: {  	v9 =	vmov s23;
	p0 =	sne.s32 s2, $0x1;
	v10 =	vor.u32 s0, v0;
	v11 =	vand.u32 $0xFF, v8  }
.Ltmp38:
0x5bc: {  	vm0 =	vlt.s32 v10, v7;
	vm1 =	vgt.s32 v11, v9;
	(pc) =	sbr.rel @!p0 .LBB2_62-.Ltmp38, $4  }
0x5bd: {  	vm2 =	veq.s32 v11, v9;
	vm1 =	vmand vm0, vm1  }
0x5be: {  	vm0 =	vmand vm0, vm2;
	v10 =	vsel vm1, $0x1, v1  }
0x5bf: {  	s1 =	simm.s32 $0x10080;
	v11 =	vsel vm0, $0x1, v1;
	(xrf0) =	vadd.scan.msk.s32 $0xffff, v10  }
0x5c0: {  	p1 =	por $0x0, $0x0;
	s3 =	sadd.s32 $0xFFFFFFFF, s2;
	v10 =	vld [tilespmem:s1+$0x0];
	(xrf0) =	vadd.scan.msk.s32 $0xffff, v11  }
0x5c1: {  	_ =	sdelay $0x2  }
0x5c2: {  	[tilespmem:s19+$0x19300] =	vst.msk vm1, v8  }
0x5c3: {  	[tilespmem:s19+$0x19480] =	vst.msk vm1, v10  }
0x5c4: {  	[tilespmem:s0+$0x8000] =	vst.msk vm0, v8  }
0x5c5: {  	s1 =	simm.s32 $0x8010;
	[tilespmem:s0+$0x10080] =	vst.msk vm0, v10  }
0x5c6: {  	v8 =	vld [tilespmem:s1+$0x0];
	_ =	sdelay $0x3  }
0x5c7: {  	v11, _, _ =	vpop (xrf0)  }
0x5c8: {  	(v2sf) =	vpush v11, $0xF;
	v11 =	vand.u32 $0xFF, v8;
	_ =	sdelay $0x2  }
0x5c9: {  	vm1 =	vgt.s32 v11, v9;
	vm2 =	veq.s32 v11, v9;
	v11, _, _ =	vpop (xrf0)  }
0x5ca: {  	(v2sf) =	vpush v11, $0xF;
	_ =	sdelay $0x5  }
0x5cb: {  	s2 =	simm.s32 $0x10  }
0x5cc: {  	v10 =	vor.u32 s2, v0  }
0x5cd: {  	vm0 =	vlt.s32 v10, v7  }
0x5ce: {  	p0 =	sne.s32 s3, $0x1;
	vm1 =	vmand vm0, vm1  }
.Ltmp39:
0x5cf: {  	vm0 =	vmand vm0, vm2;
	v10 =	vsel vm1, $0x1, v1;
	(pc) =	sbr.rel @!p0 .LBB2_64-.Ltmp39, $4  }
0x5d0: {  	s6 =	simm.s32 $0x10090;
	v12 =	vsel vm0, $0x1, v1;
	(xrf0) =	vadd.scan.msk.s32 $0xffff, v10  }
0x5d1: {  	v10 =	vld [tilespmem:s6+$0x0];
	(xrf0) =	vadd.scan.msk.s32 $0xffff, v12  }
0x5d2: {  	s5 =	sadd.s32 $0xFFFFFFFF, s3;
	p1 =	por $0x1, $0x1  }
0x5d3: {  	s3 =	smov.u32 s19;
	s4 =	simm.s32 $0x0;
	s7 =	spop (v2sf)  }
.LBB2_65:
0x5d4: {  	p0 =	sne.s32 s5, $0x1;
	s3 =	sadd.s32 s3, s7;
	s7 =	spop (v2sf)  }
0x5d5: {  	s5 =	sadd.s32 $0xFFFFFFFF, s5;
	[tilespmem:s3+$0x19300] =	vst.msk vm1, v8;
	s4 =	sadd.s32 s4, s7  }
0x5d6: {  	[tilespmem:s3+$0x19480] =	vst.msk vm1, v10;
	v11, _, _ =	vpop (xrf0)  }
0x5d7: {  	[tilespmem:s4+$0x8000] =	vst.msk vm0, v8;
	(v2sf) =	vpush v11, $0xF;
	v8, _, _ =	vpop (xrf0)  }
0x5d8: {  	[tilespmem:s4+$0x10080] =	vst.msk vm0, v10;
	(v2sf) =	vpush v8, $0xF  }
0x5d9: {  	s1 =	sadd.s32 $0x10, s1  }
0x5da: {  	v8 =	vld [tilespmem:s1+$0x0];
	_ =	sdelay $0x3  }
0x5db: {  	s2 =	sadd.s32 $0x10, s2  }
0x5dc: {  	v10 =	vor.u32 s2, v0;
	v11 =	vand.u32 $0xFF, v8  }
0x5dd: {  	vm0 =	vlt.s32 v10, v7;
	vm1 =	vgt.s32 v11, v9;
	vm2 =	veq.s32 v11, v9  }
0x5de: {  	vm1 =	vmand vm0, vm1;
	vm0 =	vmand vm0, vm2  }
.Ltmp40:
0x5df: {  	v10 =	vsel vm1, $0x1, v1;
	v11 =	vsel vm0, $0x1, v1;
	(pc) =	sbr.rel @p0 .LBB2_65-.Ltmp40, $3  }
0x5e0: {  	s6 =	sadd.s32 $0x10, s6;
	(xrf0) =	vadd.scan.msk.s32 $0xffff, v10  }
0x5e1: {  	v10 =	vld [tilespmem:s6+$0x0];
	(xrf0) =	vadd.scan.msk.s32 $0xffff, v11;
	_ =	sdelay $0x1  }
0x5e2: {  	s7 =	spop (v2sf)  }
0x5e3: {  	s11 =	rddreg [dreg:$0x9]  }
0x5e4: {  	s9 =	simm.s32 $0x400;
	s10 =	simm.s32 $0x1;
	s5 =	rddreg [dreg:$0xc]  }
.LBB2_67:
0x5e5: {  	v7, _, _ =	vpop (xrf0)  }
0x5e6: {  	(v2sf) =	vpush v7, $0xF;
	v7, _, _ =	vpop (xrf0)  }
0x5e7: {  	(v2sf) =	vpush v7, $0xF;
	_ =	sdelay $0x9  }
0x5e8: {  	s1 =	sadd.s32 @p1 s3, s7  }
.Ltmp41:
0x5e9: {  	s2 =	spop @p1 (v2sf);
	s19 =	smov.u32 @p1 s1;
	(pc) =	sbr.rel .LBB2_68-.Ltmp41, $4  }
0x5ea: {  	s1 =	sadd.s32 @p1 s4, s2;
	[tilespmem:s19+$0x19300] =	vst.msk vm1, v8  }
0x5eb: {  	s0 =	smov.u32 @p1 s1;
	[tilespmem:s19+$0x19480] =	vst.msk vm1, v10  }
0x5ec: {  	[tilespmem:s0+$0x8000] =	vst.msk vm0, v8;
	s30 =	spop (v2sf)  }
0x5ed: {  	[tilespmem:s0+$0x10080] =	vst.msk vm0, v10;
	s19 =	sadd.s32 s19, s30;
	s31 =	spop (v2sf)  }
.LBB2_60:
0x5ee: {  	s11 =	rddreg [dreg:$0x9]  }
0x5ef: {  	s9 =	simm.s32 $0x400;
	s10 =	simm.s32 $0x1;
	s5 =	rddreg [dreg:$0xc]  }
.LBB2_68:
0x5f0: {  	s0 =	ssub.s32 s5, s21  }
0x5f1: {  	s1 =	sadd.s32 $0xF, s0  }
0x5f2: {  	s2 =	sand.u32 $0xF, s1  }
0x5f3: {  	s3 =	sshra.s32 s1, $0x1F;
	p0 =	slt.s32 s1, $0x1;
	p1 =	sne.s32 s2, $0x0  }
0x5f4: {  	s31 =	sshrl.u32 s3, $0x1C;
	p0 =	por !p0, !p1  }
0x5f5: {  	s2 =	simm.s32 $0x1;
	s1 =	sadd.s32 s31, s1;
	p0 =	por !p0, !p0  }
0x5f6: {  	s1 =	sshra.s32 s1, $0x4;
	s2 =	simm.s32 @!p0 $0x0  }
0x5f7: {  	s1 =	ssub.s32 s1, s2  }
0x5f8: {  	p0 =	slt.s32 s1, $0x1  }
.Ltmp42:
0x5f9: {  	_ = 	snop;
	(pc) =	sbr.rel @p0 .LBB2_81-.Ltmp42, $1  }
0x5fa: {  	_ =	sdelay $0x3  }
0x5fb: {  	p0 =	seq.s32 s1, $0x1  }
.Ltmp43:
0x5fc: {  	_ = 	snop;
	(pc) =	sbr.rel @p0 .LBB2_70-.Ltmp43, $4  }
0x5fd: {  	_ = 	snop  }
0x5fe: {  	v7 =	vmov s0;
	s4 =	simm.s32 $0x8000;
	s0 =	simm.s32 $0x10080  }
0x5ff: {  	s5 =	simm.s32 $0x0;
	s1 =	sadd.s32 $0xFFFFFFFF, s1;
	p1 =	por $0x0, $0x0  }
0x600: {  	p2 =	por $0x0, $0x0;
	p3 =	por $0x0, $0x0;
	p4 =	por $0x0, $0x0  }
0x601: {  	p0 =	seq.s32 s1, $0x1  }
.Ltmp44:
0x602: {  	_ = 	snop;
	(pc) =	sbr.rel @p0 .LBB2_72-.Ltmp44, $4  }
0x603: {  	_ = 	snop  }
0x604: {  	v8 =	vor.u32 s5, v0  }
0x605: {  	vm0 =	vlt.s32 v8, v7  }
0x606: {  	s2 =	sadd.s32 $0xFFFFFFFF, s1;
	p1 =	por $0x1, $0x1;
	v11 =	vsel vm0, $0x1, v1  }
0x607: {  	(xrf0) =	vadd.scan.msk.s32 $0xffff, v11  }
0x608: {  	p0 =	seq.s32 s2, $0x1  }
.Ltmp45:
0x609: {  	_ = 	snop;
	(pc) =	sbr.rel @p0 .LBB2_74-.Ltmp45, $4  }
0x60a: {  	s1 =	simm.s32 $0x10  }
0x60b: {  	v8 =	vor.u32 s1, v0  }
0x60c: {  	vm2 =	vmmov vm0;
	vm0 =	vlt.s32 v8, v7  }
0x60d: {  	s2 =	sadd.s32 $0xFFFFFFFF, s2;
	p2 =	por $0x1, $0x1;
	v11 =	vsel vm0, $0x1, v1;
	v12, _, _ =	vpop (xrf0)  }
0x60e: {  	(v2sf) =	vpush v12, $0xF;
	_ =	sdelay $0x7  }
0x60f: {  	(xrf0) =	vadd.scan.msk.s32 $0xffff, v11  }
0x610: {  	p0 =	seq.s32 s2, $0x1  }
.Ltmp46:
0x611: {  	_ = 	snop;
	(pc) =	sbr.rel @p0 .LBB2_76-.Ltmp46, $4  }
0x612: {  	s1 =	simm.s32 $0x20  }
0x613: {  	v8 =	vor.u32 s1, v0  }
0x614: {  	vm1 =	vmmov vm0;
	v10 =	vld [tilespmem:s0+$0x0];
	vm0 =	vlt.s32 v8, v7  }
0x615: {  	vm3 =	vmmov vm2;
	s3 =	sadd.s32 $0xFFFFFFFF, s2;
	p3 =	por $0x1, $0x1;
	v8 =	vld [tilespmem:s4+$0x0];
	v11 =	vsel vm0, $0x1, v1;
	v9, _, _ =	vpop (xrf0)  }
0x616: {  	_ = 	snop  }
0x617: {  	(xrf0) =	vadd.scan.msk.s32 $0xffff, v11  }
0x618: {  	p0 =	seq.s32 s3, $0x1  }
.Ltmp47:
0x619: {  	(v2sf) =	vpush v9, $0xF;
	(pc) =	sbr.rel @p0 .LBB2_78-.Ltmp47, $4  }
0x61a: {  	s1 =	simm.s32 $0x30;
	[tilespmem:s19+$0x19300] =	vst.msk vm3, v8  }
0x61b: {  	s2 =	simm.s32 $0x8010;
	v11 =	vor.u32 s1, v0;
	[tilespmem:s19+$0x19480] =	vst.msk vm3, v10  }
0x61c: {  	vm2 =	vmmov vm0;
	s6 =	simm.s32 $0x10090;
	vm0 =	vlt.s32 v11, v7;
	v13 =	vld [tilespmem:s2+$0x0]  }
0x61d: {  	vm4 =	vmmov vm1;
	s7 =	sadd.s32 $0xFFFFFFFF, s3;
	p4 =	por $0x1, $0x1;
	s3 =	smov.u32 s19;
	v11 =	vsel vm0, $0x1, v1;
	v12, _, _ =	vpop (xrf0);
	v14 =	vld [tilespmem:s6+$0x0]  }
.LBB2_79:
0x61e: {  	p0 =	seq.s32 s7, $0x1;
	(xrf0) =	vadd.scan.msk.s32 $0xffff, v11;
	(v2sf) =	vpush v12, $0xF  }
0x61f: {  	s8 =	spop (v2sf)  }
.Ltmp48:
0x620: {  	s3 =	sadd.s32 s3, s8;
	(pc) =	sbr.rel @!p0 .LBB2_79-.Ltmp48, $4  }
0x621: {  	s1 =	sadd.s32 $0x10, s1;
	[tilespmem:s3+$0x19300] =	vst.msk vm4, v13  }
0x622: {  	s2 =	sadd.s32 $0x10, s2;
	v11 =	vor.u32 s1, v0;
	[tilespmem:s3+$0x19480] =	vst.msk vm4, v14;
	vm4 =	vmmov vm2;
	vm2 =	vmmov vm0  }
0x623: {  	s6 =	sadd.s32 $0x10, s6;
	vm0 =	vlt.s32 v11, v7;
	v13 =	vld [tilespmem:s2+$0x0]  }
0x624: {  	s7 =	sadd.s32 $0xFFFFFFFF, s7;
	v11 =	vsel vm0, $0x1, v1;
	v12, _, _ =	vpop (xrf0);
	v14 =	vld [tilespmem:s6+$0x0]  }
.Ltmp49:
0x625: {  	_ = 	snop;
	(pc) =	sbr.rel .LBB2_80-.Ltmp49, $1  }
0x626: {  	_ =	sdelay $0x3  }
.LBB2_16:
.Ltmp50:
0x627: {  	(pc) =	sbr.rel .LBB2_20-.Ltmp50, $2  }
0x628: {  	_ =	sdelay $0x2  }
0x629: {  	s1 =	simm.s32 $0x0  }
.LBB2_26:
.Ltmp51:
0x62a: {  	(pc) =	sbr.rel .LBB2_31-.Ltmp51, $2  }
0x62b: {  	_ =	sdelay $0x2  }
0x62c: {  	s3 =	smov.u32 s19;
	s4 =	simm.s32 $0x0;
	s5 =	rddreg [dreg:$0xa]  }
.LBB2_34:
.Ltmp52:
0x62d: {  	(pc) =	sbr.rel .LBB2_38-.Ltmp52, $2  }
0x62e: {  	_ =	sdelay $0x2  }
0x62f: {  	s1 =	simm.s32 $0x0  }
.LBB2_44:
.Ltmp53:
0x630: {  	(pc) =	sbr.rel .LBB2_49-.Ltmp53, $2  }
0x631: {  	_ =	sdelay $0x2  }
0x632: {  	s3 =	smov.u32 s19;
	s4 =	simm.s32 $0x0;
	s5 =	rddreg [dreg:$0xb]  }
.LBB2_52:
.Ltmp54:
0x633: {  	(pc) =	sbr.rel .LBB2_56-.Ltmp54, $2  }
0x634: {  	_ =	sdelay $0x2  }
0x635: {  	s1 =	simm.s32 $0x0  }
.LBB2_62:
.Ltmp55:
0x636: {  	(pc) =	sbr.rel .LBB2_67-.Ltmp55, $3  }
0x637: {  	_ =	sdelay $0x1  }
0x638: {  	s3 =	smov.u32 s19;
	s4 =	simm.s32 $0x0;
	s11 =	rddreg [dreg:$0x9]  }
0x639: {  	s9 =	simm.s32 $0x400;
	s10 =	simm.s32 $0x1;
	s5 =	rddreg [dreg:$0xc]  }
.LBB2_18:
.Ltmp56:
0x63a: {  	(pc) =	sbr.rel .LBB2_20-.Ltmp56, $2  }
0x63b: {  	_ =	sdelay $0x2  }
0x63c: {  	s1 =	simm.s32 $0x0  }
.LBB2_28:
.Ltmp57:
0x63d: {  	(pc) =	sbr.rel .LBB2_31-.Ltmp57, $2  }
0x63e: {  	_ =	sdelay $0x2  }
0x63f: {  	s3 =	smov.u32 s19;
	s4 =	simm.s32 $0x0;
	s5 =	rddreg [dreg:$0xa]  }
.LBB2_36:
.Ltmp58:
0x640: {  	(pc) =	sbr.rel .LBB2_38-.Ltmp58, $2  }
0x641: {  	_ =	sdelay $0x2  }
0x642: {  	s1 =	simm.s32 $0x0  }
.LBB2_46:
.Ltmp59:
0x643: {  	(pc) =	sbr.rel .LBB2_49-.Ltmp59, $2  }
0x644: {  	_ =	sdelay $0x2  }
0x645: {  	s3 =	smov.u32 s19;
	s4 =	simm.s32 $0x0;
	s5 =	rddreg [dreg:$0xb]  }
.LBB2_54:
.Ltmp60:
0x646: {  	(pc) =	sbr.rel .LBB2_56-.Ltmp60, $2  }
0x647: {  	_ =	sdelay $0x2  }
0x648: {  	s1 =	simm.s32 $0x0  }
.LBB2_64:
.Ltmp61:
0x649: {  	(pc) =	sbr.rel .LBB2_67-.Ltmp61, $3  }
0x64a: {  	_ =	sdelay $0x1  }
0x64b: {  	s3 =	smov.u32 s19;
	s4 =	simm.s32 $0x0;
	s11 =	rddreg [dreg:$0x9]  }
0x64c: {  	s9 =	simm.s32 $0x400;
	s10 =	simm.s32 $0x1;
	s5 =	rddreg [dreg:$0xc]  }
.LBB2_72:
.Ltmp62:
0x64d: {  	(pc) =	sbr.rel .LBB2_80-.Ltmp62, $3  }
0x64e: {  	_ =	sdelay $0x1  }
0x64f: {  	s3 =	smov.u32 s19  }
0x650: {  	s1 =	simm.s32 $0x0;
	s2 =	simm.s32 $0x8000;
	s6 =	simm.s32 $0x10080  }
.LBB2_74:
.Ltmp63:
0x651: {  	(pc) =	sbr.rel .LBB2_80-.Ltmp63, $2  }
0x652: {  	_ =	sdelay $0x2  }
0x653: {  	s3 =	smov.u32 s19;
	s2 =	simm.s32 $0x8000;
	s6 =	simm.s32 $0x10080  }
.LBB2_76:
.Ltmp64:
0x654: {  	_ = 	snop;
	(pc) =	sbr.rel .LBB2_80-.Ltmp64, $2  }
0x655: {  	_ =	sdelay $0x2  }
0x656: {  	v12 =	vmovc v9;
	s3 =	smov.u32 s19;
	vm4 =	vmmov vm3;
	s2 =	simm.s32 $0x8000;
	vm2 =	vmmov vm1;
	s6 =	simm.s32 $0x10080;
	v14 =	vmovc v10;
	v13 =	vmov v8  }
.LBB2_78:
.Ltmp65:
0x657: {  	(pc) =	sbr.rel .LBB2_80-.Ltmp65, $2  }
0x658: {  	_ =	sdelay $0x2  }
0x659: {  	s3 =	smov.u32 s19  }
.LBB2_83:
0x65a: {  	_ =	sfence.sel $0x180000  }
0x65b: {  	[bflag:$0x0] =	sbarrier.arrive $0xFFFF  }
0x65c: {  	_ =	strace $0x90000047  }
0x65d: {  	s0 =	stileid.u32;
	[bflag:$0x2] =	sbarrier.arrive $0xFFFF  }
0x65e: {  	p0 =	sne.s32 s0, $0x0;
	s0 =	rddreg [dreg:$0x3]  }
0x65f: {  	s0 =	sadd.s32 @!p0 $0x100000, s0  }
0x660: {  	[sflag:s0] =	ssyncadd.tile.s32 @!p0 $0x1;
	_ =	shalt  }
.Lfunc_end2:
_tile_overlayer_lowered:
.L_overlay_start_2:
0x661: {  	(tag) =	ssettag $0x2  }
0x662: {  	s0 =	rddreg [dreg:$0x0];
	s2 =	stileid.u32  }
0x663: {  	s1 =	rddreg [dreg:$0x1];
	p0 =	sne.s32 s2, $0x0  }
0x664: {  	s3 =	rddreg [dreg:$0x2];
	[bflag:$0x3] =	sbarrier.arrive $0xFFFF;
	s2 =	simm.s32 @!p0 $0x1C01  }
0x665: {  	[timem:s3], [sflag:s2] =	dma.local @!p0 [hbm:s0], s1  }
0x666: {  	s0 =	simm.s32 @!p0 $0x1  }
0x667: {  	_ =	swait.ge @!p0 [sflag:s0], s1  }
0x668: {  	s1 =	ssub.s32 @!p0 $0x0, s1;
	[sflag:s0] =	ssyncset.done @!p0 $0x0  }
0x669: {  	[sflag:s0] =	ssyncadd.s32 @!p0 s1  }
0x66a: {  	[bflag:$0x3] =	sbarrier.arrive $0xFFFF  }
0x66b: {  	_ =	shalt  }

</sc_bundles>
